<compile_context>
chip_gen: v7x
topology: tpu7x:2x2x1
jax: 0.10.2.dev20260603
libtpu: 0.0.44.dev20260713+nightly
codegen_flags: <defaults>
</compile_context>

<pallas_src>
import functools

import jax
import jax.numpy as jnp
from jax import lax
from jax.experimental import pallas as pl
from jax.experimental.pallas import tpu as pltpu
from jax.experimental.pallas import tpu_sc as plsc

_NUM_CLASSES = 1000
_BATCH = 16384
_NC = 2
_NS = 16
_NW = _NC * _NS
_COLS_PER_W = _BATCH // _NW
_CCHUNK = 200
_N_CHUNKS = _NUM_CLASSES // _CCHUNK
_GROUPS = _COLS_PER_W // 16
_SPLIT = 96
_BUF_WORDS = _CCHUNK * _COLS_PER_W


def _sc_body(label_hbm, out_hbm, label_v, buf_v, lsem):
    wid = lax.axis_index("s") * _NC + lax.axis_index("c")
    col0 = wid * _COLS_PER_W
    lcopy = pltpu.make_async_copy(
        label_hbm.at[pl.ds(col0, _COLS_PER_W)], label_v, lsem
    )
    lcopy.start()

    zeros = jnp.zeros((16,), jnp.int32)
    ones = jnp.ones((16,), jnp.int32)
    iota = lax.iota(jnp.int32, 16)

    def zero_rows(lo, hi):
        def zero_body(r, carry):
            for g in range(_GROUPS):
                buf_v[r, pl.ds(g * 16, 16)] = zeros
            return carry

        lax.fori_loop(lo, hi, zero_body, 0)

    def set_classes(lo, hi, value):
        out = []
        for g in range(_GROUPS):
            lv = label_v[pl.ds(g * 16, 16)]
            col = g * 16 + iota
            mask = (lv >= lo) & (lv < hi)
            out.append((lv, col, mask))
            plsc.store_scatter(buf_v, [lv - (lo // _CCHUNK) * _CCHUNK, col],
                               value, mask=mask)
        return out

    zero_rows(0, _SPLIT)
    lcopy.wait()
    idxs0a = set_classes(0, _SPLIT, ones)
    cp_a = pltpu.make_async_copy(
        buf_v.at[pl.ds(0, _SPLIT), pl.ds(0, _COLS_PER_W)],
        out_hbm.at[pl.ds(0, _SPLIT), pl.ds(col0, _COLS_PER_W)],
        lsem,
    )
    cp_a.start()
    zero_rows(_SPLIT, _CCHUNK)
    idxs0b = set_classes(_SPLIT, _CCHUNK, ones)
    cp_b = pltpu.make_async_copy(
        buf_v.at[pl.ds(_SPLIT, _CCHUNK - _SPLIT), pl.ds(0, _COLS_PER_W)],
        out_hbm.at[pl.ds(_SPLIT, _CCHUNK - _SPLIT), pl.ds(col0, _COLS_PER_W)],
        lsem,
    )
    cp_b.start()
    cp_a.wait()
    cp_b.wait()
    for row, col, mask in idxs0a + idxs0b:
        plsc.store_scatter(buf_v, [row, col], zeros, mask=mask)

    for c in range(1, _N_CHUNKS):
        c0 = c * _CCHUNK
        idxs = []
        for g in range(_GROUPS):
            lv = label_v[pl.ds(g * 16, 16)]
            row = lv - c0
            col = g * 16 + iota
            mask = (lv >= c0) & (lv < c0 + _CCHUNK)
            idxs.append((row, col, mask))
            plsc.store_scatter(buf_v, [row, col], ones, mask=mask)
        pltpu.sync_copy(
            buf_v,
            out_hbm.at[pl.ds(c0, _CCHUNK), pl.ds(col0, _COLS_PER_W)],
        )
        if c < _N_CHUNKS - 1:
            for row, col, mask in idxs:
                plsc.store_scatter(buf_v, [row, col], zeros, mask=mask)


_one_hot_sc_t = functools.partial(
    pl.kernel,
    out_type=jax.ShapeDtypeStruct((_NUM_CLASSES, _BATCH), jnp.int32),
    mesh=plsc.VectorSubcoreMesh(core_axis_name="c", subcore_axis_name="s"),
    compiler_params=pltpu.CompilerParams(needs_layout_passes=False),
    scratch_types=[
        pltpu.VMEM((_COLS_PER_W,), jnp.int32),
        pltpu.VMEM((_CCHUNK, _COLS_PER_W), jnp.int32),
        pltpu.SemaphoreType.DMA,
    ],
)(_sc_body)


def kernel(label):
    return _one_hot_sc_t(label).T

# --- scband reference (transcript-rebuilt; emitter-appended) ---
"""Pipeline reference for scband-one-hot-8400956031472 (READ-ONLY COPY).

The authoritative reference and input builder live on the scoring server;
editing this copy changes nothing except your own understanding.
"""

import jax, jax.numpy as jnp
import numpy as np

NUM_CLASSES = 1000
BATCH = 16384

def setup_inputs(seed: int = 0) -> dict:
    key = jax.random.key(seed)
    label = jax.random.randint(key, (BATCH,), 0, NUM_CLASSES, dtype=jnp.int64 if jax.config.jax_enable_x64 else jnp.int32)
    return {"label": label}

def reference(label) -> jnp.ndarray:
    # torch.nn.functional.one_hot(label, num_classes) returns an integer tensor
    # of shape label.shape + (num_classes,) with 1 at the label position.
    # Faithful jax translation: scatter-set ones at label indices.
    out = jnp.zeros((label.shape[0], NUM_CLASSES), dtype=jnp.int32)
    out = out.at[jnp.arange(label.shape[0]), label].set(1)
    return out

if __name__ == "__main__":
    import jax
    _d = setup_inputs()
    print(jax.jit(kernel)(*tuple(_d.values())))

</pallas_src>

<mosaic_0001>
#map = affine_map<(d0, d1) -> (0)>
#map1 = affine_map<(d0, d1) -> (0, 0)>
module attributes {stable_mosaic.version = 14 : i64} {
  func.func @_sc_body(%arg0: i32, %arg1: i32, %arg2: memref<16384xi32, #tpu.memory_space<hbm>>, %arg3: memref<1000x16384xi32, #tpu.memory_space<hbm>>, %arg4: memref<512xi32, #tpu.memory_space<vmem>>, %arg5: memref<200x512xi32, #tpu.memory_space<vmem>>, %arg6: memref<!tpu.dma_semaphore, #tpu.memory_space<semaphore_mem>>) attributes {dimension_semantics = [#tpu.dimension_semantics<core_parallel>, #tpu.dimension_semantics<subcore_parallel>], iteration_bounds = array<i64: 2, 16>, scalar_prefetch = 0 : i64, scratch_operands = 3 : i64, tpu.core_type = #tpu.core_type<sc_vector_subcore>, window_params = [{transform_indices = #map}, {transform_indices = #map1}]} {
    %mul3A = arith.constant 2 : i32
    %mul3A_0 = arith.muli %arg1, %mul3A : i32
    %add3A = arith.addi %mul3A_0, %arg0 : i32
    %mul3A_1 = arith.constant 512 : i32
    %mul3A_2 = arith.muli %add3A, %mul3A_1 : i32
    %dma_start3A = tpu.memref_slice %arg2[%mul3A_2] : memref<16384xi32, #tpu.memory_space<hbm>> -> memref<512xi32, #tpu.memory_space<hbm>>
    %dma_start3A_3 = tpu.memref_slice %arg2[%mul3A_2] : memref<16384xi32, #tpu.memory_space<hbm>> -> memref<512xi32, #tpu.memory_space<hbm>>
    tpu.enqueue_dma source(%dma_start3A_3 : memref<512xi32, #tpu.memory_space<hbm>>) target(%arg4 : memref<512xi32, #tpu.memory_space<vmem>>) target_semaphore(%arg6 : memref<!tpu.dma_semaphore, #tpu.memory_space<semaphore_mem>>)
    %broadcast_in_dim3A = arith.constant 0 : i32
    %broadcast_in_dim3A_4 = vector.broadcast %broadcast_in_dim3A : i32 to vector<16xi32>
    %broadcast_in_dim3A_5 = arith.constant 1 : i32
    %broadcast_in_dim3A_6 = vector.broadcast %broadcast_in_dim3A_5 : i32 to vector<16xi32>
    %iota3A = tpu.iota {dimensions = array<i32: 0>} : vector<16xi32>
    %scan3A = arith.constant 0 : i32
    %scan3A_7 = arith.constant 0 : i32
    %scan3A_8 = arith.constant 96 : i32
    %scan3A_9 = arith.addi %scan3A_7, %scan3A_8 : i32
    %scan3A_10 = arith.constant 1 : i32
    scf.for %scan3A_2934 = %scan3A_7 to %scan3A_9 step %scan3A_10  : i32 {
      %swap3A = arith.index_cast %scan3A_2934 : i32 to index
      %swap3A_2935 = arith.constant 0 : index
      %swap3A_2936 = tpu.vector_load %arg5[%swap3A, %swap3A_2935] {strides = array<i32>} : memref<200x512xi32, #tpu.memory_space<vmem>>, vector<16xi32>,
      tpu.vector_store %arg5[%swap3A, %swap3A_2935], %broadcast_in_dim3A_4 {strides = array<i32>} : memref<200x512xi32, #tpu.memory_space<vmem>>, vector<16xi32>,
      %swap3A_2937 = arith.index_cast %scan3A_2934 : i32 to index
      %swap3A_2938 = arith.constant 16 : index
      %swap3A_2939 = tpu.vector_load %arg5[%swap3A_2937, %swap3A_2938] {strides = array<i32>} : memref<200x512xi32, #tpu.memory_space<vmem>>, vector<16xi32>,
      tpu.vector_store %arg5[%swap3A_2937, %swap3A_2938], %broadcast_in_dim3A_4 {strides = array<i32>} : memref<200x512xi32, #tpu.memory_space<vmem>>, vector<16xi32>,
      %swap3A_2940 = arith.index_cast %scan3A_2934 : i32 to index
      %swap3A_2941 = arith.constant 32 : index
      %swap3A_2942 = tpu.vector_load %arg5[%swap3A_2940, %swap3A_2941] {strides = array<i32>} : memref<200x512xi32, #tpu.memory_space<vmem>>, vector<16xi32>,
      tpu.vector_store %arg5[%swap3A_2940, %swap3A_2941], %broadcast_in_dim3A_4 {strides = array<i32>} : memref<200x512xi32, #tpu.memory_space<vmem>>, vector<16xi32>,
      %swap3A_2943 = arith.index_cast %scan3A_2934 : i32 to index
      %swap3A_2944 = arith.constant 48 : index
      %swap3A_2945 = tpu.vector_load %arg5[%swap3A_2943, %swap3A_2944] {strides = array<i32>} : memref<200x512xi32, #tpu.memory_space<vmem>>, vector<16xi32>,
      tpu.vector_store %arg5[%swap3A_2943, %swap3A_2944], %broadcast_in_dim3A_4 {strides = array<i32>} : memref<200x512xi32, #tpu.memory_space<vmem>>, vector<16xi32>,
      %swap3A_2946 = arith.index_cast %scan3A_2934 : i32 to index
      %swap3A_2947 = arith.constant 64 : index
      %swap3A_2948 = tpu.vector_load %arg5[%swap3A_2946, %swap3A_2947] {strides = array<i32>} : memref<200x512xi32, #tpu.memory_space<vmem>>, vector<16xi32>,
      tpu.vector_store %arg5[%swap3A_2946, %swap3A_2947], %broadcast_in_dim3A_4 {strides = array<i32>} : memref<200x512xi32, #tpu.memory_space<vmem>>, vector<16xi32>,
      %swap3A_2949 = arith.index_cast %scan3A_2934 : i32 to index
      %swap3A_2950 = arith.constant 80 : index
      %swap3A_2951 = tpu.vector_load %arg5[%swap3A_2949, %swap3A_2950] {strides = array<i32>} : memref<200x512xi32, #tpu.memory_space<vmem>>, vector<16xi32>,
      tpu.vector_store %arg5[%swap3A_2949, %swap3A_2950], %broadcast_in_dim3A_4 {strides = array<i32>} : memref<200x512xi32, #tpu.memory_space<vmem>>, vector<16xi32>,
      %swap3A_2952 = arith.index_cast %scan3A_2934 : i32 to index
      %swap3A_2953 = arith.constant 96 : index
      %swap3A_2954 = tpu.vector_load %arg5[%swap3A_2952, %swap3A_2953] {strides = array<i32>} : memref<200x512xi32, #tpu.memory_space<vmem>>, vector<16xi32>,
      tpu.vector_store %arg5[%swap3A_2952, %swap3A_2953], %broadcast_in_dim3A_4 {strides = array<i32>} : memref<200x512xi32, #tpu.memory_space<vmem>>, vector<16xi32>,
      %swap3A_2955 = arith.index_cast %scan3A_2934 : i32 to index
      %swap3A_2956 = arith.constant 112 : index
      %swap3A_2957 = tpu.vector_load %arg5[%swap3A_2955, %swap3A_2956] {strides = array<i32>} : memref<200x512xi32, #tpu.memory_space<vmem>>, vector<16xi32>,
      tpu.vector_store %arg5[%swap3A_2955, %swap3A_2956], %broadcast_in_dim3A_4 {strides = array<i32>} : memref<200x512xi32, #tpu.memory_space<vmem>>, vector<16xi32>,
      %swap3A_2958 = arith.index_cast %scan3A_2934 : i32 to index
      %swap3A_2959 = arith.constant 128 : index
      %swap3A_2960 = tpu.vector_load %arg5[%swap3A_2958, %swap3A_2959] {strides = array<i32>} : memref<200x512xi32, #tpu.memory_space<vmem>>, vector<16xi32>,
      tpu.vector_store %arg5[%swap3A_2958, %swap3A_2959], %broadcast_in_dim3A_4 {strides = array<i32>} : memref<200x512xi32, #tpu.memory_space<vmem>>, vector<16xi32>,
      %swap3A_2961 = arith.index_cast %scan3A_2934 : i32 to index
      %swap3A_2962 = arith.constant 144 : index
      %swap3A_2963 = tpu.vector_load %arg5[%swap3A_2961, %swap3A_2962] {strides = array<i32>} : memref<200x512xi32, #tpu.memory_space<vmem>>, vector<16xi32>,
      tpu.vector_store %arg5[%swap3A_2961, %swap3A_2962], %broadcast_in_dim3A_4 {strides = array<i32>} : memref<200x512xi32, #tpu.memory_space<vmem>>, vector<16xi32>,
      %swap3A_2964 = arith.index_cast %scan3A_2934 : i32 to index
      %swap3A_2965 = arith.constant 160 : index
      %swap3A_2966 = tpu.vector_load %arg5[%swap3A_2964, %swap3A_2965] {strides = array<i32>} : memref<200x512xi32, #tpu.memory_space<vmem>>, vector<16xi32>,
      tpu.vector_store %arg5[%swap3A_2964, %swap3A_2965], %broadcast_in_dim3A_4 {strides = array<i32>} : memref<200x512xi32, #tpu.memory_space<vmem>>, vector<16xi32>,
      %swap3A_2967 = arith.index_cast %scan3A_2934 : i32 to index
      %swap3A_2968 = arith.constant 176 : index
      %swap3A_2969 = tpu.vector_load %arg5[%swap3A_2967, %swap3A_2968] {strides = array<i32>} : memref<200x512xi32, #tpu.memory_space<vmem>>, vector<16xi32>,
      tpu.vector_store %arg5[%swap3A_2967, %swap3A_2968], %broadcast_in_dim3A_4 {strides = array<i32>} : memref<200x512xi32, #tpu.memory_space<vmem>>, vector<16xi32>,
      %swap3A_2970 = arith.index_cast %scan3A_2934 : i32 to index
      %swap3A_2971 = arith.constant 192 : index
      %swap3A_2972 = tpu.vector_load %arg5[%swap3A_2970, %swap3A_2971] {strides = array<i32>} : memref<200x512xi32, #tpu.memory_space<vmem>>, vector<16xi32>,
      tpu.vector_store %arg5[%swap3A_2970, %swap3A_2971], %broadcast_in_dim3A_4 {strides = array<i32>} : memref<200x512xi32, #tpu.memory_space<vmem>>, vector<16xi32>,
      %swap3A_2973 = arith.index_cast %scan3A_2934 : i32 to index
      %swap3A_2974 = arith.constant 208 : index
      %swap3A_2975 = tpu.vector_load %arg5[%swap3A_2973, %swap3A_2974] {strides = array<i32>} : memref<200x512xi32, #tpu.memory_space<vmem>>, vector<16xi32>,
      tpu.vector_store %arg5[%swap3A_2973, %swap3A_2974], %broadcast_in_dim3A_4 {strides = array<i32>} : memref<200x512xi32, #tpu.memory_space<vmem>>, vector<16xi32>,
      %swap3A_2976 = arith.index_cast %scan3A_2934 : i32 to index
      %swap3A_2977 = arith.constant 224 : index
      %swap3A_2978 = tpu.vector_load %arg5[%swap3A_2976, %swap3A_2977] {strides = array<i32>} : memref<200x512xi32, #tpu.memory_space<vmem>>, vector<16xi32>,
      tpu.vector_store %arg5[%swap3A_2976, %swap3A_2977], %broadcast_in_dim3A_4 {strides = array<i32>} : memref<200x512xi32, #tpu.memory_space<vmem>>, vector<16xi32>,
      %swap3A_2979 = arith.index_cast %scan3A_2934 : i32 to index
      %swap3A_2980 = arith.constant 240 : index
      %swap3A_2981 = tpu.vector_load %arg5[%swap3A_2979, %swap3A_2980] {strides = array<i32>} : memref<200x512xi32, #tpu.memory_space<vmem>>, vector<16xi32>,
      tpu.vector_store %arg5[%swap3A_2979, %swap3A_2980], %broadcast_in_dim3A_4 {strides = array<i32>} : memref<200x512xi32, #tpu.memory_space<vmem>>, vector<16xi32>,
      %swap3A_2982 = arith.index_cast %scan3A_2934 : i32 to index
      %swap3A_2983 = arith.constant 256 : index
      %swap3A_2984 = tpu.vector_load %arg5[%swap3A_2982, %swap3A_2983] {strides = array<i32>} : memref<200x512xi32, #tpu.memory_space<vmem>>, vector<16xi32>,
      tpu.vector_store %arg5[%swap3A_2982, %swap3A_2983], %broadcast_in_dim3A_4 {strides = array<i32>} : memref<200x512xi32, #tpu.memory_space<vmem>>, vector<16xi32>,
      %swap3A_2985 = arith.index_cast %scan3A_2934 : i32 to index
      %swap3A_2986 = arith.constant 272 : index
      %swap3A_2987 = tpu.vector_load %arg5[%swap3A_2985, %swap3A_2986] {strides = array<i32>} : memref<200x512xi32, #tpu.memory_space<vmem>>, vector<16xi32>,
      tpu.vector_store %arg5[%swap3A_2985, %swap3A_2986], %broadcast_in_dim3A_4 {strides = array<i32>} : memref<200x512xi32, #tpu.memory_space<vmem>>, vector<16xi32>,
      %swap3A_2988 = arith.index_cast %scan3A_2934 : i32 to index
      %swap3A_2989 = arith.constant 288 : index
      %swap3A_2990 = tpu.vector_load %arg5[%swap3A_2988, %swap3A_2989] {strides = array<i32>} : memref<200x512xi32, #tpu.memory_space<vmem>>, vector<16xi32>,
      tpu.vector_store %arg5[%swap3A_2988, %swap3A_2989], %broadcast_in_dim3A_4 {strides = array<i32>} : memref<200x512xi32, #tpu.memory_space<vmem>>, vector<16xi32>,
      %swap3A_2991 = arith.index_cast %scan3A_2934 : i32 to index
      %swap3A_2992 = arith.constant 304 : index
      %swap3A_2993 = tpu.vector_load %arg5[%swap3A_2991, %swap3A_2992] {strides = array<i32>} : memref<200x512xi32, #tpu.memory_space<vmem>>, vector<16xi32>,
      tpu.vector_store %arg5[%swap3A_2991, %swap3A_2992], %broadcast_in_dim3A_4 {strides = array<i32>} : memref<200x512xi32, #tpu.memory_space<vmem>>, vector<16xi32>,
      %swap3A_2994 = arith.index_cast %scan3A_2934 : i32 to index
      %swap3A_2995 = arith.constant 320 : index
      %swap3A_2996 = tpu.vector_load %arg5[%swap3A_2994, %swap3A_2995] {strides = array<i32>} : memref<200x512xi32, #tpu.memory_space<vmem>>, vector<16xi32>,
      tpu.vector_store %arg5[%swap3A_2994, %swap3A_2995], %broadcast_in_dim3A_4 {strides = array<i32>} : memref<200x512xi32, #tpu.memory_space<vmem>>, vector<16xi32>,
      %swap3A_2997 = arith.index_cast %scan3A_2934 : i32 to index
      %swap3A_2998 = arith.constant 336 : index
      %swap3A_2999 = tpu.vector_load %arg5[%swap3A_2997, %swap3A_2998] {strides = array<i32>} : memref<200x512xi32, #tpu.memory_space<vmem>>, vector<16xi32>,
      tpu.vector_store %arg5[%swap3A_2997, %swap3A_2998], %broadcast_in_dim3A_4 {strides = array<i32>} : memref<200x512xi32, #tpu.memory_space<vmem>>, vector<16xi32>,
      %swap3A_3000 = arith.index_cast %scan3A_2934 : i32 to index
      %swap3A_3001 = arith.constant 352 : index
      %swap3A_3002 = tpu.vector_load %arg5[%swap3A_3000, %swap3A_3001] {strides = array<i32>} : memref<200x512xi32, #tpu.memory_space<vmem>>, vector<16xi32>,
      tpu.vector_store %arg5[%swap3A_3000, %swap3A_3001], %broadcast_in_dim3A_4 {strides = array<i32>} : memref<200x512xi32, #tpu.memory_space<vmem>>, vector<16xi32>,
      %swap3A_3003 = arith.index_cast %scan3A_2934 : i32 to index
      %swap3A_3004 = arith.constant 368 : index
      %swap3A_3005 = tpu.vector_load %arg5[%swap3A_3003, %swap3A_3004] {strides = array<i32>} : memref<200x512xi32, #tpu.memory_space<vmem>>, vector<16xi32>,
      tpu.vector_store %arg5[%swap3A_3003, %swap3A_3004], %broadcast_in_dim3A_4 {strides = array<i32>} : memref<200x512xi32, #tpu.memory_space<vmem>>, vector<16xi32>,
      %swap3A_3006 = arith.index_cast %scan3A_2934 : i32 to index
      %swap3A_3007 = arith.constant 384 : index
      %swap3A_3008 = tpu.vector_load %arg5[%swap3A_3006, %swap3A_3007] {strides = array<i32>} : memref<200x512xi32, #tpu.memory_space<vmem>>, vector<16xi32>,
      tpu.vector_store %arg5[%swap3A_3006, %swap3A_3007], %broadcast_in_dim3A_4 {strides = array<i32>} : memref<200x512xi32, #tpu.memory_space<vmem>>, vector<16xi32>,
      %swap3A_3009 = arith.index_cast %scan3A_2934 : i32 to index
      %swap3A_3010 = arith.constant 400 : index
      %swap3A_3011 = tpu.vector_load %arg5[%swap3A_3009, %swap3A_3010] {strides = array<i32>} : memref<200x512xi32, #tpu.memory_space<vmem>>, vector<16xi32>,
      tpu.vector_store %arg5[%swap3A_3009, %swap3A_3010], %broadcast_in_dim3A_4 {strides = array<i32>} : memref<200x512xi32, #tpu.memory_space<vmem>>, vector<16xi32>,
      %swap3A_3012 = arith.index_cast %scan3A_2934 : i32 to index
      %swap3A_3013 = arith.constant 416 : index
      %swap3A_3014 = tpu.vector_load %arg5[%swap3A_3012, %swap3A_3013] {strides = array<i32>} : memref<200x512xi32, #tpu.memory_space<vmem>>, vector<16xi32>,
      tpu.vector_store %arg5[%swap3A_3012, %swap3A_3013], %broadcast_in_dim3A_4 {strides = array<i32>} : memref<200x512xi32, #tpu.memory_space<vmem>>, vector<16xi32>,
      %swap3A_3015 = arith.index_cast %scan3A_2934 : i32 to index
      %swap3A_3016 = arith.constant 432 : index
      %swap3A_3017 = tpu.vector_load %arg5[%swap3A_3015, %swap3A_3016] {strides = array<i32>} : memref<200x512xi32, #tpu.memory_space<vmem>>, vector<16xi32>,
      tpu.vector_store %arg5[%swap3A_3015, %swap3A_3016], %broadcast_in_dim3A_4 {strides = array<i32>} : memref<200x512xi32, #tpu.memory_space<vmem>>, vector<16xi32>,
      %swap3A_3018 = arith.index_cast %scan3A_2934 : i32 to index
      %swap3A_3019 = arith.constant 448 : index
      %swap3A_3020 = tpu.vector_load %arg5[%swap3A_3018, %swap3A_3019] {strides = array<i32>} : memref<200x512xi32, #tpu.memory_space<vmem>>, vector<16xi32>,
      tpu.vector_store %arg5[%swap3A_3018, %swap3A_3019], %broadcast_in_dim3A_4 {strides = array<i32>} : memref<200x512xi32, #tpu.memory_space<vmem>>, vector<16xi32>,
      %swap3A_3021 = arith.index_cast %scan3A_2934 : i32 to index
      %swap3A_3022 = arith.constant 464 : index
      %swap3A_3023 = tpu.vector_load %arg5[%swap3A_3021, %swap3A_3022] {strides = array<i32>} : memref<200x512xi32, #tpu.memory_space<vmem>>, vector<16xi32>,
      tpu.vector_store %arg5[%swap3A_3021, %swap3A_3022], %broadcast_in_dim3A_4 {strides = array<i32>} : memref<200x512xi32, #tpu.memory_space<vmem>>, vector<16xi32>,
      %swap3A_3024 = arith.index_cast %scan3A_2934 : i32 to index
      %swap3A_3025 = arith.constant 480 : index
      %swap3A_3026 = tpu.vector_load %arg5[%swap3A_3024, %swap3A_3025] {strides = array<i32>} : memref<200x512xi32, #tpu.memory_space<vmem>>, vector<16xi32>,
      tpu.vector_store %arg5[%swap3A_3024, %swap3A_3025], %broadcast_in_dim3A_4 {strides = array<i32>} : memref<200x512xi32, #tpu.memory_space<vmem>>, vector<16xi32>,
      %swap3A_3027 = arith.index_cast %scan3A_2934 : i32 to index
      %swap3A_3028 = arith.constant 496 : index
      %swap3A_3029 = tpu.vector_load %arg5[%swap3A_3027, %swap3A_3028] {strides = array<i32>} : memref<200x512xi32, #tpu.memory_space<vmem>>, vector<16xi32>,
      tpu.vector_store %arg5[%swap3A_3027, %swap3A_3028], %broadcast_in_dim3A_4 {strides = array<i32>} : memref<200x512xi32, #tpu.memory_space<vmem>>, vector<16xi32>,
    }
    %scan3A_11 = arith.constant 96 : i32
    %dma_wait3A = tpu.memref_slice %arg2[%mul3A_2] : memref<16384xi32, #tpu.memory_space<hbm>> -> memref<512xi32, #tpu.memory_space<hbm>>
    %dma_wait3A_12 = tpu.memref_slice %arg2[%mul3A_2] : memref<16384xi32, #tpu.memory_space<hbm>> -> memref<512xi32, #tpu.memory_space<hbm>>
    tpu.wait_dma2 semaphore(%arg6 : memref<!tpu.dma_semaphore, #tpu.memory_space<semaphore_mem>>) src(%dma_wait3A_12 : memref<512xi32, #tpu.memory_space<hbm>>) dst(%arg4 : memref<512xi32, #tpu.memory_space<vmem>>)
    %get3A = arith.constant 0 : index
    %get3A_13 = tpu.vector_load %arg4[%get3A] {strides = array<i32>} : memref<512xi32, #tpu.memory_space<vmem>>, vector<16xi32>,
    %add3A_14 = arith.constant 0 : i32
    %add3A_15 = vector.broadcast %add3A_14 : i32 to vector<16xi32>
    %add3A_16 = arith.addi %add3A_15, %iota3A : vector<16xi32>
    %ge3A = arith.constant 0 : i32
    %ge3A_17 = vector.broadcast %ge3A : i32 to vector<16xi32>
    %ge3A_18 = arith.cmpi sge, %get3A_13, %ge3A_17 : vector<16xi32>
    %lt3A = arith.constant 96 : i32
    %lt3A_19 = vector.broadcast %lt3A : i32 to vector<16xi32>
    %lt3A_20 = arith.cmpi slt, %get3A_13, %lt3A_19 : vector<16xi32>
    %and3A = arith.andi %ge3A_18, %lt3A_20 : vector<16xi1>
    %sub3A = arith.constant 0 : i32
    %sub3A_21 = vector.broadcast %sub3A : i32 to vector<16xi32>
    %sub3A_22 = arith.subi %get3A_13, %sub3A_21 : vector<16xi32>
    tpu.vector_store_idx %arg5[%sub3A_22, %add3A_16], %broadcast_in_dim3A_6 masked %and3A : memref<200x512xi32, #tpu.memory_space<vmem>>[vector<16xi32>, vector<16xi32>], vector<16xi32>, vector<16xi1>
    %get3A_23 = arith.constant 16 : index
    %get3A_24 = tpu.vector_load %arg4[%get3A_23] {strides = array<i32>} : memref<512xi32, #tpu.memory_space<vmem>>, vector<16xi32>,
    %add3A_25 = arith.constant 16 : i32
    %add3A_26 = vector.broadcast %add3A_25 : i32 to vector<16xi32>
    %add3A_27 = arith.addi %add3A_26, %iota3A : vector<16xi32>
    %ge3A_28 = arith.constant 0 : i32
    %ge3A_29 = vector.broadcast %ge3A_28 : i32 to vector<16xi32>
    %ge3A_30 = arith.cmpi sge, %get3A_24, %ge3A_29 : vector<16xi32>
    %lt3A_31 = arith.constant 96 : i32
    %lt3A_32 = vector.broadcast %lt3A_31 : i32 to vector<16xi32>
    %lt3A_33 = arith.cmpi slt, %get3A_24, %lt3A_32 : vector<16xi32>
    %and3A_34 = arith.andi %ge3A_30, %lt3A_33 : vector<16xi1>
    %sub3A_35 = arith.constant 0 : i32
    %sub3A_36 = vector.broadcast %sub3A_35 : i32 to vector<16xi32>
    %sub3A_37 = arith.subi %get3A_24, %sub3A_36 : vector<16xi32>
    tpu.vector_store_idx %arg5[%sub3A_37, %add3A_27], %broadcast_in_dim3A_6 masked %and3A_34 : memref<200x512xi32, #tpu.memory_space<vmem>>[vector<16xi32>, vector<16xi32>], vector<16xi32>, vector<16xi1>
    %get3A_38 = arith.constant 32 : index
    %get3A_39 = tpu.vector_load %arg4[%get3A_38] {strides = array<i32>} : memref<512xi32, #tpu.memory_space<vmem>>, vector<16xi32>,
    %add3A_40 = arith.constant 32 : i32
    %add3A_41 = vector.broadcast %add3A_40 : i32 to vector<16xi32>
    %add3A_42 = arith.addi %add3A_41, %iota3A : vector<16xi32>
    %ge3A_43 = arith.constant 0 : i32
    %ge3A_44 = vector.broadcast %ge3A_43 : i32 to vector<16xi32>
    %ge3A_45 = arith.cmpi sge, %get3A_39, %ge3A_44 : vector<16xi32>
    %lt3A_46 = arith.constant 96 : i32
    %lt3A_47 = vector.broadcast %lt3A_46 : i32 to vector<16xi32>
    %lt3A_48 = arith.cmpi slt, %get3A_39, %lt3A_47 : vector<16xi32>
    %and3A_49 = arith.andi %ge3A_45, %lt3A_48 : vector<16xi1>
    %sub3A_50 = arith.constant 0 : i32
    %sub3A_51 = vector.broadcast %sub3A_50 : i32 to vector<16xi32>
    %sub3A_52 = arith.subi %get3A_39, %sub3A_51 : vector<16xi32>
    tpu.vector_store_idx %arg5[%sub3A_52, %add3A_42], %broadcast_in_dim3A_6 masked %and3A_49 : memref<200x512xi32, #tpu.memory_space<vmem>>[vector<16xi32>, vector<16xi32>], vector<16xi32>, vector<16xi1>
    %get3A_53 = arith.constant 48 : index
    %get3A_54 = tpu.vector_load %arg4[%get3A_53] {strides = array<i32>} : memref<512xi32, #tpu.memory_space<vmem>>, vector<16xi32>,
    %add3A_55 = arith.constant 48 : i32
    %add3A_56 = vector.broadcast %add3A_55 : i32 to vector<16xi32>
    %add3A_57 = arith.addi %add3A_56, %iota3A : vector<16xi32>
    %ge3A_58 = arith.constant 0 : i32
    %ge3A_59 = vector.broadcast %ge3A_58 : i32 to vector<16xi32>
    %ge3A_60 = arith.cmpi sge, %get3A_54, %ge3A_59 : vector<16xi32>
    %lt3A_61 = arith.constant 96 : i32
    %lt3A_62 = vector.broadcast %lt3A_61 : i32 to vector<16xi32>
    %lt3A_63 = arith.cmpi slt, %get3A_54, %lt3A_62 : vector<16xi32>
    %and3A_64 = arith.andi %ge3A_60, %lt3A_63 : vector<16xi1>
    %sub3A_65 = arith.constant 0 : i32
    %sub3A_66 = vector.broadcast %sub3A_65 : i32 to vector<16xi32>
    %sub3A_67 = arith.subi %get3A_54, %sub3A_66 : vector<16xi32>
    tpu.vector_store_idx %arg5[%sub3A_67, %add3A_57], %broadcast_in_dim3A_6 masked %and3A_64 : memref<200x512xi32, #tpu.memory_space<vmem>>[vector<16xi32>, vector<16xi32>], vector<16xi32>, vector<16xi1>
    %get3A_68 = arith.constant 64 : index
    %get3A_69 = tpu.vector_load %arg4[%get3A_68] {strides = array<i32>} : memref<512xi32, #tpu.memory_space<vmem>>, vector<16xi32>,
    %add3A_70 = arith.constant 64 : i32
    %add3A_71 = vector.broadcast %add3A_70 : i32 to vector<16xi32>
    %add3A_72 = arith.addi %add3A_71, %iota3A : vector<16xi32>
    %ge3A_73 = arith.constant 0 : i32
    %ge3A_74 = vector.broadcast %ge3A_73 : i32 to vector<16xi32>
    %ge3A_75 = arith.cmpi sge, %get3A_69, %ge3A_74 : vector<16xi32>
    %lt3A_76 = arith.constant 96 : i32
    %lt3A_77 = vector.broadcast %lt3A_76 : i32 to vector<16xi32>
    %lt3A_78 = arith.cmpi slt, %get3A_69, %lt3A_77 : vector<16xi32>
    %and3A_79 = arith.andi %ge3A_75, %lt3A_78 : vector<16xi1>
    %sub3A_80 = arith.constant 0 : i32
    %sub3A_81 = vector.broadcast %sub3A_80 : i32 to vector<16xi32>
    %sub3A_82 = arith.subi %get3A_69, %sub3A_81 : vector<16xi32>
    tpu.vector_store_idx %arg5[%sub3A_82, %add3A_72], %broadcast_in_dim3A_6 masked %and3A_79 : memref<200x512xi32, #tpu.memory_space<vmem>>[vector<16xi32>, vector<16xi32>], vector<16xi32>, vector<16xi1>
    %get3A_83 = arith.constant 80 : index
    %get3A_84 = tpu.vector_load %arg4[%get3A_83] {strides = array<i32>} : memref<512xi32, #tpu.memory_space<vmem>>, vector<16xi32>,
    %add3A_85 = arith.constant 80 : i32
    %add3A_86 = vector.broadcast %add3A_85 : i32 to vector<16xi32>
    %add3A_87 = arith.addi %add3A_86, %iota3A : vector<16xi32>
    %ge3A_88 = arith.constant 0 : i32
    %ge3A_89 = vector.broadcast %ge3A_88 : i32 to vector<16xi32>
    %ge3A_90 = arith.cmpi sge, %get3A_84, %ge3A_89 : vector<16xi32>
    %lt3A_91 = arith.constant 96 : i32
    %lt3A_92 = vector.broadcast %lt3A_91 : i32 to vector<16xi32>
    %lt3A_93 = arith.cmpi slt, %get3A_84, %lt3A_92 : vector<16xi32>
    %and3A_94 = arith.andi %ge3A_90, %lt3A_93 : vector<16xi1>
    %sub3A_95 = arith.constant 0 : i32
    %sub3A_96 = vector.broadcast %sub3A_95 : i32 to vector<16xi32>
    %sub3A_97 = arith.subi %get3A_84, %sub3A_96 : vector<16xi32>
    tpu.vector_store_idx %arg5[%sub3A_97, %add3A_87], %broadcast_in_dim3A_6 masked %and3A_94 : memref<200x512xi32, #tpu.memory_space<vmem>>[vector<16xi32>, vector<16xi32>], vector<16xi32>, vector<16xi1>
    %get3A_98 = arith.constant 96 : index
    %get3A_99 = tpu.vector_load %arg4[%get3A_98] {strides = array<i32>} : memref<512xi32, #tpu.memory_space<vmem>>, vector<16xi32>,
    %add3A_100 = arith.constant 96 : i32
    %add3A_101 = vector.broadcast %add3A_100 : i32 to vector<16xi32>
    %add3A_102 = arith.addi %add3A_101, %iota3A : vector<16xi32>
    %ge3A_103 = arith.constant 0 : i32
    %ge3A_104 = vector.broadcast %ge3A_103 : i32 to vector<16xi32>
    %ge3A_105 = arith.cmpi sge, %get3A_99, %ge3A_104 : vector<16xi32>
    %lt3A_106 = arith.constant 96 : i32
    %lt3A_107 = vector.broadcast %lt3A_106 : i32 to vector<16xi32>
    %lt3A_108 = arith.cmpi slt, %get3A_99, %lt3A_107 : vector<16xi32>
    %and3A_109 = arith.andi %ge3A_105, %lt3A_108 : vector<16xi1>
    %sub3A_110 = arith.constant 0 : i32
    %sub3A_111 = vector.broadcast %sub3A_110 : i32 to vector<16xi32>
    %sub3A_112 = arith.subi %get3A_99, %sub3A_111 : vector<16xi32>
    tpu.vector_store_idx %arg5[%sub3A_112, %add3A_102], %broadcast_in_dim3A_6 masked %and3A_109 : memref<200x512xi32, #tpu.memory_space<vmem>>[vector<16xi32>, vector<16xi32>], vector<16xi32>, vector<16xi1>
    %get3A_113 = arith.constant 112 : index
    %get3A_114 = tpu.vector_load %arg4[%get3A_113] {strides = array<i32>} : memref<512xi32, #tpu.memory_space<vmem>>, vector<16xi32>,
    %add3A_115 = arith.constant 112 : i32
    %add3A_116 = vector.broadcast %add3A_115 : i32 to vector<16xi32>
    %add3A_117 = arith.addi %add3A_116, %iota3A : vector<16xi32>
    %ge3A_118 = arith.constant 0 : i32
    %ge3A_119 = vector.broadcast %ge3A_118 : i32 to vector<16xi32>
    %ge3A_120 = arith.cmpi sge, %get3A_114, %ge3A_119 : vector<16xi32>
    %lt3A_121 = arith.constant 96 : i32
    %lt3A_122 = vector.broadcast %lt3A_121 : i32 to vector<16xi32>
    %lt3A_123 = arith.cmpi slt, %get3A_114, %lt3A_122 : vector<16xi32>
    %and3A_124 = arith.andi %ge3A_120, %lt3A_123 : vector<16xi1>
    %sub3A_125 = arith.constant 0 : i32
    %sub3A_126 = vector.broadcast %sub3A_125 : i32 to vector<16xi32>
    %sub3A_127 = arith.subi %get3A_114, %sub3A_126 : vector<16xi32>
    tpu.vector_store_idx %arg5[%sub3A_127, %add3A_117], %broadcast_in_dim3A_6 masked %and3A_124 : memref<200x512xi32, #tpu.memory_space<vmem>>[vector<16xi32>, vector<16xi32>], vector<16xi32>, vector<16xi1>
    %get3A_128 = arith.constant 128 : index
    %get3A_129 = tpu.vector_load %arg4[%get3A_128] {strides = array<i32>} : memref<512xi32, #tpu.memory_space<vmem>>, vector<16xi32>,
    %add3A_130 = arith.constant 128 : i32
    %add3A_131 = vector.broadcast %add3A_130 : i32 to vector<16xi32>
    %add3A_132 = arith.addi %add3A_131, %iota3A : vector<16xi32>
    %ge3A_133 = arith.constant 0 : i32
    %ge3A_134 = vector.broadcast %ge3A_133 : i32 to vector<16xi32>
    %ge3A_135 = arith.cmpi sge, %get3A_129, %ge3A_134 : vector<16xi32>
    %lt3A_136 = arith.constant 96 : i32
    %lt3A_137 = vector.broadcast %lt3A_136 : i32 to vector<16xi32>
    %lt3A_138 = arith.cmpi slt, %get3A_129, %lt3A_137 : vector<16xi32>
    %and3A_139 = arith.andi %ge3A_135, %lt3A_138 : vector<16xi1>
    %sub3A_140 = arith.constant 0 : i32
    %sub3A_141 = vector.broadcast %sub3A_140 : i32 to vector<16xi32>
    %sub3A_142 = arith.subi %get3A_129, %sub3A_141 : vector<16xi32>
    tpu.vector_store_idx %arg5[%sub3A_142, %add3A_132], %broadcast_in_dim3A_6 masked %and3A_139 : memref<200x512xi32, #tpu.memory_space<vmem>>[vector<16xi32>, vector<16xi32>], vector<16xi32>, vector<16xi1>
    %get3A_143 = arith.constant 144 : index
    %get3A_144 = tpu.vector_load %arg4[%get3A_143] {strides = array<i32>} : memref<512xi32, #tpu.memory_space<vmem>>, vector<16xi32>,
    %add3A_145 = arith.constant 144 : i32
    %add3A_146 = vector.broadcast %add3A_145 : i32 to vector<16xi32>
    %add3A_147 = arith.addi %add3A_146, %iota3A : vector<16xi32>
    %ge3A_148 = arith.constant 0 : i32
    %ge3A_149 = vector.broadcast %ge3A_148 : i32 to vector<16xi32>
    %ge3A_150 = arith.cmpi sge, %get3A_144, %ge3A_149 : vector<16xi32>
    %lt3A_151 = arith.constant 96 : i32
    %lt3A_152 = vector.broadcast %lt3A_151 : i32 to vector<16xi32>
    %lt3A_153 = arith.cmpi slt, %get3A_144, %lt3A_152 : vector<16xi32>
    %and3A_154 = arith.andi %ge3A_150, %lt3A_153 : vector<16xi1>
    %sub3A_155 = arith.constant 0 : i32
    %sub3A_156 = vector.broadcast %sub3A_155 : i32 to vector<16xi32>
    %sub3A_157 = arith.subi %get3A_144, %sub3A_156 : vector<16xi32>
    tpu.vector_store_idx %arg5[%sub3A_157, %add3A_147], %broadcast_in_dim3A_6 masked %and3A_154 : memref<200x512xi32, #tpu.memory_space<vmem>>[vector<16xi32>, vector<16xi32>], vector<16xi32>, vector<16xi1>
    %get3A_158 = arith.constant 160 : index
    %get3A_159 = tpu.vector_load %arg4[%get3A_158] {strides = array<i32>} : memref<512xi32, #tpu.memory_space<vmem>>, vector<16xi32>,
    %add3A_160 = arith.constant 160 : i32
    %add3A_161 = vector.broadcast %add3A_160 : i32 to vector<16xi32>
    %add3A_162 = arith.addi %add3A_161, %iota3A : vector<16xi32>
    %ge3A_163 = arith.constant 0 : i32
    %ge3A_164 = vector.broadcast %ge3A_163 : i32 to vector<16xi32>
    %ge3A_165 = arith.cmpi sge, %get3A_159, %ge3A_164 : vector<16xi32>
    %lt3A_166 = arith.constant 96 : i32
    %lt3A_167 = vector.broadcast %lt3A_166 : i32 to vector<16xi32>
    %lt3A_168 = arith.cmpi slt, %get3A_159, %lt3A_167 : vector<16xi32>
    %and3A_169 = arith.andi %ge3A_165, %lt3A_168 : vector<16xi1>
    %sub3A_170 = arith.constant 0 : i32
    %sub3A_171 = vector.broadcast %sub3A_170 : i32 to vector<16xi32>
    %sub3A_172 = arith.subi %get3A_159, %sub3A_171 : vector<16xi32>
    tpu.vector_store_idx %arg5[%sub3A_172, %add3A_162], %broadcast_in_dim3A_6 masked %and3A_169 : memref<200x512xi32, #tpu.memory_space<vmem>>[vector<16xi32>, vector<16xi32>], vector<16xi32>, vector<16xi1>
    %get3A_173 = arith.constant 176 : index
    %get3A_174 = tpu.vector_load %arg4[%get3A_173] {strides = array<i32>} : memref<512xi32, #tpu.memory_space<vmem>>, vector<16xi32>,
    %add3A_175 = arith.constant 176 : i32
    %add3A_176 = vector.broadcast %add3A_175 : i32 to vector<16xi32>
    %add3A_177 = arith.addi %add3A_176, %iota3A : vector<16xi32>
    %ge3A_178 = arith.constant 0 : i32
    %ge3A_179 = vector.broadcast %ge3A_178 : i32 to vector<16xi32>
    %ge3A_180 = arith.cmpi sge, %get3A_174, %ge3A_179 : vector<16xi32>
    %lt3A_181 = arith.constant 96 : i32
    %lt3A_182 = vector.broadcast %lt3A_181 : i32 to vector<16xi32>
    %lt3A_183 = arith.cmpi slt, %get3A_174, %lt3A_182 : vector<16xi32>
    %and3A_184 = arith.andi %ge3A_180, %lt3A_183 : vector<16xi1>
    %sub3A_185 = arith.constant 0 : i32
    %sub3A_186 = vector.broadcast %sub3A_185 : i32 to vector<16xi32>
    %sub3A_187 = arith.subi %get3A_174, %sub3A_186 : vector<16xi32>
    tpu.vector_store_idx %arg5[%sub3A_187, %add3A_177], %broadcast_in_dim3A_6 masked %and3A_184 : memref<200x512xi32, #tpu.memory_space<vmem>>[vector<16xi32>, vector<16xi32>], vector<16xi32>, vector<16xi1>
    %get3A_188 = arith.constant 192 : index
    %get3A_189 = tpu.vector_load %arg4[%get3A_188] {strides = array<i32>} : memref<512xi32, #tpu.memory_space<vmem>>, vector<16xi32>,
    %add3A_190 = arith.constant 192 : i32
    %add3A_191 = vector.broadcast %add3A_190 : i32 to vector<16xi32>
    %add3A_192 = arith.addi %add3A_191, %iota3A : vector<16xi32>
    %ge3A_193 = arith.constant 0 : i32
    %ge3A_194 = vector.broadcast %ge3A_193 : i32 to vector<16xi32>
    %ge3A_195 = arith.cmpi sge, %get3A_189, %ge3A_194 : vector<16xi32>
    %lt3A_196 = arith.constant 96 : i32
    %lt3A_197 = vector.broadcast %lt3A_196 : i32 to vector<16xi32>
    %lt3A_198 = arith.cmpi slt, %get3A_189, %lt3A_197 : vector<16xi32>
    %and3A_199 = arith.andi %ge3A_195, %lt3A_198 : vector<16xi1>
    %sub3A_200 = arith.constant 0 : i32
    %sub3A_201 = vector.broadcast %sub3A_200 : i32 to vector<16xi32>
    %sub3A_202 = arith.subi %get3A_189, %sub3A_201 : vector<16xi32>
    tpu.vector_store_idx %arg5[%sub3A_202, %add3A_192], %broadcast_in_dim3A_6 masked %and3A_199 : memref<200x512xi32, #tpu.memory_space<vmem>>[vector<16xi32>, vector<16xi32>], vector<16xi32>, vector<16xi1>
    %get3A_203 = arith.constant 208 : index
    %get3A_204 = tpu.vector_load %arg4[%get3A_203] {strides = array<i32>} : memref<512xi32, #tpu.memory_space<vmem>>, vector<16xi32>,
    %add3A_205 = arith.constant 208 : i32
    %add3A_206 = vector.broadcast %add3A_205 : i32 to vector<16xi32>
    %add3A_207 = arith.addi %add3A_206, %iota3A : vector<16xi32>
    %ge3A_208 = arith.constant 0 : i32
    %ge3A_209 = vector.broadcast %ge3A_208 : i32 to vector<16xi32>
    %ge3A_210 = arith.cmpi sge, %get3A_204, %ge3A_209 : vector<16xi32>
    %lt3A_211 = arith.constant 96 : i32
    %lt3A_212 = vector.broadcast %lt3A_211 : i32 to vector<16xi32>
    %lt3A_213 = arith.cmpi slt, %get3A_204, %lt3A_212 : vector<16xi32>
    %and3A_214 = arith.andi %ge3A_210, %lt3A_213 : vector<16xi1>
    %sub3A_215 = arith.constant 0 : i32
    %sub3A_216 = vector.broadcast %sub3A_215 : i32 to vector<16xi32>
    %sub3A_217 = arith.subi %get3A_204, %sub3A_216 : vector<16xi32>
    tpu.vector_store_idx %arg5[%sub3A_217, %add3A_207], %broadcast_in_dim3A_6 masked %and3A_214 : memref<200x512xi32, #tpu.memory_space<vmem>>[vector<16xi32>, vector<16xi32>], vector<16xi32>, vector<16xi1>
    %get3A_218 = arith.constant 224 : index
    %get3A_219 = tpu.vector_load %arg4[%get3A_218] {strides = array<i32>} : memref<512xi32, #tpu.memory_space<vmem>>, vector<16xi32>,
    %add3A_220 = arith.constant 224 : i32
    %add3A_221 = vector.broadcast %add3A_220 : i32 to vector<16xi32>
    %add3A_222 = arith.addi %add3A_221, %iota3A : vector<16xi32>
    %ge3A_223 = arith.constant 0 : i32
    %ge3A_224 = vector.broadcast %ge3A_223 : i32 to vector<16xi32>
    %ge3A_225 = arith.cmpi sge, %get3A_219, %ge3A_224 : vector<16xi32>
    %lt3A_226 = arith.constant 96 : i32
    %lt3A_227 = vector.broadcast %lt3A_226 : i32 to vector<16xi32>
    %lt3A_228 = arith.cmpi slt, %get3A_219, %lt3A_227 : vector<16xi32>
    %and3A_229 = arith.andi %ge3A_225, %lt3A_228 : vector<16xi1>
    %sub3A_230 = arith.constant 0 : i32
    %sub3A_231 = vector.broadcast %sub3A_230 : i32 to vector<16xi32>
    %sub3A_232 = arith.subi %get3A_219, %sub3A_231 : vector<16xi32>
    tpu.vector_store_idx %arg5[%sub3A_232, %add3A_222], %broadcast_in_dim3A_6 masked %and3A_229 : memref<200x512xi32, #tpu.memory_space<vmem>>[vector<16xi32>, vector<16xi32>], vector<16xi32>, vector<16xi1>
    %get3A_233 = arith.constant 240 : index
    %get3A_234 = tpu.vector_load %arg4[%get3A_233] {strides = array<i32>} : memref<512xi32, #tpu.memory_space<vmem>>, vector<16xi32>,
    %add3A_235 = arith.constant 240 : i32
    %add3A_236 = vector.broadcast %add3A_235 : i32 to vector<16xi32>
    %add3A_237 = arith.addi %add3A_236, %iota3A : vector<16xi32>
    %ge3A_238 = arith.constant 0 : i32
    %ge3A_239 = vector.broadcast %ge3A_238 : i32 to vector<16xi32>
    %ge3A_240 = arith.cmpi sge, %get3A_234, %ge3A_239 : vector<16xi32>
    %lt3A_241 = arith.constant 96 : i32
    %lt3A_242 = vector.broadcast %lt3A_241 : i32 to vector<16xi32>
    %lt3A_243 = arith.cmpi slt, %get3A_234, %lt3A_242 : vector<16xi32>
    %and3A_244 = arith.andi %ge3A_240, %lt3A_243 : vector<16xi1>
    %sub3A_245 = arith.constant 0 : i32
    %sub3A_246 = vector.broadcast %sub3A_245 : i32 to vector<16xi32>
    %sub3A_247 = arith.subi %get3A_234, %sub3A_246 : vector<16xi32>
    tpu.vector_store_idx %arg5[%sub3A_247, %add3A_237], %broadcast_in_dim3A_6 masked %and3A_244 : memref<200x512xi32, #tpu.memory_space<vmem>>[vector<16xi32>, vector<16xi32>], vector<16xi32>, vector<16xi1>
    %get3A_248 = arith.constant 256 : index
    %get3A_249 = tpu.vector_load %arg4[%get3A_248] {strides = array<i32>} : memref<512xi32, #tpu.memory_space<vmem>>, vector<16xi32>,
    %add3A_250 = arith.constant 256 : i32
    %add3A_251 = vector.broadcast %add3A_250 : i32 to vector<16xi32>
    %add3A_252 = arith.addi %add3A_251, %iota3A : vector<16xi32>
    %ge3A_253 = arith.constant 0 : i32
    %ge3A_254 = vector.broadcast %ge3A_253 : i32 to vector<16xi32>
    %ge3A_255 = arith.cmpi sge, %get3A_249, %ge3A_254 : vector<16xi32>
    %lt3A_256 = arith.constant 96 : i32
    %lt3A_257 = vector.broadcast %lt3A_256 : i32 to vector<16xi32>
    %lt3A_258 = arith.cmpi slt, %get3A_249, %lt3A_257 : vector<16xi32>
    %and3A_259 = arith.andi %ge3A_255, %lt3A_258 : vector<16xi1>
    %sub3A_260 = arith.constant 0 : i32
    %sub3A_261 = vector.broadcast %sub3A_260 : i32 to vector<16xi32>
    %sub3A_262 = arith.subi %get3A_249, %sub3A_261 : vector<16xi32>
    tpu.vector_store_idx %arg5[%sub3A_262, %add3A_252], %broadcast_in_dim3A_6 masked %and3A_259 : memref<200x512xi32, #tpu.memory_space<vmem>>[vector<16xi32>, vector<16xi32>], vector<16xi32>, vector<16xi1>
    %get3A_263 = arith.constant 272 : index
    %get3A_264 = tpu.vector_load %arg4[%get3A_263] {strides = array<i32>} : memref<512xi32, #tpu.memory_space<vmem>>, vector<16xi32>,
    %add3A_265 = arith.constant 272 : i32
    %add3A_266 = vector.broadcast %add3A_265 : i32 to vector<16xi32>
    %add3A_267 = arith.addi %add3A_266, %iota3A : vector<16xi32>
    %ge3A_268 = arith.constant 0 : i32
    %ge3A_269 = vector.broadcast %ge3A_268 : i32 to vector<16xi32>
    %ge3A_270 = arith.cmpi sge, %get3A_264, %ge3A_269 : vector<16xi32>
    %lt3A_271 = arith.constant 96 : i32
    %lt3A_272 = vector.broadcast %lt3A_271 : i32 to vector<16xi32>
    %lt3A_273 = arith.cmpi slt, %get3A_264, %lt3A_272 : vector<16xi32>
    %and3A_274 = arith.andi %ge3A_270, %lt3A_273 : vector<16xi1>
    %sub3A_275 = arith.constant 0 : i32
    %sub3A_276 = vector.broadcast %sub3A_275 : i32 to vector<16xi32>
    %sub3A_277 = arith.subi %get3A_264, %sub3A_276 : vector<16xi32>
    tpu.vector_store_idx %arg5[%sub3A_277, %add3A_267], %broadcast_in_dim3A_6 masked %and3A_274 : memref<200x512xi32, #tpu.memory_space<vmem>>[vector<16xi32>, vector<16xi32>], vector<16xi32>, vector<16xi1>
    %get3A_278 = arith.constant 288 : index
    %get3A_279 = tpu.vector_load %arg4[%get3A_278] {strides = array<i32>} : memref<512xi32, #tpu.memory_space<vmem>>, vector<16xi32>,
    %add3A_280 = arith.constant 288 : i32
    %add3A_281 = vector.broadcast %add3A_280 : i32 to vector<16xi32>
    %add3A_282 = arith.addi %add3A_281, %iota3A : vector<16xi32>
    %ge3A_283 = arith.constant 0 : i32
    %ge3A_284 = vector.broadcast %ge3A_283 : i32 to vector<16xi32>
    %ge3A_285 = arith.cmpi sge, %get3A_279, %ge3A_284 : vector<16xi32>
    %lt3A_286 = arith.constant 96 : i32
    %lt3A_287 = vector.broadcast %lt3A_286 : i32 to vector<16xi32>
    %lt3A_288 = arith.cmpi slt, %get3A_279, %lt3A_287 : vector<16xi32>
    %and3A_289 = arith.andi %ge3A_285, %lt3A_288 : vector<16xi1>
    %sub3A_290 = arith.constant 0 : i32
    %sub3A_291 = vector.broadcast %sub3A_290 : i32 to vector<16xi32>
    %sub3A_292 = arith.subi %get3A_279, %sub3A_291 : vector<16xi32>
    tpu.vector_store_idx %arg5[%sub3A_292, %add3A_282], %broadcast_in_dim3A_6 masked %and3A_289 : memref<200x512xi32, #tpu.memory_space<vmem>>[vector<16xi32>, vector<16xi32>], vector<16xi32>, vector<16xi1>
    %get3A_293 = arith.constant 304 : index
    %get3A_294 = tpu.vector_load %arg4[%get3A_293] {strides = array<i32>} : memref<512xi32, #tpu.memory_space<vmem>>, vector<16xi32>,
    %add3A_295 = arith.constant 304 : i32
    %add3A_296 = vector.broadcast %add3A_295 : i32 to vector<16xi32>
    %add3A_297 = arith.addi %add3A_296, %iota3A : vector<16xi32>
    %ge3A_298 = arith.constant 0 : i32
    %ge3A_299 = vector.broadcast %ge3A_298 : i32 to vector<16xi32>
    %ge3A_300 = arith.cmpi sge, %get3A_294, %ge3A_299 : vector<16xi32>
    %lt3A_301 = arith.constant 96 : i32
    %lt3A_302 = vector.broadcast %lt3A_301 : i32 to vector<16xi32>
    %lt3A_303 = arith.cmpi slt, %get3A_294, %lt3A_302 : vector<16xi32>
    %and3A_304 = arith.andi %ge3A_300, %lt3A_303 : vector<16xi1>
    %sub3A_305 = arith.constant 0 : i32
    %sub3A_306 = vector.broadcast %sub3A_305 : i32 to vector<16xi32>
    %sub3A_307 = arith.subi %get3A_294, %sub3A_306 : vector<16xi32>
    tpu.vector_store_idx %arg5[%sub3A_307, %add3A_297], %broadcast_in_dim3A_6 masked %and3A_304 : memref<200x512xi32, #tpu.memory_space<vmem>>[vector<16xi32>, vector<16xi32>], vector<16xi32>, vector<16xi1>
    %get3A_308 = arith.constant 320 : index
    %get3A_309 = tpu.vector_load %arg4[%get3A_308] {strides = array<i32>} : memref<512xi32, #tpu.memory_space<vmem>>, vector<16xi32>,
    %add3A_310 = arith.constant 320 : i32
    %add3A_311 = vector.broadcast %add3A_310 : i32 to vector<16xi32>
    %add3A_312 = arith.addi %add3A_311, %iota3A : vector<16xi32>
    %ge3A_313 = arith.constant 0 : i32
    %ge3A_314 = vector.broadcast %ge3A_313 : i32 to vector<16xi32>
    %ge3A_315 = arith.cmpi sge, %get3A_309, %ge3A_314 : vector<16xi32>
    %lt3A_316 = arith.constant 96 : i32
    %lt3A_317 = vector.broadcast %lt3A_316 : i32 to vector<16xi32>
    %lt3A_318 = arith.cmpi slt, %get3A_309, %lt3A_317 : vector<16xi32>
    %and3A_319 = arith.andi %ge3A_315, %lt3A_318 : vector<16xi1>
    %sub3A_320 = arith.constant 0 : i32
    %sub3A_321 = vector.broadcast %sub3A_320 : i32 to vector<16xi32>
    %sub3A_322 = arith.subi %get3A_309, %sub3A_321 : vector<16xi32>
    tpu.vector_store_idx %arg5[%sub3A_322, %add3A_312], %broadcast_in_dim3A_6 masked %and3A_319 : memref<200x512xi32, #tpu.memory_space<vmem>>[vector<16xi32>, vector<16xi32>], vector<16xi32>, vector<16xi1>
    %get3A_323 = arith.constant 336 : index
    %get3A_324 = tpu.vector_load %arg4[%get3A_323] {strides = array<i32>} : memref<512xi32, #tpu.memory_space<vmem>>, vector<16xi32>,
    %add3A_325 = arith.constant 336 : i32
    %add3A_326 = vector.broadcast %add3A_325 : i32 to vector<16xi32>
    %add3A_327 = arith.addi %add3A_326, %iota3A : vector<16xi32>
    %ge3A_328 = arith.constant 0 : i32
    %ge3A_329 = vector.broadcast %ge3A_328 : i32 to vector<16xi32>
    %ge3A_330 = arith.cmpi sge, %get3A_324, %ge3A_329 : vector<16xi32>
    %lt3A_331 = arith.constant 96 : i32
    %lt3A_332 = vector.broadcast %lt3A_331 : i32 to vector<16xi32>
    %lt3A_333 = arith.cmpi slt, %get3A_324, %lt3A_332 : vector<16xi32>
    %and3A_334 = arith.andi %ge3A_330, %lt3A_333 : vector<16xi1>
    %sub3A_335 = arith.constant 0 : i32
    %sub3A_336 = vector.broadcast %sub3A_335 : i32 to vector<16xi32>
    %sub3A_337 = arith.subi %get3A_324, %sub3A_336 : vector<16xi32>
    tpu.vector_store_idx %arg5[%sub3A_337, %add3A_327], %broadcast_in_dim3A_6 masked %and3A_334 : memref<200x512xi32, #tpu.memory_space<vmem>>[vector<16xi32>, vector<16xi32>], vector<16xi32>, vector<16xi1>
    %get3A_338 = arith.constant 352 : index
    %get3A_339 = tpu.vector_load %arg4[%get3A_338] {strides = array<i32>} : memref<512xi32, #tpu.memory_space<vmem>>, vector<16xi32>,
    %add3A_340 = arith.constant 352 : i32
    %add3A_341 = vector.broadcast %add3A_340 : i32 to vector<16xi32>
    %add3A_342 = arith.addi %add3A_341, %iota3A : vector<16xi32>
    %ge3A_343 = arith.constant 0 : i32
    %ge3A_344 = vector.broadcast %ge3A_343 : i32 to vector<16xi32>
    %ge3A_345 = arith.cmpi sge, %get3A_339, %ge3A_344 : vector<16xi32>
    %lt3A_346 = arith.constant 96 : i32
    %lt3A_347 = vector.broadcast %lt3A_346 : i32 to vector<16xi32>
    %lt3A_348 = arith.cmpi slt, %get3A_339, %lt3A_347 : vector<16xi32>
    %and3A_349 = arith.andi %ge3A_345, %lt3A_348 : vector<16xi1>
    %sub3A_350 = arith.constant 0 : i32
    %sub3A_351 = vector.broadcast %sub3A_350 : i32 to vector<16xi32>
    %sub3A_352 = arith.subi %get3A_339, %sub3A_351 : vector<16xi32>
    tpu.vector_store_idx %arg5[%sub3A_352, %add3A_342], %broadcast_in_dim3A_6 masked %and3A_349 : memref<200x512xi32, #tpu.memory_space<vmem>>[vector<16xi32>, vector<16xi32>], vector<16xi32>, vector<16xi1>
    %get3A_353 = arith.constant 368 : index
    %get3A_354 = tpu.vector_load %arg4[%get3A_353] {strides = array<i32>} : memref<512xi32, #tpu.memory_space<vmem>>, vector<16xi32>,
    %add3A_355 = arith.constant 368 : i32
    %add3A_356 = vector.broadcast %add3A_355 : i32 to vector<16xi32>
    %add3A_357 = arith.addi %add3A_356, %iota3A : vector<16xi32>
    %ge3A_358 = arith.constant 0 : i32
    %ge3A_359 = vector.broadcast %ge3A_358 : i32 to vector<16xi32>
    %ge3A_360 = arith.cmpi sge, %get3A_354, %ge3A_359 : vector<16xi32>
    %lt3A_361 = arith.constant 96 : i32
    %lt3A_362 = vector.broadcast %lt3A_361 : i32 to vector<16xi32>
    %lt3A_363 = arith.cmpi slt, %get3A_354, %lt3A_362 : vector<16xi32>
    %and3A_364 = arith.andi %ge3A_360, %lt3A_363 : vector<16xi1>
    %sub3A_365 = arith.constant 0 : i32
    %sub3A_366 = vector.broadcast %sub3A_365 : i32 to vector<16xi32>
    %sub3A_367 = arith.subi %get3A_354, %sub3A_366 : vector<16xi32>
    tpu.vector_store_idx %arg5[%sub3A_367, %add3A_357], %broadcast_in_dim3A_6 masked %and3A_364 : memref<200x512xi32, #tpu.memory_space<vmem>>[vector<16xi32>, vector<16xi32>], vector<16xi32>, vector<16xi1>
    %get3A_368 = arith.constant 384 : index
    %get3A_369 = tpu.vector_load %arg4[%get3A_368] {strides = array<i32>} : memref<512xi32, #tpu.memory_space<vmem>>, vector<16xi32>,
    %add3A_370 = arith.constant 384 : i32
    %add3A_371 = vector.broadcast %add3A_370 : i32 to vector<16xi32>
    %add3A_372 = arith.addi %add3A_371, %iota3A : vector<16xi32>
    %ge3A_373 = arith.constant 0 : i32
    %ge3A_374 = vector.broadcast %ge3A_373 : i32 to vector<16xi32>
    %ge3A_375 = arith.cmpi sge, %get3A_369, %ge3A_374 : vector<16xi32>
    %lt3A_376 = arith.constant 96 : i32
    %lt3A_377 = vector.broadcast %lt3A_376 : i32 to vector<16xi32>
    %lt3A_378 = arith.cmpi slt, %get3A_369, %lt3A_377 : vector<16xi32>
    %and3A_379 = arith.andi %ge3A_375, %lt3A_378 : vector<16xi1>
    %sub3A_380 = arith.constant 0 : i32
    %sub3A_381 = vector.broadcast %sub3A_380 : i32 to vector<16xi32>
    %sub3A_382 = arith.subi %get3A_369, %sub3A_381 : vector<16xi32>
    tpu.vector_store_idx %arg5[%sub3A_382, %add3A_372], %broadcast_in_dim3A_6 masked %and3A_379 : memref<200x512xi32, #tpu.memory_space<vmem>>[vector<16xi32>, vector<16xi32>], vector<16xi32>, vector<16xi1>
    %get3A_383 = arith.constant 400 : index
    %get3A_384 = tpu.vector_load %arg4[%get3A_383] {strides = array<i32>} : memref<512xi32, #tpu.memory_space<vmem>>, vector<16xi32>,
    %add3A_385 = arith.constant 400 : i32
    %add3A_386 = vector.broadcast %add3A_385 : i32 to vector<16xi32>
    %add3A_387 = arith.addi %add3A_386, %iota3A : vector<16xi32>
    %ge3A_388 = arith.constant 0 : i32
    %ge3A_389 = vector.broadcast %ge3A_388 : i32 to vector<16xi32>
    %ge3A_390 = arith.cmpi sge, %get3A_384, %ge3A_389 : vector<16xi32>
    %lt3A_391 = arith.constant 96 : i32
    %lt3A_392 = vector.broadcast %lt3A_391 : i32 to vector<16xi32>
    %lt3A_393 = arith.cmpi slt, %get3A_384, %lt3A_392 : vector<16xi32>
    %and3A_394 = arith.andi %ge3A_390, %lt3A_393 : vector<16xi1>
    %sub3A_395 = arith.constant 0 : i32
    %sub3A_396 = vector.broadcast %sub3A_395 : i32 to vector<16xi32>
    %sub3A_397 = arith.subi %get3A_384, %sub3A_396 : vector<16xi32>
    tpu.vector_store_idx %arg5[%sub3A_397, %add3A_387], %broadcast_in_dim3A_6 masked %and3A_394 : memref<200x512xi32, #tpu.memory_space<vmem>>[vector<16xi32>, vector<16xi32>], vector<16xi32>, vector<16xi1>
    %get3A_398 = arith.constant 416 : index
    %get3A_399 = tpu.vector_load %arg4[%get3A_398] {strides = array<i32>} : memref<512xi32, #tpu.memory_space<vmem>>, vector<16xi32>,
    %add3A_400 = arith.constant 416 : i32
    %add3A_401 = vector.broadcast %add3A_400 : i32 to vector<16xi32>
    %add3A_402 = arith.addi %add3A_401, %iota3A : vector<16xi32>
    %ge3A_403 = arith.constant 0 : i32
    %ge3A_404 = vector.broadcast %ge3A_403 : i32 to vector<16xi32>
    %ge3A_405 = arith.cmpi sge, %get3A_399, %ge3A_404 : vector<16xi32>
    %lt3A_406 = arith.constant 96 : i32
    %lt3A_407 = vector.broadcast %lt3A_406 : i32 to vector<16xi32>
    %lt3A_408 = arith.cmpi slt, %get3A_399, %lt3A_407 : vector<16xi32>
    %and3A_409 = arith.andi %ge3A_405, %lt3A_408 : vector<16xi1>
    %sub3A_410 = arith.constant 0 : i32
    %sub3A_411 = vector.broadcast %sub3A_410 : i32 to vector<16xi32>
    %sub3A_412 = arith.subi %get3A_399, %sub3A_411 : vector<16xi32>
    tpu.vector_store_idx %arg5[%sub3A_412, %add3A_402], %broadcast_in_dim3A_6 masked %and3A_409 : memref<200x512xi32, #tpu.memory_space<vmem>>[vector<16xi32>, vector<16xi32>], vector<16xi32>, vector<16xi1>
    %get3A_413 = arith.constant 432 : index
    %get3A_414 = tpu.vector_load %arg4[%get3A_413] {strides = array<i32>} : memref<512xi32, #tpu.memory_space<vmem>>, vector<16xi32>,
    %add3A_415 = arith.constant 432 : i32
    %add3A_416 = vector.broadcast %add3A_415 : i32 to vector<16xi32>
    %add3A_417 = arith.addi %add3A_416, %iota3A : vector<16xi32>
    %ge3A_418 = arith.constant 0 : i32
    %ge3A_419 = vector.broadcast %ge3A_418 : i32 to vector<16xi32>
    %ge3A_420 = arith.cmpi sge, %get3A_414, %ge3A_419 : vector<16xi32>
    %lt3A_421 = arith.constant 96 : i32
    %lt3A_422 = vector.broadcast %lt3A_421 : i32 to vector<16xi32>
    %lt3A_423 = arith.cmpi slt, %get3A_414, %lt3A_422 : vector<16xi32>
    %and3A_424 = arith.andi %ge3A_420, %lt3A_423 : vector<16xi1>
    %sub3A_425 = arith.constant 0 : i32
    %sub3A_426 = vector.broadcast %sub3A_425 : i32 to vector<16xi32>
    %sub3A_427 = arith.subi %get3A_414, %sub3A_426 : vector<16xi32>
    tpu.vector_store_idx %arg5[%sub3A_427, %add3A_417], %broadcast_in_dim3A_6 masked %and3A_424 : memref<200x512xi32, #tpu.memory_space<vmem>>[vector<16xi32>, vector<16xi32>], vector<16xi32>, vector<16xi1>
    %get3A_428 = arith.constant 448 : index
    %get3A_429 = tpu.vector_load %arg4[%get3A_428] {strides = array<i32>} : memref<512xi32, #tpu.memory_space<vmem>>, vector<16xi32>,
    %add3A_430 = arith.constant 448 : i32
    %add3A_431 = vector.broadcast %add3A_430 : i32 to vector<16xi32>
    %add3A_432 = arith.addi %add3A_431, %iota3A : vector<16xi32>
    %ge3A_433 = arith.constant 0 : i32
    %ge3A_434 = vector.broadcast %ge3A_433 : i32 to vector<16xi32>
    %ge3A_435 = arith.cmpi sge, %get3A_429, %ge3A_434 : vector<16xi32>
    %lt3A_436 = arith.constant 96 : i32
    %lt3A_437 = vector.broadcast %lt3A_436 : i32 to vector<16xi32>
    %lt3A_438 = arith.cmpi slt, %get3A_429, %lt3A_437 : vector<16xi32>
    %and3A_439 = arith.andi %ge3A_435, %lt3A_438 : vector<16xi1>
    %sub3A_440 = arith.constant 0 : i32
    %sub3A_441 = vector.broadcast %sub3A_440 : i32 to vector<16xi32>
    %sub3A_442 = arith.subi %get3A_429, %sub3A_441 : vector<16xi32>
    tpu.vector_store_idx %arg5[%sub3A_442, %add3A_432], %broadcast_in_dim3A_6 masked %and3A_439 : memref<200x512xi32, #tpu.memory_space<vmem>>[vector<16xi32>, vector<16xi32>], vector<16xi32>, vector<16xi1>
    %get3A_443 = arith.constant 464 : index
    %get3A_444 = tpu.vector_load %arg4[%get3A_443] {strides = array<i32>} : memref<512xi32, #tpu.memory_space<vmem>>, vector<16xi32>,
    %add3A_445 = arith.constant 464 : i32
    %add3A_446 = vector.broadcast %add3A_445 : i32 to vector<16xi32>
    %add3A_447 = arith.addi %add3A_446, %iota3A : vector<16xi32>
    %ge3A_448 = arith.constant 0 : i32
    %ge3A_449 = vector.broadcast %ge3A_448 : i32 to vector<16xi32>
    %ge3A_450 = arith.cmpi sge, %get3A_444, %ge3A_449 : vector<16xi32>
    %lt3A_451 = arith.constant 96 : i32
    %lt3A_452 = vector.broadcast %lt3A_451 : i32 to vector<16xi32>
    %lt3A_453 = arith.cmpi slt, %get3A_444, %lt3A_452 : vector<16xi32>
    %and3A_454 = arith.andi %ge3A_450, %lt3A_453 : vector<16xi1>
    %sub3A_455 = arith.constant 0 : i32
    %sub3A_456 = vector.broadcast %sub3A_455 : i32 to vector<16xi32>
    %sub3A_457 = arith.subi %get3A_444, %sub3A_456 : vector<16xi32>
    tpu.vector_store_idx %arg5[%sub3A_457, %add3A_447], %broadcast_in_dim3A_6 masked %and3A_454 : memref<200x512xi32, #tpu.memory_space<vmem>>[vector<16xi32>, vector<16xi32>], vector<16xi32>, vector<16xi1>
    %get3A_458 = arith.constant 480 : index
    %get3A_459 = tpu.vector_load %arg4[%get3A_458] {strides = array<i32>} : memref<512xi32, #tpu.memory_space<vmem>>, vector<16xi32>,
    %add3A_460 = arith.constant 480 : i32
    %add3A_461 = vector.broadcast %add3A_460 : i32 to vector<16xi32>
    %add3A_462 = arith.addi %add3A_461, %iota3A : vector<16xi32>
    %ge3A_463 = arith.constant 0 : i32
    %ge3A_464 = vector.broadcast %ge3A_463 : i32 to vector<16xi32>
    %ge3A_465 = arith.cmpi sge, %get3A_459, %ge3A_464 : vector<16xi32>
    %lt3A_466 = arith.constant 96 : i32
    %lt3A_467 = vector.broadcast %lt3A_466 : i32 to vector<16xi32>
    %lt3A_468 = arith.cmpi slt, %get3A_459, %lt3A_467 : vector<16xi32>
    %and3A_469 = arith.andi %ge3A_465, %lt3A_468 : vector<16xi1>
    %sub3A_470 = arith.constant 0 : i32
    %sub3A_471 = vector.broadcast %sub3A_470 : i32 to vector<16xi32>
    %sub3A_472 = arith.subi %get3A_459, %sub3A_471 : vector<16xi32>
    tpu.vector_store_idx %arg5[%sub3A_472, %add3A_462], %broadcast_in_dim3A_6 masked %and3A_469 : memref<200x512xi32, #tpu.memory_space<vmem>>[vector<16xi32>, vector<16xi32>], vector<16xi32>, vector<16xi1>
    %get3A_473 = arith.constant 496 : index
    %get3A_474 = tpu.vector_load %arg4[%get3A_473] {strides = array<i32>} : memref<512xi32, #tpu.memory_space<vmem>>, vector<16xi32>,
    %add3A_475 = arith.constant 496 : i32
    %add3A_476 = vector.broadcast %add3A_475 : i32 to vector<16xi32>
    %add3A_477 = arith.addi %add3A_476, %iota3A : vector<16xi32>
    %ge3A_478 = arith.constant 0 : i32
    %ge3A_479 = vector.broadcast %ge3A_478 : i32 to vector<16xi32>
    %ge3A_480 = arith.cmpi sge, %get3A_474, %ge3A_479 : vector<16xi32>
    %lt3A_481 = arith.constant 96 : i32
    %lt3A_482 = vector.broadcast %lt3A_481 : i32 to vector<16xi32>
    %lt3A_483 = arith.cmpi slt, %get3A_474, %lt3A_482 : vector<16xi32>
    %and3A_484 = arith.andi %ge3A_480, %lt3A_483 : vector<16xi1>
    %sub3A_485 = arith.constant 0 : i32
    %sub3A_486 = vector.broadcast %sub3A_485 : i32 to vector<16xi32>
    %sub3A_487 = arith.subi %get3A_474, %sub3A_486 : vector<16xi32>
    tpu.vector_store_idx %arg5[%sub3A_487, %add3A_477], %broadcast_in_dim3A_6 masked %and3A_484 : memref<200x512xi32, #tpu.memory_space<vmem>>[vector<16xi32>, vector<16xi32>], vector<16xi32>, vector<16xi1>
    %dma_start3A_488 = arith.constant 0 : i32
    %dma_start3A_489 = arith.constant 0 : i32
    %dma_start3A_490 = tpu.memref_slice %arg5[%dma_start3A_488, %dma_start3A_489] : memref<200x512xi32, #tpu.memory_space<vmem>> -> memref<96x512xi32, #tpu.memory_space<vmem>>
    %dma_start3A_491 = arith.constant 0 : i32
    %dma_start3A_492 = tpu.memref_slice %arg3[%dma_start3A_491, %mul3A_2] : memref<1000x16384xi32, #tpu.memory_space<hbm>> -> memref<96x512xi32, #tpu.memory_space<hbm>>
    %dma_start3A_493 = arith.constant 0 : i32
    %dma_start3A_494 = tpu.memref_slice %arg3[%dma_start3A_493, %mul3A_2] : memref<1000x16384xi32, #tpu.memory_space<hbm>> -> memref<96x512xi32, #tpu.memory_space<hbm>>
    %dma_start3A_495 = arith.constant 0 : i32
    %dma_start3A_496 = arith.constant 0 : i32
    %dma_start3A_497 = tpu.memref_slice %arg5[%dma_start3A_495, %dma_start3A_496] : memref<200x512xi32, #tpu.memory_space<vmem>> -> memref<96x512xi32, #tpu.memory_space<vmem>>
    tpu.enqueue_dma source(%dma_start3A_497 : memref<96x512xi32, #tpu.memory_space<vmem>>) target(%dma_start3A_494 : memref<96x512xi32, #tpu.memory_space<hbm>>) target_semaphore(%arg6 : memref<!tpu.dma_semaphore, #tpu.memory_space<semaphore_mem>>)
    %scan3A_498 = arith.constant 0 : i32
    %scan3A_499 = arith.constant 96 : i32
    %scan3A_500 = arith.constant 104 : i32
    %scan3A_501 = arith.addi %scan3A_499, %scan3A_500 : i32
    %scan3A_502 = arith.constant 1 : i32
    scf.for %scan3A_2934 = %scan3A_499 to %scan3A_501 step %scan3A_502  : i32 {
      %swap3A = arith.index_cast %scan3A_2934 : i32 to index
      %swap3A_2935 = arith.constant 0 : index
      %swap3A_2936 = tpu.vector_load %arg5[%swap3A, %swap3A_2935] {strides = array<i32>} : memref<200x512xi32, #tpu.memory_space<vmem>>, vector<16xi32>,
      tpu.vector_store %arg5[%swap3A, %swap3A_2935], %broadcast_in_dim3A_4 {strides = array<i32>} : memref<200x512xi32, #tpu.memory_space<vmem>>, vector<16xi32>,
      %swap3A_2937 = arith.index_cast %scan3A_2934 : i32 to index
      %swap3A_2938 = arith.constant 16 : index
      %swap3A_2939 = tpu.vector_load %arg5[%swap3A_2937, %swap3A_2938] {strides = array<i32>} : memref<200x512xi32, #tpu.memory_space<vmem>>, vector<16xi32>,
      tpu.vector_store %arg5[%swap3A_2937, %swap3A_2938], %broadcast_in_dim3A_4 {strides = array<i32>} : memref<200x512xi32, #tpu.memory_space<vmem>>, vector<16xi32>,
      %swap3A_2940 = arith.index_cast %scan3A_2934 : i32 to index
      %swap3A_2941 = arith.constant 32 : index
      %swap3A_2942 = tpu.vector_load %arg5[%swap3A_2940, %swap3A_2941] {strides = array<i32>} : memref<200x512xi32, #tpu.memory_space<vmem>>, vector<16xi32>,
      tpu.vector_store %arg5[%swap3A_2940, %swap3A_2941], %broadcast_in_dim3A_4 {strides = array<i32>} : memref<200x512xi32, #tpu.memory_space<vmem>>, vector<16xi32>,
      %swap3A_2943 = arith.index_cast %scan3A_2934 : i32 to index
      %swap3A_2944 = arith.constant 48 : index
      %swap3A_2945 = tpu.vector_load %arg5[%swap3A_2943, %swap3A_2944] {strides = array<i32>} : memref<200x512xi32, #tpu.memory_space<vmem>>, vector<16xi32>,
      tpu.vector_store %arg5[%swap3A_2943, %swap3A_2944], %broadcast_in_dim3A_4 {strides = array<i32>} : memref<200x512xi32, #tpu.memory_space<vmem>>, vector<16xi32>,
      %swap3A_2946 = arith.index_cast %scan3A_2934 : i32 to index
      %swap3A_2947 = arith.constant 64 : index
      %swap3A_2948 = tpu.vector_load %arg5[%swap3A_2946, %swap3A_2947] {strides = array<i32>} : memref<200x512xi32, #tpu.memory_space<vmem>>, vector<16xi32>,
      tpu.vector_store %arg5[%swap3A_2946, %swap3A_2947], %broadcast_in_dim3A_4 {strides = array<i32>} : memref<200x512xi32, #tpu.memory_space<vmem>>, vector<16xi32>,
      %swap3A_2949 = arith.index_cast %scan3A_2934 : i32 to index
      %swap3A_2950 = arith.constant 80 : index
      %swap3A_2951 = tpu.vector_load %arg5[%swap3A_2949, %swap3A_2950] {strides = array<i32>} : memref<200x512xi32, #tpu.memory_space<vmem>>, vector<16xi32>,
      tpu.vector_store %arg5[%swap3A_2949, %swap3A_2950], %broadcast_in_dim3A_4 {strides = array<i32>} : memref<200x512xi32, #tpu.memory_space<vmem>>, vector<16xi32>,
      %swap3A_2952 = arith.index_cast %scan3A_2934 : i32 to index
      %swap3A_2953 = arith.constant 96 : index
      %swap3A_2954 = tpu.vector_load %arg5[%swap3A_2952, %swap3A_2953] {strides = array<i32>} : memref<200x512xi32, #tpu.memory_space<vmem>>, vector<16xi32>,
      tpu.vector_store %arg5[%swap3A_2952, %swap3A_2953], %broadcast_in_dim3A_4 {strides = array<i32>} : memref<200x512xi32, #tpu.memory_space<vmem>>, vector<16xi32>,
      %swap3A_2955 = arith.index_cast %scan3A_2934 : i32 to index
      %swap3A_2956 = arith.constant 112 : index
      %swap3A_2957 = tpu.vector_load %arg5[%swap3A_2955, %swap3A_2956] {strides = array<i32>} : memref<200x512xi32, #tpu.memory_space<vmem>>, vector<16xi32>,
      tpu.vector_store %arg5[%swap3A_2955, %swap3A_2956], %broadcast_in_dim3A_4 {strides = array<i32>} : memref<200x512xi32, #tpu.memory_space<vmem>>, vector<16xi32>,
      %swap3A_2958 = arith.index_cast %scan3A_2934 : i32 to index
      %swap3A_2959 = arith.constant 128 : index
      %swap3A_2960 = tpu.vector_load %arg5[%swap3A_2958, %swap3A_2959] {strides = array<i32>} : memref<200x512xi32, #tpu.memory_space<vmem>>, vector<16xi32>,
      tpu.vector_store %arg5[%swap3A_2958, %swap3A_2959], %broadcast_in_dim3A_4 {strides = array<i32>} : memref<200x512xi32, #tpu.memory_space<vmem>>, vector<16xi32>,
      %swap3A_2961 = arith.index_cast %scan3A_2934 : i32 to index
      %swap3A_2962 = arith.constant 144 : index
      %swap3A_2963 = tpu.vector_load %arg5[%swap3A_2961, %swap3A_2962] {strides = array<i32>} : memref<200x512xi32, #tpu.memory_space<vmem>>, vector<16xi32>,
      tpu.vector_store %arg5[%swap3A_2961, %swap3A_2962], %broadcast_in_dim3A_4 {strides = array<i32>} : memref<200x512xi32, #tpu.memory_space<vmem>>, vector<16xi32>,
      %swap3A_2964 = arith.index_cast %scan3A_2934 : i32 to index
      %swap3A_2965 = arith.constant 160 : index
      %swap3A_2966 = tpu.vector_load %arg5[%swap3A_2964, %swap3A_2965] {strides = array<i32>} : memref<200x512xi32, #tpu.memory_space<vmem>>, vector<16xi32>,
      tpu.vector_store %arg5[%swap3A_2964, %swap3A_2965], %broadcast_in_dim3A_4 {strides = array<i32>} : memref<200x512xi32, #tpu.memory_space<vmem>>, vector<16xi32>,
      %swap3A_2967 = arith.index_cast %scan3A_2934 : i32 to index
      %swap3A_2968 = arith.constant 176 : index
      %swap3A_2969 = tpu.vector_load %arg5[%swap3A_2967, %swap3A_2968] {strides = array<i32>} : memref<200x512xi32, #tpu.memory_space<vmem>>, vector<16xi32>,
      tpu.vector_store %arg5[%swap3A_2967, %swap3A_2968], %broadcast_in_dim3A_4 {strides = array<i32>} : memref<200x512xi32, #tpu.memory_space<vmem>>, vector<16xi32>,
      %swap3A_2970 = arith.index_cast %scan3A_2934 : i32 to index
      %swap3A_2971 = arith.constant 192 : index
      %swap3A_2972 = tpu.vector_load %arg5[%swap3A_2970, %swap3A_2971] {strides = array<i32>} : memref<200x512xi32, #tpu.memory_space<vmem>>, vector<16xi32>,
      tpu.vector_store %arg5[%swap3A_2970, %swap3A_2971], %broadcast_in_dim3A_4 {strides = array<i32>} : memref<200x512xi32, #tpu.memory_space<vmem>>, vector<16xi32>,
      %swap3A_2973 = arith.index_cast %scan3A_2934 : i32 to index
      %swap3A_2974 = arith.constant 208 : index
      %swap3A_2975 = tpu.vector_load %arg5[%swap3A_2973, %swap3A_2974] {strides = array<i32>} : memref<200x512xi32, #tpu.memory_space<vmem>>, vector<16xi32>,
      tpu.vector_store %arg5[%swap3A_2973, %swap3A_2974], %broadcast_in_dim3A_4 {strides = array<i32>} : memref<200x512xi32, #tpu.memory_space<vmem>>, vector<16xi32>,
      %swap3A_2976 = arith.index_cast %scan3A_2934 : i32 to index
      %swap3A_2977 = arith.constant 224 : index
      %swap3A_2978 = tpu.vector_load %arg5[%swap3A_2976, %swap3A_2977] {strides = array<i32>} : memref<200x512xi32, #tpu.memory_space<vmem>>, vector<16xi32>,
      tpu.vector_store %arg5[%swap3A_2976, %swap3A_2977], %broadcast_in_dim3A_4 {strides = array<i32>} : memref<200x512xi32, #tpu.memory_space<vmem>>, vector<16xi32>,
      %swap3A_2979 = arith.index_cast %scan3A_2934 : i32 to index
      %swap3A_2980 = arith.constant 240 : index
      %swap3A_2981 = tpu.vector_load %arg5[%swap3A_2979, %swap3A_2980] {strides = array<i32>} : memref<200x512xi32, #tpu.memory_space<vmem>>, vector<16xi32>,
      tpu.vector_store %arg5[%swap3A_2979, %swap3A_2980], %broadcast_in_dim3A_4 {strides = array<i32>} : memref<200x512xi32, #tpu.memory_space<vmem>>, vector<16xi32>,
      %swap3A_2982 = arith.index_cast %scan3A_2934 : i32 to index
      %swap3A_2983 = arith.constant 256 : index
      %swap3A_2984 = tpu.vector_load %arg5[%swap3A_2982, %swap3A_2983] {strides = array<i32>} : memref<200x512xi32, #tpu.memory_space<vmem>>, vector<16xi32>,
      tpu.vector_store %arg5[%swap3A_2982, %swap3A_2983], %broadcast_in_dim3A_4 {strides = array<i32>} : memref<200x512xi32, #tpu.memory_space<vmem>>, vector<16xi32>,
      %swap3A_2985 = arith.index_cast %scan3A_2934 : i32 to index
      %swap3A_2986 = arith.constant 272 : index
      %swap3A_2987 = tpu.vector_load %arg5[%swap3A_2985, %swap3A_2986] {strides = array<i32>} : memref<200x512xi32, #tpu.memory_space<vmem>>, vector<16xi32>,
      tpu.vector_store %arg5[%swap3A_2985, %swap3A_2986], %broadcast_in_dim3A_4 {strides = array<i32>} : memref<200x512xi32, #tpu.memory_space<vmem>>, vector<16xi32>,
      %swap3A_2988 = arith.index_cast %scan3A_2934 : i32 to index
      %swap3A_2989 = arith.constant 288 : index
      %swap3A_2990 = tpu.vector_load %arg5[%swap3A_2988, %swap3A_2989] {strides = array<i32>} : memref<200x512xi32, #tpu.memory_space<vmem>>, vector<16xi32>,
      tpu.vector_store %arg5[%swap3A_2988, %swap3A_2989], %broadcast_in_dim3A_4 {strides = array<i32>} : memref<200x512xi32, #tpu.memory_space<vmem>>, vector<16xi32>,
      %swap3A_2991 = arith.index_cast %scan3A_2934 : i32 to index
      %swap3A_2992 = arith.constant 304 : index
      %swap3A_2993 = tpu.vector_load %arg5[%swap3A_2991, %swap3A_2992] {strides = array<i32>} : memref<200x512xi32, #tpu.memory_space<vmem>>, vector<16xi32>,
      tpu.vector_store %arg5[%swap3A_2991, %swap3A_2992], %broadcast_in_dim3A_4 {strides = array<i32>} : memref<200x512xi32, #tpu.memory_space<vmem>>, vector<16xi32>,
      %swap3A_2994 = arith.index_cast %scan3A_2934 : i32 to index
      %swap3A_2995 = arith.constant 320 : index
      %swap3A_2996 = tpu.vector_load %arg5[%swap3A_2994, %swap3A_2995] {strides = array<i32>} : memref<200x512xi32, #tpu.memory_space<vmem>>, vector<16xi32>,
      tpu.vector_store %arg5[%swap3A_2994, %swap3A_2995], %broadcast_in_dim3A_4 {strides = array<i32>} : memref<200x512xi32, #tpu.memory_space<vmem>>, vector<16xi32>,
      %swap3A_2997 = arith.index_cast %scan3A_2934 : i32 to index
      %swap3A_2998 = arith.constant 336 : index
      %swap3A_2999 = tpu.vector_load %arg5[%swap3A_2997, %swap3A_2998] {strides = array<i32>} : memref<200x512xi32, #tpu.memory_space<vmem>>, vector<16xi32>,
      tpu.vector_store %arg5[%swap3A_2997, %swap3A_2998], %broadcast_in_dim3A_4 {strides = array<i32>} : memref<200x512xi32, #tpu.memory_space<vmem>>, vector<16xi32>,
      %swap3A_3000 = arith.index_cast %scan3A_2934 : i32 to index
      %swap3A_3001 = arith.constant 352 : index
      %swap3A_3002 = tpu.vector_load %arg5[%swap3A_3000, %swap3A_3001] {strides = array<i32>} : memref<200x512xi32, #tpu.memory_space<vmem>>, vector<16xi32>,
      tpu.vector_store %arg5[%swap3A_3000, %swap3A_3001], %broadcast_in_dim3A_4 {strides = array<i32>} : memref<200x512xi32, #tpu.memory_space<vmem>>, vector<16xi32>,
      %swap3A_3003 = arith.index_cast %scan3A_2934 : i32 to index
      %swap3A_3004 = arith.constant 368 : index
      %swap3A_3005 = tpu.vector_load %arg5[%swap3A_3003, %swap3A_3004] {strides = array<i32>} : memref<200x512xi32, #tpu.memory_space<vmem>>, vector<16xi32>,
      tpu.vector_store %arg5[%swap3A_3003, %swap3A_3004], %broadcast_in_dim3A_4 {strides = array<i32>} : memref<200x512xi32, #tpu.memory_space<vmem>>, vector<16xi32>,
      %swap3A_3006 = arith.index_cast %scan3A_2934 : i32 to index
      %swap3A_3007 = arith.constant 384 : index
      %swap3A_3008 = tpu.vector_load %arg5[%swap3A_3006, %swap3A_3007] {strides = array<i32>} : memref<200x512xi32, #tpu.memory_space<vmem>>, vector<16xi32>,
      tpu.vector_store %arg5[%swap3A_3006, %swap3A_3007], %broadcast_in_dim3A_4 {strides = array<i32>} : memref<200x512xi32, #tpu.memory_space<vmem>>, vector<16xi32>,
      %swap3A_3009 = arith.index_cast %scan3A_2934 : i32 to index
      %swap3A_3010 = arith.constant 400 : index
      %swap3A_3011 = tpu.vector_load %arg5[%swap3A_3009, %swap3A_3010] {strides = array<i32>} : memref<200x512xi32, #tpu.memory_space<vmem>>, vector<16xi32>,
      tpu.vector_store %arg5[%swap3A_3009, %swap3A_3010], %broadcast_in_dim3A_4 {strides = array<i32>} : memref<200x512xi32, #tpu.memory_space<vmem>>, vector<16xi32>,
      %swap3A_3012 = arith.index_cast %scan3A_2934 : i32 to index
      %swap3A_3013 = arith.constant 416 : index
      %swap3A_3014 = tpu.vector_load %arg5[%swap3A_3012, %swap3A_3013] {strides = array<i32>} : memref<200x512xi32, #tpu.memory_space<vmem>>, vector<16xi32>,
      tpu.vector_store %arg5[%swap3A_3012, %swap3A_3013], %broadcast_in_dim3A_4 {strides = array<i32>} : memref<200x512xi32, #tpu.memory_space<vmem>>, vector<16xi32>,
      %swap3A_3015 = arith.index_cast %scan3A_2934 : i32 to index
      %swap3A_3016 = arith.constant 432 : index
      %swap3A_3017 = tpu.vector_load %arg5[%swap3A_3015, %swap3A_3016] {strides = array<i32>} : memref<200x512xi32, #tpu.memory_space<vmem>>, vector<16xi32>,
      tpu.vector_store %arg5[%swap3A_3015, %swap3A_3016], %broadcast_in_dim3A_4 {strides = array<i32>} : memref<200x512xi32, #tpu.memory_space<vmem>>, vector<16xi32>,
      %swap3A_3018 = arith.index_cast %scan3A_2934 : i32 to index
      %swap3A_3019 = arith.constant 448 : index
      %swap3A_3020 = tpu.vector_load %arg5[%swap3A_3018, %swap3A_3019] {strides = array<i32>} : memref<200x512xi32, #tpu.memory_space<vmem>>, vector<16xi32>,
      tpu.vector_store %arg5[%swap3A_3018, %swap3A_3019], %broadcast_in_dim3A_4 {strides = array<i32>} : memref<200x512xi32, #tpu.memory_space<vmem>>, vector<16xi32>,
      %swap3A_3021 = arith.index_cast %scan3A_2934 : i32 to index
      %swap3A_3022 = arith.constant 464 : index
      %swap3A_3023 = tpu.vector_load %arg5[%swap3A_3021, %swap3A_3022] {strides = array<i32>} : memref<200x512xi32, #tpu.memory_space<vmem>>, vector<16xi32>,
      tpu.vector_store %arg5[%swap3A_3021, %swap3A_3022], %broadcast_in_dim3A_4 {strides = array<i32>} : memref<200x512xi32, #tpu.memory_space<vmem>>, vector<16xi32>,
      %swap3A_3024 = arith.index_cast %scan3A_2934 : i32 to index
      %swap3A_3025 = arith.constant 480 : index
      %swap3A_3026 = tpu.vector_load %arg5[%swap3A_3024, %swap3A_3025] {strides = array<i32>} : memref<200x512xi32, #tpu.memory_space<vmem>>, vector<16xi32>,
      tpu.vector_store %arg5[%swap3A_3024, %swap3A_3025], %broadcast_in_dim3A_4 {strides = array<i32>} : memref<200x512xi32, #tpu.memory_space<vmem>>, vector<16xi32>,
      %swap3A_3027 = arith.index_cast %scan3A_2934 : i32 to index
      %swap3A_3028 = arith.constant 496 : index
      %swap3A_3029 = tpu.vector_load %arg5[%swap3A_3027, %swap3A_3028] {strides = array<i32>} : memref<200x512xi32, #tpu.memory_space<vmem>>, vector<16xi32>,
      tpu.vector_store %arg5[%swap3A_3027, %swap3A_3028], %broadcast_in_dim3A_4 {strides = array<i32>} : memref<200x512xi32, #tpu.memory_space<vmem>>, vector<16xi32>,
    }
    %scan3A_503 = arith.constant 104 : i32
    %get3A_504 = arith.constant 0 : index
    %get3A_505 = tpu.vector_load %arg4[%get3A_504] {strides = array<i32>} : memref<512xi32, #tpu.memory_space<vmem>>, vector<16xi32>,
    %add3A_506 = arith.constant 0 : i32
    %add3A_507 = vector.broadcast %add3A_506 : i32 to vector<16xi32>
    %add3A_508 = arith.addi %add3A_507, %iota3A : vector<16xi32>
    %ge3A_509 = arith.constant 96 : i32
    %ge3A_510 = vector.broadcast %ge3A_509 : i32 to vector<16xi32>
    %ge3A_511 = arith.cmpi sge, %get3A_505, %ge3A_510 : vector<16xi32>
    %lt3A_512 = arith.constant 200 : i32
    %lt3A_513 = vector.broadcast %lt3A_512 : i32 to vector<16xi32>
    %lt3A_514 = arith.cmpi slt, %get3A_505, %lt3A_513 : vector<16xi32>
    %and3A_515 = arith.andi %ge3A_511, %lt3A_514 : vector<16xi1>
    %sub3A_516 = arith.constant 0 : i32
    %sub3A_517 = vector.broadcast %sub3A_516 : i32 to vector<16xi32>
    %sub3A_518 = arith.subi %get3A_505, %sub3A_517 : vector<16xi32>
    tpu.vector_store_idx %arg5[%sub3A_518, %add3A_508], %broadcast_in_dim3A_6 masked %and3A_515 : memref<200x512xi32, #tpu.memory_space<vmem>>[vector<16xi32>, vector<16xi32>], vector<16xi32>, vector<16xi1>
    %get3A_519 = arith.constant 16 : index
    %get3A_520 = tpu.vector_load %arg4[%get3A_519] {strides = array<i32>} : memref<512xi32, #tpu.memory_space<vmem>>, vector<16xi32>,
    %add3A_521 = arith.constant 16 : i32
    %add3A_522 = vector.broadcast %add3A_521 : i32 to vector<16xi32>
    %add3A_523 = arith.addi %add3A_522, %iota3A : vector<16xi32>
    %ge3A_524 = arith.constant 96 : i32
    %ge3A_525 = vector.broadcast %ge3A_524 : i32 to vector<16xi32>
    %ge3A_526 = arith.cmpi sge, %get3A_520, %ge3A_525 : vector<16xi32>
    %lt3A_527 = arith.constant 200 : i32
    %lt3A_528 = vector.broadcast %lt3A_527 : i32 to vector<16xi32>
    %lt3A_529 = arith.cmpi slt, %get3A_520, %lt3A_528 : vector<16xi32>
    %and3A_530 = arith.andi %ge3A_526, %lt3A_529 : vector<16xi1>
    %sub3A_531 = arith.constant 0 : i32
    %sub3A_532 = vector.broadcast %sub3A_531 : i32 to vector<16xi32>
    %sub3A_533 = arith.subi %get3A_520, %sub3A_532 : vector<16xi32>
    tpu.vector_store_idx %arg5[%sub3A_533, %add3A_523], %broadcast_in_dim3A_6 masked %and3A_530 : memref<200x512xi32, #tpu.memory_space<vmem>>[vector<16xi32>, vector<16xi32>], vector<16xi32>, vector<16xi1>
    %get3A_534 = arith.constant 32 : index
    %get3A_535 = tpu.vector_load %arg4[%get3A_534] {strides = array<i32>} : memref<512xi32, #tpu.memory_space<vmem>>, vector<16xi32>,
    %add3A_536 = arith.constant 32 : i32
    %add3A_537 = vector.broadcast %add3A_536 : i32 to vector<16xi32>
    %add3A_538 = arith.addi %add3A_537, %iota3A : vector<16xi32>
    %ge3A_539 = arith.constant 96 : i32
    %ge3A_540 = vector.broadcast %ge3A_539 : i32 to vector<16xi32>
    %ge3A_541 = arith.cmpi sge, %get3A_535, %ge3A_540 : vector<16xi32>
    %lt3A_542 = arith.constant 200 : i32
    %lt3A_543 = vector.broadcast %lt3A_542 : i32 to vector<16xi32>
    %lt3A_544 = arith.cmpi slt, %get3A_535, %lt3A_543 : vector<16xi32>
    %and3A_545 = arith.andi %ge3A_541, %lt3A_544 : vector<16xi1>
    %sub3A_546 = arith.constant 0 : i32
    %sub3A_547 = vector.broadcast %sub3A_546 : i32 to vector<16xi32>
    %sub3A_548 = arith.subi %get3A_535, %sub3A_547 : vector<16xi32>
    tpu.vector_store_idx %arg5[%sub3A_548, %add3A_538], %broadcast_in_dim3A_6 masked %and3A_545 : memref<200x512xi32, #tpu.memory_space<vmem>>[vector<16xi32>, vector<16xi32>], vector<16xi32>, vector<16xi1>
    %get3A_549 = arith.constant 48 : index
    %get3A_550 = tpu.vector_load %arg4[%get3A_549] {strides = array<i32>} : memref<512xi32, #tpu.memory_space<vmem>>, vector<16xi32>,
    %add3A_551 = arith.constant 48 : i32
    %add3A_552 = vector.broadcast %add3A_551 : i32 to vector<16xi32>
    %add3A_553 = arith.addi %add3A_552, %iota3A : vector<16xi32>
    %ge3A_554 = arith.constant 96 : i32
    %ge3A_555 = vector.broadcast %ge3A_554 : i32 to vector<16xi32>
    %ge3A_556 = arith.cmpi sge, %get3A_550, %ge3A_555 : vector<16xi32>
    %lt3A_557 = arith.constant 200 : i32
    %lt3A_558 = vector.broadcast %lt3A_557 : i32 to vector<16xi32>
    %lt3A_559 = arith.cmpi slt, %get3A_550, %lt3A_558 : vector<16xi32>
    %and3A_560 = arith.andi %ge3A_556, %lt3A_559 : vector<16xi1>
    %sub3A_561 = arith.constant 0 : i32
    %sub3A_562 = vector.broadcast %sub3A_561 : i32 to vector<16xi32>
    %sub3A_563 = arith.subi %get3A_550, %sub3A_562 : vector<16xi32>
    tpu.vector_store_idx %arg5[%sub3A_563, %add3A_553], %broadcast_in_dim3A_6 masked %and3A_560 : memref<200x512xi32, #tpu.memory_space<vmem>>[vector<16xi32>, vector<16xi32>], vector<16xi32>, vector<16xi1>
    %get3A_564 = arith.constant 64 : index
    %get3A_565 = tpu.vector_load %arg4[%get3A_564] {strides = array<i32>} : memref<512xi32, #tpu.memory_space<vmem>>, vector<16xi32>,
    %add3A_566 = arith.constant 64 : i32
    %add3A_567 = vector.broadcast %add3A_566 : i32 to vector<16xi32>
    %add3A_568 = arith.addi %add3A_567, %iota3A : vector<16xi32>
    %ge3A_569 = arith.constant 96 : i32
    %ge3A_570 = vector.broadcast %ge3A_569 : i32 to vector<16xi32>
    %ge3A_571 = arith.cmpi sge, %get3A_565, %ge3A_570 : vector<16xi32>
    %lt3A_572 = arith.constant 200 : i32
    %lt3A_573 = vector.broadcast %lt3A_572 : i32 to vector<16xi32>
    %lt3A_574 = arith.cmpi slt, %get3A_565, %lt3A_573 : vector<16xi32>
    %and3A_575 = arith.andi %ge3A_571, %lt3A_574 : vector<16xi1>
    %sub3A_576 = arith.constant 0 : i32
    %sub3A_577 = vector.broadcast %sub3A_576 : i32 to vector<16xi32>
    %sub3A_578 = arith.subi %get3A_565, %sub3A_577 : vector<16xi32>
    tpu.vector_store_idx %arg5[%sub3A_578, %add3A_568], %broadcast_in_dim3A_6 masked %and3A_575 : memref<200x512xi32, #tpu.memory_space<vmem>>[vector<16xi32>, vector<16xi32>], vector<16xi32>, vector<16xi1>
    %get3A_579 = arith.constant 80 : index
    %get3A_580 = tpu.vector_load %arg4[%get3A_579] {strides = array<i32>} : memref<512xi32, #tpu.memory_space<vmem>>, vector<16xi32>,
    %add3A_581 = arith.constant 80 : i32
    %add3A_582 = vector.broadcast %add3A_581 : i32 to vector<16xi32>
    %add3A_583 = arith.addi %add3A_582, %iota3A : vector<16xi32>
    %ge3A_584 = arith.constant 96 : i32
    %ge3A_585 = vector.broadcast %ge3A_584 : i32 to vector<16xi32>
    %ge3A_586 = arith.cmpi sge, %get3A_580, %ge3A_585 : vector<16xi32>
    %lt3A_587 = arith.constant 200 : i32
    %lt3A_588 = vector.broadcast %lt3A_587 : i32 to vector<16xi32>
    %lt3A_589 = arith.cmpi slt, %get3A_580, %lt3A_588 : vector<16xi32>
    %and3A_590 = arith.andi %ge3A_586, %lt3A_589 : vector<16xi1>
    %sub3A_591 = arith.constant 0 : i32
    %sub3A_592 = vector.broadcast %sub3A_591 : i32 to vector<16xi32>
    %sub3A_593 = arith.subi %get3A_580, %sub3A_592 : vector<16xi32>
    tpu.vector_store_idx %arg5[%sub3A_593, %add3A_583], %broadcast_in_dim3A_6 masked %and3A_590 : memref<200x512xi32, #tpu.memory_space<vmem>>[vector<16xi32>, vector<16xi32>], vector<16xi32>, vector<16xi1>
    %get3A_594 = arith.constant 96 : index
    %get3A_595 = tpu.vector_load %arg4[%get3A_594] {strides = array<i32>} : memref<512xi32, #tpu.memory_space<vmem>>, vector<16xi32>,
    %add3A_596 = arith.constant 96 : i32
    %add3A_597 = vector.broadcast %add3A_596 : i32 to vector<16xi32>
    %add3A_598 = arith.addi %add3A_597, %iota3A : vector<16xi32>
    %ge3A_599 = arith.constant 96 : i32
    %ge3A_600 = vector.broadcast %ge3A_599 : i32 to vector<16xi32>
    %ge3A_601 = arith.cmpi sge, %get3A_595, %ge3A_600 : vector<16xi32>
    %lt3A_602 = arith.constant 200 : i32
    %lt3A_603 = vector.broadcast %lt3A_602 : i32 to vector<16xi32>
    %lt3A_604 = arith.cmpi slt, %get3A_595, %lt3A_603 : vector<16xi32>
    %and3A_605 = arith.andi %ge3A_601, %lt3A_604 : vector<16xi1>
    %sub3A_606 = arith.constant 0 : i32
    %sub3A_607 = vector.broadcast %sub3A_606 : i32 to vector<16xi32>
    %sub3A_608 = arith.subi %get3A_595, %sub3A_607 : vector<16xi32>
    tpu.vector_store_idx %arg5[%sub3A_608, %add3A_598], %broadcast_in_dim3A_6 masked %and3A_605 : memref<200x512xi32, #tpu.memory_space<vmem>>[vector<16xi32>, vector<16xi32>], vector<16xi32>, vector<16xi1>
    %get3A_609 = arith.constant 112 : index
    %get3A_610 = tpu.vector_load %arg4[%get3A_609] {strides = array<i32>} : memref<512xi32, #tpu.memory_space<vmem>>, vector<16xi32>,
    %add3A_611 = arith.constant 112 : i32
    %add3A_612 = vector.broadcast %add3A_611 : i32 to vector<16xi32>
    %add3A_613 = arith.addi %add3A_612, %iota3A : vector<16xi32>
    %ge3A_614 = arith.constant 96 : i32
    %ge3A_615 = vector.broadcast %ge3A_614 : i32 to vector<16xi32>
    %ge3A_616 = arith.cmpi sge, %get3A_610, %ge3A_615 : vector<16xi32>
    %lt3A_617 = arith.constant 200 : i32
    %lt3A_618 = vector.broadcast %lt3A_617 : i32 to vector<16xi32>
    %lt3A_619 = arith.cmpi slt, %get3A_610, %lt3A_618 : vector<16xi32>
    %and3A_620 = arith.andi %ge3A_616, %lt3A_619 : vector<16xi1>
    %sub3A_621 = arith.constant 0 : i32
    %sub3A_622 = vector.broadcast %sub3A_621 : i32 to vector<16xi32>
    %sub3A_623 = arith.subi %get3A_610, %sub3A_622 : vector<16xi32>
    tpu.vector_store_idx %arg5[%sub3A_623, %add3A_613], %broadcast_in_dim3A_6 masked %and3A_620 : memref<200x512xi32, #tpu.memory_space<vmem>>[vector<16xi32>, vector<16xi32>], vector<16xi32>, vector<16xi1>
    %get3A_624 = arith.constant 128 : index
    %get3A_625 = tpu.vector_load %arg4[%get3A_624] {strides = array<i32>} : memref<512xi32, #tpu.memory_space<vmem>>, vector<16xi32>,
    %add3A_626 = arith.constant 128 : i32
    %add3A_627 = vector.broadcast %add3A_626 : i32 to vector<16xi32>
    %add3A_628 = arith.addi %add3A_627, %iota3A : vector<16xi32>
    %ge3A_629 = arith.constant 96 : i32
    %ge3A_630 = vector.broadcast %ge3A_629 : i32 to vector<16xi32>
    %ge3A_631 = arith.cmpi sge, %get3A_625, %ge3A_630 : vector<16xi32>
    %lt3A_632 = arith.constant 200 : i32
    %lt3A_633 = vector.broadcast %lt3A_632 : i32 to vector<16xi32>
    %lt3A_634 = arith.cmpi slt, %get3A_625, %lt3A_633 : vector<16xi32>
    %and3A_635 = arith.andi %ge3A_631, %lt3A_634 : vector<16xi1>
    %sub3A_636 = arith.constant 0 : i32
    %sub3A_637 = vector.broadcast %sub3A_636 : i32 to vector<16xi32>
    %sub3A_638 = arith.subi %get3A_625, %sub3A_637 : vector<16xi32>
    tpu.vector_store_idx %arg5[%sub3A_638, %add3A_628], %broadcast_in_dim3A_6 masked %and3A_635 : memref<200x512xi32, #tpu.memory_space<vmem>>[vector<16xi32>, vector<16xi32>], vector<16xi32>, vector<16xi1>
    %get3A_639 = arith.constant 144 : index
    %get3A_640 = tpu.vector_load %arg4[%get3A_639] {strides = array<i32>} : memref<512xi32, #tpu.memory_space<vmem>>, vector<16xi32>,
    %add3A_641 = arith.constant 144 : i32
    %add3A_642 = vector.broadcast %add3A_641 : i32 to vector<16xi32>
    %add3A_643 = arith.addi %add3A_642, %iota3A : vector<16xi32>
    %ge3A_644 = arith.constant 96 : i32
    %ge3A_645 = vector.broadcast %ge3A_644 : i32 to vector<16xi32>
    %ge3A_646 = arith.cmpi sge, %get3A_640, %ge3A_645 : vector<16xi32>
    %lt3A_647 = arith.constant 200 : i32
    %lt3A_648 = vector.broadcast %lt3A_647 : i32 to vector<16xi32>
    %lt3A_649 = arith.cmpi slt, %get3A_640, %lt3A_648 : vector<16xi32>
    %and3A_650 = arith.andi %ge3A_646, %lt3A_649 : vector<16xi1>
    %sub3A_651 = arith.constant 0 : i32
    %sub3A_652 = vector.broadcast %sub3A_651 : i32 to vector<16xi32>
    %sub3A_653 = arith.subi %get3A_640, %sub3A_652 : vector<16xi32>
    tpu.vector_store_idx %arg5[%sub3A_653, %add3A_643], %broadcast_in_dim3A_6 masked %and3A_650 : memref<200x512xi32, #tpu.memory_space<vmem>>[vector<16xi32>, vector<16xi32>], vector<16xi32>, vector<16xi1>
    %get3A_654 = arith.constant 160 : index
    %get3A_655 = tpu.vector_load %arg4[%get3A_654] {strides = array<i32>} : memref<512xi32, #tpu.memory_space<vmem>>, vector<16xi32>,
    %add3A_656 = arith.constant 160 : i32
    %add3A_657 = vector.broadcast %add3A_656 : i32 to vector<16xi32>
    %add3A_658 = arith.addi %add3A_657, %iota3A : vector<16xi32>
    %ge3A_659 = arith.constant 96 : i32
    %ge3A_660 = vector.broadcast %ge3A_659 : i32 to vector<16xi32>
    %ge3A_661 = arith.cmpi sge, %get3A_655, %ge3A_660 : vector<16xi32>
    %lt3A_662 = arith.constant 200 : i32
    %lt3A_663 = vector.broadcast %lt3A_662 : i32 to vector<16xi32>
    %lt3A_664 = arith.cmpi slt, %get3A_655, %lt3A_663 : vector<16xi32>
    %and3A_665 = arith.andi %ge3A_661, %lt3A_664 : vector<16xi1>
    %sub3A_666 = arith.constant 0 : i32
    %sub3A_667 = vector.broadcast %sub3A_666 : i32 to vector<16xi32>
    %sub3A_668 = arith.subi %get3A_655, %sub3A_667 : vector<16xi32>
    tpu.vector_store_idx %arg5[%sub3A_668, %add3A_658], %broadcast_in_dim3A_6 masked %and3A_665 : memref<200x512xi32, #tpu.memory_space<vmem>>[vector<16xi32>, vector<16xi32>], vector<16xi32>, vector<16xi1>
    %get3A_669 = arith.constant 176 : index
    %get3A_670 = tpu.vector_load %arg4[%get3A_669] {strides = array<i32>} : memref<512xi32, #tpu.memory_space<vmem>>, vector<16xi32>,
    %add3A_671 = arith.constant 176 : i32
    %add3A_672 = vector.broadcast %add3A_671 : i32 to vector<16xi32>
    %add3A_673 = arith.addi %add3A_672, %iota3A : vector<16xi32>
    %ge3A_674 = arith.constant 96 : i32
    %ge3A_675 = vector.broadcast %ge3A_674 : i32 to vector<16xi32>
    %ge3A_676 = arith.cmpi sge, %get3A_670, %ge3A_675 : vector<16xi32>
    %lt3A_677 = arith.constant 200 : i32
    %lt3A_678 = vector.broadcast %lt3A_677 : i32 to vector<16xi32>
    %lt3A_679 = arith.cmpi slt, %get3A_670, %lt3A_678 : vector<16xi32>
    %and3A_680 = arith.andi %ge3A_676, %lt3A_679 : vector<16xi1>
    %sub3A_681 = arith.constant 0 : i32
    %sub3A_682 = vector.broadcast %sub3A_681 : i32 to vector<16xi32>
    %sub3A_683 = arith.subi %get3A_670, %sub3A_682 : vector<16xi32>
    tpu.vector_store_idx %arg5[%sub3A_683, %add3A_673], %broadcast_in_dim3A_6 masked %and3A_680 : memref<200x512xi32, #tpu.memory_space<vmem>>[vector<16xi32>, vector<16xi32>], vector<16xi32>, vector<16xi1>
    %get3A_684 = arith.constant 192 : index
    %get3A_685 = tpu.vector_load %arg4[%get3A_684] {strides = array<i32>} : memref<512xi32, #tpu.memory_space<vmem>>, vector<16xi32>,
    %add3A_686 = arith.constant 192 : i32
    %add3A_687 = vector.broadcast %add3A_686 : i32 to vector<16xi32>
    %add3A_688 = arith.addi %add3A_687, %iota3A : vector<16xi32>
    %ge3A_689 = arith.constant 96 : i32
    %ge3A_690 = vector.broadcast %ge3A_689 : i32 to vector<16xi32>
    %ge3A_691 = arith.cmpi sge, %get3A_685, %ge3A_690 : vector<16xi32>
    %lt3A_692 = arith.constant 200 : i32
    %lt3A_693 = vector.broadcast %lt3A_692 : i32 to vector<16xi32>
    %lt3A_694 = arith.cmpi slt, %get3A_685, %lt3A_693 : vector<16xi32>
    %and3A_695 = arith.andi %ge3A_691, %lt3A_694 : vector<16xi1>
    %sub3A_696 = arith.constant 0 : i32
    %sub3A_697 = vector.broadcast %sub3A_696 : i32 to vector<16xi32>
    %sub3A_698 = arith.subi %get3A_685, %sub3A_697 : vector<16xi32>
    tpu.vector_store_idx %arg5[%sub3A_698, %add3A_688], %broadcast_in_dim3A_6 masked %and3A_695 : memref<200x512xi32, #tpu.memory_space<vmem>>[vector<16xi32>, vector<16xi32>], vector<16xi32>, vector<16xi1>
    %get3A_699 = arith.constant 208 : index
    %get3A_700 = tpu.vector_load %arg4[%get3A_699] {strides = array<i32>} : memref<512xi32, #tpu.memory_space<vmem>>, vector<16xi32>,
    %add3A_701 = arith.constant 208 : i32
    %add3A_702 = vector.broadcast %add3A_701 : i32 to vector<16xi32>
    %add3A_703 = arith.addi %add3A_702, %iota3A : vector<16xi32>
    %ge3A_704 = arith.constant 96 : i32
    %ge3A_705 = vector.broadcast %ge3A_704 : i32 to vector<16xi32>
    %ge3A_706 = arith.cmpi sge, %get3A_700, %ge3A_705 : vector<16xi32>
    %lt3A_707 = arith.constant 200 : i32
    %lt3A_708 = vector.broadcast %lt3A_707 : i32 to vector<16xi32>
    %lt3A_709 = arith.cmpi slt, %get3A_700, %lt3A_708 : vector<16xi32>
    %and3A_710 = arith.andi %ge3A_706, %lt3A_709 : vector<16xi1>
    %sub3A_711 = arith.constant 0 : i32
    %sub3A_712 = vector.broadcast %sub3A_711 : i32 to vector<16xi32>
    %sub3A_713 = arith.subi %get3A_700, %sub3A_712 : vector<16xi32>
    tpu.vector_store_idx %arg5[%sub3A_713, %add3A_703], %broadcast_in_dim3A_6 masked %and3A_710 : memref<200x512xi32, #tpu.memory_space<vmem>>[vector<16xi32>, vector<16xi32>], vector<16xi32>, vector<16xi1>
    %get3A_714 = arith.constant 224 : index
    %get3A_715 = tpu.vector_load %arg4[%get3A_714] {strides = array<i32>} : memref<512xi32, #tpu.memory_space<vmem>>, vector<16xi32>,
    %add3A_716 = arith.constant 224 : i32
    %add3A_717 = vector.broadcast %add3A_716 : i32 to vector<16xi32>
    %add3A_718 = arith.addi %add3A_717, %iota3A : vector<16xi32>
    %ge3A_719 = arith.constant 96 : i32
    %ge3A_720 = vector.broadcast %ge3A_719 : i32 to vector<16xi32>
    %ge3A_721 = arith.cmpi sge, %get3A_715, %ge3A_720 : vector<16xi32>
    %lt3A_722 = arith.constant 200 : i32
    %lt3A_723 = vector.broadcast %lt3A_722 : i32 to vector<16xi32>
    %lt3A_724 = arith.cmpi slt, %get3A_715, %lt3A_723 : vector<16xi32>
    %and3A_725 = arith.andi %ge3A_721, %lt3A_724 : vector<16xi1>
    %sub3A_726 = arith.constant 0 : i32
    %sub3A_727 = vector.broadcast %sub3A_726 : i32 to vector<16xi32>
    %sub3A_728 = arith.subi %get3A_715, %sub3A_727 : vector<16xi32>
    tpu.vector_store_idx %arg5[%sub3A_728, %add3A_718], %broadcast_in_dim3A_6 masked %and3A_725 : memref<200x512xi32, #tpu.memory_space<vmem>>[vector<16xi32>, vector<16xi32>], vector<16xi32>, vector<16xi1>
    %get3A_729 = arith.constant 240 : index
    %get3A_730 = tpu.vector_load %arg4[%get3A_729] {strides = array<i32>} : memref<512xi32, #tpu.memory_space<vmem>>, vector<16xi32>,
    %add3A_731 = arith.constant 240 : i32
    %add3A_732 = vector.broadcast %add3A_731 : i32 to vector<16xi32>
    %add3A_733 = arith.addi %add3A_732, %iota3A : vector<16xi32>
    %ge3A_734 = arith.constant 96 : i32
    %ge3A_735 = vector.broadcast %ge3A_734 : i32 to vector<16xi32>
    %ge3A_736 = arith.cmpi sge, %get3A_730, %ge3A_735 : vector<16xi32>
    %lt3A_737 = arith.constant 200 : i32
    %lt3A_738 = vector.broadcast %lt3A_737 : i32 to vector<16xi32>
    %lt3A_739 = arith.cmpi slt, %get3A_730, %lt3A_738 : vector<16xi32>
    %and3A_740 = arith.andi %ge3A_736, %lt3A_739 : vector<16xi1>
    %sub3A_741 = arith.constant 0 : i32
    %sub3A_742 = vector.broadcast %sub3A_741 : i32 to vector<16xi32>
    %sub3A_743 = arith.subi %get3A_730, %sub3A_742 : vector<16xi32>
    tpu.vector_store_idx %arg5[%sub3A_743, %add3A_733], %broadcast_in_dim3A_6 masked %and3A_740 : memref<200x512xi32, #tpu.memory_space<vmem>>[vector<16xi32>, vector<16xi32>], vector<16xi32>, vector<16xi1>
    %get3A_744 = arith.constant 256 : index
    %get3A_745 = tpu.vector_load %arg4[%get3A_744] {strides = array<i32>} : memref<512xi32, #tpu.memory_space<vmem>>, vector<16xi32>,
    %add3A_746 = arith.constant 256 : i32
    %add3A_747 = vector.broadcast %add3A_746 : i32 to vector<16xi32>
    %add3A_748 = arith.addi %add3A_747, %iota3A : vector<16xi32>
    %ge3A_749 = arith.constant 96 : i32
    %ge3A_750 = vector.broadcast %ge3A_749 : i32 to vector<16xi32>
    %ge3A_751 = arith.cmpi sge, %get3A_745, %ge3A_750 : vector<16xi32>
    %lt3A_752 = arith.constant 200 : i32
    %lt3A_753 = vector.broadcast %lt3A_752 : i32 to vector<16xi32>
    %lt3A_754 = arith.cmpi slt, %get3A_745, %lt3A_753 : vector<16xi32>
    %and3A_755 = arith.andi %ge3A_751, %lt3A_754 : vector<16xi1>
    %sub3A_756 = arith.constant 0 : i32
    %sub3A_757 = vector.broadcast %sub3A_756 : i32 to vector<16xi32>
    %sub3A_758 = arith.subi %get3A_745, %sub3A_757 : vector<16xi32>
    tpu.vector_store_idx %arg5[%sub3A_758, %add3A_748], %broadcast_in_dim3A_6 masked %and3A_755 : memref<200x512xi32, #tpu.memory_space<vmem>>[vector<16xi32>, vector<16xi32>], vector<16xi32>, vector<16xi1>
    %get3A_759 = arith.constant 272 : index
    %get3A_760 = tpu.vector_load %arg4[%get3A_759] {strides = array<i32>} : memref<512xi32, #tpu.memory_space<vmem>>, vector<16xi32>,
    %add3A_761 = arith.constant 272 : i32
    %add3A_762 = vector.broadcast %add3A_761 : i32 to vector<16xi32>
    %add3A_763 = arith.addi %add3A_762, %iota3A : vector<16xi32>
    %ge3A_764 = arith.constant 96 : i32
    %ge3A_765 = vector.broadcast %ge3A_764 : i32 to vector<16xi32>
    %ge3A_766 = arith.cmpi sge, %get3A_760, %ge3A_765 : vector<16xi32>
    %lt3A_767 = arith.constant 200 : i32
    %lt3A_768 = vector.broadcast %lt3A_767 : i32 to vector<16xi32>
    %lt3A_769 = arith.cmpi slt, %get3A_760, %lt3A_768 : vector<16xi32>
    %and3A_770 = arith.andi %ge3A_766, %lt3A_769 : vector<16xi1>
    %sub3A_771 = arith.constant 0 : i32
    %sub3A_772 = vector.broadcast %sub3A_771 : i32 to vector<16xi32>
    %sub3A_773 = arith.subi %get3A_760, %sub3A_772 : vector<16xi32>
    tpu.vector_store_idx %arg5[%sub3A_773, %add3A_763], %broadcast_in_dim3A_6 masked %and3A_770 : memref<200x512xi32, #tpu.memory_space<vmem>>[vector<16xi32>, vector<16xi32>], vector<16xi32>, vector<16xi1>
    %get3A_774 = arith.constant 288 : index
    %get3A_775 = tpu.vector_load %arg4[%get3A_774] {strides = array<i32>} : memref<512xi32, #tpu.memory_space<vmem>>, vector<16xi32>,
    %add3A_776 = arith.constant 288 : i32
    %add3A_777 = vector.broadcast %add3A_776 : i32 to vector<16xi32>
    %add3A_778 = arith.addi %add3A_777, %iota3A : vector<16xi32>
    %ge3A_779 = arith.constant 96 : i32
    %ge3A_780 = vector.broadcast %ge3A_779 : i32 to vector<16xi32>
    %ge3A_781 = arith.cmpi sge, %get3A_775, %ge3A_780 : vector<16xi32>
    %lt3A_782 = arith.constant 200 : i32
    %lt3A_783 = vector.broadcast %lt3A_782 : i32 to vector<16xi32>
    %lt3A_784 = arith.cmpi slt, %get3A_775, %lt3A_783 : vector<16xi32>
    %and3A_785 = arith.andi %ge3A_781, %lt3A_784 : vector<16xi1>
    %sub3A_786 = arith.constant 0 : i32
    %sub3A_787 = vector.broadcast %sub3A_786 : i32 to vector<16xi32>
    %sub3A_788 = arith.subi %get3A_775, %sub3A_787 : vector<16xi32>
    tpu.vector_store_idx %arg5[%sub3A_788, %add3A_778], %broadcast_in_dim3A_6 masked %and3A_785 : memref<200x512xi32, #tpu.memory_space<vmem>>[vector<16xi32>, vector<16xi32>], vector<16xi32>, vector<16xi1>
    %get3A_789 = arith.constant 304 : index
    %get3A_790 = tpu.vector_load %arg4[%get3A_789] {strides = array<i32>} : memref<512xi32, #tpu.memory_space<vmem>>, vector<16xi32>,
    %add3A_791 = arith.constant 304 : i32
    %add3A_792 = vector.broadcast %add3A_791 : i32 to vector<16xi32>
    %add3A_793 = arith.addi %add3A_792, %iota3A : vector<16xi32>
    %ge3A_794 = arith.constant 96 : i32
    %ge3A_795 = vector.broadcast %ge3A_794 : i32 to vector<16xi32>
    %ge3A_796 = arith.cmpi sge, %get3A_790, %ge3A_795 : vector<16xi32>
    %lt3A_797 = arith.constant 200 : i32
    %lt3A_798 = vector.broadcast %lt3A_797 : i32 to vector<16xi32>
    %lt3A_799 = arith.cmpi slt, %get3A_790, %lt3A_798 : vector<16xi32>
    %and3A_800 = arith.andi %ge3A_796, %lt3A_799 : vector<16xi1>
    %sub3A_801 = arith.constant 0 : i32
    %sub3A_802 = vector.broadcast %sub3A_801 : i32 to vector<16xi32>
    %sub3A_803 = arith.subi %get3A_790, %sub3A_802 : vector<16xi32>
    tpu.vector_store_idx %arg5[%sub3A_803, %add3A_793], %broadcast_in_dim3A_6 masked %and3A_800 : memref<200x512xi32, #tpu.memory_space<vmem>>[vector<16xi32>, vector<16xi32>], vector<16xi32>, vector<16xi1>
    %get3A_804 = arith.constant 320 : index
    %get3A_805 = tpu.vector_load %arg4[%get3A_804] {strides = array<i32>} : memref<512xi32, #tpu.memory_space<vmem>>, vector<16xi32>,
    %add3A_806 = arith.constant 320 : i32
    %add3A_807 = vector.broadcast %add3A_806 : i32 to vector<16xi32>
    %add3A_808 = arith.addi %add3A_807, %iota3A : vector<16xi32>
    %ge3A_809 = arith.constant 96 : i32
    %ge3A_810 = vector.broadcast %ge3A_809 : i32 to vector<16xi32>
    %ge3A_811 = arith.cmpi sge, %get3A_805, %ge3A_810 : vector<16xi32>
    %lt3A_812 = arith.constant 200 : i32
    %lt3A_813 = vector.broadcast %lt3A_812 : i32 to vector<16xi32>
    %lt3A_814 = arith.cmpi slt, %get3A_805, %lt3A_813 : vector<16xi32>
    %and3A_815 = arith.andi %ge3A_811, %lt3A_814 : vector<16xi1>
    %sub3A_816 = arith.constant 0 : i32
    %sub3A_817 = vector.broadcast %sub3A_816 : i32 to vector<16xi32>
    %sub3A_818 = arith.subi %get3A_805, %sub3A_817 : vector<16xi32>
    tpu.vector_store_idx %arg5[%sub3A_818, %add3A_808], %broadcast_in_dim3A_6 masked %and3A_815 : memref<200x512xi32, #tpu.memory_space<vmem>>[vector<16xi32>, vector<16xi32>], vector<16xi32>, vector<16xi1>
    %get3A_819 = arith.constant 336 : index
    %get3A_820 = tpu.vector_load %arg4[%get3A_819] {strides = array<i32>} : memref<512xi32, #tpu.memory_space<vmem>>, vector<16xi32>,
    %add3A_821 = arith.constant 336 : i32
    %add3A_822 = vector.broadcast %add3A_821 : i32 to vector<16xi32>
    %add3A_823 = arith.addi %add3A_822, %iota3A : vector<16xi32>
    %ge3A_824 = arith.constant 96 : i32
    %ge3A_825 = vector.broadcast %ge3A_824 : i32 to vector<16xi32>
    %ge3A_826 = arith.cmpi sge, %get3A_820, %ge3A_825 : vector<16xi32>
    %lt3A_827 = arith.constant 200 : i32
    %lt3A_828 = vector.broadcast %lt3A_827 : i32 to vector<16xi32>
    %lt3A_829 = arith.cmpi slt, %get3A_820, %lt3A_828 : vector<16xi32>
    %and3A_830 = arith.andi %ge3A_826, %lt3A_829 : vector<16xi1>
    %sub3A_831 = arith.constant 0 : i32
    %sub3A_832 = vector.broadcast %sub3A_831 : i32 to vector<16xi32>
    %sub3A_833 = arith.subi %get3A_820, %sub3A_832 : vector<16xi32>
    tpu.vector_store_idx %arg5[%sub3A_833, %add3A_823], %broadcast_in_dim3A_6 masked %and3A_830 : memref<200x512xi32, #tpu.memory_space<vmem>>[vector<16xi32>, vector<16xi32>], vector<16xi32>, vector<16xi1>
    %get3A_834 = arith.constant 352 : index
    %get3A_835 = tpu.vector_load %arg4[%get3A_834] {strides = array<i32>} : memref<512xi32, #tpu.memory_space<vmem>>, vector<16xi32>,
    %add3A_836 = arith.constant 352 : i32
    %add3A_837 = vector.broadcast %add3A_836 : i32 to vector<16xi32>
    %add3A_838 = arith.addi %add3A_837, %iota3A : vector<16xi32>
    %ge3A_839 = arith.constant 96 : i32
    %ge3A_840 = vector.broadcast %ge3A_839 : i32 to vector<16xi32>
    %ge3A_841 = arith.cmpi sge, %get3A_835, %ge3A_840 : vector<16xi32>
    %lt3A_842 = arith.constant 200 : i32
    %lt3A_843 = vector.broadcast %lt3A_842 : i32 to vector<16xi32>
    %lt3A_844 = arith.cmpi slt, %get3A_835, %lt3A_843 : vector<16xi32>
    %and3A_845 = arith.andi %ge3A_841, %lt3A_844 : vector<16xi1>
    %sub3A_846 = arith.constant 0 : i32
    %sub3A_847 = vector.broadcast %sub3A_846 : i32 to vector<16xi32>
    %sub3A_848 = arith.subi %get3A_835, %sub3A_847 : vector<16xi32>
    tpu.vector_store_idx %arg5[%sub3A_848, %add3A_838], %broadcast_in_dim3A_6 masked %and3A_845 : memref<200x512xi32, #tpu.memory_space<vmem>>[vector<16xi32>, vector<16xi32>], vector<16xi32>, vector<16xi1>
    %get3A_849 = arith.constant 368 : index
    %get3A_850 = tpu.vector_load %arg4[%get3A_849] {strides = array<i32>} : memref<512xi32, #tpu.memory_space<vmem>>, vector<16xi32>,
    %add3A_851 = arith.constant 368 : i32
    %add3A_852 = vector.broadcast %add3A_851 : i32 to vector<16xi32>
    %add3A_853 = arith.addi %add3A_852, %iota3A : vector<16xi32>
    %ge3A_854 = arith.constant 96 : i32
    %ge3A_855 = vector.broadcast %ge3A_854 : i32 to vector<16xi32>
    %ge3A_856 = arith.cmpi sge, %get3A_850, %ge3A_855 : vector<16xi32>
    %lt3A_857 = arith.constant 200 : i32
    %lt3A_858 = vector.broadcast %lt3A_857 : i32 to vector<16xi32>
    %lt3A_859 = arith.cmpi slt, %get3A_850, %lt3A_858 : vector<16xi32>
    %and3A_860 = arith.andi %ge3A_856, %lt3A_859 : vector<16xi1>
    %sub3A_861 = arith.constant 0 : i32
    %sub3A_862 = vector.broadcast %sub3A_861 : i32 to vector<16xi32>
    %sub3A_863 = arith.subi %get3A_850, %sub3A_862 : vector<16xi32>
    tpu.vector_store_idx %arg5[%sub3A_863, %add3A_853], %broadcast_in_dim3A_6 masked %and3A_860 : memref<200x512xi32, #tpu.memory_space<vmem>>[vector<16xi32>, vector<16xi32>], vector<16xi32>, vector<16xi1>
    %get3A_864 = arith.constant 384 : index
    %get3A_865 = tpu.vector_load %arg4[%get3A_864] {strides = array<i32>} : memref<512xi32, #tpu.memory_space<vmem>>, vector<16xi32>,
    %add3A_866 = arith.constant 384 : i32
    %add3A_867 = vector.broadcast %add3A_866 : i32 to vector<16xi32>
    %add3A_868 = arith.addi %add3A_867, %iota3A : vector<16xi32>
    %ge3A_869 = arith.constant 96 : i32
    %ge3A_870 = vector.broadcast %ge3A_869 : i32 to vector<16xi32>
    %ge3A_871 = arith.cmpi sge, %get3A_865, %ge3A_870 : vector<16xi32>
    %lt3A_872 = arith.constant 200 : i32
    %lt3A_873 = vector.broadcast %lt3A_872 : i32 to vector<16xi32>
    %lt3A_874 = arith.cmpi slt, %get3A_865, %lt3A_873 : vector<16xi32>
    %and3A_875 = arith.andi %ge3A_871, %lt3A_874 : vector<16xi1>
    %sub3A_876 = arith.constant 0 : i32
    %sub3A_877 = vector.broadcast %sub3A_876 : i32 to vector<16xi32>
    %sub3A_878 = arith.subi %get3A_865, %sub3A_877 : vector<16xi32>
    tpu.vector_store_idx %arg5[%sub3A_878, %add3A_868], %broadcast_in_dim3A_6 masked %and3A_875 : memref<200x512xi32, #tpu.memory_space<vmem>>[vector<16xi32>, vector<16xi32>], vector<16xi32>, vector<16xi1>
    %get3A_879 = arith.constant 400 : index
    %get3A_880 = tpu.vector_load %arg4[%get3A_879] {strides = array<i32>} : memref<512xi32, #tpu.memory_space<vmem>>, vector<16xi32>,
    %add3A_881 = arith.constant 400 : i32
    %add3A_882 = vector.broadcast %add3A_881 : i32 to vector<16xi32>
    %add3A_883 = arith.addi %add3A_882, %iota3A : vector<16xi32>
    %ge3A_884 = arith.constant 96 : i32
    %ge3A_885 = vector.broadcast %ge3A_884 : i32 to vector<16xi32>
    %ge3A_886 = arith.cmpi sge, %get3A_880, %ge3A_885 : vector<16xi32>
    %lt3A_887 = arith.constant 200 : i32
    %lt3A_888 = vector.broadcast %lt3A_887 : i32 to vector<16xi32>
    %lt3A_889 = arith.cmpi slt, %get3A_880, %lt3A_888 : vector<16xi32>
    %and3A_890 = arith.andi %ge3A_886, %lt3A_889 : vector<16xi1>
    %sub3A_891 = arith.constant 0 : i32
    %sub3A_892 = vector.broadcast %sub3A_891 : i32 to vector<16xi32>
    %sub3A_893 = arith.subi %get3A_880, %sub3A_892 : vector<16xi32>
    tpu.vector_store_idx %arg5[%sub3A_893, %add3A_883], %broadcast_in_dim3A_6 masked %and3A_890 : memref<200x512xi32, #tpu.memory_space<vmem>>[vector<16xi32>, vector<16xi32>], vector<16xi32>, vector<16xi1>
    %get3A_894 = arith.constant 416 : index
    %get3A_895 = tpu.vector_load %arg4[%get3A_894] {strides = array<i32>} : memref<512xi32, #tpu.memory_space<vmem>>, vector<16xi32>,
    %add3A_896 = arith.constant 416 : i32
    %add3A_897 = vector.broadcast %add3A_896 : i32 to vector<16xi32>
    %add3A_898 = arith.addi %add3A_897, %iota3A : vector<16xi32>
    %ge3A_899 = arith.constant 96 : i32
    %ge3A_900 = vector.broadcast %ge3A_899 : i32 to vector<16xi32>
    %ge3A_901 = arith.cmpi sge, %get3A_895, %ge3A_900 : vector<16xi32>
    %lt3A_902 = arith.constant 200 : i32
    %lt3A_903 = vector.broadcast %lt3A_902 : i32 to vector<16xi32>
    %lt3A_904 = arith.cmpi slt, %get3A_895, %lt3A_903 : vector<16xi32>
    %and3A_905 = arith.andi %ge3A_901, %lt3A_904 : vector<16xi1>
    %sub3A_906 = arith.constant 0 : i32
    %sub3A_907 = vector.broadcast %sub3A_906 : i32 to vector<16xi32>
    %sub3A_908 = arith.subi %get3A_895, %sub3A_907 : vector<16xi32>
    tpu.vector_store_idx %arg5[%sub3A_908, %add3A_898], %broadcast_in_dim3A_6 masked %and3A_905 : memref<200x512xi32, #tpu.memory_space<vmem>>[vector<16xi32>, vector<16xi32>], vector<16xi32>, vector<16xi1>
    %get3A_909 = arith.constant 432 : index
    %get3A_910 = tpu.vector_load %arg4[%get3A_909] {strides = array<i32>} : memref<512xi32, #tpu.memory_space<vmem>>, vector<16xi32>,
    %add3A_911 = arith.constant 432 : i32
    %add3A_912 = vector.broadcast %add3A_911 : i32 to vector<16xi32>
    %add3A_913 = arith.addi %add3A_912, %iota3A : vector<16xi32>
    %ge3A_914 = arith.constant 96 : i32
    %ge3A_915 = vector.broadcast %ge3A_914 : i32 to vector<16xi32>
    %ge3A_916 = arith.cmpi sge, %get3A_910, %ge3A_915 : vector<16xi32>
    %lt3A_917 = arith.constant 200 : i32
    %lt3A_918 = vector.broadcast %lt3A_917 : i32 to vector<16xi32>
    %lt3A_919 = arith.cmpi slt, %get3A_910, %lt3A_918 : vector<16xi32>
    %and3A_920 = arith.andi %ge3A_916, %lt3A_919 : vector<16xi1>
    %sub3A_921 = arith.constant 0 : i32
    %sub3A_922 = vector.broadcast %sub3A_921 : i32 to vector<16xi32>
    %sub3A_923 = arith.subi %get3A_910, %sub3A_922 : vector<16xi32>
    tpu.vector_store_idx %arg5[%sub3A_923, %add3A_913], %broadcast_in_dim3A_6 masked %and3A_920 : memref<200x512xi32, #tpu.memory_space<vmem>>[vector<16xi32>, vector<16xi32>], vector<16xi32>, vector<16xi1>
    %get3A_924 = arith.constant 448 : index
    %get3A_925 = tpu.vector_load %arg4[%get3A_924] {strides = array<i32>} : memref<512xi32, #tpu.memory_space<vmem>>, vector<16xi32>,
    %add3A_926 = arith.constant 448 : i32
    %add3A_927 = vector.broadcast %add3A_926 : i32 to vector<16xi32>
    %add3A_928 = arith.addi %add3A_927, %iota3A : vector<16xi32>
    %ge3A_929 = arith.constant 96 : i32
    %ge3A_930 = vector.broadcast %ge3A_929 : i32 to vector<16xi32>
    %ge3A_931 = arith.cmpi sge, %get3A_925, %ge3A_930 : vector<16xi32>
    %lt3A_932 = arith.constant 200 : i32
    %lt3A_933 = vector.broadcast %lt3A_932 : i32 to vector<16xi32>
    %lt3A_934 = arith.cmpi slt, %get3A_925, %lt3A_933 : vector<16xi32>
    %and3A_935 = arith.andi %ge3A_931, %lt3A_934 : vector<16xi1>
    %sub3A_936 = arith.constant 0 : i32
    %sub3A_937 = vector.broadcast %sub3A_936 : i32 to vector<16xi32>
    %sub3A_938 = arith.subi %get3A_925, %sub3A_937 : vector<16xi32>
    tpu.vector_store_idx %arg5[%sub3A_938, %add3A_928], %broadcast_in_dim3A_6 masked %and3A_935 : memref<200x512xi32, #tpu.memory_space<vmem>>[vector<16xi32>, vector<16xi32>], vector<16xi32>, vector<16xi1>
    %get3A_939 = arith.constant 464 : index
    %get3A_940 = tpu.vector_load %arg4[%get3A_939] {strides = array<i32>} : memref<512xi32, #tpu.memory_space<vmem>>, vector<16xi32>,
    %add3A_941 = arith.constant 464 : i32
    %add3A_942 = vector.broadcast %add3A_941 : i32 to vector<16xi32>
    %add3A_943 = arith.addi %add3A_942, %iota3A : vector<16xi32>
    %ge3A_944 = arith.constant 96 : i32
    %ge3A_945 = vector.broadcast %ge3A_944 : i32 to vector<16xi32>
    %ge3A_946 = arith.cmpi sge, %get3A_940, %ge3A_945 : vector<16xi32>
    %lt3A_947 = arith.constant 200 : i32
    %lt3A_948 = vector.broadcast %lt3A_947 : i32 to vector<16xi32>
    %lt3A_949 = arith.cmpi slt, %get3A_940, %lt3A_948 : vector<16xi32>
    %and3A_950 = arith.andi %ge3A_946, %lt3A_949 : vector<16xi1>
    %sub3A_951 = arith.constant 0 : i32
    %sub3A_952 = vector.broadcast %sub3A_951 : i32 to vector<16xi32>
    %sub3A_953 = arith.subi %get3A_940, %sub3A_952 : vector<16xi32>
    tpu.vector_store_idx %arg5[%sub3A_953, %add3A_943], %broadcast_in_dim3A_6 masked %and3A_950 : memref<200x512xi32, #tpu.memory_space<vmem>>[vector<16xi32>, vector<16xi32>], vector<16xi32>, vector<16xi1>
    %get3A_954 = arith.constant 480 : index
    %get3A_955 = tpu.vector_load %arg4[%get3A_954] {strides = array<i32>} : memref<512xi32, #tpu.memory_space<vmem>>, vector<16xi32>,
    %add3A_956 = arith.constant 480 : i32
    %add3A_957 = vector.broadcast %add3A_956 : i32 to vector<16xi32>
    %add3A_958 = arith.addi %add3A_957, %iota3A : vector<16xi32>
    %ge3A_959 = arith.constant 96 : i32
    %ge3A_960 = vector.broadcast %ge3A_959 : i32 to vector<16xi32>
    %ge3A_961 = arith.cmpi sge, %get3A_955, %ge3A_960 : vector<16xi32>
    %lt3A_962 = arith.constant 200 : i32
    %lt3A_963 = vector.broadcast %lt3A_962 : i32 to vector<16xi32>
    %lt3A_964 = arith.cmpi slt, %get3A_955, %lt3A_963 : vector<16xi32>
    %and3A_965 = arith.andi %ge3A_961, %lt3A_964 : vector<16xi1>
    %sub3A_966 = arith.constant 0 : i32
    %sub3A_967 = vector.broadcast %sub3A_966 : i32 to vector<16xi32>
    %sub3A_968 = arith.subi %get3A_955, %sub3A_967 : vector<16xi32>
    tpu.vector_store_idx %arg5[%sub3A_968, %add3A_958], %broadcast_in_dim3A_6 masked %and3A_965 : memref<200x512xi32, #tpu.memory_space<vmem>>[vector<16xi32>, vector<16xi32>], vector<16xi32>, vector<16xi1>
    %get3A_969 = arith.constant 496 : index
    %get3A_970 = tpu.vector_load %arg4[%get3A_969] {strides = array<i32>} : memref<512xi32, #tpu.memory_space<vmem>>, vector<16xi32>,
    %add3A_971 = arith.constant 496 : i32
    %add3A_972 = vector.broadcast %add3A_971 : i32 to vector<16xi32>
    %add3A_973 = arith.addi %add3A_972, %iota3A : vector<16xi32>
    %ge3A_974 = arith.constant 96 : i32
    %ge3A_975 = vector.broadcast %ge3A_974 : i32 to vector<16xi32>
    %ge3A_976 = arith.cmpi sge, %get3A_970, %ge3A_975 : vector<16xi32>
    %lt3A_977 = arith.constant 200 : i32
    %lt3A_978 = vector.broadcast %lt3A_977 : i32 to vector<16xi32>
    %lt3A_979 = arith.cmpi slt, %get3A_970, %lt3A_978 : vector<16xi32>
    %and3A_980 = arith.andi %ge3A_976, %lt3A_979 : vector<16xi1>
    %sub3A_981 = arith.constant 0 : i32
    %sub3A_982 = vector.broadcast %sub3A_981 : i32 to vector<16xi32>
    %sub3A_983 = arith.subi %get3A_970, %sub3A_982 : vector<16xi32>
    tpu.vector_store_idx %arg5[%sub3A_983, %add3A_973], %broadcast_in_dim3A_6 masked %and3A_980 : memref<200x512xi32, #tpu.memory_space<vmem>>[vector<16xi32>, vector<16xi32>], vector<16xi32>, vector<16xi1>
    %dma_start3A_984 = arith.constant 96 : i32
    %dma_start3A_985 = arith.constant 0 : i32
    %dma_start3A_986 = tpu.memref_slice %arg5[%dma_start3A_984, %dma_start3A_985] : memref<200x512xi32, #tpu.memory_space<vmem>> -> memref<104x512xi32, #tpu.memory_space<vmem>>
    %dma_start3A_987 = arith.constant 96 : i32
    %dma_start3A_988 = tpu.memref_slice %arg3[%dma_start3A_987, %mul3A_2] : memref<1000x16384xi32, #tpu.memory_space<hbm>> -> memref<104x512xi32, #tpu.memory_space<hbm>>
    %dma_start3A_989 = arith.constant 96 : i32
    %dma_start3A_990 = tpu.memref_slice %arg3[%dma_start3A_989, %mul3A_2] : memref<1000x16384xi32, #tpu.memory_space<hbm>> -> memref<104x512xi32, #tpu.memory_space<hbm>>
    %dma_start3A_991 = arith.constant 96 : i32
    %dma_start3A_992 = arith.constant 0 : i32
    %dma_start3A_993 = tpu.memref_slice %arg5[%dma_start3A_991, %dma_start3A_992] : memref<200x512xi32, #tpu.memory_space<vmem>> -> memref<104x512xi32, #tpu.memory_space<vmem>>
    tpu.enqueue_dma source(%dma_start3A_993 : memref<104x512xi32, #tpu.memory_space<vmem>>) target(%dma_start3A_990 : memref<104x512xi32, #tpu.memory_space<hbm>>) target_semaphore(%arg6 : memref<!tpu.dma_semaphore, #tpu.memory_space<semaphore_mem>>)
    %dma_wait3A_994 = arith.constant 0 : i32
    %dma_wait3A_995 = arith.constant 0 : i32
    %dma_wait3A_996 = tpu.memref_slice %arg5[%dma_wait3A_994, %dma_wait3A_995] : memref<200x512xi32, #tpu.memory_space<vmem>> -> memref<96x512xi32, #tpu.memory_space<vmem>>
    %dma_wait3A_997 = arith.constant 0 : i32
    %dma_wait3A_998 = tpu.memref_slice %arg3[%dma_wait3A_997, %mul3A_2] : memref<1000x16384xi32, #tpu.memory_space<hbm>> -> memref<96x512xi32, #tpu.memory_space<hbm>>
    %dma_wait3A_999 = arith.constant 0 : i32
    %dma_wait3A_1000 = tpu.memref_slice %arg3[%dma_wait3A_999, %mul3A_2] : memref<1000x16384xi32, #tpu.memory_space<hbm>> -> memref<96x512xi32, #tpu.memory_space<hbm>>
    %dma_wait3A_1001 = arith.constant 0 : i32
    %dma_wait3A_1002 = arith.constant 0 : i32
    %dma_wait3A_1003 = tpu.memref_slice %arg5[%dma_wait3A_1001, %dma_wait3A_1002] : memref<200x512xi32, #tpu.memory_space<vmem>> -> memref<96x512xi32, #tpu.memory_space<vmem>>
    tpu.wait_dma2 semaphore(%arg6 : memref<!tpu.dma_semaphore, #tpu.memory_space<semaphore_mem>>) src(%dma_wait3A_1003 : memref<96x512xi32, #tpu.memory_space<vmem>>) dst(%dma_wait3A_1000 : memref<96x512xi32, #tpu.memory_space<hbm>>)
    %dma_wait3A_1004 = arith.constant 96 : i32
    %dma_wait3A_1005 = arith.constant 0 : i32
    %dma_wait3A_1006 = tpu.memref_slice %arg5[%dma_wait3A_1004, %dma_wait3A_1005] : memref<200x512xi32, #tpu.memory_space<vmem>> -> memref<104x512xi32, #tpu.memory_space<vmem>>
    %dma_wait3A_1007 = arith.constant 96 : i32
    %dma_wait3A_1008 = tpu.memref_slice %arg3[%dma_wait3A_1007, %mul3A_2] : memref<1000x16384xi32, #tpu.memory_space<hbm>> -> memref<104x512xi32, #tpu.memory_space<hbm>>
    %dma_wait3A_1009 = arith.constant 96 : i32
    %dma_wait3A_1010 = tpu.memref_slice %arg3[%dma_wait3A_1009, %mul3A_2] : memref<1000x16384xi32, #tpu.memory_space<hbm>> -> memref<104x512xi32, #tpu.memory_space<hbm>>
    %dma_wait3A_1011 = arith.constant 96 : i32
    %dma_wait3A_1012 = arith.constant 0 : i32
    %dma_wait3A_1013 = tpu.memref_slice %arg5[%dma_wait3A_1011, %dma_wait3A_1012] : memref<200x512xi32, #tpu.memory_space<vmem>> -> memref<104x512xi32, #tpu.memory_space<vmem>>
    tpu.wait_dma2 semaphore(%arg6 : memref<!tpu.dma_semaphore, #tpu.memory_space<semaphore_mem>>) src(%dma_wait3A_1013 : memref<104x512xi32, #tpu.memory_space<vmem>>) dst(%dma_wait3A_1010 : memref<104x512xi32, #tpu.memory_space<hbm>>)
    tpu.vector_store_idx %arg5[%get3A_13, %add3A_16], %broadcast_in_dim3A_4 masked %and3A : memref<200x512xi32, #tpu.memory_space<vmem>>[vector<16xi32>, vector<16xi32>], vector<16xi32>, vector<16xi1>
    tpu.vector_store_idx %arg5[%get3A_24, %add3A_27], %broadcast_in_dim3A_4 masked %and3A_34 : memref<200x512xi32, #tpu.memory_space<vmem>>[vector<16xi32>, vector<16xi32>], vector<16xi32>, vector<16xi1>
    tpu.vector_store_idx %arg5[%get3A_39, %add3A_42], %broadcast_in_dim3A_4 masked %and3A_49 : memref<200x512xi32, #tpu.memory_space<vmem>>[vector<16xi32>, vector<16xi32>], vector<16xi32>, vector<16xi1>
    tpu.vector_store_idx %arg5[%get3A_54, %add3A_57], %broadcast_in_dim3A_4 masked %and3A_64 : memref<200x512xi32, #tpu.memory_space<vmem>>[vector<16xi32>, vector<16xi32>], vector<16xi32>, vector<16xi1>
    tpu.vector_store_idx %arg5[%get3A_69, %add3A_72], %broadcast_in_dim3A_4 masked %and3A_79 : memref<200x512xi32, #tpu.memory_space<vmem>>[vector<16xi32>, vector<16xi32>], vector<16xi32>, vector<16xi1>
    tpu.vector_store_idx %arg5[%get3A_84, %add3A_87], %broadcast_in_dim3A_4 masked %and3A_94 : memref<200x512xi32, #tpu.memory_space<vmem>>[vector<16xi32>, vector<16xi32>], vector<16xi32>, vector<16xi1>
    tpu.vector_store_idx %arg5[%get3A_99, %add3A_102], %broadcast_in_dim3A_4 masked %and3A_109 : memref<200x512xi32, #tpu.memory_space<vmem>>[vector<16xi32>, vector<16xi32>], vector<16xi32>, vector<16xi1>
    tpu.vector_store_idx %arg5[%get3A_114, %add3A_117], %broadcast_in_dim3A_4 masked %and3A_124 : memref<200x512xi32, #tpu.memory_space<vmem>>[vector<16xi32>, vector<16xi32>], vector<16xi32>, vector<16xi1>
    tpu.vector_store_idx %arg5[%get3A_129, %add3A_132], %broadcast_in_dim3A_4 masked %and3A_139 : memref<200x512xi32, #tpu.memory_space<vmem>>[vector<16xi32>, vector<16xi32>], vector<16xi32>, vector<16xi1>
    tpu.vector_store_idx %arg5[%get3A_144, %add3A_147], %broadcast_in_dim3A_4 masked %and3A_154 : memref<200x512xi32, #tpu.memory_space<vmem>>[vector<16xi32>, vector<16xi32>], vector<16xi32>, vector<16xi1>
    tpu.vector_store_idx %arg5[%get3A_159, %add3A_162], %broadcast_in_dim3A_4 masked %and3A_169 : memref<200x512xi32, #tpu.memory_space<vmem>>[vector<16xi32>, vector<16xi32>], vector<16xi32>, vector<16xi1>
    tpu.vector_store_idx %arg5[%get3A_174, %add3A_177], %broadcast_in_dim3A_4 masked %and3A_184 : memref<200x512xi32, #tpu.memory_space<vmem>>[vector<16xi32>, vector<16xi32>], vector<16xi32>, vector<16xi1>
    tpu.vector_store_idx %arg5[%get3A_189, %add3A_192], %broadcast_in_dim3A_4 masked %and3A_199 : memref<200x512xi32, #tpu.memory_space<vmem>>[vector<16xi32>, vector<16xi32>], vector<16xi32>, vector<16xi1>
    tpu.vector_store_idx %arg5[%get3A_204, %add3A_207], %broadcast_in_dim3A_4 masked %and3A_214 : memref<200x512xi32, #tpu.memory_space<vmem>>[vector<16xi32>, vector<16xi32>], vector<16xi32>, vector<16xi1>
    tpu.vector_store_idx %arg5[%get3A_219, %add3A_222], %broadcast_in_dim3A_4 masked %and3A_229 : memref<200x512xi32, #tpu.memory_space<vmem>>[vector<16xi32>, vector<16xi32>], vector<16xi32>, vector<16xi1>
    tpu.vector_store_idx %arg5[%get3A_234, %add3A_237], %broadcast_in_dim3A_4 masked %and3A_244 : memref<200x512xi32, #tpu.memory_space<vmem>>[vector<16xi32>, vector<16xi32>], vector<16xi32>, vector<16xi1>
    tpu.vector_store_idx %arg5[%get3A_249, %add3A_252], %broadcast_in_dim3A_4 masked %and3A_259 : memref<200x512xi32, #tpu.memory_space<vmem>>[vector<16xi32>, vector<16xi32>], vector<16xi32>, vector<16xi1>
    tpu.vector_store_idx %arg5[%get3A_264, %add3A_267], %broadcast_in_dim3A_4 masked %and3A_274 : memref<200x512xi32, #tpu.memory_space<vmem>>[vector<16xi32>, vector<16xi32>], vector<16xi32>, vector<16xi1>
    tpu.vector_store_idx %arg5[%get3A_279, %add3A_282], %broadcast_in_dim3A_4 masked %and3A_289 : memref<200x512xi32, #tpu.memory_space<vmem>>[vector<16xi32>, vector<16xi32>], vector<16xi32>, vector<16xi1>
    tpu.vector_store_idx %arg5[%get3A_294, %add3A_297], %broadcast_in_dim3A_4 masked %and3A_304 : memref<200x512xi32, #tpu.memory_space<vmem>>[vector<16xi32>, vector<16xi32>], vector<16xi32>, vector<16xi1>
    tpu.vector_store_idx %arg5[%get3A_309, %add3A_312], %broadcast_in_dim3A_4 masked %and3A_319 : memref<200x512xi32, #tpu.memory_space<vmem>>[vector<16xi32>, vector<16xi32>], vector<16xi32>, vector<16xi1>
    tpu.vector_store_idx %arg5[%get3A_324, %add3A_327], %broadcast_in_dim3A_4 masked %and3A_334 : memref<200x512xi32, #tpu.memory_space<vmem>>[vector<16xi32>, vector<16xi32>], vector<16xi32>, vector<16xi1>
    tpu.vector_store_idx %arg5[%get3A_339, %add3A_342], %broadcast_in_dim3A_4 masked %and3A_349 : memref<200x512xi32, #tpu.memory_space<vmem>>[vector<16xi32>, vector<16xi32>], vector<16xi32>, vector<16xi1>
    tpu.vector_store_idx %arg5[%get3A_354, %add3A_357], %broadcast_in_dim3A_4 masked %and3A_364 : memref<200x512xi32, #tpu.memory_space<vmem>>[vector<16xi32>, vector<16xi32>], vector<16xi32>, vector<16xi1>
    tpu.vector_store_idx %arg5[%get3A_369, %add3A_372], %broadcast_in_dim3A_4 masked %and3A_379 : memref<200x512xi32, #tpu.memory_space<vmem>>[vector<16xi32>, vector<16xi32>], vector<16xi32>, vector<16xi1>
    tpu.vector_store_idx %arg5[%get3A_384, %add3A_387], %broadcast_in_dim3A_4 masked %and3A_394 : memref<200x512xi32, #tpu.memory_space<vmem>>[vector<16xi32>, vector<16xi32>], vector<16xi32>, vector<16xi1>
    tpu.vector_store_idx %arg5[%get3A_399, %add3A_402], %broadcast_in_dim3A_4 masked %and3A_409 : memref<200x512xi32, #tpu.memory_space<vmem>>[vector<16xi32>, vector<16xi32>], vector<16xi32>, vector<16xi1>
    tpu.vector_store_idx %arg5[%get3A_414, %add3A_417], %broadcast_in_dim3A_4 masked %and3A_424 : memref<200x512xi32, #tpu.memory_space<vmem>>[vector<16xi32>, vector<16xi32>], vector<16xi32>, vector<16xi1>
    tpu.vector_store_idx %arg5[%get3A_429, %add3A_432], %broadcast_in_dim3A_4 masked %and3A_439 : memref<200x512xi32, #tpu.memory_space<vmem>>[vector<16xi32>, vector<16xi32>], vector<16xi32>, vector<16xi1>
    tpu.vector_store_idx %arg5[%get3A_444, %add3A_447], %broadcast_in_dim3A_4 masked %and3A_454 : memref<200x512xi32, #tpu.memory_space<vmem>>[vector<16xi32>, vector<16xi32>], vector<16xi32>, vector<16xi1>
    tpu.vector_store_idx %arg5[%get3A_459, %add3A_462], %broadcast_in_dim3A_4 masked %and3A_469 : memref<200x512xi32, #tpu.memory_space<vmem>>[vector<16xi32>, vector<16xi32>], vector<16xi32>, vector<16xi1>
    tpu.vector_store_idx %arg5[%get3A_474, %add3A_477], %broadcast_in_dim3A_4 masked %and3A_484 : memref<200x512xi32, #tpu.memory_space<vmem>>[vector<16xi32>, vector<16xi32>], vector<16xi32>, vector<16xi1>
    tpu.vector_store_idx %arg5[%get3A_505, %add3A_508], %broadcast_in_dim3A_4 masked %and3A_515 : memref<200x512xi32, #tpu.memory_space<vmem>>[vector<16xi32>, vector<16xi32>], vector<16xi32>, vector<16xi1>
    tpu.vector_store_idx %arg5[%get3A_520, %add3A_523], %broadcast_in_dim3A_4 masked %and3A_530 : memref<200x512xi32, #tpu.memory_space<vmem>>[vector<16xi32>, vector<16xi32>], vector<16xi32>, vector<16xi1>
    tpu.vector_store_idx %arg5[%get3A_535, %add3A_538], %broadcast_in_dim3A_4 masked %and3A_545 : memref<200x512xi32, #tpu.memory_space<vmem>>[vector<16xi32>, vector<16xi32>], vector<16xi32>, vector<16xi1>
    tpu.vector_store_idx %arg5[%get3A_550, %add3A_553], %broadcast_in_dim3A_4 masked %and3A_560 : memref<200x512xi32, #tpu.memory_space<vmem>>[vector<16xi32>, vector<16xi32>], vector<16xi32>, vector<16xi1>
    tpu.vector_store_idx %arg5[%get3A_565, %add3A_568], %broadcast_in_dim3A_4 masked %and3A_575 : memref<200x512xi32, #tpu.memory_space<vmem>>[vector<16xi32>, vector<16xi32>], vector<16xi32>, vector<16xi1>
    tpu.vector_store_idx %arg5[%get3A_580, %add3A_583], %broadcast_in_dim3A_4 masked %and3A_590 : memref<200x512xi32, #tpu.memory_space<vmem>>[vector<16xi32>, vector<16xi32>], vector<16xi32>, vector<16xi1>
    tpu.vector_store_idx %arg5[%get3A_595, %add3A_598], %broadcast_in_dim3A_4 masked %and3A_605 : memref<200x512xi32, #tpu.memory_space<vmem>>[vector<16xi32>, vector<16xi32>], vector<16xi32>, vector<16xi1>
    tpu.vector_store_idx %arg5[%get3A_610, %add3A_613], %broadcast_in_dim3A_4 masked %and3A_620 : memref<200x512xi32, #tpu.memory_space<vmem>>[vector<16xi32>, vector<16xi32>], vector<16xi32>, vector<16xi1>
    tpu.vector_store_idx %arg5[%get3A_625, %add3A_628], %broadcast_in_dim3A_4 masked %and3A_635 : memref<200x512xi32, #tpu.memory_space<vmem>>[vector<16xi32>, vector<16xi32>], vector<16xi32>, vector<16xi1>
    tpu.vector_store_idx %arg5[%get3A_640, %add3A_643], %broadcast_in_dim3A_4 masked %and3A_650 : memref<200x512xi32, #tpu.memory_space<vmem>>[vector<16xi32>, vector<16xi32>], vector<16xi32>, vector<16xi1>
    tpu.vector_store_idx %arg5[%get3A_655, %add3A_658], %broadcast_in_dim3A_4 masked %and3A_665 : memref<200x512xi32, #tpu.memory_space<vmem>>[vector<16xi32>, vector<16xi32>], vector<16xi32>, vector<16xi1>
    tpu.vector_store_idx %arg5[%get3A_670, %add3A_673], %broadcast_in_dim3A_4 masked %and3A_680 : memref<200x512xi32, #tpu.memory_space<vmem>>[vector<16xi32>, vector<16xi32>], vector<16xi32>, vector<16xi1>
    tpu.vector_store_idx %arg5[%get3A_685, %add3A_688], %broadcast_in_dim3A_4 masked %and3A_695 : memref<200x512xi32, #tpu.memory_space<vmem>>[vector<16xi32>, vector<16xi32>], vector<16xi32>, vector<16xi1>
    tpu.vector_store_idx %arg5[%get3A_700, %add3A_703], %broadcast_in_dim3A_4 masked %and3A_710 : memref<200x512xi32, #tpu.memory_space<vmem>>[vector<16xi32>, vector<16xi32>], vector<16xi32>, vector<16xi1>
    tpu.vector_store_idx %arg5[%get3A_715, %add3A_718], %broadcast_in_dim3A_4 masked %and3A_725 : memref<200x512xi32, #tpu.memory_space<vmem>>[vector<16xi32>, vector<16xi32>], vector<16xi32>, vector<16xi1>
    tpu.vector_store_idx %arg5[%get3A_730, %add3A_733], %broadcast_in_dim3A_4 masked %and3A_740 : memref<200x512xi32, #tpu.memory_space<vmem>>[vector<16xi32>, vector<16xi32>], vector<16xi32>, vector<16xi1>
    tpu.vector_store_idx %arg5[%get3A_745, %add3A_748], %broadcast_in_dim3A_4 masked %and3A_755 : memref<200x512xi32, #tpu.memory_space<vmem>>[vector<16xi32>, vector<16xi32>], vector<16xi32>, vector<16xi1>
    tpu.vector_store_idx %arg5[%get3A_760, %add3A_763], %broadcast_in_dim3A_4 masked %and3A_770 : memref<200x512xi32, #tpu.memory_space<vmem>>[vector<16xi32>, vector<16xi32>], vector<16xi32>, vector<16xi1>
    tpu.vector_store_idx %arg5[%get3A_775, %add3A_778], %broadcast_in_dim3A_4 masked %and3A_785 : memref<200x512xi32, #tpu.memory_space<vmem>>[vector<16xi32>, vector<16xi32>], vector<16xi32>, vector<16xi1>
    tpu.vector_store_idx %arg5[%get3A_790, %add3A_793], %broadcast_in_dim3A_4 masked %and3A_800 : memref<200x512xi32, #tpu.memory_space<vmem>>[vector<16xi32>, vector<16xi32>], vector<16xi32>, vector<16xi1>
    tpu.vector_store_idx %arg5[%get3A_805, %add3A_808], %broadcast_in_dim3A_4 masked %and3A_815 : memref<200x512xi32, #tpu.memory_space<vmem>>[vector<16xi32>, vector<16xi32>], vector<16xi32>, vector<16xi1>
    tpu.vector_store_idx %arg5[%get3A_820, %add3A_823], %broadcast_in_dim3A_4 masked %and3A_830 : memref<200x512xi32, #tpu.memory_space<vmem>>[vector<16xi32>, vector<16xi32>], vector<16xi32>, vector<16xi1>
    tpu.vector_store_idx %arg5[%get3A_835, %add3A_838], %broadcast_in_dim3A_4 masked %and3A_845 : memref<200x512xi32, #tpu.memory_space<vmem>>[vector<16xi32>, vector<16xi32>], vector<16xi32>, vector<16xi1>
    tpu.vector_store_idx %arg5[%get3A_850, %add3A_853], %broadcast_in_dim3A_4 masked %and3A_860 : memref<200x512xi32, #tpu.memory_space<vmem>>[vector<16xi32>, vector<16xi32>], vector<16xi32>, vector<16xi1>
    tpu.vector_store_idx %arg5[%get3A_865, %add3A_868], %broadcast_in_dim3A_4 masked %and3A_875 : memref<200x512xi32, #tpu.memory_space<vmem>>[vector<16xi32>, vector<16xi32>], vector<16xi32>, vector<16xi1>
    tpu.vector_store_idx %arg5[%get3A_880, %add3A_883], %broadcast_in_dim3A_4 masked %and3A_890 : memref<200x512xi32, #tpu.memory_space<vmem>>[vector<16xi32>, vector<16xi32>], vector<16xi32>, vector<16xi1>
    tpu.vector_store_idx %arg5[%get3A_895, %add3A_898], %broadcast_in_dim3A_4 masked %and3A_905 : memref<200x512xi32, #tpu.memory_space<vmem>>[vector<16xi32>, vector<16xi32>], vector<16xi32>, vector<16xi1>
    tpu.vector_store_idx %arg5[%get3A_910, %add3A_913], %broadcast_in_dim3A_4 masked %and3A_920 : memref<200x512xi32, #tpu.memory_space<vmem>>[vector<16xi32>, vector<16xi32>], vector<16xi32>, vector<16xi1>
    tpu.vector_store_idx %arg5[%get3A_925, %add3A_928], %broadcast_in_dim3A_4 masked %and3A_935 : memref<200x512xi32, #tpu.memory_space<vmem>>[vector<16xi32>, vector<16xi32>], vector<16xi32>, vector<16xi1>
    tpu.vector_store_idx %arg5[%get3A_940, %add3A_943], %broadcast_in_dim3A_4 masked %and3A_950 : memref<200x512xi32, #tpu.memory_space<vmem>>[vector<16xi32>, vector<16xi32>], vector<16xi32>, vector<16xi1>
    tpu.vector_store_idx %arg5[%get3A_955, %add3A_958], %broadcast_in_dim3A_4 masked %and3A_965 : memref<200x512xi32, #tpu.memory_space<vmem>>[vector<16xi32>, vector<16xi32>], vector<16xi32>, vector<16xi1>
    tpu.vector_store_idx %arg5[%get3A_970, %add3A_973], %broadcast_in_dim3A_4 masked %and3A_980 : memref<200x512xi32, #tpu.memory_space<vmem>>[vector<16xi32>, vector<16xi32>], vector<16xi32>, vector<16xi1>
    %get3A_1014 = arith.constant 0 : index
    %get3A_1015 = tpu.vector_load %arg4[%get3A_1014] {strides = array<i32>} : memref<512xi32, #tpu.memory_space<vmem>>, vector<16xi32>,
    %sub3A_1016 = arith.constant 200 : i32
    %sub3A_1017 = vector.broadcast %sub3A_1016 : i32 to vector<16xi32>
    %sub3A_1018 = arith.subi %get3A_1015, %sub3A_1017 : vector<16xi32>
    %add3A_1019 = arith.constant 0 : i32
    %add3A_1020 = vector.broadcast %add3A_1019 : i32 to vector<16xi32>
    %add3A_1021 = arith.addi %add3A_1020, %iota3A : vector<16xi32>
    %ge3A_1022 = arith.constant 200 : i32
    %ge3A_1023 = vector.broadcast %ge3A_1022 : i32 to vector<16xi32>
    %ge3A_1024 = arith.cmpi sge, %get3A_1015, %ge3A_1023 : vector<16xi32>
    %lt3A_1025 = arith.constant 400 : i32
    %lt3A_1026 = vector.broadcast %lt3A_1025 : i32 to vector<16xi32>
    %lt3A_1027 = arith.cmpi slt, %get3A_1015, %lt3A_1026 : vector<16xi32>
    %and3A_1028 = arith.andi %ge3A_1024, %lt3A_1027 : vector<16xi1>
    tpu.vector_store_idx %arg5[%sub3A_1018, %add3A_1021], %broadcast_in_dim3A_6 masked %and3A_1028 : memref<200x512xi32, #tpu.memory_space<vmem>>[vector<16xi32>, vector<16xi32>], vector<16xi32>, vector<16xi1>
    %get3A_1029 = arith.constant 16 : index
    %get3A_1030 = tpu.vector_load %arg4[%get3A_1029] {strides = array<i32>} : memref<512xi32, #tpu.memory_space<vmem>>, vector<16xi32>,
    %sub3A_1031 = arith.constant 200 : i32
    %sub3A_1032 = vector.broadcast %sub3A_1031 : i32 to vector<16xi32>
    %sub3A_1033 = arith.subi %get3A_1030, %sub3A_1032 : vector<16xi32>
    %add3A_1034 = arith.constant 16 : i32
    %add3A_1035 = vector.broadcast %add3A_1034 : i32 to vector<16xi32>
    %add3A_1036 = arith.addi %add3A_1035, %iota3A : vector<16xi32>
    %ge3A_1037 = arith.constant 200 : i32
    %ge3A_1038 = vector.broadcast %ge3A_1037 : i32 to vector<16xi32>
    %ge3A_1039 = arith.cmpi sge, %get3A_1030, %ge3A_1038 : vector<16xi32>
    %lt3A_1040 = arith.constant 400 : i32
    %lt3A_1041 = vector.broadcast %lt3A_1040 : i32 to vector<16xi32>
    %lt3A_1042 = arith.cmpi slt, %get3A_1030, %lt3A_1041 : vector<16xi32>
    %and3A_1043 = arith.andi %ge3A_1039, %lt3A_1042 : vector<16xi1>
    tpu.vector_store_idx %arg5[%sub3A_1033, %add3A_1036], %broadcast_in_dim3A_6 masked %and3A_1043 : memref<200x512xi32, #tpu.memory_space<vmem>>[vector<16xi32>, vector<16xi32>], vector<16xi32>, vector<16xi1>
    %get3A_1044 = arith.constant 32 : index
    %get3A_1045 = tpu.vector_load %arg4[%get3A_1044] {strides = array<i32>} : memref<512xi32, #tpu.memory_space<vmem>>, vector<16xi32>,
    %sub3A_1046 = arith.constant 200 : i32
    %sub3A_1047 = vector.broadcast %sub3A_1046 : i32 to vector<16xi32>
    %sub3A_1048 = arith.subi %get3A_1045, %sub3A_1047 : vector<16xi32>
    %add3A_1049 = arith.constant 32 : i32
    %add3A_1050 = vector.broadcast %add3A_1049 : i32 to vector<16xi32>
    %add3A_1051 = arith.addi %add3A_1050, %iota3A : vector<16xi32>
    %ge3A_1052 = arith.constant 200 : i32
    %ge3A_1053 = vector.broadcast %ge3A_1052 : i32 to vector<16xi32>
    %ge3A_1054 = arith.cmpi sge, %get3A_1045, %ge3A_1053 : vector<16xi32>
    %lt3A_1055 = arith.constant 400 : i32
    %lt3A_1056 = vector.broadcast %lt3A_1055 : i32 to vector<16xi32>
    %lt3A_1057 = arith.cmpi slt, %get3A_1045, %lt3A_1056 : vector<16xi32>
    %and3A_1058 = arith.andi %ge3A_1054, %lt3A_1057 : vector<16xi1>
    tpu.vector_store_idx %arg5[%sub3A_1048, %add3A_1051], %broadcast_in_dim3A_6 masked %and3A_1058 : memref<200x512xi32, #tpu.memory_space<vmem>>[vector<16xi32>, vector<16xi32>], vector<16xi32>, vector<16xi1>
    %get3A_1059 = arith.constant 48 : index
    %get3A_1060 = tpu.vector_load %arg4[%get3A_1059] {strides = array<i32>} : memref<512xi32, #tpu.memory_space<vmem>>, vector<16xi32>,
    %sub3A_1061 = arith.constant 200 : i32
    %sub3A_1062 = vector.broadcast %sub3A_1061 : i32 to vector<16xi32>
    %sub3A_1063 = arith.subi %get3A_1060, %sub3A_1062 : vector<16xi32>
    %add3A_1064 = arith.constant 48 : i32
    %add3A_1065 = vector.broadcast %add3A_1064 : i32 to vector<16xi32>
    %add3A_1066 = arith.addi %add3A_1065, %iota3A : vector<16xi32>
    %ge3A_1067 = arith.constant 200 : i32
    %ge3A_1068 = vector.broadcast %ge3A_1067 : i32 to vector<16xi32>
    %ge3A_1069 = arith.cmpi sge, %get3A_1060, %ge3A_1068 : vector<16xi32>
    %lt3A_1070 = arith.constant 400 : i32
    %lt3A_1071 = vector.broadcast %lt3A_1070 : i32 to vector<16xi32>
    %lt3A_1072 = arith.cmpi slt, %get3A_1060, %lt3A_1071 : vector<16xi32>
    %and3A_1073 = arith.andi %ge3A_1069, %lt3A_1072 : vector<16xi1>
    tpu.vector_store_idx %arg5[%sub3A_1063, %add3A_1066], %broadcast_in_dim3A_6 masked %and3A_1073 : memref<200x512xi32, #tpu.memory_space<vmem>>[vector<16xi32>, vector<16xi32>], vector<16xi32>, vector<16xi1>
    %get3A_1074 = arith.constant 64 : index
    %get3A_1075 = tpu.vector_load %arg4[%get3A_1074] {strides = array<i32>} : memref<512xi32, #tpu.memory_space<vmem>>, vector<16xi32>,
    %sub3A_1076 = arith.constant 200 : i32
    %sub3A_1077 = vector.broadcast %sub3A_1076 : i32 to vector<16xi32>
    %sub3A_1078 = arith.subi %get3A_1075, %sub3A_1077 : vector<16xi32>
    %add3A_1079 = arith.constant 64 : i32
    %add3A_1080 = vector.broadcast %add3A_1079 : i32 to vector<16xi32>
    %add3A_1081 = arith.addi %add3A_1080, %iota3A : vector<16xi32>
    %ge3A_1082 = arith.constant 200 : i32
    %ge3A_1083 = vector.broadcast %ge3A_1082 : i32 to vector<16xi32>
    %ge3A_1084 = arith.cmpi sge, %get3A_1075, %ge3A_1083 : vector<16xi32>
    %lt3A_1085 = arith.constant 400 : i32
    %lt3A_1086 = vector.broadcast %lt3A_1085 : i32 to vector<16xi32>
    %lt3A_1087 = arith.cmpi slt, %get3A_1075, %lt3A_1086 : vector<16xi32>
    %and3A_1088 = arith.andi %ge3A_1084, %lt3A_1087 : vector<16xi1>
    tpu.vector_store_idx %arg5[%sub3A_1078, %add3A_1081], %broadcast_in_dim3A_6 masked %and3A_1088 : memref<200x512xi32, #tpu.memory_space<vmem>>[vector<16xi32>, vector<16xi32>], vector<16xi32>, vector<16xi1>
    %get3A_1089 = arith.constant 80 : index
    %get3A_1090 = tpu.vector_load %arg4[%get3A_1089] {strides = array<i32>} : memref<512xi32, #tpu.memory_space<vmem>>, vector<16xi32>,
    %sub3A_1091 = arith.constant 200 : i32
    %sub3A_1092 = vector.broadcast %sub3A_1091 : i32 to vector<16xi32>
    %sub3A_1093 = arith.subi %get3A_1090, %sub3A_1092 : vector<16xi32>
    %add3A_1094 = arith.constant 80 : i32
    %add3A_1095 = vector.broadcast %add3A_1094 : i32 to vector<16xi32>
    %add3A_1096 = arith.addi %add3A_1095, %iota3A : vector<16xi32>
    %ge3A_1097 = arith.constant 200 : i32
    %ge3A_1098 = vector.broadcast %ge3A_1097 : i32 to vector<16xi32>
    %ge3A_1099 = arith.cmpi sge, %get3A_1090, %ge3A_1098 : vector<16xi32>
    %lt3A_1100 = arith.constant 400 : i32
    %lt3A_1101 = vector.broadcast %lt3A_1100 : i32 to vector<16xi32>
    %lt3A_1102 = arith.cmpi slt, %get3A_1090, %lt3A_1101 : vector<16xi32>
    %and3A_1103 = arith.andi %ge3A_1099, %lt3A_1102 : vector<16xi1>
    tpu.vector_store_idx %arg5[%sub3A_1093, %add3A_1096], %broadcast_in_dim3A_6 masked %and3A_1103 : memref<200x512xi32, #tpu.memory_space<vmem>>[vector<16xi32>, vector<16xi32>], vector<16xi32>, vector<16xi1>
    %get3A_1104 = arith.constant 96 : index
    %get3A_1105 = tpu.vector_load %arg4[%get3A_1104] {strides = array<i32>} : memref<512xi32, #tpu.memory_space<vmem>>, vector<16xi32>,
    %sub3A_1106 = arith.constant 200 : i32
    %sub3A_1107 = vector.broadcast %sub3A_1106 : i32 to vector<16xi32>
    %sub3A_1108 = arith.subi %get3A_1105, %sub3A_1107 : vector<16xi32>
    %add3A_1109 = arith.constant 96 : i32
    %add3A_1110 = vector.broadcast %add3A_1109 : i32 to vector<16xi32>
    %add3A_1111 = arith.addi %add3A_1110, %iota3A : vector<16xi32>
    %ge3A_1112 = arith.constant 200 : i32
    %ge3A_1113 = vector.broadcast %ge3A_1112 : i32 to vector<16xi32>
    %ge3A_1114 = arith.cmpi sge, %get3A_1105, %ge3A_1113 : vector<16xi32>
    %lt3A_1115 = arith.constant 400 : i32
    %lt3A_1116 = vector.broadcast %lt3A_1115 : i32 to vector<16xi32>
    %lt3A_1117 = arith.cmpi slt, %get3A_1105, %lt3A_1116 : vector<16xi32>
    %and3A_1118 = arith.andi %ge3A_1114, %lt3A_1117 : vector<16xi1>
    tpu.vector_store_idx %arg5[%sub3A_1108, %add3A_1111], %broadcast_in_dim3A_6 masked %and3A_1118 : memref<200x512xi32, #tpu.memory_space<vmem>>[vector<16xi32>, vector<16xi32>], vector<16xi32>, vector<16xi1>
    %get3A_1119 = arith.constant 112 : index
    %get3A_1120 = tpu.vector_load %arg4[%get3A_1119] {strides = array<i32>} : memref<512xi32, #tpu.memory_space<vmem>>, vector<16xi32>,
    %sub3A_1121 = arith.constant 200 : i32
    %sub3A_1122 = vector.broadcast %sub3A_1121 : i32 to vector<16xi32>
    %sub3A_1123 = arith.subi %get3A_1120, %sub3A_1122 : vector<16xi32>
    %add3A_1124 = arith.constant 112 : i32
    %add3A_1125 = vector.broadcast %add3A_1124 : i32 to vector<16xi32>
    %add3A_1126 = arith.addi %add3A_1125, %iota3A : vector<16xi32>
    %ge3A_1127 = arith.constant 200 : i32
    %ge3A_1128 = vector.broadcast %ge3A_1127 : i32 to vector<16xi32>
    %ge3A_1129 = arith.cmpi sge, %get3A_1120, %ge3A_1128 : vector<16xi32>
    %lt3A_1130 = arith.constant 400 : i32
    %lt3A_1131 = vector.broadcast %lt3A_1130 : i32 to vector<16xi32>
    %lt3A_1132 = arith.cmpi slt, %get3A_1120, %lt3A_1131 : vector<16xi32>
    %and3A_1133 = arith.andi %ge3A_1129, %lt3A_1132 : vector<16xi1>
    tpu.vector_store_idx %arg5[%sub3A_1123, %add3A_1126], %broadcast_in_dim3A_6 masked %and3A_1133 : memref<200x512xi32, #tpu.memory_space<vmem>>[vector<16xi32>, vector<16xi32>], vector<16xi32>, vector<16xi1>
    %get3A_1134 = arith.constant 128 : index
    %get3A_1135 = tpu.vector_load %arg4[%get3A_1134] {strides = array<i32>} : memref<512xi32, #tpu.memory_space<vmem>>, vector<16xi32>,
    %sub3A_1136 = arith.constant 200 : i32
    %sub3A_1137 = vector.broadcast %sub3A_1136 : i32 to vector<16xi32>
    %sub3A_1138 = arith.subi %get3A_1135, %sub3A_1137 : vector<16xi32>
    %add3A_1139 = arith.constant 128 : i32
    %add3A_1140 = vector.broadcast %add3A_1139 : i32 to vector<16xi32>
    %add3A_1141 = arith.addi %add3A_1140, %iota3A : vector<16xi32>
    %ge3A_1142 = arith.constant 200 : i32
    %ge3A_1143 = vector.broadcast %ge3A_1142 : i32 to vector<16xi32>
    %ge3A_1144 = arith.cmpi sge, %get3A_1135, %ge3A_1143 : vector<16xi32>
    %lt3A_1145 = arith.constant 400 : i32
    %lt3A_1146 = vector.broadcast %lt3A_1145 : i32 to vector<16xi32>
    %lt3A_1147 = arith.cmpi slt, %get3A_1135, %lt3A_1146 : vector<16xi32>
    %and3A_1148 = arith.andi %ge3A_1144, %lt3A_1147 : vector<16xi1>
    tpu.vector_store_idx %arg5[%sub3A_1138, %add3A_1141], %broadcast_in_dim3A_6 masked %and3A_1148 : memref<200x512xi32, #tpu.memory_space<vmem>>[vector<16xi32>, vector<16xi32>], vector<16xi32>, vector<16xi1>
    %get3A_1149 = arith.constant 144 : index
    %get3A_1150 = tpu.vector_load %arg4[%get3A_1149] {strides = array<i32>} : memref<512xi32, #tpu.memory_space<vmem>>, vector<16xi32>,
    %sub3A_1151 = arith.constant 200 : i32
    %sub3A_1152 = vector.broadcast %sub3A_1151 : i32 to vector<16xi32>
    %sub3A_1153 = arith.subi %get3A_1150, %sub3A_1152 : vector<16xi32>
    %add3A_1154 = arith.constant 144 : i32
    %add3A_1155 = vector.broadcast %add3A_1154 : i32 to vector<16xi32>
    %add3A_1156 = arith.addi %add3A_1155, %iota3A : vector<16xi32>
    %ge3A_1157 = arith.constant 200 : i32
    %ge3A_1158 = vector.broadcast %ge3A_1157 : i32 to vector<16xi32>
    %ge3A_1159 = arith.cmpi sge, %get3A_1150, %ge3A_1158 : vector<16xi32>
    %lt3A_1160 = arith.constant 400 : i32
    %lt3A_1161 = vector.broadcast %lt3A_1160 : i32 to vector<16xi32>
    %lt3A_1162 = arith.cmpi slt, %get3A_1150, %lt3A_1161 : vector<16xi32>
    %and3A_1163 = arith.andi %ge3A_1159, %lt3A_1162 : vector<16xi1>
    tpu.vector_store_idx %arg5[%sub3A_1153, %add3A_1156], %broadcast_in_dim3A_6 masked %and3A_1163 : memref<200x512xi32, #tpu.memory_space<vmem>>[vector<16xi32>, vector<16xi32>], vector<16xi32>, vector<16xi1>
    %get3A_1164 = arith.constant 160 : index
    %get3A_1165 = tpu.vector_load %arg4[%get3A_1164] {strides = array<i32>} : memref<512xi32, #tpu.memory_space<vmem>>, vector<16xi32>,
    %sub3A_1166 = arith.constant 200 : i32
    %sub3A_1167 = vector.broadcast %sub3A_1166 : i32 to vector<16xi32>
    %sub3A_1168 = arith.subi %get3A_1165, %sub3A_1167 : vector<16xi32>
    %add3A_1169 = arith.constant 160 : i32
    %add3A_1170 = vector.broadcast %add3A_1169 : i32 to vector<16xi32>
    %add3A_1171 = arith.addi %add3A_1170, %iota3A : vector<16xi32>
    %ge3A_1172 = arith.constant 200 : i32
    %ge3A_1173 = vector.broadcast %ge3A_1172 : i32 to vector<16xi32>
    %ge3A_1174 = arith.cmpi sge, %get3A_1165, %ge3A_1173 : vector<16xi32>
    %lt3A_1175 = arith.constant 400 : i32
    %lt3A_1176 = vector.broadcast %lt3A_1175 : i32 to vector<16xi32>
    %lt3A_1177 = arith.cmpi slt, %get3A_1165, %lt3A_1176 : vector<16xi32>
    %and3A_1178 = arith.andi %ge3A_1174, %lt3A_1177 : vector<16xi1>
    tpu.vector_store_idx %arg5[%sub3A_1168, %add3A_1171], %broadcast_in_dim3A_6 masked %and3A_1178 : memref<200x512xi32, #tpu.memory_space<vmem>>[vector<16xi32>, vector<16xi32>], vector<16xi32>, vector<16xi1>
    %get3A_1179 = arith.constant 176 : index
    %get3A_1180 = tpu.vector_load %arg4[%get3A_1179] {strides = array<i32>} : memref<512xi32, #tpu.memory_space<vmem>>, vector<16xi32>,
    %sub3A_1181 = arith.constant 200 : i32
    %sub3A_1182 = vector.broadcast %sub3A_1181 : i32 to vector<16xi32>
    %sub3A_1183 = arith.subi %get3A_1180, %sub3A_1182 : vector<16xi32>
    %add3A_1184 = arith.constant 176 : i32
    %add3A_1185 = vector.broadcast %add3A_1184 : i32 to vector<16xi32>
    %add3A_1186 = arith.addi %add3A_1185, %iota3A : vector<16xi32>
    %ge3A_1187 = arith.constant 200 : i32
    %ge3A_1188 = vector.broadcast %ge3A_1187 : i32 to vector<16xi32>
    %ge3A_1189 = arith.cmpi sge, %get3A_1180, %ge3A_1188 : vector<16xi32>
    %lt3A_1190 = arith.constant 400 : i32
    %lt3A_1191 = vector.broadcast %lt3A_1190 : i32 to vector<16xi32>
    %lt3A_1192 = arith.cmpi slt, %get3A_1180, %lt3A_1191 : vector<16xi32>
    %and3A_1193 = arith.andi %ge3A_1189, %lt3A_1192 : vector<16xi1>
    tpu.vector_store_idx %arg5[%sub3A_1183, %add3A_1186], %broadcast_in_dim3A_6 masked %and3A_1193 : memref<200x512xi32, #tpu.memory_space<vmem>>[vector<16xi32>, vector<16xi32>], vector<16xi32>, vector<16xi1>
    %get3A_1194 = arith.constant 192 : index
    %get3A_1195 = tpu.vector_load %arg4[%get3A_1194] {strides = array<i32>} : memref<512xi32, #tpu.memory_space<vmem>>, vector<16xi32>,
    %sub3A_1196 = arith.constant 200 : i32
    %sub3A_1197 = vector.broadcast %sub3A_1196 : i32 to vector<16xi32>
    %sub3A_1198 = arith.subi %get3A_1195, %sub3A_1197 : vector<16xi32>
    %add3A_1199 = arith.constant 192 : i32
    %add3A_1200 = vector.broadcast %add3A_1199 : i32 to vector<16xi32>
    %add3A_1201 = arith.addi %add3A_1200, %iota3A : vector<16xi32>
    %ge3A_1202 = arith.constant 200 : i32
    %ge3A_1203 = vector.broadcast %ge3A_1202 : i32 to vector<16xi32>
    %ge3A_1204 = arith.cmpi sge, %get3A_1195, %ge3A_1203 : vector<16xi32>
    %lt3A_1205 = arith.constant 400 : i32
    %lt3A_1206 = vector.broadcast %lt3A_1205 : i32 to vector<16xi32>
    %lt3A_1207 = arith.cmpi slt, %get3A_1195, %lt3A_1206 : vector<16xi32>
    %and3A_1208 = arith.andi %ge3A_1204, %lt3A_1207 : vector<16xi1>
    tpu.vector_store_idx %arg5[%sub3A_1198, %add3A_1201], %broadcast_in_dim3A_6 masked %and3A_1208 : memref<200x512xi32, #tpu.memory_space<vmem>>[vector<16xi32>, vector<16xi32>], vector<16xi32>, vector<16xi1>
    %get3A_1209 = arith.constant 208 : index
    %get3A_1210 = tpu.vector_load %arg4[%get3A_1209] {strides = array<i32>} : memref<512xi32, #tpu.memory_space<vmem>>, vector<16xi32>,
    %sub3A_1211 = arith.constant 200 : i32
    %sub3A_1212 = vector.broadcast %sub3A_1211 : i32 to vector<16xi32>
    %sub3A_1213 = arith.subi %get3A_1210, %sub3A_1212 : vector<16xi32>
    %add3A_1214 = arith.constant 208 : i32
    %add3A_1215 = vector.broadcast %add3A_1214 : i32 to vector<16xi32>
    %add3A_1216 = arith.addi %add3A_1215, %iota3A : vector<16xi32>
    %ge3A_1217 = arith.constant 200 : i32
    %ge3A_1218 = vector.broadcast %ge3A_1217 : i32 to vector<16xi32>
    %ge3A_1219 = arith.cmpi sge, %get3A_1210, %ge3A_1218 : vector<16xi32>
    %lt3A_1220 = arith.constant 400 : i32
    %lt3A_1221 = vector.broadcast %lt3A_1220 : i32 to vector<16xi32>
    %lt3A_1222 = arith.cmpi slt, %get3A_1210, %lt3A_1221 : vector<16xi32>
    %and3A_1223 = arith.andi %ge3A_1219, %lt3A_1222 : vector<16xi1>
    tpu.vector_store_idx %arg5[%sub3A_1213, %add3A_1216], %broadcast_in_dim3A_6 masked %and3A_1223 : memref<200x512xi32, #tpu.memory_space<vmem>>[vector<16xi32>, vector<16xi32>], vector<16xi32>, vector<16xi1>
    %get3A_1224 = arith.constant 224 : index
    %get3A_1225 = tpu.vector_load %arg4[%get3A_1224] {strides = array<i32>} : memref<512xi32, #tpu.memory_space<vmem>>, vector<16xi32>,
    %sub3A_1226 = arith.constant 200 : i32
    %sub3A_1227 = vector.broadcast %sub3A_1226 : i32 to vector<16xi32>
    %sub3A_1228 = arith.subi %get3A_1225, %sub3A_1227 : vector<16xi32>
    %add3A_1229 = arith.constant 224 : i32
    %add3A_1230 = vector.broadcast %add3A_1229 : i32 to vector<16xi32>
    %add3A_1231 = arith.addi %add3A_1230, %iota3A : vector<16xi32>
    %ge3A_1232 = arith.constant 200 : i32
    %ge3A_1233 = vector.broadcast %ge3A_1232 : i32 to vector<16xi32>
    %ge3A_1234 = arith.cmpi sge, %get3A_1225, %ge3A_1233 : vector<16xi32>
    %lt3A_1235 = arith.constant 400 : i32
    %lt3A_1236 = vector.broadcast %lt3A_1235 : i32 to vector<16xi32>
    %lt3A_1237 = arith.cmpi slt, %get3A_1225, %lt3A_1236 : vector<16xi32>
    %and3A_1238 = arith.andi %ge3A_1234, %lt3A_1237 : vector<16xi1>
    tpu.vector_store_idx %arg5[%sub3A_1228, %add3A_1231], %broadcast_in_dim3A_6 masked %and3A_1238 : memref<200x512xi32, #tpu.memory_space<vmem>>[vector<16xi32>, vector<16xi32>], vector<16xi32>, vector<16xi1>
    %get3A_1239 = arith.constant 240 : index
    %get3A_1240 = tpu.vector_load %arg4[%get3A_1239] {strides = array<i32>} : memref<512xi32, #tpu.memory_space<vmem>>, vector<16xi32>,
    %sub3A_1241 = arith.constant 200 : i32
    %sub3A_1242 = vector.broadcast %sub3A_1241 : i32 to vector<16xi32>
    %sub3A_1243 = arith.subi %get3A_1240, %sub3A_1242 : vector<16xi32>
    %add3A_1244 = arith.constant 240 : i32
    %add3A_1245 = vector.broadcast %add3A_1244 : i32 to vector<16xi32>
    %add3A_1246 = arith.addi %add3A_1245, %iota3A : vector<16xi32>
    %ge3A_1247 = arith.constant 200 : i32
    %ge3A_1248 = vector.broadcast %ge3A_1247 : i32 to vector<16xi32>
    %ge3A_1249 = arith.cmpi sge, %get3A_1240, %ge3A_1248 : vector<16xi32>
    %lt3A_1250 = arith.constant 400 : i32
    %lt3A_1251 = vector.broadcast %lt3A_1250 : i32 to vector<16xi32>
    %lt3A_1252 = arith.cmpi slt, %get3A_1240, %lt3A_1251 : vector<16xi32>
    %and3A_1253 = arith.andi %ge3A_1249, %lt3A_1252 : vector<16xi1>
    tpu.vector_store_idx %arg5[%sub3A_1243, %add3A_1246], %broadcast_in_dim3A_6 masked %and3A_1253 : memref<200x512xi32, #tpu.memory_space<vmem>>[vector<16xi32>, vector<16xi32>], vector<16xi32>, vector<16xi1>
    %get3A_1254 = arith.constant 256 : index
    %get3A_1255 = tpu.vector_load %arg4[%get3A_1254] {strides = array<i32>} : memref<512xi32, #tpu.memory_space<vmem>>, vector<16xi32>,
    %sub3A_1256 = arith.constant 200 : i32
    %sub3A_1257 = vector.broadcast %sub3A_1256 : i32 to vector<16xi32>
    %sub3A_1258 = arith.subi %get3A_1255, %sub3A_1257 : vector<16xi32>
    %add3A_1259 = arith.constant 256 : i32
    %add3A_1260 = vector.broadcast %add3A_1259 : i32 to vector<16xi32>
    %add3A_1261 = arith.addi %add3A_1260, %iota3A : vector<16xi32>
    %ge3A_1262 = arith.constant 200 : i32
    %ge3A_1263 = vector.broadcast %ge3A_1262 : i32 to vector<16xi32>
    %ge3A_1264 = arith.cmpi sge, %get3A_1255, %ge3A_1263 : vector<16xi32>
    %lt3A_1265 = arith.constant 400 : i32
    %lt3A_1266 = vector.broadcast %lt3A_1265 : i32 to vector<16xi32>
    %lt3A_1267 = arith.cmpi slt, %get3A_1255, %lt3A_1266 : vector<16xi32>
    %and3A_1268 = arith.andi %ge3A_1264, %lt3A_1267 : vector<16xi1>
    tpu.vector_store_idx %arg5[%sub3A_1258, %add3A_1261], %broadcast_in_dim3A_6 masked %and3A_1268 : memref<200x512xi32, #tpu.memory_space<vmem>>[vector<16xi32>, vector<16xi32>], vector<16xi32>, vector<16xi1>
    %get3A_1269 = arith.constant 272 : index
    %get3A_1270 = tpu.vector_load %arg4[%get3A_1269] {strides = array<i32>} : memref<512xi32, #tpu.memory_space<vmem>>, vector<16xi32>,
    %sub3A_1271 = arith.constant 200 : i32
    %sub3A_1272 = vector.broadcast %sub3A_1271 : i32 to vector<16xi32>
    %sub3A_1273 = arith.subi %get3A_1270, %sub3A_1272 : vector<16xi32>
    %add3A_1274 = arith.constant 272 : i32
    %add3A_1275 = vector.broadcast %add3A_1274 : i32 to vector<16xi32>
    %add3A_1276 = arith.addi %add3A_1275, %iota3A : vector<16xi32>
    %ge3A_1277 = arith.constant 200 : i32
    %ge3A_1278 = vector.broadcast %ge3A_1277 : i32 to vector<16xi32>
    %ge3A_1279 = arith.cmpi sge, %get3A_1270, %ge3A_1278 : vector<16xi32>
    %lt3A_1280 = arith.constant 400 : i32
    %lt3A_1281 = vector.broadcast %lt3A_1280 : i32 to vector<16xi32>
    %lt3A_1282 = arith.cmpi slt, %get3A_1270, %lt3A_1281 : vector<16xi32>
    %and3A_1283 = arith.andi %ge3A_1279, %lt3A_1282 : vector<16xi1>
    tpu.vector_store_idx %arg5[%sub3A_1273, %add3A_1276], %broadcast_in_dim3A_6 masked %and3A_1283 : memref<200x512xi32, #tpu.memory_space<vmem>>[vector<16xi32>, vector<16xi32>], vector<16xi32>, vector<16xi1>
    %get3A_1284 = arith.constant 288 : index
    %get3A_1285 = tpu.vector_load %arg4[%get3A_1284] {strides = array<i32>} : memref<512xi32, #tpu.memory_space<vmem>>, vector<16xi32>,
    %sub3A_1286 = arith.constant 200 : i32
    %sub3A_1287 = vector.broadcast %sub3A_1286 : i32 to vector<16xi32>
    %sub3A_1288 = arith.subi %get3A_1285, %sub3A_1287 : vector<16xi32>
    %add3A_1289 = arith.constant 288 : i32
    %add3A_1290 = vector.broadcast %add3A_1289 : i32 to vector<16xi32>
    %add3A_1291 = arith.addi %add3A_1290, %iota3A : vector<16xi32>
    %ge3A_1292 = arith.constant 200 : i32
    %ge3A_1293 = vector.broadcast %ge3A_1292 : i32 to vector<16xi32>
    %ge3A_1294 = arith.cmpi sge, %get3A_1285, %ge3A_1293 : vector<16xi32>
    %lt3A_1295 = arith.constant 400 : i32
    %lt3A_1296 = vector.broadcast %lt3A_1295 : i32 to vector<16xi32>
    %lt3A_1297 = arith.cmpi slt, %get3A_1285, %lt3A_1296 : vector<16xi32>
    %and3A_1298 = arith.andi %ge3A_1294, %lt3A_1297 : vector<16xi1>
    tpu.vector_store_idx %arg5[%sub3A_1288, %add3A_1291], %broadcast_in_dim3A_6 masked %and3A_1298 : memref<200x512xi32, #tpu.memory_space<vmem>>[vector<16xi32>, vector<16xi32>], vector<16xi32>, vector<16xi1>
    %get3A_1299 = arith.constant 304 : index
    %get3A_1300 = tpu.vector_load %arg4[%get3A_1299] {strides = array<i32>} : memref<512xi32, #tpu.memory_space<vmem>>, vector<16xi32>,
    %sub3A_1301 = arith.constant 200 : i32
    %sub3A_1302 = vector.broadcast %sub3A_1301 : i32 to vector<16xi32>
    %sub3A_1303 = arith.subi %get3A_1300, %sub3A_1302 : vector<16xi32>
    %add3A_1304 = arith.constant 304 : i32
    %add3A_1305 = vector.broadcast %add3A_1304 : i32 to vector<16xi32>
    %add3A_1306 = arith.addi %add3A_1305, %iota3A : vector<16xi32>
    %ge3A_1307 = arith.constant 200 : i32
    %ge3A_1308 = vector.broadcast %ge3A_1307 : i32 to vector<16xi32>
    %ge3A_1309 = arith.cmpi sge, %get3A_1300, %ge3A_1308 : vector<16xi32>
    %lt3A_1310 = arith.constant 400 : i32
    %lt3A_1311 = vector.broadcast %lt3A_1310 : i32 to vector<16xi32>
    %lt3A_1312 = arith.cmpi slt, %get3A_1300, %lt3A_1311 : vector<16xi32>
    %and3A_1313 = arith.andi %ge3A_1309, %lt3A_1312 : vector<16xi1>
    tpu.vector_store_idx %arg5[%sub3A_1303, %add3A_1306], %broadcast_in_dim3A_6 masked %and3A_1313 : memref<200x512xi32, #tpu.memory_space<vmem>>[vector<16xi32>, vector<16xi32>], vector<16xi32>, vector<16xi1>
    %get3A_1314 = arith.constant 320 : index
    %get3A_1315 = tpu.vector_load %arg4[%get3A_1314] {strides = array<i32>} : memref<512xi32, #tpu.memory_space<vmem>>, vector<16xi32>,
    %sub3A_1316 = arith.constant 200 : i32
    %sub3A_1317 = vector.broadcast %sub3A_1316 : i32 to vector<16xi32>
    %sub3A_1318 = arith.subi %get3A_1315, %sub3A_1317 : vector<16xi32>
    %add3A_1319 = arith.constant 320 : i32
    %add3A_1320 = vector.broadcast %add3A_1319 : i32 to vector<16xi32>
    %add3A_1321 = arith.addi %add3A_1320, %iota3A : vector<16xi32>
    %ge3A_1322 = arith.constant 200 : i32
    %ge3A_1323 = vector.broadcast %ge3A_1322 : i32 to vector<16xi32>
    %ge3A_1324 = arith.cmpi sge, %get3A_1315, %ge3A_1323 : vector<16xi32>
    %lt3A_1325 = arith.constant 400 : i32
    %lt3A_1326 = vector.broadcast %lt3A_1325 : i32 to vector<16xi32>
    %lt3A_1327 = arith.cmpi slt, %get3A_1315, %lt3A_1326 : vector<16xi32>
    %and3A_1328 = arith.andi %ge3A_1324, %lt3A_1327 : vector<16xi1>
    tpu.vector_store_idx %arg5[%sub3A_1318, %add3A_1321], %broadcast_in_dim3A_6 masked %and3A_1328 : memref<200x512xi32, #tpu.memory_space<vmem>>[vector<16xi32>, vector<16xi32>], vector<16xi32>, vector<16xi1>
    %get3A_1329 = arith.constant 336 : index
    %get3A_1330 = tpu.vector_load %arg4[%get3A_1329] {strides = array<i32>} : memref<512xi32, #tpu.memory_space<vmem>>, vector<16xi32>,
    %sub3A_1331 = arith.constant 200 : i32
    %sub3A_1332 = vector.broadcast %sub3A_1331 : i32 to vector<16xi32>
    %sub3A_1333 = arith.subi %get3A_1330, %sub3A_1332 : vector<16xi32>
    %add3A_1334 = arith.constant 336 : i32
    %add3A_1335 = vector.broadcast %add3A_1334 : i32 to vector<16xi32>
    %add3A_1336 = arith.addi %add3A_1335, %iota3A : vector<16xi32>
    %ge3A_1337 = arith.constant 200 : i32
    %ge3A_1338 = vector.broadcast %ge3A_1337 : i32 to vector<16xi32>
    %ge3A_1339 = arith.cmpi sge, %get3A_1330, %ge3A_1338 : vector<16xi32>
    %lt3A_1340 = arith.constant 400 : i32
    %lt3A_1341 = vector.broadcast %lt3A_1340 : i32 to vector<16xi32>
    %lt3A_1342 = arith.cmpi slt, %get3A_1330, %lt3A_1341 : vector<16xi32>
    %and3A_1343 = arith.andi %ge3A_1339, %lt3A_1342 : vector<16xi1>
    tpu.vector_store_idx %arg5[%sub3A_1333, %add3A_1336], %broadcast_in_dim3A_6 masked %and3A_1343 : memref<200x512xi32, #tpu.memory_space<vmem>>[vector<16xi32>, vector<16xi32>], vector<16xi32>, vector<16xi1>
    %get3A_1344 = arith.constant 352 : index
    %get3A_1345 = tpu.vector_load %arg4[%get3A_1344] {strides = array<i32>} : memref<512xi32, #tpu.memory_space<vmem>>, vector<16xi32>,
    %sub3A_1346 = arith.constant 200 : i32
    %sub3A_1347 = vector.broadcast %sub3A_1346 : i32 to vector<16xi32>
    %sub3A_1348 = arith.subi %get3A_1345, %sub3A_1347 : vector<16xi32>
    %add3A_1349 = arith.constant 352 : i32
    %add3A_1350 = vector.broadcast %add3A_1349 : i32 to vector<16xi32>
    %add3A_1351 = arith.addi %add3A_1350, %iota3A : vector<16xi32>
    %ge3A_1352 = arith.constant 200 : i32
    %ge3A_1353 = vector.broadcast %ge3A_1352 : i32 to vector<16xi32>
    %ge3A_1354 = arith.cmpi sge, %get3A_1345, %ge3A_1353 : vector<16xi32>
    %lt3A_1355 = arith.constant 400 : i32
    %lt3A_1356 = vector.broadcast %lt3A_1355 : i32 to vector<16xi32>
    %lt3A_1357 = arith.cmpi slt, %get3A_1345, %lt3A_1356 : vector<16xi32>
    %and3A_1358 = arith.andi %ge3A_1354, %lt3A_1357 : vector<16xi1>
    tpu.vector_store_idx %arg5[%sub3A_1348, %add3A_1351], %broadcast_in_dim3A_6 masked %and3A_1358 : memref<200x512xi32, #tpu.memory_space<vmem>>[vector<16xi32>, vector<16xi32>], vector<16xi32>, vector<16xi1>
    %get3A_1359 = arith.constant 368 : index
    %get3A_1360 = tpu.vector_load %arg4[%get3A_1359] {strides = array<i32>} : memref<512xi32, #tpu.memory_space<vmem>>, vector<16xi32>,
    %sub3A_1361 = arith.constant 200 : i32
    %sub3A_1362 = vector.broadcast %sub3A_1361 : i32 to vector<16xi32>
    %sub3A_1363 = arith.subi %get3A_1360, %sub3A_1362 : vector<16xi32>
    %add3A_1364 = arith.constant 368 : i32
    %add3A_1365 = vector.broadcast %add3A_1364 : i32 to vector<16xi32>
    %add3A_1366 = arith.addi %add3A_1365, %iota3A : vector<16xi32>
    %ge3A_1367 = arith.constant 200 : i32
    %ge3A_1368 = vector.broadcast %ge3A_1367 : i32 to vector<16xi32>
    %ge3A_1369 = arith.cmpi sge, %get3A_1360, %ge3A_1368 : vector<16xi32>
    %lt3A_1370 = arith.constant 400 : i32
    %lt3A_1371 = vector.broadcast %lt3A_1370 : i32 to vector<16xi32>
    %lt3A_1372 = arith.cmpi slt, %get3A_1360, %lt3A_1371 : vector<16xi32>
    %and3A_1373 = arith.andi %ge3A_1369, %lt3A_1372 : vector<16xi1>
    tpu.vector_store_idx %arg5[%sub3A_1363, %add3A_1366], %broadcast_in_dim3A_6 masked %and3A_1373 : memref<200x512xi32, #tpu.memory_space<vmem>>[vector<16xi32>, vector<16xi32>], vector<16xi32>, vector<16xi1>
    %get3A_1374 = arith.constant 384 : index
    %get3A_1375 = tpu.vector_load %arg4[%get3A_1374] {strides = array<i32>} : memref<512xi32, #tpu.memory_space<vmem>>, vector<16xi32>,
    %sub3A_1376 = arith.constant 200 : i32
    %sub3A_1377 = vector.broadcast %sub3A_1376 : i32 to vector<16xi32>
    %sub3A_1378 = arith.subi %get3A_1375, %sub3A_1377 : vector<16xi32>
    %add3A_1379 = arith.constant 384 : i32
    %add3A_1380 = vector.broadcast %add3A_1379 : i32 to vector<16xi32>
    %add3A_1381 = arith.addi %add3A_1380, %iota3A : vector<16xi32>
    %ge3A_1382 = arith.constant 200 : i32
    %ge3A_1383 = vector.broadcast %ge3A_1382 : i32 to vector<16xi32>
    %ge3A_1384 = arith.cmpi sge, %get3A_1375, %ge3A_1383 : vector<16xi32>
    %lt3A_1385 = arith.constant 400 : i32
    %lt3A_1386 = vector.broadcast %lt3A_1385 : i32 to vector<16xi32>
    %lt3A_1387 = arith.cmpi slt, %get3A_1375, %lt3A_1386 : vector<16xi32>
    %and3A_1388 = arith.andi %ge3A_1384, %lt3A_1387 : vector<16xi1>
    tpu.vector_store_idx %arg5[%sub3A_1378, %add3A_1381], %broadcast_in_dim3A_6 masked %and3A_1388 : memref<200x512xi32, #tpu.memory_space<vmem>>[vector<16xi32>, vector<16xi32>], vector<16xi32>, vector<16xi1>
    %get3A_1389 = arith.constant 400 : index
    %get3A_1390 = tpu.vector_load %arg4[%get3A_1389] {strides = array<i32>} : memref<512xi32, #tpu.memory_space<vmem>>, vector<16xi32>,
    %sub3A_1391 = arith.constant 200 : i32
    %sub3A_1392 = vector.broadcast %sub3A_1391 : i32 to vector<16xi32>
    %sub3A_1393 = arith.subi %get3A_1390, %sub3A_1392 : vector<16xi32>
    %add3A_1394 = arith.constant 400 : i32
    %add3A_1395 = vector.broadcast %add3A_1394 : i32 to vector<16xi32>
    %add3A_1396 = arith.addi %add3A_1395, %iota3A : vector<16xi32>
    %ge3A_1397 = arith.constant 200 : i32
    %ge3A_1398 = vector.broadcast %ge3A_1397 : i32 to vector<16xi32>
    %ge3A_1399 = arith.cmpi sge, %get3A_1390, %ge3A_1398 : vector<16xi32>
    %lt3A_1400 = arith.constant 400 : i32
    %lt3A_1401 = vector.broadcast %lt3A_1400 : i32 to vector<16xi32>
    %lt3A_1402 = arith.cmpi slt, %get3A_1390, %lt3A_1401 : vector<16xi32>
    %and3A_1403 = arith.andi %ge3A_1399, %lt3A_1402 : vector<16xi1>
    tpu.vector_store_idx %arg5[%sub3A_1393, %add3A_1396], %broadcast_in_dim3A_6 masked %and3A_1403 : memref<200x512xi32, #tpu.memory_space<vmem>>[vector<16xi32>, vector<16xi32>], vector<16xi32>, vector<16xi1>
    %get3A_1404 = arith.constant 416 : index
    %get3A_1405 = tpu.vector_load %arg4[%get3A_1404] {strides = array<i32>} : memref<512xi32, #tpu.memory_space<vmem>>, vector<16xi32>,
    %sub3A_1406 = arith.constant 200 : i32
    %sub3A_1407 = vector.broadcast %sub3A_1406 : i32 to vector<16xi32>
    %sub3A_1408 = arith.subi %get3A_1405, %sub3A_1407 : vector<16xi32>
    %add3A_1409 = arith.constant 416 : i32
    %add3A_1410 = vector.broadcast %add3A_1409 : i32 to vector<16xi32>
    %add3A_1411 = arith.addi %add3A_1410, %iota3A : vector<16xi32>
    %ge3A_1412 = arith.constant 200 : i32
    %ge3A_1413 = vector.broadcast %ge3A_1412 : i32 to vector<16xi32>
    %ge3A_1414 = arith.cmpi sge, %get3A_1405, %ge3A_1413 : vector<16xi32>
    %lt3A_1415 = arith.constant 400 : i32
    %lt3A_1416 = vector.broadcast %lt3A_1415 : i32 to vector<16xi32>
    %lt3A_1417 = arith.cmpi slt, %get3A_1405, %lt3A_1416 : vector<16xi32>
    %and3A_1418 = arith.andi %ge3A_1414, %lt3A_1417 : vector<16xi1>
    tpu.vector_store_idx %arg5[%sub3A_1408, %add3A_1411], %broadcast_in_dim3A_6 masked %and3A_1418 : memref<200x512xi32, #tpu.memory_space<vmem>>[vector<16xi32>, vector<16xi32>], vector<16xi32>, vector<16xi1>
    %get3A_1419 = arith.constant 432 : index
    %get3A_1420 = tpu.vector_load %arg4[%get3A_1419] {strides = array<i32>} : memref<512xi32, #tpu.memory_space<vmem>>, vector<16xi32>,
    %sub3A_1421 = arith.constant 200 : i32
    %sub3A_1422 = vector.broadcast %sub3A_1421 : i32 to vector<16xi32>
    %sub3A_1423 = arith.subi %get3A_1420, %sub3A_1422 : vector<16xi32>
    %add3A_1424 = arith.constant 432 : i32
    %add3A_1425 = vector.broadcast %add3A_1424 : i32 to vector<16xi32>
    %add3A_1426 = arith.addi %add3A_1425, %iota3A : vector<16xi32>
    %ge3A_1427 = arith.constant 200 : i32
    %ge3A_1428 = vector.broadcast %ge3A_1427 : i32 to vector<16xi32>
    %ge3A_1429 = arith.cmpi sge, %get3A_1420, %ge3A_1428 : vector<16xi32>
    %lt3A_1430 = arith.constant 400 : i32
    %lt3A_1431 = vector.broadcast %lt3A_1430 : i32 to vector<16xi32>
    %lt3A_1432 = arith.cmpi slt, %get3A_1420, %lt3A_1431 : vector<16xi32>
    %and3A_1433 = arith.andi %ge3A_1429, %lt3A_1432 : vector<16xi1>
    tpu.vector_store_idx %arg5[%sub3A_1423, %add3A_1426], %broadcast_in_dim3A_6 masked %and3A_1433 : memref<200x512xi32, #tpu.memory_space<vmem>>[vector<16xi32>, vector<16xi32>], vector<16xi32>, vector<16xi1>
    %get3A_1434 = arith.constant 448 : index
    %get3A_1435 = tpu.vector_load %arg4[%get3A_1434] {strides = array<i32>} : memref<512xi32, #tpu.memory_space<vmem>>, vector<16xi32>,
    %sub3A_1436 = arith.constant 200 : i32
    %sub3A_1437 = vector.broadcast %sub3A_1436 : i32 to vector<16xi32>
    %sub3A_1438 = arith.subi %get3A_1435, %sub3A_1437 : vector<16xi32>
    %add3A_1439 = arith.constant 448 : i32
    %add3A_1440 = vector.broadcast %add3A_1439 : i32 to vector<16xi32>
    %add3A_1441 = arith.addi %add3A_1440, %iota3A : vector<16xi32>
    %ge3A_1442 = arith.constant 200 : i32
    %ge3A_1443 = vector.broadcast %ge3A_1442 : i32 to vector<16xi32>
    %ge3A_1444 = arith.cmpi sge, %get3A_1435, %ge3A_1443 : vector<16xi32>
    %lt3A_1445 = arith.constant 400 : i32
    %lt3A_1446 = vector.broadcast %lt3A_1445 : i32 to vector<16xi32>
    %lt3A_1447 = arith.cmpi slt, %get3A_1435, %lt3A_1446 : vector<16xi32>
    %and3A_1448 = arith.andi %ge3A_1444, %lt3A_1447 : vector<16xi1>
    tpu.vector_store_idx %arg5[%sub3A_1438, %add3A_1441], %broadcast_in_dim3A_6 masked %and3A_1448 : memref<200x512xi32, #tpu.memory_space<vmem>>[vector<16xi32>, vector<16xi32>], vector<16xi32>, vector<16xi1>
    %get3A_1449 = arith.constant 464 : index
    %get3A_1450 = tpu.vector_load %arg4[%get3A_1449] {strides = array<i32>} : memref<512xi32, #tpu.memory_space<vmem>>, vector<16xi32>,
    %sub3A_1451 = arith.constant 200 : i32
    %sub3A_1452 = vector.broadcast %sub3A_1451 : i32 to vector<16xi32>
    %sub3A_1453 = arith.subi %get3A_1450, %sub3A_1452 : vector<16xi32>
    %add3A_1454 = arith.constant 464 : i32
    %add3A_1455 = vector.broadcast %add3A_1454 : i32 to vector<16xi32>
    %add3A_1456 = arith.addi %add3A_1455, %iota3A : vector<16xi32>
    %ge3A_1457 = arith.constant 200 : i32
    %ge3A_1458 = vector.broadcast %ge3A_1457 : i32 to vector<16xi32>
    %ge3A_1459 = arith.cmpi sge, %get3A_1450, %ge3A_1458 : vector<16xi32>
    %lt3A_1460 = arith.constant 400 : i32
    %lt3A_1461 = vector.broadcast %lt3A_1460 : i32 to vector<16xi32>
    %lt3A_1462 = arith.cmpi slt, %get3A_1450, %lt3A_1461 : vector<16xi32>
    %and3A_1463 = arith.andi %ge3A_1459, %lt3A_1462 : vector<16xi1>
    tpu.vector_store_idx %arg5[%sub3A_1453, %add3A_1456], %broadcast_in_dim3A_6 masked %and3A_1463 : memref<200x512xi32, #tpu.memory_space<vmem>>[vector<16xi32>, vector<16xi32>], vector<16xi32>, vector<16xi1>
    %get3A_1464 = arith.constant 480 : index
    %get3A_1465 = tpu.vector_load %arg4[%get3A_1464] {strides = array<i32>} : memref<512xi32, #tpu.memory_space<vmem>>, vector<16xi32>,
    %sub3A_1466 = arith.constant 200 : i32
    %sub3A_1467 = vector.broadcast %sub3A_1466 : i32 to vector<16xi32>
    %sub3A_1468 = arith.subi %get3A_1465, %sub3A_1467 : vector<16xi32>
    %add3A_1469 = arith.constant 480 : i32
    %add3A_1470 = vector.broadcast %add3A_1469 : i32 to vector<16xi32>
    %add3A_1471 = arith.addi %add3A_1470, %iota3A : vector<16xi32>
    %ge3A_1472 = arith.constant 200 : i32
    %ge3A_1473 = vector.broadcast %ge3A_1472 : i32 to vector<16xi32>
    %ge3A_1474 = arith.cmpi sge, %get3A_1465, %ge3A_1473 : vector<16xi32>
    %lt3A_1475 = arith.constant 400 : i32
    %lt3A_1476 = vector.broadcast %lt3A_1475 : i32 to vector<16xi32>
    %lt3A_1477 = arith.cmpi slt, %get3A_1465, %lt3A_1476 : vector<16xi32>
    %and3A_1478 = arith.andi %ge3A_1474, %lt3A_1477 : vector<16xi1>
    tpu.vector_store_idx %arg5[%sub3A_1468, %add3A_1471], %broadcast_in_dim3A_6 masked %and3A_1478 : memref<200x512xi32, #tpu.memory_space<vmem>>[vector<16xi32>, vector<16xi32>], vector<16xi32>, vector<16xi1>
    %get3A_1479 = arith.constant 496 : index
    %get3A_1480 = tpu.vector_load %arg4[%get3A_1479] {strides = array<i32>} : memref<512xi32, #tpu.memory_space<vmem>>, vector<16xi32>,
    %sub3A_1481 = arith.constant 200 : i32
    %sub3A_1482 = vector.broadcast %sub3A_1481 : i32 to vector<16xi32>
    %sub3A_1483 = arith.subi %get3A_1480, %sub3A_1482 : vector<16xi32>
    %add3A_1484 = arith.constant 496 : i32
    %add3A_1485 = vector.broadcast %add3A_1484 : i32 to vector<16xi32>
    %add3A_1486 = arith.addi %add3A_1485, %iota3A : vector<16xi32>
    %ge3A_1487 = arith.constant 200 : i32
    %ge3A_1488 = vector.broadcast %ge3A_1487 : i32 to vector<16xi32>
    %ge3A_1489 = arith.cmpi sge, %get3A_1480, %ge3A_1488 : vector<16xi32>
    %lt3A_1490 = arith.constant 400 : i32
    %lt3A_1491 = vector.broadcast %lt3A_1490 : i32 to vector<16xi32>
    %lt3A_1492 = arith.cmpi slt, %get3A_1480, %lt3A_1491 : vector<16xi32>
    %and3A_1493 = arith.andi %ge3A_1489, %lt3A_1492 : vector<16xi1>
    tpu.vector_store_idx %arg5[%sub3A_1483, %add3A_1486], %broadcast_in_dim3A_6 masked %and3A_1493 : memref<200x512xi32, #tpu.memory_space<vmem>>[vector<16xi32>, vector<16xi32>], vector<16xi32>, vector<16xi1>
    "tpu.region"() ({
      %run_scoped3A = tpu.sem_alloc : memref<!tpu.dma_semaphore, #tpu.memory_space<semaphore_mem>>
      %dma_start3A_2934 = arith.constant 200 : i32
      %dma_start3A_2935 = tpu.memref_slice %arg3[%dma_start3A_2934, %mul3A_2] : memref<1000x16384xi32, #tpu.memory_space<hbm>> -> memref<200x512xi32, #tpu.memory_space<hbm>>
      %dma_start3A_2936 = arith.constant 200 : i32
      %dma_start3A_2937 = tpu.memref_slice %arg3[%dma_start3A_2936, %mul3A_2] : memref<1000x16384xi32, #tpu.memory_space<hbm>> -> memref<200x512xi32, #tpu.memory_space<hbm>>
      tpu.enqueue_dma source(%arg5 : memref<200x512xi32, #tpu.memory_space<vmem>>) target(%dma_start3A_2937 : memref<200x512xi32, #tpu.memory_space<hbm>>) target_semaphore(%run_scoped3A : memref<!tpu.dma_semaphore, #tpu.memory_space<semaphore_mem>>)
      %dma_wait3A_2938 = arith.constant 200 : i32
      %dma_wait3A_2939 = tpu.memref_slice %arg3[%dma_wait3A_2938, %mul3A_2] : memref<1000x16384xi32, #tpu.memory_space<hbm>> -> memref<200x512xi32, #tpu.memory_space<hbm>>
      %dma_wait3A_2940 = arith.constant 200 : i32
      %dma_wait3A_2941 = tpu.memref_slice %arg3[%dma_wait3A_2940, %mul3A_2] : memref<1000x16384xi32, #tpu.memory_space<hbm>> -> memref<200x512xi32, #tpu.memory_space<hbm>>
      tpu.wait_dma2 semaphore(%run_scoped3A : memref<!tpu.dma_semaphore, #tpu.memory_space<semaphore_mem>>) src(%arg5 : memref<200x512xi32, #tpu.memory_space<vmem>>) dst(%dma_wait3A_2941 : memref<200x512xi32, #tpu.memory_space<hbm>>)
      tpu.yield
    }) : () -> ()
    tpu.vector_store_idx %arg5[%sub3A_1018, %add3A_1021], %broadcast_in_dim3A_4 masked %and3A_1028 : memref<200x512xi32, #tpu.memory_space<vmem>>[vector<16xi32>, vector<16xi32>], vector<16xi32>, vector<16xi1>
    tpu.vector_store_idx %arg5[%sub3A_1033, %add3A_1036], %broadcast_in_dim3A_4 masked %and3A_1043 : memref<200x512xi32, #tpu.memory_space<vmem>>[vector<16xi32>, vector<16xi32>], vector<16xi32>, vector<16xi1>
    tpu.vector_store_idx %arg5[%sub3A_1048, %add3A_1051], %broadcast_in_dim3A_4 masked %and3A_1058 : memref<200x512xi32, #tpu.memory_space<vmem>>[vector<16xi32>, vector<16xi32>], vector<16xi32>, vector<16xi1>
    tpu.vector_store_idx %arg5[%sub3A_1063, %add3A_1066], %broadcast_in_dim3A_4 masked %and3A_1073 : memref<200x512xi32, #tpu.memory_space<vmem>>[vector<16xi32>, vector<16xi32>], vector<16xi32>, vector<16xi1>
    tpu.vector_store_idx %arg5[%sub3A_1078, %add3A_1081], %broadcast_in_dim3A_4 masked %and3A_1088 : memref<200x512xi32, #tpu.memory_space<vmem>>[vector<16xi32>, vector<16xi32>], vector<16xi32>, vector<16xi1>
    tpu.vector_store_idx %arg5[%sub3A_1093, %add3A_1096], %broadcast_in_dim3A_4 masked %and3A_1103 : memref<200x512xi32, #tpu.memory_space<vmem>>[vector<16xi32>, vector<16xi32>], vector<16xi32>, vector<16xi1>
    tpu.vector_store_idx %arg5[%sub3A_1108, %add3A_1111], %broadcast_in_dim3A_4 masked %and3A_1118 : memref<200x512xi32, #tpu.memory_space<vmem>>[vector<16xi32>, vector<16xi32>], vector<16xi32>, vector<16xi1>
    tpu.vector_store_idx %arg5[%sub3A_1123, %add3A_1126], %broadcast_in_dim3A_4 masked %and3A_1133 : memref<200x512xi32, #tpu.memory_space<vmem>>[vector<16xi32>, vector<16xi32>], vector<16xi32>, vector<16xi1>
    tpu.vector_store_idx %arg5[%sub3A_1138, %add3A_1141], %broadcast_in_dim3A_4 masked %and3A_1148 : memref<200x512xi32, #tpu.memory_space<vmem>>[vector<16xi32>, vector<16xi32>], vector<16xi32>, vector<16xi1>
    tpu.vector_store_idx %arg5[%sub3A_1153, %add3A_1156], %broadcast_in_dim3A_4 masked %and3A_1163 : memref<200x512xi32, #tpu.memory_space<vmem>>[vector<16xi32>, vector<16xi32>], vector<16xi32>, vector<16xi1>
    tpu.vector_store_idx %arg5[%sub3A_1168, %add3A_1171], %broadcast_in_dim3A_4 masked %and3A_1178 : memref<200x512xi32, #tpu.memory_space<vmem>>[vector<16xi32>, vector<16xi32>], vector<16xi32>, vector<16xi1>
    tpu.vector_store_idx %arg5[%sub3A_1183, %add3A_1186], %broadcast_in_dim3A_4 masked %and3A_1193 : memref<200x512xi32, #tpu.memory_space<vmem>>[vector<16xi32>, vector<16xi32>], vector<16xi32>, vector<16xi1>
    tpu.vector_store_idx %arg5[%sub3A_1198, %add3A_1201], %broadcast_in_dim3A_4 masked %and3A_1208 : memref<200x512xi32, #tpu.memory_space<vmem>>[vector<16xi32>, vector<16xi32>], vector<16xi32>, vector<16xi1>
    tpu.vector_store_idx %arg5[%sub3A_1213, %add3A_1216], %broadcast_in_dim3A_4 masked %and3A_1223 : memref<200x512xi32, #tpu.memory_space<vmem>>[vector<16xi32>, vector<16xi32>], vector<16xi32>, vector<16xi1>
    tpu.vector_store_idx %arg5[%sub3A_1228, %add3A_1231], %broadcast_in_dim3A_4 masked %and3A_1238 : memref<200x512xi32, #tpu.memory_space<vmem>>[vector<16xi32>, vector<16xi32>], vector<16xi32>, vector<16xi1>
    tpu.vector_store_idx %arg5[%sub3A_1243, %add3A_1246], %broadcast_in_dim3A_4 masked %and3A_1253 : memref<200x512xi32, #tpu.memory_space<vmem>>[vector<16xi32>, vector<16xi32>], vector<16xi32>, vector<16xi1>
    tpu.vector_store_idx %arg5[%sub3A_1258, %add3A_1261], %broadcast_in_dim3A_4 masked %and3A_1268 : memref<200x512xi32, #tpu.memory_space<vmem>>[vector<16xi32>, vector<16xi32>], vector<16xi32>, vector<16xi1>
    tpu.vector_store_idx %arg5[%sub3A_1273, %add3A_1276], %broadcast_in_dim3A_4 masked %and3A_1283 : memref<200x512xi32, #tpu.memory_space<vmem>>[vector<16xi32>, vector<16xi32>], vector<16xi32>, vector<16xi1>
    tpu.vector_store_idx %arg5[%sub3A_1288, %add3A_1291], %broadcast_in_dim3A_4 masked %and3A_1298 : memref<200x512xi32, #tpu.memory_space<vmem>>[vector<16xi32>, vector<16xi32>], vector<16xi32>, vector<16xi1>
    tpu.vector_store_idx %arg5[%sub3A_1303, %add3A_1306], %broadcast_in_dim3A_4 masked %and3A_1313 : memref<200x512xi32, #tpu.memory_space<vmem>>[vector<16xi32>, vector<16xi32>], vector<16xi32>, vector<16xi1>
    tpu.vector_store_idx %arg5[%sub3A_1318, %add3A_1321], %broadcast_in_dim3A_4 masked %and3A_1328 : memref<200x512xi32, #tpu.memory_space<vmem>>[vector<16xi32>, vector<16xi32>], vector<16xi32>, vector<16xi1>
    tpu.vector_store_idx %arg5[%sub3A_1333, %add3A_1336], %broadcast_in_dim3A_4 masked %and3A_1343 : memref<200x512xi32, #tpu.memory_space<vmem>>[vector<16xi32>, vector<16xi32>], vector<16xi32>, vector<16xi1>
    tpu.vector_store_idx %arg5[%sub3A_1348, %add3A_1351], %broadcast_in_dim3A_4 masked %and3A_1358 : memref<200x512xi32, #tpu.memory_space<vmem>>[vector<16xi32>, vector<16xi32>], vector<16xi32>, vector<16xi1>
    tpu.vector_store_idx %arg5[%sub3A_1363, %add3A_1366], %broadcast_in_dim3A_4 masked %and3A_1373 : memref<200x512xi32, #tpu.memory_space<vmem>>[vector<16xi32>, vector<16xi32>], vector<16xi32>, vector<16xi1>
    tpu.vector_store_idx %arg5[%sub3A_1378, %add3A_1381], %broadcast_in_dim3A_4 masked %and3A_1388 : memref<200x512xi32, #tpu.memory_space<vmem>>[vector<16xi32>, vector<16xi32>], vector<16xi32>, vector<16xi1>
    tpu.vector_store_idx %arg5[%sub3A_1393, %add3A_1396], %broadcast_in_dim3A_4 masked %and3A_1403 : memref<200x512xi32, #tpu.memory_space<vmem>>[vector<16xi32>, vector<16xi32>], vector<16xi32>, vector<16xi1>
    tpu.vector_store_idx %arg5[%sub3A_1408, %add3A_1411], %broadcast_in_dim3A_4 masked %and3A_1418 : memref<200x512xi32, #tpu.memory_space<vmem>>[vector<16xi32>, vector<16xi32>], vector<16xi32>, vector<16xi1>
    tpu.vector_store_idx %arg5[%sub3A_1423, %add3A_1426], %broadcast_in_dim3A_4 masked %and3A_1433 : memref<200x512xi32, #tpu.memory_space<vmem>>[vector<16xi32>, vector<16xi32>], vector<16xi32>, vector<16xi1>
    tpu.vector_store_idx %arg5[%sub3A_1438, %add3A_1441], %broadcast_in_dim3A_4 masked %and3A_1448 : memref<200x512xi32, #tpu.memory_space<vmem>>[vector<16xi32>, vector<16xi32>], vector<16xi32>, vector<16xi1>
    tpu.vector_store_idx %arg5[%sub3A_1453, %add3A_1456], %broadcast_in_dim3A_4 masked %and3A_1463 : memref<200x512xi32, #tpu.memory_space<vmem>>[vector<16xi32>, vector<16xi32>], vector<16xi32>, vector<16xi1>
    tpu.vector_store_idx %arg5[%sub3A_1468, %add3A_1471], %broadcast_in_dim3A_4 masked %and3A_1478 : memref<200x512xi32, #tpu.memory_space<vmem>>[vector<16xi32>, vector<16xi32>], vector<16xi32>, vector<16xi1>
    tpu.vector_store_idx %arg5[%sub3A_1483, %add3A_1486], %broadcast_in_dim3A_4 masked %and3A_1493 : memref<200x512xi32, #tpu.memory_space<vmem>>[vector<16xi32>, vector<16xi32>], vector<16xi32>, vector<16xi1>
    %get3A_1494 = arith.constant 0 : index
    %get3A_1495 = tpu.vector_load %arg4[%get3A_1494] {strides = array<i32>} : memref<512xi32, #tpu.memory_space<vmem>>, vector<16xi32>,
    %sub3A_1496 = arith.constant 400 : i32
    %sub3A_1497 = vector.broadcast %sub3A_1496 : i32 to vector<16xi32>
    %sub3A_1498 = arith.subi %get3A_1495, %sub3A_1497 : vector<16xi32>
    %add3A_1499 = arith.constant 0 : i32
    %add3A_1500 = vector.broadcast %add3A_1499 : i32 to vector<16xi32>
    %add3A_1501 = arith.addi %add3A_1500, %iota3A : vector<16xi32>
    %ge3A_1502 = arith.constant 400 : i32
    %ge3A_1503 = vector.broadcast %ge3A_1502 : i32 to vector<16xi32>
    %ge3A_1504 = arith.cmpi sge, %get3A_1495, %ge3A_1503 : vector<16xi32>
    %lt3A_1505 = arith.constant 600 : i32
    %lt3A_1506 = vector.broadcast %lt3A_1505 : i32 to vector<16xi32>
    %lt3A_1507 = arith.cmpi slt, %get3A_1495, %lt3A_1506 : vector<16xi32>
    %and3A_1508 = arith.andi %ge3A_1504, %lt3A_1507 : vector<16xi1>
    tpu.vector_store_idx %arg5[%sub3A_1498, %add3A_1501], %broadcast_in_dim3A_6 masked %and3A_1508 : memref<200x512xi32, #tpu.memory_space<vmem>>[vector<16xi32>, vector<16xi32>], vector<16xi32>, vector<16xi1>
    %get3A_1509 = arith.constant 16 : index
    %get3A_1510 = tpu.vector_load %arg4[%get3A_1509] {strides = array<i32>} : memref<512xi32, #tpu.memory_space<vmem>>, vector<16xi32>,
    %sub3A_1511 = arith.constant 400 : i32
    %sub3A_1512 = vector.broadcast %sub3A_1511 : i32 to vector<16xi32>
    %sub3A_1513 = arith.subi %get3A_1510, %sub3A_1512 : vector<16xi32>
    %add3A_1514 = arith.constant 16 : i32
    %add3A_1515 = vector.broadcast %add3A_1514 : i32 to vector<16xi32>
    %add3A_1516 = arith.addi %add3A_1515, %iota3A : vector<16xi32>
    %ge3A_1517 = arith.constant 400 : i32
    %ge3A_1518 = vector.broadcast %ge3A_1517 : i32 to vector<16xi32>
    %ge3A_1519 = arith.cmpi sge, %get3A_1510, %ge3A_1518 : vector<16xi32>
    %lt3A_1520 = arith.constant 600 : i32
    %lt3A_1521 = vector.broadcast %lt3A_1520 : i32 to vector<16xi32>
    %lt3A_1522 = arith.cmpi slt, %get3A_1510, %lt3A_1521 : vector<16xi32>
    %and3A_1523 = arith.andi %ge3A_1519, %lt3A_1522 : vector<16xi1>
    tpu.vector_store_idx %arg5[%sub3A_1513, %add3A_1516], %broadcast_in_dim3A_6 masked %and3A_1523 : memref<200x512xi32, #tpu.memory_space<vmem>>[vector<16xi32>, vector<16xi32>], vector<16xi32>, vector<16xi1>
    %get3A_1524 = arith.constant 32 : index
    %get3A_1525 = tpu.vector_load %arg4[%get3A_1524] {strides = array<i32>} : memref<512xi32, #tpu.memory_space<vmem>>, vector<16xi32>,
    %sub3A_1526 = arith.constant 400 : i32
    %sub3A_1527 = vector.broadcast %sub3A_1526 : i32 to vector<16xi32>
    %sub3A_1528 = arith.subi %get3A_1525, %sub3A_1527 : vector<16xi32>
    %add3A_1529 = arith.constant 32 : i32
    %add3A_1530 = vector.broadcast %add3A_1529 : i32 to vector<16xi32>
    %add3A_1531 = arith.addi %add3A_1530, %iota3A : vector<16xi32>
    %ge3A_1532 = arith.constant 400 : i32
    %ge3A_1533 = vector.broadcast %ge3A_1532 : i32 to vector<16xi32>
    %ge3A_1534 = arith.cmpi sge, %get3A_1525, %ge3A_1533 : vector<16xi32>
    %lt3A_1535 = arith.constant 600 : i32
    %lt3A_1536 = vector.broadcast %lt3A_1535 : i32 to vector<16xi32>
    %lt3A_1537 = arith.cmpi slt, %get3A_1525, %lt3A_1536 : vector<16xi32>
    %and3A_1538 = arith.andi %ge3A_1534, %lt3A_1537 : vector<16xi1>
    tpu.vector_store_idx %arg5[%sub3A_1528, %add3A_1531], %broadcast_in_dim3A_6 masked %and3A_1538 : memref<200x512xi32, #tpu.memory_space<vmem>>[vector<16xi32>, vector<16xi32>], vector<16xi32>, vector<16xi1>
    %get3A_1539 = arith.constant 48 : index
    %get3A_1540 = tpu.vector_load %arg4[%get3A_1539] {strides = array<i32>} : memref<512xi32, #tpu.memory_space<vmem>>, vector<16xi32>,
    %sub3A_1541 = arith.constant 400 : i32
    %sub3A_1542 = vector.broadcast %sub3A_1541 : i32 to vector<16xi32>
    %sub3A_1543 = arith.subi %get3A_1540, %sub3A_1542 : vector<16xi32>
    %add3A_1544 = arith.constant 48 : i32
    %add3A_1545 = vector.broadcast %add3A_1544 : i32 to vector<16xi32>
    %add3A_1546 = arith.addi %add3A_1545, %iota3A : vector<16xi32>
    %ge3A_1547 = arith.constant 400 : i32
    %ge3A_1548 = vector.broadcast %ge3A_1547 : i32 to vector<16xi32>
    %ge3A_1549 = arith.cmpi sge, %get3A_1540, %ge3A_1548 : vector<16xi32>
    %lt3A_1550 = arith.constant 600 : i32
    %lt3A_1551 = vector.broadcast %lt3A_1550 : i32 to vector<16xi32>
    %lt3A_1552 = arith.cmpi slt, %get3A_1540, %lt3A_1551 : vector<16xi32>
    %and3A_1553 = arith.andi %ge3A_1549, %lt3A_1552 : vector<16xi1>
    tpu.vector_store_idx %arg5[%sub3A_1543, %add3A_1546], %broadcast_in_dim3A_6 masked %and3A_1553 : memref<200x512xi32, #tpu.memory_space<vmem>>[vector<16xi32>, vector<16xi32>], vector<16xi32>, vector<16xi1>
    %get3A_1554 = arith.constant 64 : index
    %get3A_1555 = tpu.vector_load %arg4[%get3A_1554] {strides = array<i32>} : memref<512xi32, #tpu.memory_space<vmem>>, vector<16xi32>,
    %sub3A_1556 = arith.constant 400 : i32
    %sub3A_1557 = vector.broadcast %sub3A_1556 : i32 to vector<16xi32>
    %sub3A_1558 = arith.subi %get3A_1555, %sub3A_1557 : vector<16xi32>
    %add3A_1559 = arith.constant 64 : i32
    %add3A_1560 = vector.broadcast %add3A_1559 : i32 to vector<16xi32>
    %add3A_1561 = arith.addi %add3A_1560, %iota3A : vector<16xi32>
    %ge3A_1562 = arith.constant 400 : i32
    %ge3A_1563 = vector.broadcast %ge3A_1562 : i32 to vector<16xi32>
    %ge3A_1564 = arith.cmpi sge, %get3A_1555, %ge3A_1563 : vector<16xi32>
    %lt3A_1565 = arith.constant 600 : i32
    %lt3A_1566 = vector.broadcast %lt3A_1565 : i32 to vector<16xi32>
    %lt3A_1567 = arith.cmpi slt, %get3A_1555, %lt3A_1566 : vector<16xi32>
    %and3A_1568 = arith.andi %ge3A_1564, %lt3A_1567 : vector<16xi1>
    tpu.vector_store_idx %arg5[%sub3A_1558, %add3A_1561], %broadcast_in_dim3A_6 masked %and3A_1568 : memref<200x512xi32, #tpu.memory_space<vmem>>[vector<16xi32>, vector<16xi32>], vector<16xi32>, vector<16xi1>
    %get3A_1569 = arith.constant 80 : index
    %get3A_1570 = tpu.vector_load %arg4[%get3A_1569] {strides = array<i32>} : memref<512xi32, #tpu.memory_space<vmem>>, vector<16xi32>,
    %sub3A_1571 = arith.constant 400 : i32
    %sub3A_1572 = vector.broadcast %sub3A_1571 : i32 to vector<16xi32>
    %sub3A_1573 = arith.subi %get3A_1570, %sub3A_1572 : vector<16xi32>
    %add3A_1574 = arith.constant 80 : i32
    %add3A_1575 = vector.broadcast %add3A_1574 : i32 to vector<16xi32>
    %add3A_1576 = arith.addi %add3A_1575, %iota3A : vector<16xi32>
    %ge3A_1577 = arith.constant 400 : i32
    %ge3A_1578 = vector.broadcast %ge3A_1577 : i32 to vector<16xi32>
    %ge3A_1579 = arith.cmpi sge, %get3A_1570, %ge3A_1578 : vector<16xi32>
    %lt3A_1580 = arith.constant 600 : i32
    %lt3A_1581 = vector.broadcast %lt3A_1580 : i32 to vector<16xi32>
    %lt3A_1582 = arith.cmpi slt, %get3A_1570, %lt3A_1581 : vector<16xi32>
    %and3A_1583 = arith.andi %ge3A_1579, %lt3A_1582 : vector<16xi1>
    tpu.vector_store_idx %arg5[%sub3A_1573, %add3A_1576], %broadcast_in_dim3A_6 masked %and3A_1583 : memref<200x512xi32, #tpu.memory_space<vmem>>[vector<16xi32>, vector<16xi32>], vector<16xi32>, vector<16xi1>
    %get3A_1584 = arith.constant 96 : index
    %get3A_1585 = tpu.vector_load %arg4[%get3A_1584] {strides = array<i32>} : memref<512xi32, #tpu.memory_space<vmem>>, vector<16xi32>,
    %sub3A_1586 = arith.constant 400 : i32
    %sub3A_1587 = vector.broadcast %sub3A_1586 : i32 to vector<16xi32>
    %sub3A_1588 = arith.subi %get3A_1585, %sub3A_1587 : vector<16xi32>
    %add3A_1589 = arith.constant 96 : i32
    %add3A_1590 = vector.broadcast %add3A_1589 : i32 to vector<16xi32>
    %add3A_1591 = arith.addi %add3A_1590, %iota3A : vector<16xi32>
    %ge3A_1592 = arith.constant 400 : i32
    %ge3A_1593 = vector.broadcast %ge3A_1592 : i32 to vector<16xi32>
    %ge3A_1594 = arith.cmpi sge, %get3A_1585, %ge3A_1593 : vector<16xi32>
    %lt3A_1595 = arith.constant 600 : i32
    %lt3A_1596 = vector.broadcast %lt3A_1595 : i32 to vector<16xi32>
    %lt3A_1597 = arith.cmpi slt, %get3A_1585, %lt3A_1596 : vector<16xi32>
    %and3A_1598 = arith.andi %ge3A_1594, %lt3A_1597 : vector<16xi1>
    tpu.vector_store_idx %arg5[%sub3A_1588, %add3A_1591], %broadcast_in_dim3A_6 masked %and3A_1598 : memref<200x512xi32, #tpu.memory_space<vmem>>[vector<16xi32>, vector<16xi32>], vector<16xi32>, vector<16xi1>
    %get3A_1599 = arith.constant 112 : index
    %get3A_1600 = tpu.vector_load %arg4[%get3A_1599] {strides = array<i32>} : memref<512xi32, #tpu.memory_space<vmem>>, vector<16xi32>,
    %sub3A_1601 = arith.constant 400 : i32
    %sub3A_1602 = vector.broadcast %sub3A_1601 : i32 to vector<16xi32>
    %sub3A_1603 = arith.subi %get3A_1600, %sub3A_1602 : vector<16xi32>
    %add3A_1604 = arith.constant 112 : i32
    %add3A_1605 = vector.broadcast %add3A_1604 : i32 to vector<16xi32>
    %add3A_1606 = arith.addi %add3A_1605, %iota3A : vector<16xi32>
    %ge3A_1607 = arith.constant 400 : i32
    %ge3A_1608 = vector.broadcast %ge3A_1607 : i32 to vector<16xi32>
    %ge3A_1609 = arith.cmpi sge, %get3A_1600, %ge3A_1608 : vector<16xi32>
    %lt3A_1610 = arith.constant 600 : i32
    %lt3A_1611 = vector.broadcast %lt3A_1610 : i32 to vector<16xi32>
    %lt3A_1612 = arith.cmpi slt, %get3A_1600, %lt3A_1611 : vector<16xi32>
    %and3A_1613 = arith.andi %ge3A_1609, %lt3A_1612 : vector<16xi1>
    tpu.vector_store_idx %arg5[%sub3A_1603, %add3A_1606], %broadcast_in_dim3A_6 masked %and3A_1613 : memref<200x512xi32, #tpu.memory_space<vmem>>[vector<16xi32>, vector<16xi32>], vector<16xi32>, vector<16xi1>
    %get3A_1614 = arith.constant 128 : index
    %get3A_1615 = tpu.vector_load %arg4[%get3A_1614] {strides = array<i32>} : memref<512xi32, #tpu.memory_space<vmem>>, vector<16xi32>,
    %sub3A_1616 = arith.constant 400 : i32
    %sub3A_1617 = vector.broadcast %sub3A_1616 : i32 to vector<16xi32>
    %sub3A_1618 = arith.subi %get3A_1615, %sub3A_1617 : vector<16xi32>
    %add3A_1619 = arith.constant 128 : i32
    %add3A_1620 = vector.broadcast %add3A_1619 : i32 to vector<16xi32>
    %add3A_1621 = arith.addi %add3A_1620, %iota3A : vector<16xi32>
    %ge3A_1622 = arith.constant 400 : i32
    %ge3A_1623 = vector.broadcast %ge3A_1622 : i32 to vector<16xi32>
    %ge3A_1624 = arith.cmpi sge, %get3A_1615, %ge3A_1623 : vector<16xi32>
    %lt3A_1625 = arith.constant 600 : i32
    %lt3A_1626 = vector.broadcast %lt3A_1625 : i32 to vector<16xi32>
    %lt3A_1627 = arith.cmpi slt, %get3A_1615, %lt3A_1626 : vector<16xi32>
    %and3A_1628 = arith.andi %ge3A_1624, %lt3A_1627 : vector<16xi1>
    tpu.vector_store_idx %arg5[%sub3A_1618, %add3A_1621], %broadcast_in_dim3A_6 masked %and3A_1628 : memref<200x512xi32, #tpu.memory_space<vmem>>[vector<16xi32>, vector<16xi32>], vector<16xi32>, vector<16xi1>
    %get3A_1629 = arith.constant 144 : index
    %get3A_1630 = tpu.vector_load %arg4[%get3A_1629] {strides = array<i32>} : memref<512xi32, #tpu.memory_space<vmem>>, vector<16xi32>,
    %sub3A_1631 = arith.constant 400 : i32
    %sub3A_1632 = vector.broadcast %sub3A_1631 : i32 to vector<16xi32>
    %sub3A_1633 = arith.subi %get3A_1630, %sub3A_1632 : vector<16xi32>
    %add3A_1634 = arith.constant 144 : i32
    %add3A_1635 = vector.broadcast %add3A_1634 : i32 to vector<16xi32>
    %add3A_1636 = arith.addi %add3A_1635, %iota3A : vector<16xi32>
    %ge3A_1637 = arith.constant 400 : i32
    %ge3A_1638 = vector.broadcast %ge3A_1637 : i32 to vector<16xi32>
    %ge3A_1639 = arith.cmpi sge, %get3A_1630, %ge3A_1638 : vector<16xi32>
    %lt3A_1640 = arith.constant 600 : i32
    %lt3A_1641 = vector.broadcast %lt3A_1640 : i32 to vector<16xi32>
    %lt3A_1642 = arith.cmpi slt, %get3A_1630, %lt3A_1641 : vector<16xi32>
    %and3A_1643 = arith.andi %ge3A_1639, %lt3A_1642 : vector<16xi1>
    tpu.vector_store_idx %arg5[%sub3A_1633, %add3A_1636], %broadcast_in_dim3A_6 masked %and3A_1643 : memref<200x512xi32, #tpu.memory_space<vmem>>[vector<16xi32>, vector<16xi32>], vector<16xi32>, vector<16xi1>
    %get3A_1644 = arith.constant 160 : index
    %get3A_1645 = tpu.vector_load %arg4[%get3A_1644] {strides = array<i32>} : memref<512xi32, #tpu.memory_space<vmem>>, vector<16xi32>,
    %sub3A_1646 = arith.constant 400 : i32
    %sub3A_1647 = vector.broadcast %sub3A_1646 : i32 to vector<16xi32>
    %sub3A_1648 = arith.subi %get3A_1645, %sub3A_1647 : vector<16xi32>
    %add3A_1649 = arith.constant 160 : i32
    %add3A_1650 = vector.broadcast %add3A_1649 : i32 to vector<16xi32>
    %add3A_1651 = arith.addi %add3A_1650, %iota3A : vector<16xi32>
    %ge3A_1652 = arith.constant 400 : i32
    %ge3A_1653 = vector.broadcast %ge3A_1652 : i32 to vector<16xi32>
    %ge3A_1654 = arith.cmpi sge, %get3A_1645, %ge3A_1653 : vector<16xi32>
    %lt3A_1655 = arith.constant 600 : i32
    %lt3A_1656 = vector.broadcast %lt3A_1655 : i32 to vector<16xi32>
    %lt3A_1657 = arith.cmpi slt, %get3A_1645, %lt3A_1656 : vector<16xi32>
    %and3A_1658 = arith.andi %ge3A_1654, %lt3A_1657 : vector<16xi1>
    tpu.vector_store_idx %arg5[%sub3A_1648, %add3A_1651], %broadcast_in_dim3A_6 masked %and3A_1658 : memref<200x512xi32, #tpu.memory_space<vmem>>[vector<16xi32>, vector<16xi32>], vector<16xi32>, vector<16xi1>
    %get3A_1659 = arith.constant 176 : index
    %get3A_1660 = tpu.vector_load %arg4[%get3A_1659] {strides = array<i32>} : memref<512xi32, #tpu.memory_space<vmem>>, vector<16xi32>,
    %sub3A_1661 = arith.constant 400 : i32
    %sub3A_1662 = vector.broadcast %sub3A_1661 : i32 to vector<16xi32>
    %sub3A_1663 = arith.subi %get3A_1660, %sub3A_1662 : vector<16xi32>
    %add3A_1664 = arith.constant 176 : i32
    %add3A_1665 = vector.broadcast %add3A_1664 : i32 to vector<16xi32>
    %add3A_1666 = arith.addi %add3A_1665, %iota3A : vector<16xi32>
    %ge3A_1667 = arith.constant 400 : i32
    %ge3A_1668 = vector.broadcast %ge3A_1667 : i32 to vector<16xi32>
    %ge3A_1669 = arith.cmpi sge, %get3A_1660, %ge3A_1668 : vector<16xi32>
    %lt3A_1670 = arith.constant 600 : i32
    %lt3A_1671 = vector.broadcast %lt3A_1670 : i32 to vector<16xi32>
    %lt3A_1672 = arith.cmpi slt, %get3A_1660, %lt3A_1671 : vector<16xi32>
    %and3A_1673 = arith.andi %ge3A_1669, %lt3A_1672 : vector<16xi1>
    tpu.vector_store_idx %arg5[%sub3A_1663, %add3A_1666], %broadcast_in_dim3A_6 masked %and3A_1673 : memref<200x512xi32, #tpu.memory_space<vmem>>[vector<16xi32>, vector<16xi32>], vector<16xi32>, vector<16xi1>
    %get3A_1674 = arith.constant 192 : index
    %get3A_1675 = tpu.vector_load %arg4[%get3A_1674] {strides = array<i32>} : memref<512xi32, #tpu.memory_space<vmem>>, vector<16xi32>,
    %sub3A_1676 = arith.constant 400 : i32
    %sub3A_1677 = vector.broadcast %sub3A_1676 : i32 to vector<16xi32>
    %sub3A_1678 = arith.subi %get3A_1675, %sub3A_1677 : vector<16xi32>
    %add3A_1679 = arith.constant 192 : i32
    %add3A_1680 = vector.broadcast %add3A_1679 : i32 to vector<16xi32>
    %add3A_1681 = arith.addi %add3A_1680, %iota3A : vector<16xi32>
    %ge3A_1682 = arith.constant 400 : i32
    %ge3A_1683 = vector.broadcast %ge3A_1682 : i32 to vector<16xi32>
    %ge3A_1684 = arith.cmpi sge, %get3A_1675, %ge3A_1683 : vector<16xi32>
    %lt3A_1685 = arith.constant 600 : i32
    %lt3A_1686 = vector.broadcast %lt3A_1685 : i32 to vector<16xi32>
    %lt3A_1687 = arith.cmpi slt, %get3A_1675, %lt3A_1686 : vector<16xi32>
    %and3A_1688 = arith.andi %ge3A_1684, %lt3A_1687 : vector<16xi1>
    tpu.vector_store_idx %arg5[%sub3A_1678, %add3A_1681], %broadcast_in_dim3A_6 masked %and3A_1688 : memref<200x512xi32, #tpu.memory_space<vmem>>[vector<16xi32>, vector<16xi32>], vector<16xi32>, vector<16xi1>
    %get3A_1689 = arith.constant 208 : index
    %get3A_1690 = tpu.vector_load %arg4[%get3A_1689] {strides = array<i32>} : memref<512xi32, #tpu.memory_space<vmem>>, vector<16xi32>,
    %sub3A_1691 = arith.constant 400 : i32
    %sub3A_1692 = vector.broadcast %sub3A_1691 : i32 to vector<16xi32>
    %sub3A_1693 = arith.subi %get3A_1690, %sub3A_1692 : vector<16xi32>
    %add3A_1694 = arith.constant 208 : i32
    %add3A_1695 = vector.broadcast %add3A_1694 : i32 to vector<16xi32>
    %add3A_1696 = arith.addi %add3A_1695, %iota3A : vector<16xi32>
    %ge3A_1697 = arith.constant 400 : i32
    %ge3A_1698 = vector.broadcast %ge3A_1697 : i32 to vector<16xi32>
    %ge3A_1699 = arith.cmpi sge, %get3A_1690, %ge3A_1698 : vector<16xi32>
    %lt3A_1700 = arith.constant 600 : i32
    %lt3A_1701 = vector.broadcast %lt3A_1700 : i32 to vector<16xi32>
    %lt3A_1702 = arith.cmpi slt, %get3A_1690, %lt3A_1701 : vector<16xi32>
    %and3A_1703 = arith.andi %ge3A_1699, %lt3A_1702 : vector<16xi1>
    tpu.vector_store_idx %arg5[%sub3A_1693, %add3A_1696], %broadcast_in_dim3A_6 masked %and3A_1703 : memref<200x512xi32, #tpu.memory_space<vmem>>[vector<16xi32>, vector<16xi32>], vector<16xi32>, vector<16xi1>
    %get3A_1704 = arith.constant 224 : index
    %get3A_1705 = tpu.vector_load %arg4[%get3A_1704] {strides = array<i32>} : memref<512xi32, #tpu.memory_space<vmem>>, vector<16xi32>,
    %sub3A_1706 = arith.constant 400 : i32
    %sub3A_1707 = vector.broadcast %sub3A_1706 : i32 to vector<16xi32>
    %sub3A_1708 = arith.subi %get3A_1705, %sub3A_1707 : vector<16xi32>
    %add3A_1709 = arith.constant 224 : i32
    %add3A_1710 = vector.broadcast %add3A_1709 : i32 to vector<16xi32>
    %add3A_1711 = arith.addi %add3A_1710, %iota3A : vector<16xi32>
    %ge3A_1712 = arith.constant 400 : i32
    %ge3A_1713 = vector.broadcast %ge3A_1712 : i32 to vector<16xi32>
    %ge3A_1714 = arith.cmpi sge, %get3A_1705, %ge3A_1713 : vector<16xi32>
    %lt3A_1715 = arith.constant 600 : i32
    %lt3A_1716 = vector.broadcast %lt3A_1715 : i32 to vector<16xi32>
    %lt3A_1717 = arith.cmpi slt, %get3A_1705, %lt3A_1716 : vector<16xi32>
    %and3A_1718 = arith.andi %ge3A_1714, %lt3A_1717 : vector<16xi1>
    tpu.vector_store_idx %arg5[%sub3A_1708, %add3A_1711], %broadcast_in_dim3A_6 masked %and3A_1718 : memref<200x512xi32, #tpu.memory_space<vmem>>[vector<16xi32>, vector<16xi32>], vector<16xi32>, vector<16xi1>
    %get3A_1719 = arith.constant 240 : index
    %get3A_1720 = tpu.vector_load %arg4[%get3A_1719] {strides = array<i32>} : memref<512xi32, #tpu.memory_space<vmem>>, vector<16xi32>,
    %sub3A_1721 = arith.constant 400 : i32
    %sub3A_1722 = vector.broadcast %sub3A_1721 : i32 to vector<16xi32>
    %sub3A_1723 = arith.subi %get3A_1720, %sub3A_1722 : vector<16xi32>
    %add3A_1724 = arith.constant 240 : i32
    %add3A_1725 = vector.broadcast %add3A_1724 : i32 to vector<16xi32>
    %add3A_1726 = arith.addi %add3A_1725, %iota3A : vector<16xi32>
    %ge3A_1727 = arith.constant 400 : i32
    %ge3A_1728 = vector.broadcast %ge3A_1727 : i32 to vector<16xi32>
    %ge3A_1729 = arith.cmpi sge, %get3A_1720, %ge3A_1728 : vector<16xi32>
    %lt3A_1730 = arith.constant 600 : i32
    %lt3A_1731 = vector.broadcast %lt3A_1730 : i32 to vector<16xi32>
    %lt3A_1732 = arith.cmpi slt, %get3A_1720, %lt3A_1731 : vector<16xi32>
    %and3A_1733 = arith.andi %ge3A_1729, %lt3A_1732 : vector<16xi1>
    tpu.vector_store_idx %arg5[%sub3A_1723, %add3A_1726], %broadcast_in_dim3A_6 masked %and3A_1733 : memref<200x512xi32, #tpu.memory_space<vmem>>[vector<16xi32>, vector<16xi32>], vector<16xi32>, vector<16xi1>
    %get3A_1734 = arith.constant 256 : index
    %get3A_1735 = tpu.vector_load %arg4[%get3A_1734] {strides = array<i32>} : memref<512xi32, #tpu.memory_space<vmem>>, vector<16xi32>,
    %sub3A_1736 = arith.constant 400 : i32
    %sub3A_1737 = vector.broadcast %sub3A_1736 : i32 to vector<16xi32>
    %sub3A_1738 = arith.subi %get3A_1735, %sub3A_1737 : vector<16xi32>
    %add3A_1739 = arith.constant 256 : i32
    %add3A_1740 = vector.broadcast %add3A_1739 : i32 to vector<16xi32>
    %add3A_1741 = arith.addi %add3A_1740, %iota3A : vector<16xi32>
    %ge3A_1742 = arith.constant 400 : i32
    %ge3A_1743 = vector.broadcast %ge3A_1742 : i32 to vector<16xi32>
    %ge3A_1744 = arith.cmpi sge, %get3A_1735, %ge3A_1743 : vector<16xi32>
    %lt3A_1745 = arith.constant 600 : i32
    %lt3A_1746 = vector.broadcast %lt3A_1745 : i32 to vector<16xi32>
    %lt3A_1747 = arith.cmpi slt, %get3A_1735, %lt3A_1746 : vector<16xi32>
    %and3A_1748 = arith.andi %ge3A_1744, %lt3A_1747 : vector<16xi1>
    tpu.vector_store_idx %arg5[%sub3A_1738, %add3A_1741], %broadcast_in_dim3A_6 masked %and3A_1748 : memref<200x512xi32, #tpu.memory_space<vmem>>[vector<16xi32>, vector<16xi32>], vector<16xi32>, vector<16xi1>
    %get3A_1749 = arith.constant 272 : index
    %get3A_1750 = tpu.vector_load %arg4[%get3A_1749] {strides = array<i32>} : memref<512xi32, #tpu.memory_space<vmem>>, vector<16xi32>,
    %sub3A_1751 = arith.constant 400 : i32
    %sub3A_1752 = vector.broadcast %sub3A_1751 : i32 to vector<16xi32>
    %sub3A_1753 = arith.subi %get3A_1750, %sub3A_1752 : vector<16xi32>
    %add3A_1754 = arith.constant 272 : i32
    %add3A_1755 = vector.broadcast %add3A_1754 : i32 to vector<16xi32>
    %add3A_1756 = arith.addi %add3A_1755, %iota3A : vector<16xi32>
    %ge3A_1757 = arith.constant 400 : i32
    %ge3A_1758 = vector.broadcast %ge3A_1757 : i32 to vector<16xi32>
    %ge3A_1759 = arith.cmpi sge, %get3A_1750, %ge3A_1758 : vector<16xi32>
    %lt3A_1760 = arith.constant 600 : i32
    %lt3A_1761 = vector.broadcast %lt3A_1760 : i32 to vector<16xi32>
    %lt3A_1762 = arith.cmpi slt, %get3A_1750, %lt3A_1761 : vector<16xi32>
    %and3A_1763 = arith.andi %ge3A_1759, %lt3A_1762 : vector<16xi1>
    tpu.vector_store_idx %arg5[%sub3A_1753, %add3A_1756], %broadcast_in_dim3A_6 masked %and3A_1763 : memref<200x512xi32, #tpu.memory_space<vmem>>[vector<16xi32>, vector<16xi32>], vector<16xi32>, vector<16xi1>
    %get3A_1764 = arith.constant 288 : index
    %get3A_1765 = tpu.vector_load %arg4[%get3A_1764] {strides = array<i32>} : memref<512xi32, #tpu.memory_space<vmem>>, vector<16xi32>,
    %sub3A_1766 = arith.constant 400 : i32
    %sub3A_1767 = vector.broadcast %sub3A_1766 : i32 to vector<16xi32>
    %sub3A_1768 = arith.subi %get3A_1765, %sub3A_1767 : vector<16xi32>
    %add3A_1769 = arith.constant 288 : i32
    %add3A_1770 = vector.broadcast %add3A_1769 : i32 to vector<16xi32>
    %add3A_1771 = arith.addi %add3A_1770, %iota3A : vector<16xi32>
    %ge3A_1772 = arith.constant 400 : i32
    %ge3A_1773 = vector.broadcast %ge3A_1772 : i32 to vector<16xi32>
    %ge3A_1774 = arith.cmpi sge, %get3A_1765, %ge3A_1773 : vector<16xi32>
    %lt3A_1775 = arith.constant 600 : i32
    %lt3A_1776 = vector.broadcast %lt3A_1775 : i32 to vector<16xi32>
    %lt3A_1777 = arith.cmpi slt, %get3A_1765, %lt3A_1776 : vector<16xi32>
    %and3A_1778 = arith.andi %ge3A_1774, %lt3A_1777 : vector<16xi1>
    tpu.vector_store_idx %arg5[%sub3A_1768, %add3A_1771], %broadcast_in_dim3A_6 masked %and3A_1778 : memref<200x512xi32, #tpu.memory_space<vmem>>[vector<16xi32>, vector<16xi32>], vector<16xi32>, vector<16xi1>
    %get3A_1779 = arith.constant 304 : index
    %get3A_1780 = tpu.vector_load %arg4[%get3A_1779] {strides = array<i32>} : memref<512xi32, #tpu.memory_space<vmem>>, vector<16xi32>,
    %sub3A_1781 = arith.constant 400 : i32
    %sub3A_1782 = vector.broadcast %sub3A_1781 : i32 to vector<16xi32>
    %sub3A_1783 = arith.subi %get3A_1780, %sub3A_1782 : vector<16xi32>
    %add3A_1784 = arith.constant 304 : i32
    %add3A_1785 = vector.broadcast %add3A_1784 : i32 to vector<16xi32>
    %add3A_1786 = arith.addi %add3A_1785, %iota3A : vector<16xi32>
    %ge3A_1787 = arith.constant 400 : i32
    %ge3A_1788 = vector.broadcast %ge3A_1787 : i32 to vector<16xi32>
    %ge3A_1789 = arith.cmpi sge, %get3A_1780, %ge3A_1788 : vector<16xi32>
    %lt3A_1790 = arith.constant 600 : i32
    %lt3A_1791 = vector.broadcast %lt3A_1790 : i32 to vector<16xi32>
    %lt3A_1792 = arith.cmpi slt, %get3A_1780, %lt3A_1791 : vector<16xi32>
    %and3A_1793 = arith.andi %ge3A_1789, %lt3A_1792 : vector<16xi1>
    tpu.vector_store_idx %arg5[%sub3A_1783, %add3A_1786], %broadcast_in_dim3A_6 masked %and3A_1793 : memref<200x512xi32, #tpu.memory_space<vmem>>[vector<16xi32>, vector<16xi32>], vector<16xi32>, vector<16xi1>
    %get3A_1794 = arith.constant 320 : index
    %get3A_1795 = tpu.vector_load %arg4[%get3A_1794] {strides = array<i32>} : memref<512xi32, #tpu.memory_space<vmem>>, vector<16xi32>,
    %sub3A_1796 = arith.constant 400 : i32
    %sub3A_1797 = vector.broadcast %sub3A_1796 : i32 to vector<16xi32>
    %sub3A_1798 = arith.subi %get3A_1795, %sub3A_1797 : vector<16xi32>
    %add3A_1799 = arith.constant 320 : i32
    %add3A_1800 = vector.broadcast %add3A_1799 : i32 to vector<16xi32>
    %add3A_1801 = arith.addi %add3A_1800, %iota3A : vector<16xi32>
    %ge3A_1802 = arith.constant 400 : i32
    %ge3A_1803 = vector.broadcast %ge3A_1802 : i32 to vector<16xi32>
    %ge3A_1804 = arith.cmpi sge, %get3A_1795, %ge3A_1803 : vector<16xi32>
    %lt3A_1805 = arith.constant 600 : i32
    %lt3A_1806 = vector.broadcast %lt3A_1805 : i32 to vector<16xi32>
    %lt3A_1807 = arith.cmpi slt, %get3A_1795, %lt3A_1806 : vector<16xi32>
    %and3A_1808 = arith.andi %ge3A_1804, %lt3A_1807 : vector<16xi1>
    tpu.vector_store_idx %arg5[%sub3A_1798, %add3A_1801], %broadcast_in_dim3A_6 masked %and3A_1808 : memref<200x512xi32, #tpu.memory_space<vmem>>[vector<16xi32>, vector<16xi32>], vector<16xi32>, vector<16xi1>
    %get3A_1809 = arith.constant 336 : index
    %get3A_1810 = tpu.vector_load %arg4[%get3A_1809] {strides = array<i32>} : memref<512xi32, #tpu.memory_space<vmem>>, vector<16xi32>,
    %sub3A_1811 = arith.constant 400 : i32
    %sub3A_1812 = vector.broadcast %sub3A_1811 : i32 to vector<16xi32>
    %sub3A_1813 = arith.subi %get3A_1810, %sub3A_1812 : vector<16xi32>
    %add3A_1814 = arith.constant 336 : i32
    %add3A_1815 = vector.broadcast %add3A_1814 : i32 to vector<16xi32>
    %add3A_1816 = arith.addi %add3A_1815, %iota3A : vector<16xi32>
    %ge3A_1817 = arith.constant 400 : i32
    %ge3A_1818 = vector.broadcast %ge3A_1817 : i32 to vector<16xi32>
    %ge3A_1819 = arith.cmpi sge, %get3A_1810, %ge3A_1818 : vector<16xi32>
    %lt3A_1820 = arith.constant 600 : i32
    %lt3A_1821 = vector.broadcast %lt3A_1820 : i32 to vector<16xi32>
    %lt3A_1822 = arith.cmpi slt, %get3A_1810, %lt3A_1821 : vector<16xi32>
    %and3A_1823 = arith.andi %ge3A_1819, %lt3A_1822 : vector<16xi1>
    tpu.vector_store_idx %arg5[%sub3A_1813, %add3A_1816], %broadcast_in_dim3A_6 masked %and3A_1823 : memref<200x512xi32, #tpu.memory_space<vmem>>[vector<16xi32>, vector<16xi32>], vector<16xi32>, vector<16xi1>
    %get3A_1824 = arith.constant 352 : index
    %get3A_1825 = tpu.vector_load %arg4[%get3A_1824] {strides = array<i32>} : memref<512xi32, #tpu.memory_space<vmem>>, vector<16xi32>,
    %sub3A_1826 = arith.constant 400 : i32
    %sub3A_1827 = vector.broadcast %sub3A_1826 : i32 to vector<16xi32>
    %sub3A_1828 = arith.subi %get3A_1825, %sub3A_1827 : vector<16xi32>
    %add3A_1829 = arith.constant 352 : i32
    %add3A_1830 = vector.broadcast %add3A_1829 : i32 to vector<16xi32>
    %add3A_1831 = arith.addi %add3A_1830, %iota3A : vector<16xi32>
    %ge3A_1832 = arith.constant 400 : i32
    %ge3A_1833 = vector.broadcast %ge3A_1832 : i32 to vector<16xi32>
    %ge3A_1834 = arith.cmpi sge, %get3A_1825, %ge3A_1833 : vector<16xi32>
    %lt3A_1835 = arith.constant 600 : i32
    %lt3A_1836 = vector.broadcast %lt3A_1835 : i32 to vector<16xi32>
    %lt3A_1837 = arith.cmpi slt, %get3A_1825, %lt3A_1836 : vector<16xi32>
    %and3A_1838 = arith.andi %ge3A_1834, %lt3A_1837 : vector<16xi1>
    tpu.vector_store_idx %arg5[%sub3A_1828, %add3A_1831], %broadcast_in_dim3A_6 masked %and3A_1838 : memref<200x512xi32, #tpu.memory_space<vmem>>[vector<16xi32>, vector<16xi32>], vector<16xi32>, vector<16xi1>
    %get3A_1839 = arith.constant 368 : index
    %get3A_1840 = tpu.vector_load %arg4[%get3A_1839] {strides = array<i32>} : memref<512xi32, #tpu.memory_space<vmem>>, vector<16xi32>,
    %sub3A_1841 = arith.constant 400 : i32
    %sub3A_1842 = vector.broadcast %sub3A_1841 : i32 to vector<16xi32>
    %sub3A_1843 = arith.subi %get3A_1840, %sub3A_1842 : vector<16xi32>
    %add3A_1844 = arith.constant 368 : i32
    %add3A_1845 = vector.broadcast %add3A_1844 : i32 to vector<16xi32>
    %add3A_1846 = arith.addi %add3A_1845, %iota3A : vector<16xi32>
    %ge3A_1847 = arith.constant 400 : i32
    %ge3A_1848 = vector.broadcast %ge3A_1847 : i32 to vector<16xi32>
    %ge3A_1849 = arith.cmpi sge, %get3A_1840, %ge3A_1848 : vector<16xi32>
    %lt3A_1850 = arith.constant 600 : i32
    %lt3A_1851 = vector.broadcast %lt3A_1850 : i32 to vector<16xi32>
    %lt3A_1852 = arith.cmpi slt, %get3A_1840, %lt3A_1851 : vector<16xi32>
    %and3A_1853 = arith.andi %ge3A_1849, %lt3A_1852 : vector<16xi1>
    tpu.vector_store_idx %arg5[%sub3A_1843, %add3A_1846], %broadcast_in_dim3A_6 masked %and3A_1853 : memref<200x512xi32, #tpu.memory_space<vmem>>[vector<16xi32>, vector<16xi32>], vector<16xi32>, vector<16xi1>
    %get3A_1854 = arith.constant 384 : index
    %get3A_1855 = tpu.vector_load %arg4[%get3A_1854] {strides = array<i32>} : memref<512xi32, #tpu.memory_space<vmem>>, vector<16xi32>,
    %sub3A_1856 = arith.constant 400 : i32
    %sub3A_1857 = vector.broadcast %sub3A_1856 : i32 to vector<16xi32>
    %sub3A_1858 = arith.subi %get3A_1855, %sub3A_1857 : vector<16xi32>
    %add3A_1859 = arith.constant 384 : i32
    %add3A_1860 = vector.broadcast %add3A_1859 : i32 to vector<16xi32>
    %add3A_1861 = arith.addi %add3A_1860, %iota3A : vector<16xi32>
    %ge3A_1862 = arith.constant 400 : i32
    %ge3A_1863 = vector.broadcast %ge3A_1862 : i32 to vector<16xi32>
    %ge3A_1864 = arith.cmpi sge, %get3A_1855, %ge3A_1863 : vector<16xi32>
    %lt3A_1865 = arith.constant 600 : i32
    %lt3A_1866 = vector.broadcast %lt3A_1865 : i32 to vector<16xi32>
    %lt3A_1867 = arith.cmpi slt, %get3A_1855, %lt3A_1866 : vector<16xi32>
    %and3A_1868 = arith.andi %ge3A_1864, %lt3A_1867 : vector<16xi1>
    tpu.vector_store_idx %arg5[%sub3A_1858, %add3A_1861], %broadcast_in_dim3A_6 masked %and3A_1868 : memref<200x512xi32, #tpu.memory_space<vmem>>[vector<16xi32>, vector<16xi32>], vector<16xi32>, vector<16xi1>
    %get3A_1869 = arith.constant 400 : index
    %get3A_1870 = tpu.vector_load %arg4[%get3A_1869] {strides = array<i32>} : memref<512xi32, #tpu.memory_space<vmem>>, vector<16xi32>,
    %sub3A_1871 = arith.constant 400 : i32
    %sub3A_1872 = vector.broadcast %sub3A_1871 : i32 to vector<16xi32>
    %sub3A_1873 = arith.subi %get3A_1870, %sub3A_1872 : vector<16xi32>
    %add3A_1874 = arith.constant 400 : i32
    %add3A_1875 = vector.broadcast %add3A_1874 : i32 to vector<16xi32>
    %add3A_1876 = arith.addi %add3A_1875, %iota3A : vector<16xi32>
    %ge3A_1877 = arith.constant 400 : i32
    %ge3A_1878 = vector.broadcast %ge3A_1877 : i32 to vector<16xi32>
    %ge3A_1879 = arith.cmpi sge, %get3A_1870, %ge3A_1878 : vector<16xi32>
    %lt3A_1880 = arith.constant 600 : i32
    %lt3A_1881 = vector.broadcast %lt3A_1880 : i32 to vector<16xi32>
    %lt3A_1882 = arith.cmpi slt, %get3A_1870, %lt3A_1881 : vector<16xi32>
    %and3A_1883 = arith.andi %ge3A_1879, %lt3A_1882 : vector<16xi1>
    tpu.vector_store_idx %arg5[%sub3A_1873, %add3A_1876], %broadcast_in_dim3A_6 masked %and3A_1883 : memref<200x512xi32, #tpu.memory_space<vmem>>[vector<16xi32>, vector<16xi32>], vector<16xi32>, vector<16xi1>
    %get3A_1884 = arith.constant 416 : index
    %get3A_1885 = tpu.vector_load %arg4[%get3A_1884] {strides = array<i32>} : memref<512xi32, #tpu.memory_space<vmem>>, vector<16xi32>,
    %sub3A_1886 = arith.constant 400 : i32
    %sub3A_1887 = vector.broadcast %sub3A_1886 : i32 to vector<16xi32>
    %sub3A_1888 = arith.subi %get3A_1885, %sub3A_1887 : vector<16xi32>
    %add3A_1889 = arith.constant 416 : i32
    %add3A_1890 = vector.broadcast %add3A_1889 : i32 to vector<16xi32>
    %add3A_1891 = arith.addi %add3A_1890, %iota3A : vector<16xi32>
    %ge3A_1892 = arith.constant 400 : i32
    %ge3A_1893 = vector.broadcast %ge3A_1892 : i32 to vector<16xi32>
    %ge3A_1894 = arith.cmpi sge, %get3A_1885, %ge3A_1893 : vector<16xi32>
    %lt3A_1895 = arith.constant 600 : i32
    %lt3A_1896 = vector.broadcast %lt3A_1895 : i32 to vector<16xi32>
    %lt3A_1897 = arith.cmpi slt, %get3A_1885, %lt3A_1896 : vector<16xi32>
    %and3A_1898 = arith.andi %ge3A_1894, %lt3A_1897 : vector<16xi1>
    tpu.vector_store_idx %arg5[%sub3A_1888, %add3A_1891], %broadcast_in_dim3A_6 masked %and3A_1898 : memref<200x512xi32, #tpu.memory_space<vmem>>[vector<16xi32>, vector<16xi32>], vector<16xi32>, vector<16xi1>
    %get3A_1899 = arith.constant 432 : index
    %get3A_1900 = tpu.vector_load %arg4[%get3A_1899] {strides = array<i32>} : memref<512xi32, #tpu.memory_space<vmem>>, vector<16xi32>,
    %sub3A_1901 = arith.constant 400 : i32
    %sub3A_1902 = vector.broadcast %sub3A_1901 : i32 to vector<16xi32>
    %sub3A_1903 = arith.subi %get3A_1900, %sub3A_1902 : vector<16xi32>
    %add3A_1904 = arith.constant 432 : i32
    %add3A_1905 = vector.broadcast %add3A_1904 : i32 to vector<16xi32>
    %add3A_1906 = arith.addi %add3A_1905, %iota3A : vector<16xi32>
    %ge3A_1907 = arith.constant 400 : i32
    %ge3A_1908 = vector.broadcast %ge3A_1907 : i32 to vector<16xi32>
    %ge3A_1909 = arith.cmpi sge, %get3A_1900, %ge3A_1908 : vector<16xi32>
    %lt3A_1910 = arith.constant 600 : i32
    %lt3A_1911 = vector.broadcast %lt3A_1910 : i32 to vector<16xi32>
    %lt3A_1912 = arith.cmpi slt, %get3A_1900, %lt3A_1911 : vector<16xi32>
    %and3A_1913 = arith.andi %ge3A_1909, %lt3A_1912 : vector<16xi1>
    tpu.vector_store_idx %arg5[%sub3A_1903, %add3A_1906], %broadcast_in_dim3A_6 masked %and3A_1913 : memref<200x512xi32, #tpu.memory_space<vmem>>[vector<16xi32>, vector<16xi32>], vector<16xi32>, vector<16xi1>
    %get3A_1914 = arith.constant 448 : index
    %get3A_1915 = tpu.vector_load %arg4[%get3A_1914] {strides = array<i32>} : memref<512xi32, #tpu.memory_space<vmem>>, vector<16xi32>,
    %sub3A_1916 = arith.constant 400 : i32
    %sub3A_1917 = vector.broadcast %sub3A_1916 : i32 to vector<16xi32>
    %sub3A_1918 = arith.subi %get3A_1915, %sub3A_1917 : vector<16xi32>
    %add3A_1919 = arith.constant 448 : i32
    %add3A_1920 = vector.broadcast %add3A_1919 : i32 to vector<16xi32>
    %add3A_1921 = arith.addi %add3A_1920, %iota3A : vector<16xi32>
    %ge3A_1922 = arith.constant 400 : i32
    %ge3A_1923 = vector.broadcast %ge3A_1922 : i32 to vector<16xi32>
    %ge3A_1924 = arith.cmpi sge, %get3A_1915, %ge3A_1923 : vector<16xi32>
    %lt3A_1925 = arith.constant 600 : i32
    %lt3A_1926 = vector.broadcast %lt3A_1925 : i32 to vector<16xi32>
    %lt3A_1927 = arith.cmpi slt, %get3A_1915, %lt3A_1926 : vector<16xi32>
    %and3A_1928 = arith.andi %ge3A_1924, %lt3A_1927 : vector<16xi1>
    tpu.vector_store_idx %arg5[%sub3A_1918, %add3A_1921], %broadcast_in_dim3A_6 masked %and3A_1928 : memref<200x512xi32, #tpu.memory_space<vmem>>[vector<16xi32>, vector<16xi32>], vector<16xi32>, vector<16xi1>
    %get3A_1929 = arith.constant 464 : index
    %get3A_1930 = tpu.vector_load %arg4[%get3A_1929] {strides = array<i32>} : memref<512xi32, #tpu.memory_space<vmem>>, vector<16xi32>,
    %sub3A_1931 = arith.constant 400 : i32
    %sub3A_1932 = vector.broadcast %sub3A_1931 : i32 to vector<16xi32>
    %sub3A_1933 = arith.subi %get3A_1930, %sub3A_1932 : vector<16xi32>
    %add3A_1934 = arith.constant 464 : i32
    %add3A_1935 = vector.broadcast %add3A_1934 : i32 to vector<16xi32>
    %add3A_1936 = arith.addi %add3A_1935, %iota3A : vector<16xi32>
    %ge3A_1937 = arith.constant 400 : i32
    %ge3A_1938 = vector.broadcast %ge3A_1937 : i32 to vector<16xi32>
    %ge3A_1939 = arith.cmpi sge, %get3A_1930, %ge3A_1938 : vector<16xi32>
    %lt3A_1940 = arith.constant 600 : i32
    %lt3A_1941 = vector.broadcast %lt3A_1940 : i32 to vector<16xi32>
    %lt3A_1942 = arith.cmpi slt, %get3A_1930, %lt3A_1941 : vector<16xi32>
    %and3A_1943 = arith.andi %ge3A_1939, %lt3A_1942 : vector<16xi1>
    tpu.vector_store_idx %arg5[%sub3A_1933, %add3A_1936], %broadcast_in_dim3A_6 masked %and3A_1943 : memref<200x512xi32, #tpu.memory_space<vmem>>[vector<16xi32>, vector<16xi32>], vector<16xi32>, vector<16xi1>
    %get3A_1944 = arith.constant 480 : index
    %get3A_1945 = tpu.vector_load %arg4[%get3A_1944] {strides = array<i32>} : memref<512xi32, #tpu.memory_space<vmem>>, vector<16xi32>,
    %sub3A_1946 = arith.constant 400 : i32
    %sub3A_1947 = vector.broadcast %sub3A_1946 : i32 to vector<16xi32>
    %sub3A_1948 = arith.subi %get3A_1945, %sub3A_1947 : vector<16xi32>
    %add3A_1949 = arith.constant 480 : i32
    %add3A_1950 = vector.broadcast %add3A_1949 : i32 to vector<16xi32>
    %add3A_1951 = arith.addi %add3A_1950, %iota3A : vector<16xi32>
    %ge3A_1952 = arith.constant 400 : i32
    %ge3A_1953 = vector.broadcast %ge3A_1952 : i32 to vector<16xi32>
    %ge3A_1954 = arith.cmpi sge, %get3A_1945, %ge3A_1953 : vector<16xi32>
    %lt3A_1955 = arith.constant 600 : i32
    %lt3A_1956 = vector.broadcast %lt3A_1955 : i32 to vector<16xi32>
    %lt3A_1957 = arith.cmpi slt, %get3A_1945, %lt3A_1956 : vector<16xi32>
    %and3A_1958 = arith.andi %ge3A_1954, %lt3A_1957 : vector<16xi1>
    tpu.vector_store_idx %arg5[%sub3A_1948, %add3A_1951], %broadcast_in_dim3A_6 masked %and3A_1958 : memref<200x512xi32, #tpu.memory_space<vmem>>[vector<16xi32>, vector<16xi32>], vector<16xi32>, vector<16xi1>
    %get3A_1959 = arith.constant 496 : index
    %get3A_1960 = tpu.vector_load %arg4[%get3A_1959] {strides = array<i32>} : memref<512xi32, #tpu.memory_space<vmem>>, vector<16xi32>,
    %sub3A_1961 = arith.constant 400 : i32
    %sub3A_1962 = vector.broadcast %sub3A_1961 : i32 to vector<16xi32>
    %sub3A_1963 = arith.subi %get3A_1960, %sub3A_1962 : vector<16xi32>
    %add3A_1964 = arith.constant 496 : i32
    %add3A_1965 = vector.broadcast %add3A_1964 : i32 to vector<16xi32>
    %add3A_1966 = arith.addi %add3A_1965, %iota3A : vector<16xi32>
    %ge3A_1967 = arith.constant 400 : i32
    %ge3A_1968 = vector.broadcast %ge3A_1967 : i32 to vector<16xi32>
    %ge3A_1969 = arith.cmpi sge, %get3A_1960, %ge3A_1968 : vector<16xi32>
    %lt3A_1970 = arith.constant 600 : i32
    %lt3A_1971 = vector.broadcast %lt3A_1970 : i32 to vector<16xi32>
    %lt3A_1972 = arith.cmpi slt, %get3A_1960, %lt3A_1971 : vector<16xi32>
    %and3A_1973 = arith.andi %ge3A_1969, %lt3A_1972 : vector<16xi1>
    tpu.vector_store_idx %arg5[%sub3A_1963, %add3A_1966], %broadcast_in_dim3A_6 masked %and3A_1973 : memref<200x512xi32, #tpu.memory_space<vmem>>[vector<16xi32>, vector<16xi32>], vector<16xi32>, vector<16xi1>
    "tpu.region"() ({
      %run_scoped3A = tpu.sem_alloc : memref<!tpu.dma_semaphore, #tpu.memory_space<semaphore_mem>>
      %dma_start3A_2934 = arith.constant 400 : i32
      %dma_start3A_2935 = tpu.memref_slice %arg3[%dma_start3A_2934, %mul3A_2] : memref<1000x16384xi32, #tpu.memory_space<hbm>> -> memref<200x512xi32, #tpu.memory_space<hbm>>
      %dma_start3A_2936 = arith.constant 400 : i32
      %dma_start3A_2937 = tpu.memref_slice %arg3[%dma_start3A_2936, %mul3A_2] : memref<1000x16384xi32, #tpu.memory_space<hbm>> -> memref<200x512xi32, #tpu.memory_space<hbm>>
      tpu.enqueue_dma source(%arg5 : memref<200x512xi32, #tpu.memory_space<vmem>>) target(%dma_start3A_2937 : memref<200x512xi32, #tpu.memory_space<hbm>>) target_semaphore(%run_scoped3A : memref<!tpu.dma_semaphore, #tpu.memory_space<semaphore_mem>>)
      %dma_wait3A_2938 = arith.constant 400 : i32
      %dma_wait3A_2939 = tpu.memref_slice %arg3[%dma_wait3A_2938, %mul3A_2] : memref<1000x16384xi32, #tpu.memory_space<hbm>> -> memref<200x512xi32, #tpu.memory_space<hbm>>
      %dma_wait3A_2940 = arith.constant 400 : i32
      %dma_wait3A_2941 = tpu.memref_slice %arg3[%dma_wait3A_2940, %mul3A_2] : memref<1000x16384xi32, #tpu.memory_space<hbm>> -> memref<200x512xi32, #tpu.memory_space<hbm>>
      tpu.wait_dma2 semaphore(%run_scoped3A : memref<!tpu.dma_semaphore, #tpu.memory_space<semaphore_mem>>) src(%arg5 : memref<200x512xi32, #tpu.memory_space<vmem>>) dst(%dma_wait3A_2941 : memref<200x512xi32, #tpu.memory_space<hbm>>)
      tpu.yield
    }) : () -> ()
    tpu.vector_store_idx %arg5[%sub3A_1498, %add3A_1501], %broadcast_in_dim3A_4 masked %and3A_1508 : memref<200x512xi32, #tpu.memory_space<vmem>>[vector<16xi32>, vector<16xi32>], vector<16xi32>, vector<16xi1>
    tpu.vector_store_idx %arg5[%sub3A_1513, %add3A_1516], %broadcast_in_dim3A_4 masked %and3A_1523 : memref<200x512xi32, #tpu.memory_space<vmem>>[vector<16xi32>, vector<16xi32>], vector<16xi32>, vector<16xi1>
    tpu.vector_store_idx %arg5[%sub3A_1528, %add3A_1531], %broadcast_in_dim3A_4 masked %and3A_1538 : memref<200x512xi32, #tpu.memory_space<vmem>>[vector<16xi32>, vector<16xi32>], vector<16xi32>, vector<16xi1>
    tpu.vector_store_idx %arg5[%sub3A_1543, %add3A_1546], %broadcast_in_dim3A_4 masked %and3A_1553 : memref<200x512xi32, #tpu.memory_space<vmem>>[vector<16xi32>, vector<16xi32>], vector<16xi32>, vector<16xi1>
    tpu.vector_store_idx %arg5[%sub3A_1558, %add3A_1561], %broadcast_in_dim3A_4 masked %and3A_1568 : memref<200x512xi32, #tpu.memory_space<vmem>>[vector<16xi32>, vector<16xi32>], vector<16xi32>, vector<16xi1>
    tpu.vector_store_idx %arg5[%sub3A_1573, %add3A_1576], %broadcast_in_dim3A_4 masked %and3A_1583 : memref<200x512xi32, #tpu.memory_space<vmem>>[vector<16xi32>, vector<16xi32>], vector<16xi32>, vector<16xi1>
    tpu.vector_store_idx %arg5[%sub3A_1588, %add3A_1591], %broadcast_in_dim3A_4 masked %and3A_1598 : memref<200x512xi32, #tpu.memory_space<vmem>>[vector<16xi32>, vector<16xi32>], vector<16xi32>, vector<16xi1>
    tpu.vector_store_idx %arg5[%sub3A_1603, %add3A_1606], %broadcast_in_dim3A_4 masked %and3A_1613 : memref<200x512xi32, #tpu.memory_space<vmem>>[vector<16xi32>, vector<16xi32>], vector<16xi32>, vector<16xi1>
    tpu.vector_store_idx %arg5[%sub3A_1618, %add3A_1621], %broadcast_in_dim3A_4 masked %and3A_1628 : memref<200x512xi32, #tpu.memory_space<vmem>>[vector<16xi32>, vector<16xi32>], vector<16xi32>, vector<16xi1>
    tpu.vector_store_idx %arg5[%sub3A_1633, %add3A_1636], %broadcast_in_dim3A_4 masked %and3A_1643 : memref<200x512xi32, #tpu.memory_space<vmem>>[vector<16xi32>, vector<16xi32>], vector<16xi32>, vector<16xi1>
    tpu.vector_store_idx %arg5[%sub3A_1648, %add3A_1651], %broadcast_in_dim3A_4 masked %and3A_1658 : memref<200x512xi32, #tpu.memory_space<vmem>>[vector<16xi32>, vector<16xi32>], vector<16xi32>, vector<16xi1>
    tpu.vector_store_idx %arg5[%sub3A_1663, %add3A_1666], %broadcast_in_dim3A_4 masked %and3A_1673 : memref<200x512xi32, #tpu.memory_space<vmem>>[vector<16xi32>, vector<16xi32>], vector<16xi32>, vector<16xi1>
    tpu.vector_store_idx %arg5[%sub3A_1678, %add3A_1681], %broadcast_in_dim3A_4 masked %and3A_1688 : memref<200x512xi32, #tpu.memory_space<vmem>>[vector<16xi32>, vector<16xi32>], vector<16xi32>, vector<16xi1>
    tpu.vector_store_idx %arg5[%sub3A_1693, %add3A_1696], %broadcast_in_dim3A_4 masked %and3A_1703 : memref<200x512xi32, #tpu.memory_space<vmem>>[vector<16xi32>, vector<16xi32>], vector<16xi32>, vector<16xi1>
    tpu.vector_store_idx %arg5[%sub3A_1708, %add3A_1711], %broadcast_in_dim3A_4 masked %and3A_1718 : memref<200x512xi32, #tpu.memory_space<vmem>>[vector<16xi32>, vector<16xi32>], vector<16xi32>, vector<16xi1>
    tpu.vector_store_idx %arg5[%sub3A_1723, %add3A_1726], %broadcast_in_dim3A_4 masked %and3A_1733 : memref<200x512xi32, #tpu.memory_space<vmem>>[vector<16xi32>, vector<16xi32>], vector<16xi32>, vector<16xi1>
    tpu.vector_store_idx %arg5[%sub3A_1738, %add3A_1741], %broadcast_in_dim3A_4 masked %and3A_1748 : memref<200x512xi32, #tpu.memory_space<vmem>>[vector<16xi32>, vector<16xi32>], vector<16xi32>, vector<16xi1>
    tpu.vector_store_idx %arg5[%sub3A_1753, %add3A_1756], %broadcast_in_dim3A_4 masked %and3A_1763 : memref<200x512xi32, #tpu.memory_space<vmem>>[vector<16xi32>, vector<16xi32>], vector<16xi32>, vector<16xi1>
    tpu.vector_store_idx %arg5[%sub3A_1768, %add3A_1771], %broadcast_in_dim3A_4 masked %and3A_1778 : memref<200x512xi32, #tpu.memory_space<vmem>>[vector<16xi32>, vector<16xi32>], vector<16xi32>, vector<16xi1>
    tpu.vector_store_idx %arg5[%sub3A_1783, %add3A_1786], %broadcast_in_dim3A_4 masked %and3A_1793 : memref<200x512xi32, #tpu.memory_space<vmem>>[vector<16xi32>, vector<16xi32>], vector<16xi32>, vector<16xi1>
    tpu.vector_store_idx %arg5[%sub3A_1798, %add3A_1801], %broadcast_in_dim3A_4 masked %and3A_1808 : memref<200x512xi32, #tpu.memory_space<vmem>>[vector<16xi32>, vector<16xi32>], vector<16xi32>, vector<16xi1>
    tpu.vector_store_idx %arg5[%sub3A_1813, %add3A_1816], %broadcast_in_dim3A_4 masked %and3A_1823 : memref<200x512xi32, #tpu.memory_space<vmem>>[vector<16xi32>, vector<16xi32>], vector<16xi32>, vector<16xi1>
    tpu.vector_store_idx %arg5[%sub3A_1828, %add3A_1831], %broadcast_in_dim3A_4 masked %and3A_1838 : memref<200x512xi32, #tpu.memory_space<vmem>>[vector<16xi32>, vector<16xi32>], vector<16xi32>, vector<16xi1>
    tpu.vector_store_idx %arg5[%sub3A_1843, %add3A_1846], %broadcast_in_dim3A_4 masked %and3A_1853 : memref<200x512xi32, #tpu.memory_space<vmem>>[vector<16xi32>, vector<16xi32>], vector<16xi32>, vector<16xi1>
    tpu.vector_store_idx %arg5[%sub3A_1858, %add3A_1861], %broadcast_in_dim3A_4 masked %and3A_1868 : memref<200x512xi32, #tpu.memory_space<vmem>>[vector<16xi32>, vector<16xi32>], vector<16xi32>, vector<16xi1>
    tpu.vector_store_idx %arg5[%sub3A_1873, %add3A_1876], %broadcast_in_dim3A_4 masked %and3A_1883 : memref<200x512xi32, #tpu.memory_space<vmem>>[vector<16xi32>, vector<16xi32>], vector<16xi32>, vector<16xi1>
    tpu.vector_store_idx %arg5[%sub3A_1888, %add3A_1891], %broadcast_in_dim3A_4 masked %and3A_1898 : memref<200x512xi32, #tpu.memory_space<vmem>>[vector<16xi32>, vector<16xi32>], vector<16xi32>, vector<16xi1>
    tpu.vector_store_idx %arg5[%sub3A_1903, %add3A_1906], %broadcast_in_dim3A_4 masked %and3A_1913 : memref<200x512xi32, #tpu.memory_space<vmem>>[vector<16xi32>, vector<16xi32>], vector<16xi32>, vector<16xi1>
    tpu.vector_store_idx %arg5[%sub3A_1918, %add3A_1921], %broadcast_in_dim3A_4 masked %and3A_1928 : memref<200x512xi32, #tpu.memory_space<vmem>>[vector<16xi32>, vector<16xi32>], vector<16xi32>, vector<16xi1>
    tpu.vector_store_idx %arg5[%sub3A_1933, %add3A_1936], %broadcast_in_dim3A_4 masked %and3A_1943 : memref<200x512xi32, #tpu.memory_space<vmem>>[vector<16xi32>, vector<16xi32>], vector<16xi32>, vector<16xi1>
    tpu.vector_store_idx %arg5[%sub3A_1948, %add3A_1951], %broadcast_in_dim3A_4 masked %and3A_1958 : memref<200x512xi32, #tpu.memory_space<vmem>>[vector<16xi32>, vector<16xi32>], vector<16xi32>, vector<16xi1>
    tpu.vector_store_idx %arg5[%sub3A_1963, %add3A_1966], %broadcast_in_dim3A_4 masked %and3A_1973 : memref<200x512xi32, #tpu.memory_space<vmem>>[vector<16xi32>, vector<16xi32>], vector<16xi32>, vector<16xi1>
    %get3A_1974 = arith.constant 0 : index
    %get3A_1975 = tpu.vector_load %arg4[%get3A_1974] {strides = array<i32>} : memref<512xi32, #tpu.memory_space<vmem>>, vector<16xi32>,
    %sub3A_1976 = arith.constant 600 : i32
    %sub3A_1977 = vector.broadcast %sub3A_1976 : i32 to vector<16xi32>
    %sub3A_1978 = arith.subi %get3A_1975, %sub3A_1977 : vector<16xi32>
    %add3A_1979 = arith.constant 0 : i32
    %add3A_1980 = vector.broadcast %add3A_1979 : i32 to vector<16xi32>
    %add3A_1981 = arith.addi %add3A_1980, %iota3A : vector<16xi32>
    %ge3A_1982 = arith.constant 600 : i32
    %ge3A_1983 = vector.broadcast %ge3A_1982 : i32 to vector<16xi32>
    %ge3A_1984 = arith.cmpi sge, %get3A_1975, %ge3A_1983 : vector<16xi32>
    %lt3A_1985 = arith.constant 800 : i32
    %lt3A_1986 = vector.broadcast %lt3A_1985 : i32 to vector<16xi32>
    %lt3A_1987 = arith.cmpi slt, %get3A_1975, %lt3A_1986 : vector<16xi32>
    %and3A_1988 = arith.andi %ge3A_1984, %lt3A_1987 : vector<16xi1>
    tpu.vector_store_idx %arg5[%sub3A_1978, %add3A_1981], %broadcast_in_dim3A_6 masked %and3A_1988 : memref<200x512xi32, #tpu.memory_space<vmem>>[vector<16xi32>, vector<16xi32>], vector<16xi32>, vector<16xi1>
    %get3A_1989 = arith.constant 16 : index
    %get3A_1990 = tpu.vector_load %arg4[%get3A_1989] {strides = array<i32>} : memref<512xi32, #tpu.memory_space<vmem>>, vector<16xi32>,
    %sub3A_1991 = arith.constant 600 : i32
    %sub3A_1992 = vector.broadcast %sub3A_1991 : i32 to vector<16xi32>
    %sub3A_1993 = arith.subi %get3A_1990, %sub3A_1992 : vector<16xi32>
    %add3A_1994 = arith.constant 16 : i32
    %add3A_1995 = vector.broadcast %add3A_1994 : i32 to vector<16xi32>
    %add3A_1996 = arith.addi %add3A_1995, %iota3A : vector<16xi32>
    %ge3A_1997 = arith.constant 600 : i32
    %ge3A_1998 = vector.broadcast %ge3A_1997 : i32 to vector<16xi32>
    %ge3A_1999 = arith.cmpi sge, %get3A_1990, %ge3A_1998 : vector<16xi32>
    %lt3A_2000 = arith.constant 800 : i32
    %lt3A_2001 = vector.broadcast %lt3A_2000 : i32 to vector<16xi32>
    %lt3A_2002 = arith.cmpi slt, %get3A_1990, %lt3A_2001 : vector<16xi32>
    %and3A_2003 = arith.andi %ge3A_1999, %lt3A_2002 : vector<16xi1>
    tpu.vector_store_idx %arg5[%sub3A_1993, %add3A_1996], %broadcast_in_dim3A_6 masked %and3A_2003 : memref<200x512xi32, #tpu.memory_space<vmem>>[vector<16xi32>, vector<16xi32>], vector<16xi32>, vector<16xi1>
    %get3A_2004 = arith.constant 32 : index
    %get3A_2005 = tpu.vector_load %arg4[%get3A_2004] {strides = array<i32>} : memref<512xi32, #tpu.memory_space<vmem>>, vector<16xi32>,
    %sub3A_2006 = arith.constant 600 : i32
    %sub3A_2007 = vector.broadcast %sub3A_2006 : i32 to vector<16xi32>
    %sub3A_2008 = arith.subi %get3A_2005, %sub3A_2007 : vector<16xi32>
    %add3A_2009 = arith.constant 32 : i32
    %add3A_2010 = vector.broadcast %add3A_2009 : i32 to vector<16xi32>
    %add3A_2011 = arith.addi %add3A_2010, %iota3A : vector<16xi32>
    %ge3A_2012 = arith.constant 600 : i32
    %ge3A_2013 = vector.broadcast %ge3A_2012 : i32 to vector<16xi32>
    %ge3A_2014 = arith.cmpi sge, %get3A_2005, %ge3A_2013 : vector<16xi32>
    %lt3A_2015 = arith.constant 800 : i32
    %lt3A_2016 = vector.broadcast %lt3A_2015 : i32 to vector<16xi32>
    %lt3A_2017 = arith.cmpi slt, %get3A_2005, %lt3A_2016 : vector<16xi32>
    %and3A_2018 = arith.andi %ge3A_2014, %lt3A_2017 : vector<16xi1>
    tpu.vector_store_idx %arg5[%sub3A_2008, %add3A_2011], %broadcast_in_dim3A_6 masked %and3A_2018 : memref<200x512xi32, #tpu.memory_space<vmem>>[vector<16xi32>, vector<16xi32>], vector<16xi32>, vector<16xi1>
    %get3A_2019 = arith.constant 48 : index
    %get3A_2020 = tpu.vector_load %arg4[%get3A_2019] {strides = array<i32>} : memref<512xi32, #tpu.memory_space<vmem>>, vector<16xi32>,
    %sub3A_2021 = arith.constant 600 : i32
    %sub3A_2022 = vector.broadcast %sub3A_2021 : i32 to vector<16xi32>
    %sub3A_2023 = arith.subi %get3A_2020, %sub3A_2022 : vector<16xi32>
    %add3A_2024 = arith.constant 48 : i32
    %add3A_2025 = vector.broadcast %add3A_2024 : i32 to vector<16xi32>
    %add3A_2026 = arith.addi %add3A_2025, %iota3A : vector<16xi32>
    %ge3A_2027 = arith.constant 600 : i32
    %ge3A_2028 = vector.broadcast %ge3A_2027 : i32 to vector<16xi32>
    %ge3A_2029 = arith.cmpi sge, %get3A_2020, %ge3A_2028 : vector<16xi32>
    %lt3A_2030 = arith.constant 800 : i32
    %lt3A_2031 = vector.broadcast %lt3A_2030 : i32 to vector<16xi32>
    %lt3A_2032 = arith.cmpi slt, %get3A_2020, %lt3A_2031 : vector<16xi32>
    %and3A_2033 = arith.andi %ge3A_2029, %lt3A_2032 : vector<16xi1>
    tpu.vector_store_idx %arg5[%sub3A_2023, %add3A_2026], %broadcast_in_dim3A_6 masked %and3A_2033 : memref<200x512xi32, #tpu.memory_space<vmem>>[vector<16xi32>, vector<16xi32>], vector<16xi32>, vector<16xi1>
    %get3A_2034 = arith.constant 64 : index
    %get3A_2035 = tpu.vector_load %arg4[%get3A_2034] {strides = array<i32>} : memref<512xi32, #tpu.memory_space<vmem>>, vector<16xi32>,
    %sub3A_2036 = arith.constant 600 : i32
    %sub3A_2037 = vector.broadcast %sub3A_2036 : i32 to vector<16xi32>
    %sub3A_2038 = arith.subi %get3A_2035, %sub3A_2037 : vector<16xi32>
    %add3A_2039 = arith.constant 64 : i32
    %add3A_2040 = vector.broadcast %add3A_2039 : i32 to vector<16xi32>
    %add3A_2041 = arith.addi %add3A_2040, %iota3A : vector<16xi32>
    %ge3A_2042 = arith.constant 600 : i32
    %ge3A_2043 = vector.broadcast %ge3A_2042 : i32 to vector<16xi32>
    %ge3A_2044 = arith.cmpi sge, %get3A_2035, %ge3A_2043 : vector<16xi32>
    %lt3A_2045 = arith.constant 800 : i32
    %lt3A_2046 = vector.broadcast %lt3A_2045 : i32 to vector<16xi32>
    %lt3A_2047 = arith.cmpi slt, %get3A_2035, %lt3A_2046 : vector<16xi32>
    %and3A_2048 = arith.andi %ge3A_2044, %lt3A_2047 : vector<16xi1>
    tpu.vector_store_idx %arg5[%sub3A_2038, %add3A_2041], %broadcast_in_dim3A_6 masked %and3A_2048 : memref<200x512xi32, #tpu.memory_space<vmem>>[vector<16xi32>, vector<16xi32>], vector<16xi32>, vector<16xi1>
    %get3A_2049 = arith.constant 80 : index
    %get3A_2050 = tpu.vector_load %arg4[%get3A_2049] {strides = array<i32>} : memref<512xi32, #tpu.memory_space<vmem>>, vector<16xi32>,
    %sub3A_2051 = arith.constant 600 : i32
    %sub3A_2052 = vector.broadcast %sub3A_2051 : i32 to vector<16xi32>
    %sub3A_2053 = arith.subi %get3A_2050, %sub3A_2052 : vector<16xi32>
    %add3A_2054 = arith.constant 80 : i32
    %add3A_2055 = vector.broadcast %add3A_2054 : i32 to vector<16xi32>
    %add3A_2056 = arith.addi %add3A_2055, %iota3A : vector<16xi32>
    %ge3A_2057 = arith.constant 600 : i32
    %ge3A_2058 = vector.broadcast %ge3A_2057 : i32 to vector<16xi32>
    %ge3A_2059 = arith.cmpi sge, %get3A_2050, %ge3A_2058 : vector<16xi32>
    %lt3A_2060 = arith.constant 800 : i32
    %lt3A_2061 = vector.broadcast %lt3A_2060 : i32 to vector<16xi32>
    %lt3A_2062 = arith.cmpi slt, %get3A_2050, %lt3A_2061 : vector<16xi32>
    %and3A_2063 = arith.andi %ge3A_2059, %lt3A_2062 : vector<16xi1>
    tpu.vector_store_idx %arg5[%sub3A_2053, %add3A_2056], %broadcast_in_dim3A_6 masked %and3A_2063 : memref<200x512xi32, #tpu.memory_space<vmem>>[vector<16xi32>, vector<16xi32>], vector<16xi32>, vector<16xi1>
    %get3A_2064 = arith.constant 96 : index
    %get3A_2065 = tpu.vector_load %arg4[%get3A_2064] {strides = array<i32>} : memref<512xi32, #tpu.memory_space<vmem>>, vector<16xi32>,
    %sub3A_2066 = arith.constant 600 : i32
    %sub3A_2067 = vector.broadcast %sub3A_2066 : i32 to vector<16xi32>
    %sub3A_2068 = arith.subi %get3A_2065, %sub3A_2067 : vector<16xi32>
    %add3A_2069 = arith.constant 96 : i32
    %add3A_2070 = vector.broadcast %add3A_2069 : i32 to vector<16xi32>
    %add3A_2071 = arith.addi %add3A_2070, %iota3A : vector<16xi32>
    %ge3A_2072 = arith.constant 600 : i32
    %ge3A_2073 = vector.broadcast %ge3A_2072 : i32 to vector<16xi32>
    %ge3A_2074 = arith.cmpi sge, %get3A_2065, %ge3A_2073 : vector<16xi32>
    %lt3A_2075 = arith.constant 800 : i32
    %lt3A_2076 = vector.broadcast %lt3A_2075 : i32 to vector<16xi32>
    %lt3A_2077 = arith.cmpi slt, %get3A_2065, %lt3A_2076 : vector<16xi32>
    %and3A_2078 = arith.andi %ge3A_2074, %lt3A_2077 : vector<16xi1>
    tpu.vector_store_idx %arg5[%sub3A_2068, %add3A_2071], %broadcast_in_dim3A_6 masked %and3A_2078 : memref<200x512xi32, #tpu.memory_space<vmem>>[vector<16xi32>, vector<16xi32>], vector<16xi32>, vector<16xi1>
    %get3A_2079 = arith.constant 112 : index
    %get3A_2080 = tpu.vector_load %arg4[%get3A_2079] {strides = array<i32>} : memref<512xi32, #tpu.memory_space<vmem>>, vector<16xi32>,
    %sub3A_2081 = arith.constant 600 : i32
    %sub3A_2082 = vector.broadcast %sub3A_2081 : i32 to vector<16xi32>
    %sub3A_2083 = arith.subi %get3A_2080, %sub3A_2082 : vector<16xi32>
    %add3A_2084 = arith.constant 112 : i32
    %add3A_2085 = vector.broadcast %add3A_2084 : i32 to vector<16xi32>
    %add3A_2086 = arith.addi %add3A_2085, %iota3A : vector<16xi32>
    %ge3A_2087 = arith.constant 600 : i32
    %ge3A_2088 = vector.broadcast %ge3A_2087 : i32 to vector<16xi32>
    %ge3A_2089 = arith.cmpi sge, %get3A_2080, %ge3A_2088 : vector<16xi32>
    %lt3A_2090 = arith.constant 800 : i32
    %lt3A_2091 = vector.broadcast %lt3A_2090 : i32 to vector<16xi32>
    %lt3A_2092 = arith.cmpi slt, %get3A_2080, %lt3A_2091 : vector<16xi32>
    %and3A_2093 = arith.andi %ge3A_2089, %lt3A_2092 : vector<16xi1>
    tpu.vector_store_idx %arg5[%sub3A_2083, %add3A_2086], %broadcast_in_dim3A_6 masked %and3A_2093 : memref<200x512xi32, #tpu.memory_space<vmem>>[vector<16xi32>, vector<16xi32>], vector<16xi32>, vector<16xi1>
    %get3A_2094 = arith.constant 128 : index
    %get3A_2095 = tpu.vector_load %arg4[%get3A_2094] {strides = array<i32>} : memref<512xi32, #tpu.memory_space<vmem>>, vector<16xi32>,
    %sub3A_2096 = arith.constant 600 : i32
    %sub3A_2097 = vector.broadcast %sub3A_2096 : i32 to vector<16xi32>
    %sub3A_2098 = arith.subi %get3A_2095, %sub3A_2097 : vector<16xi32>
    %add3A_2099 = arith.constant 128 : i32
    %add3A_2100 = vector.broadcast %add3A_2099 : i32 to vector<16xi32>
    %add3A_2101 = arith.addi %add3A_2100, %iota3A : vector<16xi32>
    %ge3A_2102 = arith.constant 600 : i32
    %ge3A_2103 = vector.broadcast %ge3A_2102 : i32 to vector<16xi32>
    %ge3A_2104 = arith.cmpi sge, %get3A_2095, %ge3A_2103 : vector<16xi32>
    %lt3A_2105 = arith.constant 800 : i32
    %lt3A_2106 = vector.broadcast %lt3A_2105 : i32 to vector<16xi32>
    %lt3A_2107 = arith.cmpi slt, %get3A_2095, %lt3A_2106 : vector<16xi32>
    %and3A_2108 = arith.andi %ge3A_2104, %lt3A_2107 : vector<16xi1>
    tpu.vector_store_idx %arg5[%sub3A_2098, %add3A_2101], %broadcast_in_dim3A_6 masked %and3A_2108 : memref<200x512xi32, #tpu.memory_space<vmem>>[vector<16xi32>, vector<16xi32>], vector<16xi32>, vector<16xi1>
    %get3A_2109 = arith.constant 144 : index
    %get3A_2110 = tpu.vector_load %arg4[%get3A_2109] {strides = array<i32>} : memref<512xi32, #tpu.memory_space<vmem>>, vector<16xi32>,
    %sub3A_2111 = arith.constant 600 : i32
    %sub3A_2112 = vector.broadcast %sub3A_2111 : i32 to vector<16xi32>
    %sub3A_2113 = arith.subi %get3A_2110, %sub3A_2112 : vector<16xi32>
    %add3A_2114 = arith.constant 144 : i32
    %add3A_2115 = vector.broadcast %add3A_2114 : i32 to vector<16xi32>
    %add3A_2116 = arith.addi %add3A_2115, %iota3A : vector<16xi32>
    %ge3A_2117 = arith.constant 600 : i32
    %ge3A_2118 = vector.broadcast %ge3A_2117 : i32 to vector<16xi32>
    %ge3A_2119 = arith.cmpi sge, %get3A_2110, %ge3A_2118 : vector<16xi32>
    %lt3A_2120 = arith.constant 800 : i32
    %lt3A_2121 = vector.broadcast %lt3A_2120 : i32 to vector<16xi32>
    %lt3A_2122 = arith.cmpi slt, %get3A_2110, %lt3A_2121 : vector<16xi32>
    %and3A_2123 = arith.andi %ge3A_2119, %lt3A_2122 : vector<16xi1>
    tpu.vector_store_idx %arg5[%sub3A_2113, %add3A_2116], %broadcast_in_dim3A_6 masked %and3A_2123 : memref<200x512xi32, #tpu.memory_space<vmem>>[vector<16xi32>, vector<16xi32>], vector<16xi32>, vector<16xi1>
    %get3A_2124 = arith.constant 160 : index
    %get3A_2125 = tpu.vector_load %arg4[%get3A_2124] {strides = array<i32>} : memref<512xi32, #tpu.memory_space<vmem>>, vector<16xi32>,
    %sub3A_2126 = arith.constant 600 : i32
    %sub3A_2127 = vector.broadcast %sub3A_2126 : i32 to vector<16xi32>
    %sub3A_2128 = arith.subi %get3A_2125, %sub3A_2127 : vector<16xi32>
    %add3A_2129 = arith.constant 160 : i32
    %add3A_2130 = vector.broadcast %add3A_2129 : i32 to vector<16xi32>
    %add3A_2131 = arith.addi %add3A_2130, %iota3A : vector<16xi32>
    %ge3A_2132 = arith.constant 600 : i32
    %ge3A_2133 = vector.broadcast %ge3A_2132 : i32 to vector<16xi32>
    %ge3A_2134 = arith.cmpi sge, %get3A_2125, %ge3A_2133 : vector<16xi32>
    %lt3A_2135 = arith.constant 800 : i32
    %lt3A_2136 = vector.broadcast %lt3A_2135 : i32 to vector<16xi32>
    %lt3A_2137 = arith.cmpi slt, %get3A_2125, %lt3A_2136 : vector<16xi32>
    %and3A_2138 = arith.andi %ge3A_2134, %lt3A_2137 : vector<16xi1>
    tpu.vector_store_idx %arg5[%sub3A_2128, %add3A_2131], %broadcast_in_dim3A_6 masked %and3A_2138 : memref<200x512xi32, #tpu.memory_space<vmem>>[vector<16xi32>, vector<16xi32>], vector<16xi32>, vector<16xi1>
    %get3A_2139 = arith.constant 176 : index
    %get3A_2140 = tpu.vector_load %arg4[%get3A_2139] {strides = array<i32>} : memref<512xi32, #tpu.memory_space<vmem>>, vector<16xi32>,
    %sub3A_2141 = arith.constant 600 : i32
    %sub3A_2142 = vector.broadcast %sub3A_2141 : i32 to vector<16xi32>
    %sub3A_2143 = arith.subi %get3A_2140, %sub3A_2142 : vector<16xi32>
    %add3A_2144 = arith.constant 176 : i32
    %add3A_2145 = vector.broadcast %add3A_2144 : i32 to vector<16xi32>
    %add3A_2146 = arith.addi %add3A_2145, %iota3A : vector<16xi32>
    %ge3A_2147 = arith.constant 600 : i32
    %ge3A_2148 = vector.broadcast %ge3A_2147 : i32 to vector<16xi32>
    %ge3A_2149 = arith.cmpi sge, %get3A_2140, %ge3A_2148 : vector<16xi32>
    %lt3A_2150 = arith.constant 800 : i32
    %lt3A_2151 = vector.broadcast %lt3A_2150 : i32 to vector<16xi32>
    %lt3A_2152 = arith.cmpi slt, %get3A_2140, %lt3A_2151 : vector<16xi32>
    %and3A_2153 = arith.andi %ge3A_2149, %lt3A_2152 : vector<16xi1>
    tpu.vector_store_idx %arg5[%sub3A_2143, %add3A_2146], %broadcast_in_dim3A_6 masked %and3A_2153 : memref<200x512xi32, #tpu.memory_space<vmem>>[vector<16xi32>, vector<16xi32>], vector<16xi32>, vector<16xi1>
    %get3A_2154 = arith.constant 192 : index
    %get3A_2155 = tpu.vector_load %arg4[%get3A_2154] {strides = array<i32>} : memref<512xi32, #tpu.memory_space<vmem>>, vector<16xi32>,
    %sub3A_2156 = arith.constant 600 : i32
    %sub3A_2157 = vector.broadcast %sub3A_2156 : i32 to vector<16xi32>
    %sub3A_2158 = arith.subi %get3A_2155, %sub3A_2157 : vector<16xi32>
    %add3A_2159 = arith.constant 192 : i32
    %add3A_2160 = vector.broadcast %add3A_2159 : i32 to vector<16xi32>
    %add3A_2161 = arith.addi %add3A_2160, %iota3A : vector<16xi32>
    %ge3A_2162 = arith.constant 600 : i32
    %ge3A_2163 = vector.broadcast %ge3A_2162 : i32 to vector<16xi32>
    %ge3A_2164 = arith.cmpi sge, %get3A_2155, %ge3A_2163 : vector<16xi32>
    %lt3A_2165 = arith.constant 800 : i32
    %lt3A_2166 = vector.broadcast %lt3A_2165 : i32 to vector<16xi32>
    %lt3A_2167 = arith.cmpi slt, %get3A_2155, %lt3A_2166 : vector<16xi32>
    %and3A_2168 = arith.andi %ge3A_2164, %lt3A_2167 : vector<16xi1>
    tpu.vector_store_idx %arg5[%sub3A_2158, %add3A_2161], %broadcast_in_dim3A_6 masked %and3A_2168 : memref<200x512xi32, #tpu.memory_space<vmem>>[vector<16xi32>, vector<16xi32>], vector<16xi32>, vector<16xi1>
    %get3A_2169 = arith.constant 208 : index
    %get3A_2170 = tpu.vector_load %arg4[%get3A_2169] {strides = array<i32>} : memref<512xi32, #tpu.memory_space<vmem>>, vector<16xi32>,
    %sub3A_2171 = arith.constant 600 : i32
    %sub3A_2172 = vector.broadcast %sub3A_2171 : i32 to vector<16xi32>
    %sub3A_2173 = arith.subi %get3A_2170, %sub3A_2172 : vector<16xi32>
    %add3A_2174 = arith.constant 208 : i32
    %add3A_2175 = vector.broadcast %add3A_2174 : i32 to vector<16xi32>
    %add3A_2176 = arith.addi %add3A_2175, %iota3A : vector<16xi32>
    %ge3A_2177 = arith.constant 600 : i32
    %ge3A_2178 = vector.broadcast %ge3A_2177 : i32 to vector<16xi32>
    %ge3A_2179 = arith.cmpi sge, %get3A_2170, %ge3A_2178 : vector<16xi32>
    %lt3A_2180 = arith.constant 800 : i32
    %lt3A_2181 = vector.broadcast %lt3A_2180 : i32 to vector<16xi32>
    %lt3A_2182 = arith.cmpi slt, %get3A_2170, %lt3A_2181 : vector<16xi32>
    %and3A_2183 = arith.andi %ge3A_2179, %lt3A_2182 : vector<16xi1>
    tpu.vector_store_idx %arg5[%sub3A_2173, %add3A_2176], %broadcast_in_dim3A_6 masked %and3A_2183 : memref<200x512xi32, #tpu.memory_space<vmem>>[vector<16xi32>, vector<16xi32>], vector<16xi32>, vector<16xi1>
    %get3A_2184 = arith.constant 224 : index
    %get3A_2185 = tpu.vector_load %arg4[%get3A_2184] {strides = array<i32>} : memref<512xi32, #tpu.memory_space<vmem>>, vector<16xi32>,
    %sub3A_2186 = arith.constant 600 : i32
    %sub3A_2187 = vector.broadcast %sub3A_2186 : i32 to vector<16xi32>
    %sub3A_2188 = arith.subi %get3A_2185, %sub3A_2187 : vector<16xi32>
    %add3A_2189 = arith.constant 224 : i32
    %add3A_2190 = vector.broadcast %add3A_2189 : i32 to vector<16xi32>
    %add3A_2191 = arith.addi %add3A_2190, %iota3A : vector<16xi32>
    %ge3A_2192 = arith.constant 600 : i32
    %ge3A_2193 = vector.broadcast %ge3A_2192 : i32 to vector<16xi32>
    %ge3A_2194 = arith.cmpi sge, %get3A_2185, %ge3A_2193 : vector<16xi32>
    %lt3A_2195 = arith.constant 800 : i32
    %lt3A_2196 = vector.broadcast %lt3A_2195 : i32 to vector<16xi32>
    %lt3A_2197 = arith.cmpi slt, %get3A_2185, %lt3A_2196 : vector<16xi32>
    %and3A_2198 = arith.andi %ge3A_2194, %lt3A_2197 : vector<16xi1>
    tpu.vector_store_idx %arg5[%sub3A_2188, %add3A_2191], %broadcast_in_dim3A_6 masked %and3A_2198 : memref<200x512xi32, #tpu.memory_space<vmem>>[vector<16xi32>, vector<16xi32>], vector<16xi32>, vector<16xi1>
    %get3A_2199 = arith.constant 240 : index
    %get3A_2200 = tpu.vector_load %arg4[%get3A_2199] {strides = array<i32>} : memref<512xi32, #tpu.memory_space<vmem>>, vector<16xi32>,
    %sub3A_2201 = arith.constant 600 : i32
    %sub3A_2202 = vector.broadcast %sub3A_2201 : i32 to vector<16xi32>
    %sub3A_2203 = arith.subi %get3A_2200, %sub3A_2202 : vector<16xi32>
    %add3A_2204 = arith.constant 240 : i32
    %add3A_2205 = vector.broadcast %add3A_2204 : i32 to vector<16xi32>
    %add3A_2206 = arith.addi %add3A_2205, %iota3A : vector<16xi32>
    %ge3A_2207 = arith.constant 600 : i32
    %ge3A_2208 = vector.broadcast %ge3A_2207 : i32 to vector<16xi32>
    %ge3A_2209 = arith.cmpi sge, %get3A_2200, %ge3A_2208 : vector<16xi32>
    %lt3A_2210 = arith.constant 800 : i32
    %lt3A_2211 = vector.broadcast %lt3A_2210 : i32 to vector<16xi32>
    %lt3A_2212 = arith.cmpi slt, %get3A_2200, %lt3A_2211 : vector<16xi32>
    %and3A_2213 = arith.andi %ge3A_2209, %lt3A_2212 : vector<16xi1>
    tpu.vector_store_idx %arg5[%sub3A_2203, %add3A_2206], %broadcast_in_dim3A_6 masked %and3A_2213 : memref<200x512xi32, #tpu.memory_space<vmem>>[vector<16xi32>, vector<16xi32>], vector<16xi32>, vector<16xi1>
    %get3A_2214 = arith.constant 256 : index
    %get3A_2215 = tpu.vector_load %arg4[%get3A_2214] {strides = array<i32>} : memref<512xi32, #tpu.memory_space<vmem>>, vector<16xi32>,
    %sub3A_2216 = arith.constant 600 : i32
    %sub3A_2217 = vector.broadcast %sub3A_2216 : i32 to vector<16xi32>
    %sub3A_2218 = arith.subi %get3A_2215, %sub3A_2217 : vector<16xi32>
    %add3A_2219 = arith.constant 256 : i32
    %add3A_2220 = vector.broadcast %add3A_2219 : i32 to vector<16xi32>
    %add3A_2221 = arith.addi %add3A_2220, %iota3A : vector<16xi32>
    %ge3A_2222 = arith.constant 600 : i32
    %ge3A_2223 = vector.broadcast %ge3A_2222 : i32 to vector<16xi32>
    %ge3A_2224 = arith.cmpi sge, %get3A_2215, %ge3A_2223 : vector<16xi32>
    %lt3A_2225 = arith.constant 800 : i32
    %lt3A_2226 = vector.broadcast %lt3A_2225 : i32 to vector<16xi32>
    %lt3A_2227 = arith.cmpi slt, %get3A_2215, %lt3A_2226 : vector<16xi32>
    %and3A_2228 = arith.andi %ge3A_2224, %lt3A_2227 : vector<16xi1>
    tpu.vector_store_idx %arg5[%sub3A_2218, %add3A_2221], %broadcast_in_dim3A_6 masked %and3A_2228 : memref<200x512xi32, #tpu.memory_space<vmem>>[vector<16xi32>, vector<16xi32>], vector<16xi32>, vector<16xi1>
    %get3A_2229 = arith.constant 272 : index
    %get3A_2230 = tpu.vector_load %arg4[%get3A_2229] {strides = array<i32>} : memref<512xi32, #tpu.memory_space<vmem>>, vector<16xi32>,
    %sub3A_2231 = arith.constant 600 : i32
    %sub3A_2232 = vector.broadcast %sub3A_2231 : i32 to vector<16xi32>
    %sub3A_2233 = arith.subi %get3A_2230, %sub3A_2232 : vector<16xi32>
    %add3A_2234 = arith.constant 272 : i32
    %add3A_2235 = vector.broadcast %add3A_2234 : i32 to vector<16xi32>
    %add3A_2236 = arith.addi %add3A_2235, %iota3A : vector<16xi32>
    %ge3A_2237 = arith.constant 600 : i32
    %ge3A_2238 = vector.broadcast %ge3A_2237 : i32 to vector<16xi32>
    %ge3A_2239 = arith.cmpi sge, %get3A_2230, %ge3A_2238 : vector<16xi32>
    %lt3A_2240 = arith.constant 800 : i32
    %lt3A_2241 = vector.broadcast %lt3A_2240 : i32 to vector<16xi32>
    %lt3A_2242 = arith.cmpi slt, %get3A_2230, %lt3A_2241 : vector<16xi32>
    %and3A_2243 = arith.andi %ge3A_2239, %lt3A_2242 : vector<16xi1>
    tpu.vector_store_idx %arg5[%sub3A_2233, %add3A_2236], %broadcast_in_dim3A_6 masked %and3A_2243 : memref<200x512xi32, #tpu.memory_space<vmem>>[vector<16xi32>, vector<16xi32>], vector<16xi32>, vector<16xi1>
    %get3A_2244 = arith.constant 288 : index
    %get3A_2245 = tpu.vector_load %arg4[%get3A_2244] {strides = array<i32>} : memref<512xi32, #tpu.memory_space<vmem>>, vector<16xi32>,
    %sub3A_2246 = arith.constant 600 : i32
    %sub3A_2247 = vector.broadcast %sub3A_2246 : i32 to vector<16xi32>
    %sub3A_2248 = arith.subi %get3A_2245, %sub3A_2247 : vector<16xi32>
    %add3A_2249 = arith.constant 288 : i32
    %add3A_2250 = vector.broadcast %add3A_2249 : i32 to vector<16xi32>
    %add3A_2251 = arith.addi %add3A_2250, %iota3A : vector<16xi32>
    %ge3A_2252 = arith.constant 600 : i32
    %ge3A_2253 = vector.broadcast %ge3A_2252 : i32 to vector<16xi32>
    %ge3A_2254 = arith.cmpi sge, %get3A_2245, %ge3A_2253 : vector<16xi32>
    %lt3A_2255 = arith.constant 800 : i32
    %lt3A_2256 = vector.broadcast %lt3A_2255 : i32 to vector<16xi32>
    %lt3A_2257 = arith.cmpi slt, %get3A_2245, %lt3A_2256 : vector<16xi32>
    %and3A_2258 = arith.andi %ge3A_2254, %lt3A_2257 : vector<16xi1>
    tpu.vector_store_idx %arg5[%sub3A_2248, %add3A_2251], %broadcast_in_dim3A_6 masked %and3A_2258 : memref<200x512xi32, #tpu.memory_space<vmem>>[vector<16xi32>, vector<16xi32>], vector<16xi32>, vector<16xi1>
    %get3A_2259 = arith.constant 304 : index
    %get3A_2260 = tpu.vector_load %arg4[%get3A_2259] {strides = array<i32>} : memref<512xi32, #tpu.memory_space<vmem>>, vector<16xi32>,
    %sub3A_2261 = arith.constant 600 : i32
    %sub3A_2262 = vector.broadcast %sub3A_2261 : i32 to vector<16xi32>
    %sub3A_2263 = arith.subi %get3A_2260, %sub3A_2262 : vector<16xi32>
    %add3A_2264 = arith.constant 304 : i32
    %add3A_2265 = vector.broadcast %add3A_2264 : i32 to vector<16xi32>
    %add3A_2266 = arith.addi %add3A_2265, %iota3A : vector<16xi32>
    %ge3A_2267 = arith.constant 600 : i32
    %ge3A_2268 = vector.broadcast %ge3A_2267 : i32 to vector<16xi32>
    %ge3A_2269 = arith.cmpi sge, %get3A_2260, %ge3A_2268 : vector<16xi32>
    %lt3A_2270 = arith.constant 800 : i32
    %lt3A_2271 = vector.broadcast %lt3A_2270 : i32 to vector<16xi32>
    %lt3A_2272 = arith.cmpi slt, %get3A_2260, %lt3A_2271 : vector<16xi32>
    %and3A_2273 = arith.andi %ge3A_2269, %lt3A_2272 : vector<16xi1>
    tpu.vector_store_idx %arg5[%sub3A_2263, %add3A_2266], %broadcast_in_dim3A_6 masked %and3A_2273 : memref<200x512xi32, #tpu.memory_space<vmem>>[vector<16xi32>, vector<16xi32>], vector<16xi32>, vector<16xi1>
    %get3A_2274 = arith.constant 320 : index
    %get3A_2275 = tpu.vector_load %arg4[%get3A_2274] {strides = array<i32>} : memref<512xi32, #tpu.memory_space<vmem>>, vector<16xi32>,
    %sub3A_2276 = arith.constant 600 : i32
    %sub3A_2277 = vector.broadcast %sub3A_2276 : i32 to vector<16xi32>
    %sub3A_2278 = arith.subi %get3A_2275, %sub3A_2277 : vector<16xi32>
    %add3A_2279 = arith.constant 320 : i32
    %add3A_2280 = vector.broadcast %add3A_2279 : i32 to vector<16xi32>
    %add3A_2281 = arith.addi %add3A_2280, %iota3A : vector<16xi32>
    %ge3A_2282 = arith.constant 600 : i32
    %ge3A_2283 = vector.broadcast %ge3A_2282 : i32 to vector<16xi32>
    %ge3A_2284 = arith.cmpi sge, %get3A_2275, %ge3A_2283 : vector<16xi32>
    %lt3A_2285 = arith.constant 800 : i32
    %lt3A_2286 = vector.broadcast %lt3A_2285 : i32 to vector<16xi32>
    %lt3A_2287 = arith.cmpi slt, %get3A_2275, %lt3A_2286 : vector<16xi32>
    %and3A_2288 = arith.andi %ge3A_2284, %lt3A_2287 : vector<16xi1>
    tpu.vector_store_idx %arg5[%sub3A_2278, %add3A_2281], %broadcast_in_dim3A_6 masked %and3A_2288 : memref<200x512xi32, #tpu.memory_space<vmem>>[vector<16xi32>, vector<16xi32>], vector<16xi32>, vector<16xi1>
    %get3A_2289 = arith.constant 336 : index
    %get3A_2290 = tpu.vector_load %arg4[%get3A_2289] {strides = array<i32>} : memref<512xi32, #tpu.memory_space<vmem>>, vector<16xi32>,
    %sub3A_2291 = arith.constant 600 : i32
    %sub3A_2292 = vector.broadcast %sub3A_2291 : i32 to vector<16xi32>
    %sub3A_2293 = arith.subi %get3A_2290, %sub3A_2292 : vector<16xi32>
    %add3A_2294 = arith.constant 336 : i32
    %add3A_2295 = vector.broadcast %add3A_2294 : i32 to vector<16xi32>
    %add3A_2296 = arith.addi %add3A_2295, %iota3A : vector<16xi32>
    %ge3A_2297 = arith.constant 600 : i32
    %ge3A_2298 = vector.broadcast %ge3A_2297 : i32 to vector<16xi32>
    %ge3A_2299 = arith.cmpi sge, %get3A_2290, %ge3A_2298 : vector<16xi32>
    %lt3A_2300 = arith.constant 800 : i32
    %lt3A_2301 = vector.broadcast %lt3A_2300 : i32 to vector<16xi32>
    %lt3A_2302 = arith.cmpi slt, %get3A_2290, %lt3A_2301 : vector<16xi32>
    %and3A_2303 = arith.andi %ge3A_2299, %lt3A_2302 : vector<16xi1>
    tpu.vector_store_idx %arg5[%sub3A_2293, %add3A_2296], %broadcast_in_dim3A_6 masked %and3A_2303 : memref<200x512xi32, #tpu.memory_space<vmem>>[vector<16xi32>, vector<16xi32>], vector<16xi32>, vector<16xi1>
    %get3A_2304 = arith.constant 352 : index
    %get3A_2305 = tpu.vector_load %arg4[%get3A_2304] {strides = array<i32>} : memref<512xi32, #tpu.memory_space<vmem>>, vector<16xi32>,
    %sub3A_2306 = arith.constant 600 : i32
    %sub3A_2307 = vector.broadcast %sub3A_2306 : i32 to vector<16xi32>
    %sub3A_2308 = arith.subi %get3A_2305, %sub3A_2307 : vector<16xi32>
    %add3A_2309 = arith.constant 352 : i32
    %add3A_2310 = vector.broadcast %add3A_2309 : i32 to vector<16xi32>
    %add3A_2311 = arith.addi %add3A_2310, %iota3A : vector<16xi32>
    %ge3A_2312 = arith.constant 600 : i32
    %ge3A_2313 = vector.broadcast %ge3A_2312 : i32 to vector<16xi32>
    %ge3A_2314 = arith.cmpi sge, %get3A_2305, %ge3A_2313 : vector<16xi32>
    %lt3A_2315 = arith.constant 800 : i32
    %lt3A_2316 = vector.broadcast %lt3A_2315 : i32 to vector<16xi32>
    %lt3A_2317 = arith.cmpi slt, %get3A_2305, %lt3A_2316 : vector<16xi32>
    %and3A_2318 = arith.andi %ge3A_2314, %lt3A_2317 : vector<16xi1>
    tpu.vector_store_idx %arg5[%sub3A_2308, %add3A_2311], %broadcast_in_dim3A_6 masked %and3A_2318 : memref<200x512xi32, #tpu.memory_space<vmem>>[vector<16xi32>, vector<16xi32>], vector<16xi32>, vector<16xi1>
    %get3A_2319 = arith.constant 368 : index
    %get3A_2320 = tpu.vector_load %arg4[%get3A_2319] {strides = array<i32>} : memref<512xi32, #tpu.memory_space<vmem>>, vector<16xi32>,
    %sub3A_2321 = arith.constant 600 : i32
    %sub3A_2322 = vector.broadcast %sub3A_2321 : i32 to vector<16xi32>
    %sub3A_2323 = arith.subi %get3A_2320, %sub3A_2322 : vector<16xi32>
    %add3A_2324 = arith.constant 368 : i32
    %add3A_2325 = vector.broadcast %add3A_2324 : i32 to vector<16xi32>
    %add3A_2326 = arith.addi %add3A_2325, %iota3A : vector<16xi32>
    %ge3A_2327 = arith.constant 600 : i32
    %ge3A_2328 = vector.broadcast %ge3A_2327 : i32 to vector<16xi32>
    %ge3A_2329 = arith.cmpi sge, %get3A_2320, %ge3A_2328 : vector<16xi32>
    %lt3A_2330 = arith.constant 800 : i32
    %lt3A_2331 = vector.broadcast %lt3A_2330 : i32 to vector<16xi32>
    %lt3A_2332 = arith.cmpi slt, %get3A_2320, %lt3A_2331 : vector<16xi32>
    %and3A_2333 = arith.andi %ge3A_2329, %lt3A_2332 : vector<16xi1>
    tpu.vector_store_idx %arg5[%sub3A_2323, %add3A_2326], %broadcast_in_dim3A_6 masked %and3A_2333 : memref<200x512xi32, #tpu.memory_space<vmem>>[vector<16xi32>, vector<16xi32>], vector<16xi32>, vector<16xi1>
    %get3A_2334 = arith.constant 384 : index
    %get3A_2335 = tpu.vector_load %arg4[%get3A_2334] {strides = array<i32>} : memref<512xi32, #tpu.memory_space<vmem>>, vector<16xi32>,
    %sub3A_2336 = arith.constant 600 : i32
    %sub3A_2337 = vector.broadcast %sub3A_2336 : i32 to vector<16xi32>
    %sub3A_2338 = arith.subi %get3A_2335, %sub3A_2337 : vector<16xi32>
    %add3A_2339 = arith.constant 384 : i32
    %add3A_2340 = vector.broadcast %add3A_2339 : i32 to vector<16xi32>
    %add3A_2341 = arith.addi %add3A_2340, %iota3A : vector<16xi32>
    %ge3A_2342 = arith.constant 600 : i32
    %ge3A_2343 = vector.broadcast %ge3A_2342 : i32 to vector<16xi32>
    %ge3A_2344 = arith.cmpi sge, %get3A_2335, %ge3A_2343 : vector<16xi32>
    %lt3A_2345 = arith.constant 800 : i32
    %lt3A_2346 = vector.broadcast %lt3A_2345 : i32 to vector<16xi32>
    %lt3A_2347 = arith.cmpi slt, %get3A_2335, %lt3A_2346 : vector<16xi32>
    %and3A_2348 = arith.andi %ge3A_2344, %lt3A_2347 : vector<16xi1>
    tpu.vector_store_idx %arg5[%sub3A_2338, %add3A_2341], %broadcast_in_dim3A_6 masked %and3A_2348 : memref<200x512xi32, #tpu.memory_space<vmem>>[vector<16xi32>, vector<16xi32>], vector<16xi32>, vector<16xi1>
    %get3A_2349 = arith.constant 400 : index
    %get3A_2350 = tpu.vector_load %arg4[%get3A_2349] {strides = array<i32>} : memref<512xi32, #tpu.memory_space<vmem>>, vector<16xi32>,
    %sub3A_2351 = arith.constant 600 : i32
    %sub3A_2352 = vector.broadcast %sub3A_2351 : i32 to vector<16xi32>
    %sub3A_2353 = arith.subi %get3A_2350, %sub3A_2352 : vector<16xi32>
    %add3A_2354 = arith.constant 400 : i32
    %add3A_2355 = vector.broadcast %add3A_2354 : i32 to vector<16xi32>
    %add3A_2356 = arith.addi %add3A_2355, %iota3A : vector<16xi32>
    %ge3A_2357 = arith.constant 600 : i32
    %ge3A_2358 = vector.broadcast %ge3A_2357 : i32 to vector<16xi32>
    %ge3A_2359 = arith.cmpi sge, %get3A_2350, %ge3A_2358 : vector<16xi32>
    %lt3A_2360 = arith.constant 800 : i32
    %lt3A_2361 = vector.broadcast %lt3A_2360 : i32 to vector<16xi32>
    %lt3A_2362 = arith.cmpi slt, %get3A_2350, %lt3A_2361 : vector<16xi32>
    %and3A_2363 = arith.andi %ge3A_2359, %lt3A_2362 : vector<16xi1>
    tpu.vector_store_idx %arg5[%sub3A_2353, %add3A_2356], %broadcast_in_dim3A_6 masked %and3A_2363 : memref<200x512xi32, #tpu.memory_space<vmem>>[vector<16xi32>, vector<16xi32>], vector<16xi32>, vector<16xi1>
    %get3A_2364 = arith.constant 416 : index
    %get3A_2365 = tpu.vector_load %arg4[%get3A_2364] {strides = array<i32>} : memref<512xi32, #tpu.memory_space<vmem>>, vector<16xi32>,
    %sub3A_2366 = arith.constant 600 : i32
    %sub3A_2367 = vector.broadcast %sub3A_2366 : i32 to vector<16xi32>
    %sub3A_2368 = arith.subi %get3A_2365, %sub3A_2367 : vector<16xi32>
    %add3A_2369 = arith.constant 416 : i32
    %add3A_2370 = vector.broadcast %add3A_2369 : i32 to vector<16xi32>
    %add3A_2371 = arith.addi %add3A_2370, %iota3A : vector<16xi32>
    %ge3A_2372 = arith.constant 600 : i32
    %ge3A_2373 = vector.broadcast %ge3A_2372 : i32 to vector<16xi32>
    %ge3A_2374 = arith.cmpi sge, %get3A_2365, %ge3A_2373 : vector<16xi32>
    %lt3A_2375 = arith.constant 800 : i32
    %lt3A_2376 = vector.broadcast %lt3A_2375 : i32 to vector<16xi32>
    %lt3A_2377 = arith.cmpi slt, %get3A_2365, %lt3A_2376 : vector<16xi32>
    %and3A_2378 = arith.andi %ge3A_2374, %lt3A_2377 : vector<16xi1>
    tpu.vector_store_idx %arg5[%sub3A_2368, %add3A_2371], %broadcast_in_dim3A_6 masked %and3A_2378 : memref<200x512xi32, #tpu.memory_space<vmem>>[vector<16xi32>, vector<16xi32>], vector<16xi32>, vector<16xi1>
    %get3A_2379 = arith.constant 432 : index
    %get3A_2380 = tpu.vector_load %arg4[%get3A_2379] {strides = array<i32>} : memref<512xi32, #tpu.memory_space<vmem>>, vector<16xi32>,
    %sub3A_2381 = arith.constant 600 : i32
    %sub3A_2382 = vector.broadcast %sub3A_2381 : i32 to vector<16xi32>
    %sub3A_2383 = arith.subi %get3A_2380, %sub3A_2382 : vector<16xi32>
    %add3A_2384 = arith.constant 432 : i32
    %add3A_2385 = vector.broadcast %add3A_2384 : i32 to vector<16xi32>
    %add3A_2386 = arith.addi %add3A_2385, %iota3A : vector<16xi32>
    %ge3A_2387 = arith.constant 600 : i32
    %ge3A_2388 = vector.broadcast %ge3A_2387 : i32 to vector<16xi32>
    %ge3A_2389 = arith.cmpi sge, %get3A_2380, %ge3A_2388 : vector<16xi32>
    %lt3A_2390 = arith.constant 800 : i32
    %lt3A_2391 = vector.broadcast %lt3A_2390 : i32 to vector<16xi32>
    %lt3A_2392 = arith.cmpi slt, %get3A_2380, %lt3A_2391 : vector<16xi32>
    %and3A_2393 = arith.andi %ge3A_2389, %lt3A_2392 : vector<16xi1>
    tpu.vector_store_idx %arg5[%sub3A_2383, %add3A_2386], %broadcast_in_dim3A_6 masked %and3A_2393 : memref<200x512xi32, #tpu.memory_space<vmem>>[vector<16xi32>, vector<16xi32>], vector<16xi32>, vector<16xi1>
    %get3A_2394 = arith.constant 448 : index
    %get3A_2395 = tpu.vector_load %arg4[%get3A_2394] {strides = array<i32>} : memref<512xi32, #tpu.memory_space<vmem>>, vector<16xi32>,
    %sub3A_2396 = arith.constant 600 : i32
    %sub3A_2397 = vector.broadcast %sub3A_2396 : i32 to vector<16xi32>
    %sub3A_2398 = arith.subi %get3A_2395, %sub3A_2397 : vector<16xi32>
    %add3A_2399 = arith.constant 448 : i32
    %add3A_2400 = vector.broadcast %add3A_2399 : i32 to vector<16xi32>
    %add3A_2401 = arith.addi %add3A_2400, %iota3A : vector<16xi32>
    %ge3A_2402 = arith.constant 600 : i32
    %ge3A_2403 = vector.broadcast %ge3A_2402 : i32 to vector<16xi32>
    %ge3A_2404 = arith.cmpi sge, %get3A_2395, %ge3A_2403 : vector<16xi32>
    %lt3A_2405 = arith.constant 800 : i32
    %lt3A_2406 = vector.broadcast %lt3A_2405 : i32 to vector<16xi32>
    %lt3A_2407 = arith.cmpi slt, %get3A_2395, %lt3A_2406 : vector<16xi32>
    %and3A_2408 = arith.andi %ge3A_2404, %lt3A_2407 : vector<16xi1>
    tpu.vector_store_idx %arg5[%sub3A_2398, %add3A_2401], %broadcast_in_dim3A_6 masked %and3A_2408 : memref<200x512xi32, #tpu.memory_space<vmem>>[vector<16xi32>, vector<16xi32>], vector<16xi32>, vector<16xi1>
    %get3A_2409 = arith.constant 464 : index
    %get3A_2410 = tpu.vector_load %arg4[%get3A_2409] {strides = array<i32>} : memref<512xi32, #tpu.memory_space<vmem>>, vector<16xi32>,
    %sub3A_2411 = arith.constant 600 : i32
    %sub3A_2412 = vector.broadcast %sub3A_2411 : i32 to vector<16xi32>
    %sub3A_2413 = arith.subi %get3A_2410, %sub3A_2412 : vector<16xi32>
    %add3A_2414 = arith.constant 464 : i32
    %add3A_2415 = vector.broadcast %add3A_2414 : i32 to vector<16xi32>
    %add3A_2416 = arith.addi %add3A_2415, %iota3A : vector<16xi32>
    %ge3A_2417 = arith.constant 600 : i32
    %ge3A_2418 = vector.broadcast %ge3A_2417 : i32 to vector<16xi32>
    %ge3A_2419 = arith.cmpi sge, %get3A_2410, %ge3A_2418 : vector<16xi32>
    %lt3A_2420 = arith.constant 800 : i32
    %lt3A_2421 = vector.broadcast %lt3A_2420 : i32 to vector<16xi32>
    %lt3A_2422 = arith.cmpi slt, %get3A_2410, %lt3A_2421 : vector<16xi32>
    %and3A_2423 = arith.andi %ge3A_2419, %lt3A_2422 : vector<16xi1>
    tpu.vector_store_idx %arg5[%sub3A_2413, %add3A_2416], %broadcast_in_dim3A_6 masked %and3A_2423 : memref<200x512xi32, #tpu.memory_space<vmem>>[vector<16xi32>, vector<16xi32>], vector<16xi32>, vector<16xi1>
    %get3A_2424 = arith.constant 480 : index
    %get3A_2425 = tpu.vector_load %arg4[%get3A_2424] {strides = array<i32>} : memref<512xi32, #tpu.memory_space<vmem>>, vector<16xi32>,
    %sub3A_2426 = arith.constant 600 : i32
    %sub3A_2427 = vector.broadcast %sub3A_2426 : i32 to vector<16xi32>
    %sub3A_2428 = arith.subi %get3A_2425, %sub3A_2427 : vector<16xi32>
    %add3A_2429 = arith.constant 480 : i32
    %add3A_2430 = vector.broadcast %add3A_2429 : i32 to vector<16xi32>
    %add3A_2431 = arith.addi %add3A_2430, %iota3A : vector<16xi32>
    %ge3A_2432 = arith.constant 600 : i32
    %ge3A_2433 = vector.broadcast %ge3A_2432 : i32 to vector<16xi32>
    %ge3A_2434 = arith.cmpi sge, %get3A_2425, %ge3A_2433 : vector<16xi32>
    %lt3A_2435 = arith.constant 800 : i32
    %lt3A_2436 = vector.broadcast %lt3A_2435 : i32 to vector<16xi32>
    %lt3A_2437 = arith.cmpi slt, %get3A_2425, %lt3A_2436 : vector<16xi32>
    %and3A_2438 = arith.andi %ge3A_2434, %lt3A_2437 : vector<16xi1>
    tpu.vector_store_idx %arg5[%sub3A_2428, %add3A_2431], %broadcast_in_dim3A_6 masked %and3A_2438 : memref<200x512xi32, #tpu.memory_space<vmem>>[vector<16xi32>, vector<16xi32>], vector<16xi32>, vector<16xi1>
    %get3A_2439 = arith.constant 496 : index
    %get3A_2440 = tpu.vector_load %arg4[%get3A_2439] {strides = array<i32>} : memref<512xi32, #tpu.memory_space<vmem>>, vector<16xi32>,
    %sub3A_2441 = arith.constant 600 : i32
    %sub3A_2442 = vector.broadcast %sub3A_2441 : i32 to vector<16xi32>
    %sub3A_2443 = arith.subi %get3A_2440, %sub3A_2442 : vector<16xi32>
    %add3A_2444 = arith.constant 496 : i32
    %add3A_2445 = vector.broadcast %add3A_2444 : i32 to vector<16xi32>
    %add3A_2446 = arith.addi %add3A_2445, %iota3A : vector<16xi32>
    %ge3A_2447 = arith.constant 600 : i32
    %ge3A_2448 = vector.broadcast %ge3A_2447 : i32 to vector<16xi32>
    %ge3A_2449 = arith.cmpi sge, %get3A_2440, %ge3A_2448 : vector<16xi32>
    %lt3A_2450 = arith.constant 800 : i32
    %lt3A_2451 = vector.broadcast %lt3A_2450 : i32 to vector<16xi32>
    %lt3A_2452 = arith.cmpi slt, %get3A_2440, %lt3A_2451 : vector<16xi32>
    %and3A_2453 = arith.andi %ge3A_2449, %lt3A_2452 : vector<16xi1>
    tpu.vector_store_idx %arg5[%sub3A_2443, %add3A_2446], %broadcast_in_dim3A_6 masked %and3A_2453 : memref<200x512xi32, #tpu.memory_space<vmem>>[vector<16xi32>, vector<16xi32>], vector<16xi32>, vector<16xi1>
    "tpu.region"() ({
      %run_scoped3A = tpu.sem_alloc : memref<!tpu.dma_semaphore, #tpu.memory_space<semaphore_mem>>
      %dma_start3A_2934 = arith.constant 600 : i32
      %dma_start3A_2935 = tpu.memref_slice %arg3[%dma_start3A_2934, %mul3A_2] : memref<1000x16384xi32, #tpu.memory_space<hbm>> -> memref<200x512xi32, #tpu.memory_space<hbm>>
      %dma_start3A_2936 = arith.constant 600 : i32
      %dma_start3A_2937 = tpu.memref_slice %arg3[%dma_start3A_2936, %mul3A_2] : memref<1000x16384xi32, #tpu.memory_space<hbm>> -> memref<200x512xi32, #tpu.memory_space<hbm>>
      tpu.enqueue_dma source(%arg5 : memref<200x512xi32, #tpu.memory_space<vmem>>) target(%dma_start3A_2937 : memref<200x512xi32, #tpu.memory_space<hbm>>) target_semaphore(%run_scoped3A : memref<!tpu.dma_semaphore, #tpu.memory_space<semaphore_mem>>)
      %dma_wait3A_2938 = arith.constant 600 : i32
      %dma_wait3A_2939 = tpu.memref_slice %arg3[%dma_wait3A_2938, %mul3A_2] : memref<1000x16384xi32, #tpu.memory_space<hbm>> -> memref<200x512xi32, #tpu.memory_space<hbm>>
      %dma_wait3A_2940 = arith.constant 600 : i32
      %dma_wait3A_2941 = tpu.memref_slice %arg3[%dma_wait3A_2940, %mul3A_2] : memref<1000x16384xi32, #tpu.memory_space<hbm>> -> memref<200x512xi32, #tpu.memory_space<hbm>>
      tpu.wait_dma2 semaphore(%run_scoped3A : memref<!tpu.dma_semaphore, #tpu.memory_space<semaphore_mem>>) src(%arg5 : memref<200x512xi32, #tpu.memory_space<vmem>>) dst(%dma_wait3A_2941 : memref<200x512xi32, #tpu.memory_space<hbm>>)
      tpu.yield
    }) : () -> ()
    tpu.vector_store_idx %arg5[%sub3A_1978, %add3A_1981], %broadcast_in_dim3A_4 masked %and3A_1988 : memref<200x512xi32, #tpu.memory_space<vmem>>[vector<16xi32>, vector<16xi32>], vector<16xi32>, vector<16xi1>
    tpu.vector_store_idx %arg5[%sub3A_1993, %add3A_1996], %broadcast_in_dim3A_4 masked %and3A_2003 : memref<200x512xi32, #tpu.memory_space<vmem>>[vector<16xi32>, vector<16xi32>], vector<16xi32>, vector<16xi1>
    tpu.vector_store_idx %arg5[%sub3A_2008, %add3A_2011], %broadcast_in_dim3A_4 masked %and3A_2018 : memref<200x512xi32, #tpu.memory_space<vmem>>[vector<16xi32>, vector<16xi32>], vector<16xi32>, vector<16xi1>
    tpu.vector_store_idx %arg5[%sub3A_2023, %add3A_2026], %broadcast_in_dim3A_4 masked %and3A_2033 : memref<200x512xi32, #tpu.memory_space<vmem>>[vector<16xi32>, vector<16xi32>], vector<16xi32>, vector<16xi1>
    tpu.vector_store_idx %arg5[%sub3A_2038, %add3A_2041], %broadcast_in_dim3A_4 masked %and3A_2048 : memref<200x512xi32, #tpu.memory_space<vmem>>[vector<16xi32>, vector<16xi32>], vector<16xi32>, vector<16xi1>
    tpu.vector_store_idx %arg5[%sub3A_2053, %add3A_2056], %broadcast_in_dim3A_4 masked %and3A_2063 : memref<200x512xi32, #tpu.memory_space<vmem>>[vector<16xi32>, vector<16xi32>], vector<16xi32>, vector<16xi1>
    tpu.vector_store_idx %arg5[%sub3A_2068, %add3A_2071], %broadcast_in_dim3A_4 masked %and3A_2078 : memref<200x512xi32, #tpu.memory_space<vmem>>[vector<16xi32>, vector<16xi32>], vector<16xi32>, vector<16xi1>
    tpu.vector_store_idx %arg5[%sub3A_2083, %add3A_2086], %broadcast_in_dim3A_4 masked %and3A_2093 : memref<200x512xi32, #tpu.memory_space<vmem>>[vector<16xi32>, vector<16xi32>], vector<16xi32>, vector<16xi1>
    tpu.vector_store_idx %arg5[%sub3A_2098, %add3A_2101], %broadcast_in_dim3A_4 masked %and3A_2108 : memref<200x512xi32, #tpu.memory_space<vmem>>[vector<16xi32>, vector<16xi32>], vector<16xi32>, vector<16xi1>
    tpu.vector_store_idx %arg5[%sub3A_2113, %add3A_2116], %broadcast_in_dim3A_4 masked %and3A_2123 : memref<200x512xi32, #tpu.memory_space<vmem>>[vector<16xi32>, vector<16xi32>], vector<16xi32>, vector<16xi1>
    tpu.vector_store_idx %arg5[%sub3A_2128, %add3A_2131], %broadcast_in_dim3A_4 masked %and3A_2138 : memref<200x512xi32, #tpu.memory_space<vmem>>[vector<16xi32>, vector<16xi32>], vector<16xi32>, vector<16xi1>
    tpu.vector_store_idx %arg5[%sub3A_2143, %add3A_2146], %broadcast_in_dim3A_4 masked %and3A_2153 : memref<200x512xi32, #tpu.memory_space<vmem>>[vector<16xi32>, vector<16xi32>], vector<16xi32>, vector<16xi1>
    tpu.vector_store_idx %arg5[%sub3A_2158, %add3A_2161], %broadcast_in_dim3A_4 masked %and3A_2168 : memref<200x512xi32, #tpu.memory_space<vmem>>[vector<16xi32>, vector<16xi32>], vector<16xi32>, vector<16xi1>
    tpu.vector_store_idx %arg5[%sub3A_2173, %add3A_2176], %broadcast_in_dim3A_4 masked %and3A_2183 : memref<200x512xi32, #tpu.memory_space<vmem>>[vector<16xi32>, vector<16xi32>], vector<16xi32>, vector<16xi1>
    tpu.vector_store_idx %arg5[%sub3A_2188, %add3A_2191], %broadcast_in_dim3A_4 masked %and3A_2198 : memref<200x512xi32, #tpu.memory_space<vmem>>[vector<16xi32>, vector<16xi32>], vector<16xi32>, vector<16xi1>
    tpu.vector_store_idx %arg5[%sub3A_2203, %add3A_2206], %broadcast_in_dim3A_4 masked %and3A_2213 : memref<200x512xi32, #tpu.memory_space<vmem>>[vector<16xi32>, vector<16xi32>], vector<16xi32>, vector<16xi1>
    tpu.vector_store_idx %arg5[%sub3A_2218, %add3A_2221], %broadcast_in_dim3A_4 masked %and3A_2228 : memref<200x512xi32, #tpu.memory_space<vmem>>[vector<16xi32>, vector<16xi32>], vector<16xi32>, vector<16xi1>
    tpu.vector_store_idx %arg5[%sub3A_2233, %add3A_2236], %broadcast_in_dim3A_4 masked %and3A_2243 : memref<200x512xi32, #tpu.memory_space<vmem>>[vector<16xi32>, vector<16xi32>], vector<16xi32>, vector<16xi1>
    tpu.vector_store_idx %arg5[%sub3A_2248, %add3A_2251], %broadcast_in_dim3A_4 masked %and3A_2258 : memref<200x512xi32, #tpu.memory_space<vmem>>[vector<16xi32>, vector<16xi32>], vector<16xi32>, vector<16xi1>
    tpu.vector_store_idx %arg5[%sub3A_2263, %add3A_2266], %broadcast_in_dim3A_4 masked %and3A_2273 : memref<200x512xi32, #tpu.memory_space<vmem>>[vector<16xi32>, vector<16xi32>], vector<16xi32>, vector<16xi1>
    tpu.vector_store_idx %arg5[%sub3A_2278, %add3A_2281], %broadcast_in_dim3A_4 masked %and3A_2288 : memref<200x512xi32, #tpu.memory_space<vmem>>[vector<16xi32>, vector<16xi32>], vector<16xi32>, vector<16xi1>
    tpu.vector_store_idx %arg5[%sub3A_2293, %add3A_2296], %broadcast_in_dim3A_4 masked %and3A_2303 : memref<200x512xi32, #tpu.memory_space<vmem>>[vector<16xi32>, vector<16xi32>], vector<16xi32>, vector<16xi1>
    tpu.vector_store_idx %arg5[%sub3A_2308, %add3A_2311], %broadcast_in_dim3A_4 masked %and3A_2318 : memref<200x512xi32, #tpu.memory_space<vmem>>[vector<16xi32>, vector<16xi32>], vector<16xi32>, vector<16xi1>
    tpu.vector_store_idx %arg5[%sub3A_2323, %add3A_2326], %broadcast_in_dim3A_4 masked %and3A_2333 : memref<200x512xi32, #tpu.memory_space<vmem>>[vector<16xi32>, vector<16xi32>], vector<16xi32>, vector<16xi1>
    tpu.vector_store_idx %arg5[%sub3A_2338, %add3A_2341], %broadcast_in_dim3A_4 masked %and3A_2348 : memref<200x512xi32, #tpu.memory_space<vmem>>[vector<16xi32>, vector<16xi32>], vector<16xi32>, vector<16xi1>
    tpu.vector_store_idx %arg5[%sub3A_2353, %add3A_2356], %broadcast_in_dim3A_4 masked %and3A_2363 : memref<200x512xi32, #tpu.memory_space<vmem>>[vector<16xi32>, vector<16xi32>], vector<16xi32>, vector<16xi1>
    tpu.vector_store_idx %arg5[%sub3A_2368, %add3A_2371], %broadcast_in_dim3A_4 masked %and3A_2378 : memref<200x512xi32, #tpu.memory_space<vmem>>[vector<16xi32>, vector<16xi32>], vector<16xi32>, vector<16xi1>
    tpu.vector_store_idx %arg5[%sub3A_2383, %add3A_2386], %broadcast_in_dim3A_4 masked %and3A_2393 : memref<200x512xi32, #tpu.memory_space<vmem>>[vector<16xi32>, vector<16xi32>], vector<16xi32>, vector<16xi1>
    tpu.vector_store_idx %arg5[%sub3A_2398, %add3A_2401], %broadcast_in_dim3A_4 masked %and3A_2408 : memref<200x512xi32, #tpu.memory_space<vmem>>[vector<16xi32>, vector<16xi32>], vector<16xi32>, vector<16xi1>
    tpu.vector_store_idx %arg5[%sub3A_2413, %add3A_2416], %broadcast_in_dim3A_4 masked %and3A_2423 : memref<200x512xi32, #tpu.memory_space<vmem>>[vector<16xi32>, vector<16xi32>], vector<16xi32>, vector<16xi1>
    tpu.vector_store_idx %arg5[%sub3A_2428, %add3A_2431], %broadcast_in_dim3A_4 masked %and3A_2438 : memref<200x512xi32, #tpu.memory_space<vmem>>[vector<16xi32>, vector<16xi32>], vector<16xi32>, vector<16xi1>
    tpu.vector_store_idx %arg5[%sub3A_2443, %add3A_2446], %broadcast_in_dim3A_4 masked %and3A_2453 : memref<200x512xi32, #tpu.memory_space<vmem>>[vector<16xi32>, vector<16xi32>], vector<16xi32>, vector<16xi1>
    %get3A_2454 = arith.constant 0 : index
    %get3A_2455 = tpu.vector_load %arg4[%get3A_2454] {strides = array<i32>} : memref<512xi32, #tpu.memory_space<vmem>>, vector<16xi32>,
    %sub3A_2456 = arith.constant 800 : i32
    %sub3A_2457 = vector.broadcast %sub3A_2456 : i32 to vector<16xi32>
    %sub3A_2458 = arith.subi %get3A_2455, %sub3A_2457 : vector<16xi32>
    %add3A_2459 = arith.constant 0 : i32
    %add3A_2460 = vector.broadcast %add3A_2459 : i32 to vector<16xi32>
    %add3A_2461 = arith.addi %add3A_2460, %iota3A : vector<16xi32>
    %ge3A_2462 = arith.constant 800 : i32
    %ge3A_2463 = vector.broadcast %ge3A_2462 : i32 to vector<16xi32>
    %ge3A_2464 = arith.cmpi sge, %get3A_2455, %ge3A_2463 : vector<16xi32>
    %lt3A_2465 = arith.constant 1000 : i32
    %lt3A_2466 = vector.broadcast %lt3A_2465 : i32 to vector<16xi32>
    %lt3A_2467 = arith.cmpi slt, %get3A_2455, %lt3A_2466 : vector<16xi32>
    %and3A_2468 = arith.andi %ge3A_2464, %lt3A_2467 : vector<16xi1>
    tpu.vector_store_idx %arg5[%sub3A_2458, %add3A_2461], %broadcast_in_dim3A_6 masked %and3A_2468 : memref<200x512xi32, #tpu.memory_space<vmem>>[vector<16xi32>, vector<16xi32>], vector<16xi32>, vector<16xi1>
    %get3A_2469 = arith.constant 16 : index
    %get3A_2470 = tpu.vector_load %arg4[%get3A_2469] {strides = array<i32>} : memref<512xi32, #tpu.memory_space<vmem>>, vector<16xi32>,
    %sub3A_2471 = arith.constant 800 : i32
    %sub3A_2472 = vector.broadcast %sub3A_2471 : i32 to vector<16xi32>
    %sub3A_2473 = arith.subi %get3A_2470, %sub3A_2472 : vector<16xi32>
    %add3A_2474 = arith.constant 16 : i32
    %add3A_2475 = vector.broadcast %add3A_2474 : i32 to vector<16xi32>
    %add3A_2476 = arith.addi %add3A_2475, %iota3A : vector<16xi32>
    %ge3A_2477 = arith.constant 800 : i32
    %ge3A_2478 = vector.broadcast %ge3A_2477 : i32 to vector<16xi32>
    %ge3A_2479 = arith.cmpi sge, %get3A_2470, %ge3A_2478 : vector<16xi32>
    %lt3A_2480 = arith.constant 1000 : i32
    %lt3A_2481 = vector.broadcast %lt3A_2480 : i32 to vector<16xi32>
    %lt3A_2482 = arith.cmpi slt, %get3A_2470, %lt3A_2481 : vector<16xi32>
    %and3A_2483 = arith.andi %ge3A_2479, %lt3A_2482 : vector<16xi1>
    tpu.vector_store_idx %arg5[%sub3A_2473, %add3A_2476], %broadcast_in_dim3A_6 masked %and3A_2483 : memref<200x512xi32, #tpu.memory_space<vmem>>[vector<16xi32>, vector<16xi32>], vector<16xi32>, vector<16xi1>
    %get3A_2484 = arith.constant 32 : index
    %get3A_2485 = tpu.vector_load %arg4[%get3A_2484] {strides = array<i32>} : memref<512xi32, #tpu.memory_space<vmem>>, vector<16xi32>,
    %sub3A_2486 = arith.constant 800 : i32
    %sub3A_2487 = vector.broadcast %sub3A_2486 : i32 to vector<16xi32>
    %sub3A_2488 = arith.subi %get3A_2485, %sub3A_2487 : vector<16xi32>
    %add3A_2489 = arith.constant 32 : i32
    %add3A_2490 = vector.broadcast %add3A_2489 : i32 to vector<16xi32>
    %add3A_2491 = arith.addi %add3A_2490, %iota3A : vector<16xi32>
    %ge3A_2492 = arith.constant 800 : i32
    %ge3A_2493 = vector.broadcast %ge3A_2492 : i32 to vector<16xi32>
    %ge3A_2494 = arith.cmpi sge, %get3A_2485, %ge3A_2493 : vector<16xi32>
    %lt3A_2495 = arith.constant 1000 : i32
    %lt3A_2496 = vector.broadcast %lt3A_2495 : i32 to vector<16xi32>
    %lt3A_2497 = arith.cmpi slt, %get3A_2485, %lt3A_2496 : vector<16xi32>
    %and3A_2498 = arith.andi %ge3A_2494, %lt3A_2497 : vector<16xi1>
    tpu.vector_store_idx %arg5[%sub3A_2488, %add3A_2491], %broadcast_in_dim3A_6 masked %and3A_2498 : memref<200x512xi32, #tpu.memory_space<vmem>>[vector<16xi32>, vector<16xi32>], vector<16xi32>, vector<16xi1>
    %get3A_2499 = arith.constant 48 : index
    %get3A_2500 = tpu.vector_load %arg4[%get3A_2499] {strides = array<i32>} : memref<512xi32, #tpu.memory_space<vmem>>, vector<16xi32>,
    %sub3A_2501 = arith.constant 800 : i32
    %sub3A_2502 = vector.broadcast %sub3A_2501 : i32 to vector<16xi32>
    %sub3A_2503 = arith.subi %get3A_2500, %sub3A_2502 : vector<16xi32>
    %add3A_2504 = arith.constant 48 : i32
    %add3A_2505 = vector.broadcast %add3A_2504 : i32 to vector<16xi32>
    %add3A_2506 = arith.addi %add3A_2505, %iota3A : vector<16xi32>
    %ge3A_2507 = arith.constant 800 : i32
    %ge3A_2508 = vector.broadcast %ge3A_2507 : i32 to vector<16xi32>
    %ge3A_2509 = arith.cmpi sge, %get3A_2500, %ge3A_2508 : vector<16xi32>
    %lt3A_2510 = arith.constant 1000 : i32
    %lt3A_2511 = vector.broadcast %lt3A_2510 : i32 to vector<16xi32>
    %lt3A_2512 = arith.cmpi slt, %get3A_2500, %lt3A_2511 : vector<16xi32>
    %and3A_2513 = arith.andi %ge3A_2509, %lt3A_2512 : vector<16xi1>
    tpu.vector_store_idx %arg5[%sub3A_2503, %add3A_2506], %broadcast_in_dim3A_6 masked %and3A_2513 : memref<200x512xi32, #tpu.memory_space<vmem>>[vector<16xi32>, vector<16xi32>], vector<16xi32>, vector<16xi1>
    %get3A_2514 = arith.constant 64 : index
    %get3A_2515 = tpu.vector_load %arg4[%get3A_2514] {strides = array<i32>} : memref<512xi32, #tpu.memory_space<vmem>>, vector<16xi32>,
    %sub3A_2516 = arith.constant 800 : i32
    %sub3A_2517 = vector.broadcast %sub3A_2516 : i32 to vector<16xi32>
    %sub3A_2518 = arith.subi %get3A_2515, %sub3A_2517 : vector<16xi32>
    %add3A_2519 = arith.constant 64 : i32
    %add3A_2520 = vector.broadcast %add3A_2519 : i32 to vector<16xi32>
    %add3A_2521 = arith.addi %add3A_2520, %iota3A : vector<16xi32>
    %ge3A_2522 = arith.constant 800 : i32
    %ge3A_2523 = vector.broadcast %ge3A_2522 : i32 to vector<16xi32>
    %ge3A_2524 = arith.cmpi sge, %get3A_2515, %ge3A_2523 : vector<16xi32>
    %lt3A_2525 = arith.constant 1000 : i32
    %lt3A_2526 = vector.broadcast %lt3A_2525 : i32 to vector<16xi32>
    %lt3A_2527 = arith.cmpi slt, %get3A_2515, %lt3A_2526 : vector<16xi32>
    %and3A_2528 = arith.andi %ge3A_2524, %lt3A_2527 : vector<16xi1>
    tpu.vector_store_idx %arg5[%sub3A_2518, %add3A_2521], %broadcast_in_dim3A_6 masked %and3A_2528 : memref<200x512xi32, #tpu.memory_space<vmem>>[vector<16xi32>, vector<16xi32>], vector<16xi32>, vector<16xi1>
    %get3A_2529 = arith.constant 80 : index
    %get3A_2530 = tpu.vector_load %arg4[%get3A_2529] {strides = array<i32>} : memref<512xi32, #tpu.memory_space<vmem>>, vector<16xi32>,
    %sub3A_2531 = arith.constant 800 : i32
    %sub3A_2532 = vector.broadcast %sub3A_2531 : i32 to vector<16xi32>
    %sub3A_2533 = arith.subi %get3A_2530, %sub3A_2532 : vector<16xi32>
    %add3A_2534 = arith.constant 80 : i32
    %add3A_2535 = vector.broadcast %add3A_2534 : i32 to vector<16xi32>
    %add3A_2536 = arith.addi %add3A_2535, %iota3A : vector<16xi32>
    %ge3A_2537 = arith.constant 800 : i32
    %ge3A_2538 = vector.broadcast %ge3A_2537 : i32 to vector<16xi32>
    %ge3A_2539 = arith.cmpi sge, %get3A_2530, %ge3A_2538 : vector<16xi32>
    %lt3A_2540 = arith.constant 1000 : i32
    %lt3A_2541 = vector.broadcast %lt3A_2540 : i32 to vector<16xi32>
    %lt3A_2542 = arith.cmpi slt, %get3A_2530, %lt3A_2541 : vector<16xi32>
    %and3A_2543 = arith.andi %ge3A_2539, %lt3A_2542 : vector<16xi1>
    tpu.vector_store_idx %arg5[%sub3A_2533, %add3A_2536], %broadcast_in_dim3A_6 masked %and3A_2543 : memref<200x512xi32, #tpu.memory_space<vmem>>[vector<16xi32>, vector<16xi32>], vector<16xi32>, vector<16xi1>
    %get3A_2544 = arith.constant 96 : index
    %get3A_2545 = tpu.vector_load %arg4[%get3A_2544] {strides = array<i32>} : memref<512xi32, #tpu.memory_space<vmem>>, vector<16xi32>,
    %sub3A_2546 = arith.constant 800 : i32
    %sub3A_2547 = vector.broadcast %sub3A_2546 : i32 to vector<16xi32>
    %sub3A_2548 = arith.subi %get3A_2545, %sub3A_2547 : vector<16xi32>
    %add3A_2549 = arith.constant 96 : i32
    %add3A_2550 = vector.broadcast %add3A_2549 : i32 to vector<16xi32>
    %add3A_2551 = arith.addi %add3A_2550, %iota3A : vector<16xi32>
    %ge3A_2552 = arith.constant 800 : i32
    %ge3A_2553 = vector.broadcast %ge3A_2552 : i32 to vector<16xi32>
    %ge3A_2554 = arith.cmpi sge, %get3A_2545, %ge3A_2553 : vector<16xi32>
    %lt3A_2555 = arith.constant 1000 : i32
    %lt3A_2556 = vector.broadcast %lt3A_2555 : i32 to vector<16xi32>
    %lt3A_2557 = arith.cmpi slt, %get3A_2545, %lt3A_2556 : vector<16xi32>
    %and3A_2558 = arith.andi %ge3A_2554, %lt3A_2557 : vector<16xi1>
    tpu.vector_store_idx %arg5[%sub3A_2548, %add3A_2551], %broadcast_in_dim3A_6 masked %and3A_2558 : memref<200x512xi32, #tpu.memory_space<vmem>>[vector<16xi32>, vector<16xi32>], vector<16xi32>, vector<16xi1>
    %get3A_2559 = arith.constant 112 : index
    %get3A_2560 = tpu.vector_load %arg4[%get3A_2559] {strides = array<i32>} : memref<512xi32, #tpu.memory_space<vmem>>, vector<16xi32>,
    %sub3A_2561 = arith.constant 800 : i32
    %sub3A_2562 = vector.broadcast %sub3A_2561 : i32 to vector<16xi32>
    %sub3A_2563 = arith.subi %get3A_2560, %sub3A_2562 : vector<16xi32>
    %add3A_2564 = arith.constant 112 : i32
    %add3A_2565 = vector.broadcast %add3A_2564 : i32 to vector<16xi32>
    %add3A_2566 = arith.addi %add3A_2565, %iota3A : vector<16xi32>
    %ge3A_2567 = arith.constant 800 : i32
    %ge3A_2568 = vector.broadcast %ge3A_2567 : i32 to vector<16xi32>
    %ge3A_2569 = arith.cmpi sge, %get3A_2560, %ge3A_2568 : vector<16xi32>
    %lt3A_2570 = arith.constant 1000 : i32
    %lt3A_2571 = vector.broadcast %lt3A_2570 : i32 to vector<16xi32>
    %lt3A_2572 = arith.cmpi slt, %get3A_2560, %lt3A_2571 : vector<16xi32>
    %and3A_2573 = arith.andi %ge3A_2569, %lt3A_2572 : vector<16xi1>
    tpu.vector_store_idx %arg5[%sub3A_2563, %add3A_2566], %broadcast_in_dim3A_6 masked %and3A_2573 : memref<200x512xi32, #tpu.memory_space<vmem>>[vector<16xi32>, vector<16xi32>], vector<16xi32>, vector<16xi1>
    %get3A_2574 = arith.constant 128 : index
    %get3A_2575 = tpu.vector_load %arg4[%get3A_2574] {strides = array<i32>} : memref<512xi32, #tpu.memory_space<vmem>>, vector<16xi32>,
    %sub3A_2576 = arith.constant 800 : i32
    %sub3A_2577 = vector.broadcast %sub3A_2576 : i32 to vector<16xi32>
    %sub3A_2578 = arith.subi %get3A_2575, %sub3A_2577 : vector<16xi32>
    %add3A_2579 = arith.constant 128 : i32
    %add3A_2580 = vector.broadcast %add3A_2579 : i32 to vector<16xi32>
    %add3A_2581 = arith.addi %add3A_2580, %iota3A : vector<16xi32>
    %ge3A_2582 = arith.constant 800 : i32
    %ge3A_2583 = vector.broadcast %ge3A_2582 : i32 to vector<16xi32>
    %ge3A_2584 = arith.cmpi sge, %get3A_2575, %ge3A_2583 : vector<16xi32>
    %lt3A_2585 = arith.constant 1000 : i32
    %lt3A_2586 = vector.broadcast %lt3A_2585 : i32 to vector<16xi32>
    %lt3A_2587 = arith.cmpi slt, %get3A_2575, %lt3A_2586 : vector<16xi32>
    %and3A_2588 = arith.andi %ge3A_2584, %lt3A_2587 : vector<16xi1>
    tpu.vector_store_idx %arg5[%sub3A_2578, %add3A_2581], %broadcast_in_dim3A_6 masked %and3A_2588 : memref<200x512xi32, #tpu.memory_space<vmem>>[vector<16xi32>, vector<16xi32>], vector<16xi32>, vector<16xi1>
    %get3A_2589 = arith.constant 144 : index
    %get3A_2590 = tpu.vector_load %arg4[%get3A_2589] {strides = array<i32>} : memref<512xi32, #tpu.memory_space<vmem>>, vector<16xi32>,
    %sub3A_2591 = arith.constant 800 : i32
    %sub3A_2592 = vector.broadcast %sub3A_2591 : i32 to vector<16xi32>
    %sub3A_2593 = arith.subi %get3A_2590, %sub3A_2592 : vector<16xi32>
    %add3A_2594 = arith.constant 144 : i32
    %add3A_2595 = vector.broadcast %add3A_2594 : i32 to vector<16xi32>
    %add3A_2596 = arith.addi %add3A_2595, %iota3A : vector<16xi32>
    %ge3A_2597 = arith.constant 800 : i32
    %ge3A_2598 = vector.broadcast %ge3A_2597 : i32 to vector<16xi32>
    %ge3A_2599 = arith.cmpi sge, %get3A_2590, %ge3A_2598 : vector<16xi32>
    %lt3A_2600 = arith.constant 1000 : i32
    %lt3A_2601 = vector.broadcast %lt3A_2600 : i32 to vector<16xi32>
    %lt3A_2602 = arith.cmpi slt, %get3A_2590, %lt3A_2601 : vector<16xi32>
    %and3A_2603 = arith.andi %ge3A_2599, %lt3A_2602 : vector<16xi1>
    tpu.vector_store_idx %arg5[%sub3A_2593, %add3A_2596], %broadcast_in_dim3A_6 masked %and3A_2603 : memref<200x512xi32, #tpu.memory_space<vmem>>[vector<16xi32>, vector<16xi32>], vector<16xi32>, vector<16xi1>
    %get3A_2604 = arith.constant 160 : index
    %get3A_2605 = tpu.vector_load %arg4[%get3A_2604] {strides = array<i32>} : memref<512xi32, #tpu.memory_space<vmem>>, vector<16xi32>,
    %sub3A_2606 = arith.constant 800 : i32
    %sub3A_2607 = vector.broadcast %sub3A_2606 : i32 to vector<16xi32>
    %sub3A_2608 = arith.subi %get3A_2605, %sub3A_2607 : vector<16xi32>
    %add3A_2609 = arith.constant 160 : i32
    %add3A_2610 = vector.broadcast %add3A_2609 : i32 to vector<16xi32>
    %add3A_2611 = arith.addi %add3A_2610, %iota3A : vector<16xi32>
    %ge3A_2612 = arith.constant 800 : i32
    %ge3A_2613 = vector.broadcast %ge3A_2612 : i32 to vector<16xi32>
    %ge3A_2614 = arith.cmpi sge, %get3A_2605, %ge3A_2613 : vector<16xi32>
    %lt3A_2615 = arith.constant 1000 : i32
    %lt3A_2616 = vector.broadcast %lt3A_2615 : i32 to vector<16xi32>
    %lt3A_2617 = arith.cmpi slt, %get3A_2605, %lt3A_2616 : vector<16xi32>
    %and3A_2618 = arith.andi %ge3A_2614, %lt3A_2617 : vector<16xi1>
    tpu.vector_store_idx %arg5[%sub3A_2608, %add3A_2611], %broadcast_in_dim3A_6 masked %and3A_2618 : memref<200x512xi32, #tpu.memory_space<vmem>>[vector<16xi32>, vector<16xi32>], vector<16xi32>, vector<16xi1>
    %get3A_2619 = arith.constant 176 : index
    %get3A_2620 = tpu.vector_load %arg4[%get3A_2619] {strides = array<i32>} : memref<512xi32, #tpu.memory_space<vmem>>, vector<16xi32>,
    %sub3A_2621 = arith.constant 800 : i32
    %sub3A_2622 = vector.broadcast %sub3A_2621 : i32 to vector<16xi32>
    %sub3A_2623 = arith.subi %get3A_2620, %sub3A_2622 : vector<16xi32>
    %add3A_2624 = arith.constant 176 : i32
    %add3A_2625 = vector.broadcast %add3A_2624 : i32 to vector<16xi32>
    %add3A_2626 = arith.addi %add3A_2625, %iota3A : vector<16xi32>
    %ge3A_2627 = arith.constant 800 : i32
    %ge3A_2628 = vector.broadcast %ge3A_2627 : i32 to vector<16xi32>
    %ge3A_2629 = arith.cmpi sge, %get3A_2620, %ge3A_2628 : vector<16xi32>
    %lt3A_2630 = arith.constant 1000 : i32
    %lt3A_2631 = vector.broadcast %lt3A_2630 : i32 to vector<16xi32>
    %lt3A_2632 = arith.cmpi slt, %get3A_2620, %lt3A_2631 : vector<16xi32>
    %and3A_2633 = arith.andi %ge3A_2629, %lt3A_2632 : vector<16xi1>
    tpu.vector_store_idx %arg5[%sub3A_2623, %add3A_2626], %broadcast_in_dim3A_6 masked %and3A_2633 : memref<200x512xi32, #tpu.memory_space<vmem>>[vector<16xi32>, vector<16xi32>], vector<16xi32>, vector<16xi1>
    %get3A_2634 = arith.constant 192 : index
    %get3A_2635 = tpu.vector_load %arg4[%get3A_2634] {strides = array<i32>} : memref<512xi32, #tpu.memory_space<vmem>>, vector<16xi32>,
    %sub3A_2636 = arith.constant 800 : i32
    %sub3A_2637 = vector.broadcast %sub3A_2636 : i32 to vector<16xi32>
    %sub3A_2638 = arith.subi %get3A_2635, %sub3A_2637 : vector<16xi32>
    %add3A_2639 = arith.constant 192 : i32
    %add3A_2640 = vector.broadcast %add3A_2639 : i32 to vector<16xi32>
    %add3A_2641 = arith.addi %add3A_2640, %iota3A : vector<16xi32>
    %ge3A_2642 = arith.constant 800 : i32
    %ge3A_2643 = vector.broadcast %ge3A_2642 : i32 to vector<16xi32>
    %ge3A_2644 = arith.cmpi sge, %get3A_2635, %ge3A_2643 : vector<16xi32>
    %lt3A_2645 = arith.constant 1000 : i32
    %lt3A_2646 = vector.broadcast %lt3A_2645 : i32 to vector<16xi32>
    %lt3A_2647 = arith.cmpi slt, %get3A_2635, %lt3A_2646 : vector<16xi32>
    %and3A_2648 = arith.andi %ge3A_2644, %lt3A_2647 : vector<16xi1>
    tpu.vector_store_idx %arg5[%sub3A_2638, %add3A_2641], %broadcast_in_dim3A_6 masked %and3A_2648 : memref<200x512xi32, #tpu.memory_space<vmem>>[vector<16xi32>, vector<16xi32>], vector<16xi32>, vector<16xi1>
    %get3A_2649 = arith.constant 208 : index
    %get3A_2650 = tpu.vector_load %arg4[%get3A_2649] {strides = array<i32>} : memref<512xi32, #tpu.memory_space<vmem>>, vector<16xi32>,
    %sub3A_2651 = arith.constant 800 : i32
    %sub3A_2652 = vector.broadcast %sub3A_2651 : i32 to vector<16xi32>
    %sub3A_2653 = arith.subi %get3A_2650, %sub3A_2652 : vector<16xi32>
    %add3A_2654 = arith.constant 208 : i32
    %add3A_2655 = vector.broadcast %add3A_2654 : i32 to vector<16xi32>
    %add3A_2656 = arith.addi %add3A_2655, %iota3A : vector<16xi32>
    %ge3A_2657 = arith.constant 800 : i32
    %ge3A_2658 = vector.broadcast %ge3A_2657 : i32 to vector<16xi32>
    %ge3A_2659 = arith.cmpi sge, %get3A_2650, %ge3A_2658 : vector<16xi32>
    %lt3A_2660 = arith.constant 1000 : i32
    %lt3A_2661 = vector.broadcast %lt3A_2660 : i32 to vector<16xi32>
    %lt3A_2662 = arith.cmpi slt, %get3A_2650, %lt3A_2661 : vector<16xi32>
    %and3A_2663 = arith.andi %ge3A_2659, %lt3A_2662 : vector<16xi1>
    tpu.vector_store_idx %arg5[%sub3A_2653, %add3A_2656], %broadcast_in_dim3A_6 masked %and3A_2663 : memref<200x512xi32, #tpu.memory_space<vmem>>[vector<16xi32>, vector<16xi32>], vector<16xi32>, vector<16xi1>
    %get3A_2664 = arith.constant 224 : index
    %get3A_2665 = tpu.vector_load %arg4[%get3A_2664] {strides = array<i32>} : memref<512xi32, #tpu.memory_space<vmem>>, vector<16xi32>,
    %sub3A_2666 = arith.constant 800 : i32
    %sub3A_2667 = vector.broadcast %sub3A_2666 : i32 to vector<16xi32>
    %sub3A_2668 = arith.subi %get3A_2665, %sub3A_2667 : vector<16xi32>
    %add3A_2669 = arith.constant 224 : i32
    %add3A_2670 = vector.broadcast %add3A_2669 : i32 to vector<16xi32>
    %add3A_2671 = arith.addi %add3A_2670, %iota3A : vector<16xi32>
    %ge3A_2672 = arith.constant 800 : i32
    %ge3A_2673 = vector.broadcast %ge3A_2672 : i32 to vector<16xi32>
    %ge3A_2674 = arith.cmpi sge, %get3A_2665, %ge3A_2673 : vector<16xi32>
    %lt3A_2675 = arith.constant 1000 : i32
    %lt3A_2676 = vector.broadcast %lt3A_2675 : i32 to vector<16xi32>
    %lt3A_2677 = arith.cmpi slt, %get3A_2665, %lt3A_2676 : vector<16xi32>
    %and3A_2678 = arith.andi %ge3A_2674, %lt3A_2677 : vector<16xi1>
    tpu.vector_store_idx %arg5[%sub3A_2668, %add3A_2671], %broadcast_in_dim3A_6 masked %and3A_2678 : memref<200x512xi32, #tpu.memory_space<vmem>>[vector<16xi32>, vector<16xi32>], vector<16xi32>, vector<16xi1>
    %get3A_2679 = arith.constant 240 : index
    %get3A_2680 = tpu.vector_load %arg4[%get3A_2679] {strides = array<i32>} : memref<512xi32, #tpu.memory_space<vmem>>, vector<16xi32>,
    %sub3A_2681 = arith.constant 800 : i32
    %sub3A_2682 = vector.broadcast %sub3A_2681 : i32 to vector<16xi32>
    %sub3A_2683 = arith.subi %get3A_2680, %sub3A_2682 : vector<16xi32>
    %add3A_2684 = arith.constant 240 : i32
    %add3A_2685 = vector.broadcast %add3A_2684 : i32 to vector<16xi32>
    %add3A_2686 = arith.addi %add3A_2685, %iota3A : vector<16xi32>
    %ge3A_2687 = arith.constant 800 : i32
    %ge3A_2688 = vector.broadcast %ge3A_2687 : i32 to vector<16xi32>
    %ge3A_2689 = arith.cmpi sge, %get3A_2680, %ge3A_2688 : vector<16xi32>
    %lt3A_2690 = arith.constant 1000 : i32
    %lt3A_2691 = vector.broadcast %lt3A_2690 : i32 to vector<16xi32>
    %lt3A_2692 = arith.cmpi slt, %get3A_2680, %lt3A_2691 : vector<16xi32>
    %and3A_2693 = arith.andi %ge3A_2689, %lt3A_2692 : vector<16xi1>
    tpu.vector_store_idx %arg5[%sub3A_2683, %add3A_2686], %broadcast_in_dim3A_6 masked %and3A_2693 : memref<200x512xi32, #tpu.memory_space<vmem>>[vector<16xi32>, vector<16xi32>], vector<16xi32>, vector<16xi1>
    %get3A_2694 = arith.constant 256 : index
    %get3A_2695 = tpu.vector_load %arg4[%get3A_2694] {strides = array<i32>} : memref<512xi32, #tpu.memory_space<vmem>>, vector<16xi32>,
    %sub3A_2696 = arith.constant 800 : i32
    %sub3A_2697 = vector.broadcast %sub3A_2696 : i32 to vector<16xi32>
    %sub3A_2698 = arith.subi %get3A_2695, %sub3A_2697 : vector<16xi32>
    %add3A_2699 = arith.constant 256 : i32
    %add3A_2700 = vector.broadcast %add3A_2699 : i32 to vector<16xi32>
    %add3A_2701 = arith.addi %add3A_2700, %iota3A : vector<16xi32>
    %ge3A_2702 = arith.constant 800 : i32
    %ge3A_2703 = vector.broadcast %ge3A_2702 : i32 to vector<16xi32>
    %ge3A_2704 = arith.cmpi sge, %get3A_2695, %ge3A_2703 : vector<16xi32>
    %lt3A_2705 = arith.constant 1000 : i32
    %lt3A_2706 = vector.broadcast %lt3A_2705 : i32 to vector<16xi32>
    %lt3A_2707 = arith.cmpi slt, %get3A_2695, %lt3A_2706 : vector<16xi32>
    %and3A_2708 = arith.andi %ge3A_2704, %lt3A_2707 : vector<16xi1>
    tpu.vector_store_idx %arg5[%sub3A_2698, %add3A_2701], %broadcast_in_dim3A_6 masked %and3A_2708 : memref<200x512xi32, #tpu.memory_space<vmem>>[vector<16xi32>, vector<16xi32>], vector<16xi32>, vector<16xi1>
    %get3A_2709 = arith.constant 272 : index
    %get3A_2710 = tpu.vector_load %arg4[%get3A_2709] {strides = array<i32>} : memref<512xi32, #tpu.memory_space<vmem>>, vector<16xi32>,
    %sub3A_2711 = arith.constant 800 : i32
    %sub3A_2712 = vector.broadcast %sub3A_2711 : i32 to vector<16xi32>
    %sub3A_2713 = arith.subi %get3A_2710, %sub3A_2712 : vector<16xi32>
    %add3A_2714 = arith.constant 272 : i32
    %add3A_2715 = vector.broadcast %add3A_2714 : i32 to vector<16xi32>
    %add3A_2716 = arith.addi %add3A_2715, %iota3A : vector<16xi32>
    %ge3A_2717 = arith.constant 800 : i32
    %ge3A_2718 = vector.broadcast %ge3A_2717 : i32 to vector<16xi32>
    %ge3A_2719 = arith.cmpi sge, %get3A_2710, %ge3A_2718 : vector<16xi32>
    %lt3A_2720 = arith.constant 1000 : i32
    %lt3A_2721 = vector.broadcast %lt3A_2720 : i32 to vector<16xi32>
    %lt3A_2722 = arith.cmpi slt, %get3A_2710, %lt3A_2721 : vector<16xi32>
    %and3A_2723 = arith.andi %ge3A_2719, %lt3A_2722 : vector<16xi1>
    tpu.vector_store_idx %arg5[%sub3A_2713, %add3A_2716], %broadcast_in_dim3A_6 masked %and3A_2723 : memref<200x512xi32, #tpu.memory_space<vmem>>[vector<16xi32>, vector<16xi32>], vector<16xi32>, vector<16xi1>
    %get3A_2724 = arith.constant 288 : index
    %get3A_2725 = tpu.vector_load %arg4[%get3A_2724] {strides = array<i32>} : memref<512xi32, #tpu.memory_space<vmem>>, vector<16xi32>,
    %sub3A_2726 = arith.constant 800 : i32
    %sub3A_2727 = vector.broadcast %sub3A_2726 : i32 to vector<16xi32>
    %sub3A_2728 = arith.subi %get3A_2725, %sub3A_2727 : vector<16xi32>
    %add3A_2729 = arith.constant 288 : i32
    %add3A_2730 = vector.broadcast %add3A_2729 : i32 to vector<16xi32>
    %add3A_2731 = arith.addi %add3A_2730, %iota3A : vector<16xi32>
    %ge3A_2732 = arith.constant 800 : i32
    %ge3A_2733 = vector.broadcast %ge3A_2732 : i32 to vector<16xi32>
    %ge3A_2734 = arith.cmpi sge, %get3A_2725, %ge3A_2733 : vector<16xi32>
    %lt3A_2735 = arith.constant 1000 : i32
    %lt3A_2736 = vector.broadcast %lt3A_2735 : i32 to vector<16xi32>
    %lt3A_2737 = arith.cmpi slt, %get3A_2725, %lt3A_2736 : vector<16xi32>
    %and3A_2738 = arith.andi %ge3A_2734, %lt3A_2737 : vector<16xi1>
    tpu.vector_store_idx %arg5[%sub3A_2728, %add3A_2731], %broadcast_in_dim3A_6 masked %and3A_2738 : memref<200x512xi32, #tpu.memory_space<vmem>>[vector<16xi32>, vector<16xi32>], vector<16xi32>, vector<16xi1>
    %get3A_2739 = arith.constant 304 : index
    %get3A_2740 = tpu.vector_load %arg4[%get3A_2739] {strides = array<i32>} : memref<512xi32, #tpu.memory_space<vmem>>, vector<16xi32>,
    %sub3A_2741 = arith.constant 800 : i32
    %sub3A_2742 = vector.broadcast %sub3A_2741 : i32 to vector<16xi32>
    %sub3A_2743 = arith.subi %get3A_2740, %sub3A_2742 : vector<16xi32>
    %add3A_2744 = arith.constant 304 : i32
    %add3A_2745 = vector.broadcast %add3A_2744 : i32 to vector<16xi32>
    %add3A_2746 = arith.addi %add3A_2745, %iota3A : vector<16xi32>
    %ge3A_2747 = arith.constant 800 : i32
    %ge3A_2748 = vector.broadcast %ge3A_2747 : i32 to vector<16xi32>
    %ge3A_2749 = arith.cmpi sge, %get3A_2740, %ge3A_2748 : vector<16xi32>
    %lt3A_2750 = arith.constant 1000 : i32
    %lt3A_2751 = vector.broadcast %lt3A_2750 : i32 to vector<16xi32>
    %lt3A_2752 = arith.cmpi slt, %get3A_2740, %lt3A_2751 : vector<16xi32>
    %and3A_2753 = arith.andi %ge3A_2749, %lt3A_2752 : vector<16xi1>
    tpu.vector_store_idx %arg5[%sub3A_2743, %add3A_2746], %broadcast_in_dim3A_6 masked %and3A_2753 : memref<200x512xi32, #tpu.memory_space<vmem>>[vector<16xi32>, vector<16xi32>], vector<16xi32>, vector<16xi1>
    %get3A_2754 = arith.constant 320 : index
    %get3A_2755 = tpu.vector_load %arg4[%get3A_2754] {strides = array<i32>} : memref<512xi32, #tpu.memory_space<vmem>>, vector<16xi32>,
    %sub3A_2756 = arith.constant 800 : i32
    %sub3A_2757 = vector.broadcast %sub3A_2756 : i32 to vector<16xi32>
    %sub3A_2758 = arith.subi %get3A_2755, %sub3A_2757 : vector<16xi32>
    %add3A_2759 = arith.constant 320 : i32
    %add3A_2760 = vector.broadcast %add3A_2759 : i32 to vector<16xi32>
    %add3A_2761 = arith.addi %add3A_2760, %iota3A : vector<16xi32>
    %ge3A_2762 = arith.constant 800 : i32
    %ge3A_2763 = vector.broadcast %ge3A_2762 : i32 to vector<16xi32>
    %ge3A_2764 = arith.cmpi sge, %get3A_2755, %ge3A_2763 : vector<16xi32>
    %lt3A_2765 = arith.constant 1000 : i32
    %lt3A_2766 = vector.broadcast %lt3A_2765 : i32 to vector<16xi32>
    %lt3A_2767 = arith.cmpi slt, %get3A_2755, %lt3A_2766 : vector<16xi32>
    %and3A_2768 = arith.andi %ge3A_2764, %lt3A_2767 : vector<16xi1>
    tpu.vector_store_idx %arg5[%sub3A_2758, %add3A_2761], %broadcast_in_dim3A_6 masked %and3A_2768 : memref<200x512xi32, #tpu.memory_space<vmem>>[vector<16xi32>, vector<16xi32>], vector<16xi32>, vector<16xi1>
    %get3A_2769 = arith.constant 336 : index
    %get3A_2770 = tpu.vector_load %arg4[%get3A_2769] {strides = array<i32>} : memref<512xi32, #tpu.memory_space<vmem>>, vector<16xi32>,
    %sub3A_2771 = arith.constant 800 : i32
    %sub3A_2772 = vector.broadcast %sub3A_2771 : i32 to vector<16xi32>
    %sub3A_2773 = arith.subi %get3A_2770, %sub3A_2772 : vector<16xi32>
    %add3A_2774 = arith.constant 336 : i32
    %add3A_2775 = vector.broadcast %add3A_2774 : i32 to vector<16xi32>
    %add3A_2776 = arith.addi %add3A_2775, %iota3A : vector<16xi32>
    %ge3A_2777 = arith.constant 800 : i32
    %ge3A_2778 = vector.broadcast %ge3A_2777 : i32 to vector<16xi32>
    %ge3A_2779 = arith.cmpi sge, %get3A_2770, %ge3A_2778 : vector<16xi32>
    %lt3A_2780 = arith.constant 1000 : i32
    %lt3A_2781 = vector.broadcast %lt3A_2780 : i32 to vector<16xi32>
    %lt3A_2782 = arith.cmpi slt, %get3A_2770, %lt3A_2781 : vector<16xi32>
    %and3A_2783 = arith.andi %ge3A_2779, %lt3A_2782 : vector<16xi1>
    tpu.vector_store_idx %arg5[%sub3A_2773, %add3A_2776], %broadcast_in_dim3A_6 masked %and3A_2783 : memref<200x512xi32, #tpu.memory_space<vmem>>[vector<16xi32>, vector<16xi32>], vector<16xi32>, vector<16xi1>
    %get3A_2784 = arith.constant 352 : index
    %get3A_2785 = tpu.vector_load %arg4[%get3A_2784] {strides = array<i32>} : memref<512xi32, #tpu.memory_space<vmem>>, vector<16xi32>,
    %sub3A_2786 = arith.constant 800 : i32
    %sub3A_2787 = vector.broadcast %sub3A_2786 : i32 to vector<16xi32>
    %sub3A_2788 = arith.subi %get3A_2785, %sub3A_2787 : vector<16xi32>
    %add3A_2789 = arith.constant 352 : i32
    %add3A_2790 = vector.broadcast %add3A_2789 : i32 to vector<16xi32>
    %add3A_2791 = arith.addi %add3A_2790, %iota3A : vector<16xi32>
    %ge3A_2792 = arith.constant 800 : i32
    %ge3A_2793 = vector.broadcast %ge3A_2792 : i32 to vector<16xi32>
    %ge3A_2794 = arith.cmpi sge, %get3A_2785, %ge3A_2793 : vector<16xi32>
    %lt3A_2795 = arith.constant 1000 : i32
    %lt3A_2796 = vector.broadcast %lt3A_2795 : i32 to vector<16xi32>
    %lt3A_2797 = arith.cmpi slt, %get3A_2785, %lt3A_2796 : vector<16xi32>
    %and3A_2798 = arith.andi %ge3A_2794, %lt3A_2797 : vector<16xi1>
    tpu.vector_store_idx %arg5[%sub3A_2788, %add3A_2791], %broadcast_in_dim3A_6 masked %and3A_2798 : memref<200x512xi32, #tpu.memory_space<vmem>>[vector<16xi32>, vector<16xi32>], vector<16xi32>, vector<16xi1>
    %get3A_2799 = arith.constant 368 : index
    %get3A_2800 = tpu.vector_load %arg4[%get3A_2799] {strides = array<i32>} : memref<512xi32, #tpu.memory_space<vmem>>, vector<16xi32>,
    %sub3A_2801 = arith.constant 800 : i32
    %sub3A_2802 = vector.broadcast %sub3A_2801 : i32 to vector<16xi32>
    %sub3A_2803 = arith.subi %get3A_2800, %sub3A_2802 : vector<16xi32>
    %add3A_2804 = arith.constant 368 : i32
    %add3A_2805 = vector.broadcast %add3A_2804 : i32 to vector<16xi32>
    %add3A_2806 = arith.addi %add3A_2805, %iota3A : vector<16xi32>
    %ge3A_2807 = arith.constant 800 : i32
    %ge3A_2808 = vector.broadcast %ge3A_2807 : i32 to vector<16xi32>
    %ge3A_2809 = arith.cmpi sge, %get3A_2800, %ge3A_2808 : vector<16xi32>
    %lt3A_2810 = arith.constant 1000 : i32
    %lt3A_2811 = vector.broadcast %lt3A_2810 : i32 to vector<16xi32>
    %lt3A_2812 = arith.cmpi slt, %get3A_2800, %lt3A_2811 : vector<16xi32>
    %and3A_2813 = arith.andi %ge3A_2809, %lt3A_2812 : vector<16xi1>
    tpu.vector_store_idx %arg5[%sub3A_2803, %add3A_2806], %broadcast_in_dim3A_6 masked %and3A_2813 : memref<200x512xi32, #tpu.memory_space<vmem>>[vector<16xi32>, vector<16xi32>], vector<16xi32>, vector<16xi1>
    %get3A_2814 = arith.constant 384 : index
    %get3A_2815 = tpu.vector_load %arg4[%get3A_2814] {strides = array<i32>} : memref<512xi32, #tpu.memory_space<vmem>>, vector<16xi32>,
    %sub3A_2816 = arith.constant 800 : i32
    %sub3A_2817 = vector.broadcast %sub3A_2816 : i32 to vector<16xi32>
    %sub3A_2818 = arith.subi %get3A_2815, %sub3A_2817 : vector<16xi32>
    %add3A_2819 = arith.constant 384 : i32
    %add3A_2820 = vector.broadcast %add3A_2819 : i32 to vector<16xi32>
    %add3A_2821 = arith.addi %add3A_2820, %iota3A : vector<16xi32>
    %ge3A_2822 = arith.constant 800 : i32
    %ge3A_2823 = vector.broadcast %ge3A_2822 : i32 to vector<16xi32>
    %ge3A_2824 = arith.cmpi sge, %get3A_2815, %ge3A_2823 : vector<16xi32>
    %lt3A_2825 = arith.constant 1000 : i32
    %lt3A_2826 = vector.broadcast %lt3A_2825 : i32 to vector<16xi32>
    %lt3A_2827 = arith.cmpi slt, %get3A_2815, %lt3A_2826 : vector<16xi32>
    %and3A_2828 = arith.andi %ge3A_2824, %lt3A_2827 : vector<16xi1>
    tpu.vector_store_idx %arg5[%sub3A_2818, %add3A_2821], %broadcast_in_dim3A_6 masked %and3A_2828 : memref<200x512xi32, #tpu.memory_space<vmem>>[vector<16xi32>, vector<16xi32>], vector<16xi32>, vector<16xi1>
    %get3A_2829 = arith.constant 400 : index
    %get3A_2830 = tpu.vector_load %arg4[%get3A_2829] {strides = array<i32>} : memref<512xi32, #tpu.memory_space<vmem>>, vector<16xi32>,
    %sub3A_2831 = arith.constant 800 : i32
    %sub3A_2832 = vector.broadcast %sub3A_2831 : i32 to vector<16xi32>
    %sub3A_2833 = arith.subi %get3A_2830, %sub3A_2832 : vector<16xi32>
    %add3A_2834 = arith.constant 400 : i32
    %add3A_2835 = vector.broadcast %add3A_2834 : i32 to vector<16xi32>
    %add3A_2836 = arith.addi %add3A_2835, %iota3A : vector<16xi32>
    %ge3A_2837 = arith.constant 800 : i32
    %ge3A_2838 = vector.broadcast %ge3A_2837 : i32 to vector<16xi32>
    %ge3A_2839 = arith.cmpi sge, %get3A_2830, %ge3A_2838 : vector<16xi32>
    %lt3A_2840 = arith.constant 1000 : i32
    %lt3A_2841 = vector.broadcast %lt3A_2840 : i32 to vector<16xi32>
    %lt3A_2842 = arith.cmpi slt, %get3A_2830, %lt3A_2841 : vector<16xi32>
    %and3A_2843 = arith.andi %ge3A_2839, %lt3A_2842 : vector<16xi1>
    tpu.vector_store_idx %arg5[%sub3A_2833, %add3A_2836], %broadcast_in_dim3A_6 masked %and3A_2843 : memref<200x512xi32, #tpu.memory_space<vmem>>[vector<16xi32>, vector<16xi32>], vector<16xi32>, vector<16xi1>
    %get3A_2844 = arith.constant 416 : index
    %get3A_2845 = tpu.vector_load %arg4[%get3A_2844] {strides = array<i32>} : memref<512xi32, #tpu.memory_space<vmem>>, vector<16xi32>,
    %sub3A_2846 = arith.constant 800 : i32
    %sub3A_2847 = vector.broadcast %sub3A_2846 : i32 to vector<16xi32>
    %sub3A_2848 = arith.subi %get3A_2845, %sub3A_2847 : vector<16xi32>
    %add3A_2849 = arith.constant 416 : i32
    %add3A_2850 = vector.broadcast %add3A_2849 : i32 to vector<16xi32>
    %add3A_2851 = arith.addi %add3A_2850, %iota3A : vector<16xi32>
    %ge3A_2852 = arith.constant 800 : i32
    %ge3A_2853 = vector.broadcast %ge3A_2852 : i32 to vector<16xi32>
    %ge3A_2854 = arith.cmpi sge, %get3A_2845, %ge3A_2853 : vector<16xi32>
    %lt3A_2855 = arith.constant 1000 : i32
    %lt3A_2856 = vector.broadcast %lt3A_2855 : i32 to vector<16xi32>
    %lt3A_2857 = arith.cmpi slt, %get3A_2845, %lt3A_2856 : vector<16xi32>
    %and3A_2858 = arith.andi %ge3A_2854, %lt3A_2857 : vector<16xi1>
    tpu.vector_store_idx %arg5[%sub3A_2848, %add3A_2851], %broadcast_in_dim3A_6 masked %and3A_2858 : memref<200x512xi32, #tpu.memory_space<vmem>>[vector<16xi32>, vector<16xi32>], vector<16xi32>, vector<16xi1>
    %get3A_2859 = arith.constant 432 : index
    %get3A_2860 = tpu.vector_load %arg4[%get3A_2859] {strides = array<i32>} : memref<512xi32, #tpu.memory_space<vmem>>, vector<16xi32>,
    %sub3A_2861 = arith.constant 800 : i32
    %sub3A_2862 = vector.broadcast %sub3A_2861 : i32 to vector<16xi32>
    %sub3A_2863 = arith.subi %get3A_2860, %sub3A_2862 : vector<16xi32>
    %add3A_2864 = arith.constant 432 : i32
    %add3A_2865 = vector.broadcast %add3A_2864 : i32 to vector<16xi32>
    %add3A_2866 = arith.addi %add3A_2865, %iota3A : vector<16xi32>
    %ge3A_2867 = arith.constant 800 : i32
    %ge3A_2868 = vector.broadcast %ge3A_2867 : i32 to vector<16xi32>
    %ge3A_2869 = arith.cmpi sge, %get3A_2860, %ge3A_2868 : vector<16xi32>
    %lt3A_2870 = arith.constant 1000 : i32
    %lt3A_2871 = vector.broadcast %lt3A_2870 : i32 to vector<16xi32>
    %lt3A_2872 = arith.cmpi slt, %get3A_2860, %lt3A_2871 : vector<16xi32>
    %and3A_2873 = arith.andi %ge3A_2869, %lt3A_2872 : vector<16xi1>
    tpu.vector_store_idx %arg5[%sub3A_2863, %add3A_2866], %broadcast_in_dim3A_6 masked %and3A_2873 : memref<200x512xi32, #tpu.memory_space<vmem>>[vector<16xi32>, vector<16xi32>], vector<16xi32>, vector<16xi1>
    %get3A_2874 = arith.constant 448 : index
    %get3A_2875 = tpu.vector_load %arg4[%get3A_2874] {strides = array<i32>} : memref<512xi32, #tpu.memory_space<vmem>>, vector<16xi32>,
    %sub3A_2876 = arith.constant 800 : i32
    %sub3A_2877 = vector.broadcast %sub3A_2876 : i32 to vector<16xi32>
    %sub3A_2878 = arith.subi %get3A_2875, %sub3A_2877 : vector<16xi32>
    %add3A_2879 = arith.constant 448 : i32
    %add3A_2880 = vector.broadcast %add3A_2879 : i32 to vector<16xi32>
    %add3A_2881 = arith.addi %add3A_2880, %iota3A : vector<16xi32>
    %ge3A_2882 = arith.constant 800 : i32
    %ge3A_2883 = vector.broadcast %ge3A_2882 : i32 to vector<16xi32>
    %ge3A_2884 = arith.cmpi sge, %get3A_2875, %ge3A_2883 : vector<16xi32>
    %lt3A_2885 = arith.constant 1000 : i32
    %lt3A_2886 = vector.broadcast %lt3A_2885 : i32 to vector<16xi32>
    %lt3A_2887 = arith.cmpi slt, %get3A_2875, %lt3A_2886 : vector<16xi32>
    %and3A_2888 = arith.andi %ge3A_2884, %lt3A_2887 : vector<16xi1>
    tpu.vector_store_idx %arg5[%sub3A_2878, %add3A_2881], %broadcast_in_dim3A_6 masked %and3A_2888 : memref<200x512xi32, #tpu.memory_space<vmem>>[vector<16xi32>, vector<16xi32>], vector<16xi32>, vector<16xi1>
    %get3A_2889 = arith.constant 464 : index
    %get3A_2890 = tpu.vector_load %arg4[%get3A_2889] {strides = array<i32>} : memref<512xi32, #tpu.memory_space<vmem>>, vector<16xi32>,
    %sub3A_2891 = arith.constant 800 : i32
    %sub3A_2892 = vector.broadcast %sub3A_2891 : i32 to vector<16xi32>
    %sub3A_2893 = arith.subi %get3A_2890, %sub3A_2892 : vector<16xi32>
    %add3A_2894 = arith.constant 464 : i32
    %add3A_2895 = vector.broadcast %add3A_2894 : i32 to vector<16xi32>
    %add3A_2896 = arith.addi %add3A_2895, %iota3A : vector<16xi32>
    %ge3A_2897 = arith.constant 800 : i32
    %ge3A_2898 = vector.broadcast %ge3A_2897 : i32 to vector<16xi32>
    %ge3A_2899 = arith.cmpi sge, %get3A_2890, %ge3A_2898 : vector<16xi32>
    %lt3A_2900 = arith.constant 1000 : i32
    %lt3A_2901 = vector.broadcast %lt3A_2900 : i32 to vector<16xi32>
    %lt3A_2902 = arith.cmpi slt, %get3A_2890, %lt3A_2901 : vector<16xi32>
    %and3A_2903 = arith.andi %ge3A_2899, %lt3A_2902 : vector<16xi1>
    tpu.vector_store_idx %arg5[%sub3A_2893, %add3A_2896], %broadcast_in_dim3A_6 masked %and3A_2903 : memref<200x512xi32, #tpu.memory_space<vmem>>[vector<16xi32>, vector<16xi32>], vector<16xi32>, vector<16xi1>
    %get3A_2904 = arith.constant 480 : index
    %get3A_2905 = tpu.vector_load %arg4[%get3A_2904] {strides = array<i32>} : memref<512xi32, #tpu.memory_space<vmem>>, vector<16xi32>,
    %sub3A_2906 = arith.constant 800 : i32
    %sub3A_2907 = vector.broadcast %sub3A_2906 : i32 to vector<16xi32>
    %sub3A_2908 = arith.subi %get3A_2905, %sub3A_2907 : vector<16xi32>
    %add3A_2909 = arith.constant 480 : i32
    %add3A_2910 = vector.broadcast %add3A_2909 : i32 to vector<16xi32>
    %add3A_2911 = arith.addi %add3A_2910, %iota3A : vector<16xi32>
    %ge3A_2912 = arith.constant 800 : i32
    %ge3A_2913 = vector.broadcast %ge3A_2912 : i32 to vector<16xi32>
    %ge3A_2914 = arith.cmpi sge, %get3A_2905, %ge3A_2913 : vector<16xi32>
    %lt3A_2915 = arith.constant 1000 : i32
    %lt3A_2916 = vector.broadcast %lt3A_2915 : i32 to vector<16xi32>
    %lt3A_2917 = arith.cmpi slt, %get3A_2905, %lt3A_2916 : vector<16xi32>
    %and3A_2918 = arith.andi %ge3A_2914, %lt3A_2917 : vector<16xi1>
    tpu.vector_store_idx %arg5[%sub3A_2908, %add3A_2911], %broadcast_in_dim3A_6 masked %and3A_2918 : memref<200x512xi32, #tpu.memory_space<vmem>>[vector<16xi32>, vector<16xi32>], vector<16xi32>, vector<16xi1>
    %get3A_2919 = arith.constant 496 : index
    %get3A_2920 = tpu.vector_load %arg4[%get3A_2919] {strides = array<i32>} : memref<512xi32, #tpu.memory_space<vmem>>, vector<16xi32>,
    %sub3A_2921 = arith.constant 800 : i32
    %sub3A_2922 = vector.broadcast %sub3A_2921 : i32 to vector<16xi32>
    %sub3A_2923 = arith.subi %get3A_2920, %sub3A_2922 : vector<16xi32>
    %add3A_2924 = arith.constant 496 : i32
    %add3A_2925 = vector.broadcast %add3A_2924 : i32 to vector<16xi32>
    %add3A_2926 = arith.addi %add3A_2925, %iota3A : vector<16xi32>
    %ge3A_2927 = arith.constant 800 : i32
    %ge3A_2928 = vector.broadcast %ge3A_2927 : i32 to vector<16xi32>
    %ge3A_2929 = arith.cmpi sge, %get3A_2920, %ge3A_2928 : vector<16xi32>
    %lt3A_2930 = arith.constant 1000 : i32
    %lt3A_2931 = vector.broadcast %lt3A_2930 : i32 to vector<16xi32>
    %lt3A_2932 = arith.cmpi slt, %get3A_2920, %lt3A_2931 : vector<16xi32>
    %and3A_2933 = arith.andi %ge3A_2929, %lt3A_2932 : vector<16xi1>
    tpu.vector_store_idx %arg5[%sub3A_2923, %add3A_2926], %broadcast_in_dim3A_6 masked %and3A_2933 : memref<200x512xi32, #tpu.memory_space<vmem>>[vector<16xi32>, vector<16xi32>], vector<16xi32>, vector<16xi1>
    "tpu.region"() ({
      %run_scoped3A = tpu.sem_alloc : memref<!tpu.dma_semaphore, #tpu.memory_space<semaphore_mem>>
      %dma_start3A_2934 = arith.constant 800 : i32
      %dma_start3A_2935 = tpu.memref_slice %arg3[%dma_start3A_2934, %mul3A_2] : memref<1000x16384xi32, #tpu.memory_space<hbm>> -> memref<200x512xi32, #tpu.memory_space<hbm>>
      %dma_start3A_2936 = arith.constant 800 : i32
      %dma_start3A_2937 = tpu.memref_slice %arg3[%dma_start3A_2936, %mul3A_2] : memref<1000x16384xi32, #tpu.memory_space<hbm>> -> memref<200x512xi32, #tpu.memory_space<hbm>>
      tpu.enqueue_dma source(%arg5 : memref<200x512xi32, #tpu.memory_space<vmem>>) target(%dma_start3A_2937 : memref<200x512xi32, #tpu.memory_space<hbm>>) target_semaphore(%run_scoped3A : memref<!tpu.dma_semaphore, #tpu.memory_space<semaphore_mem>>)
      %dma_wait3A_2938 = arith.constant 800 : i32
      %dma_wait3A_2939 = tpu.memref_slice %arg3[%dma_wait3A_2938, %mul3A_2] : memref<1000x16384xi32, #tpu.memory_space<hbm>> -> memref<200x512xi32, #tpu.memory_space<hbm>>
      %dma_wait3A_2940 = arith.constant 800 : i32
      %dma_wait3A_2941 = tpu.memref_slice %arg3[%dma_wait3A_2940, %mul3A_2] : memref<1000x16384xi32, #tpu.memory_space<hbm>> -> memref<200x512xi32, #tpu.memory_space<hbm>>
      tpu.wait_dma2 semaphore(%run_scoped3A : memref<!tpu.dma_semaphore, #tpu.memory_space<semaphore_mem>>) src(%arg5 : memref<200x512xi32, #tpu.memory_space<vmem>>) dst(%dma_wait3A_2941 : memref<200x512xi32, #tpu.memory_space<hbm>>)
      tpu.yield
    }) : () -> ()
    return
  }
}

</mosaic_0001>

<sc_bundles>
// kernel: kernel.3.cloned.1.call-start
scs
__scs_entry_jumppad:
0x0: {  	(pc) =	sbr.rel $0x88, $3  }
0x1: {  	(tag) =	ssettag $0x0;
	lr =	simm.s32 $0x1  }
0x2: {  	[smem:$0x3FA0] =	sst lr;
	_ =	strace $0xD0000000  }
0x3: {  	_ = 	snop  }
0x4: {  	_ = 	snop  }
0x5: {  	_ = 	snop  }
0x6: {  	_ = 	snop  }
0x7: {  	_ = 	snop  }
__scs_overlays_trampoline_lowered:
0x8: {  	[smem:$0x3FAF] =	sst s0  }
0x9: {  	[smem:$0x3FB0] =	sst s1  }
0xa: {  	[smem:$0x3FB1] =	sst s2  }
0xb: {  	[smem:$0x3FB2] =	sst s3  }
0xc: {  	[smem:$0x3FB3] =	sst s4  }
0xd: {  	[smem:$0x3FB4] =	sst s5  }
0xe: {  	[smem:$0x3FB5] =	sst s6  }
0xf: {  	[smem:$0x3FB6] =	sst s7  }
0x10: {  	[smem:$0x3FB7] =	sst s8  }
0x11: {  	[smem:$0x3FB8] =	sst s9;
	s0 =	simm.s32 @!p0 $0x0  }
0x12: {  	s1 =	sld [smem:$0x3F9E];
	s0 =	simm.s32 @p0 $0x1  }
0x13: {  	[smem:$0x3FB9] =	sst s0;
	s0 =	simm.s32 @!p1 $0x0  }
0x14: {  	s2 =	sld [smem:$0x3F9D];
	s0 =	simm.s32 @p1 $0x1  }
0x15: {  	[smem:$0x3FBA] =	sst s0;
	s0 =	simm.s32 @!p2 $0x0  }
0x16: {  	s3 =	sld [smem:$0x3FDB];
	s0 =	simm.s32 @p2 $0x1  }
0x17: {  	s4 =	simm.s32 $0x1BF5;
	[smem:$0x3FBC] =	sst s0  }
0x18: {  	s0 =	sld [smem:$0x3F9F];
	_ =	swait.ge [sflag:s4], $0x0  }
0x19: {  	s7 =	sld [smem:$0x3FA0]  }
0x1a: {  	s8 =	sadd.s32 $0xFFFFE003, lr  }
0x1b: {  	s9 =	sadd.s32 $0xFFFFFEF7, lr;
	s5 =	simm.s32 $0xFFFFFFFF;
	p2 =	slt.u32 s8, $0xFFFFF086  }
0x1c: {  	p1 =	slt.u32 s9, $0xF7A;
	s5 =	simm.s32 @!p2 $0x0  }
0x1d: {  	s5 =	simm.s32 @p1 $0x1;
	p0 =	seq.s32 s7, s2  }
0x1e: {  	s7 =	smul.u32 @!p0 $0xF7A, s2;
	p2 =	seq.s32 @!p0 s5, $0x0  }
0x1f: {  	s9 =	smul.u32 $0xF7A, s1;
	s8 =	simm.s32 @!p0 $0x1BF5;
	p2 =	por !p2, p0  }
0x20: {  	[sflag:s8] =	ssyncset.s32 @!p0 $0xFFFFF086;
	s6 =	sadd.s32 @!p0 s3, s7;
	s7 =	simm.s32 @!p0 $0x108  }
0x21: {  	s3 =	sadd.s32 s3, s9;
	s6 =	sadd.s32 @!p0 $0x88, s6;
	s7 =	simm.s32 @p2 $0x1082  }
0x22: {  	[simem:s7], [sflag:s8] =	dma.local @!p0 [hbm:s6], $0xF7A  }
0x23: {  	s9 =	sor.u32 $0xD0000000, s2;
	s6 =	simm.s32 $0x108;
	_ =	swait.ge @!p0 [sflag:s8], $0x0  }
0x24: {  	s3 =	sadd.s32 $0x88, s3;
	s6 =	simm.s32 @!p1 $0x1082;
	[sflag:s4] =	ssyncset.s32 $0xFFFFF086  }
0x25: {  	[simem:s6], [sflag:s4] =	dma.local [hbm:s3], $0xF7A  }
0x26: {  	[smem:$0x3FA0] =	sst s1;
	(tag) =	ssettag s2;
	_ =	strace s9  }
0x27: {  	s1 =	sld [smem:$0x3FB0]  }
0x28: {  	s2 =	sld [smem:$0x3FB1]  }
0x29: {  	s4 =	sld [smem:$0x3FB3]  }
0x2a: {  	p0 =	seq.s32 s5, $0x0;
	s5 =	sld [smem:$0x3FB4]  }
0x2b: {  	s6 =	sld [smem:$0x3FB5]  }
0x2c: {  	s7 =	sld [smem:$0x3FB6]  }
0x2d: {  	s3 =	simm.s32 $0x108;
	s8 =	sld [smem:$0x3FB7]  }
0x2e: {  	s3 =	simm.s32 @!p0 $0x1082;
	s9 =	sld [smem:$0x3FB8]  }
0x2f: {  	lr =	sadd.s32 s0, s3;
	s0 =	sld [smem:$0x3FAF]  }
0x30: {  	s3 =	sld [smem:$0x3FB2]  }
0x31: {  	[smem:$0x3FBB] =	sst s10  }
0x32: {  	s10 =	sld [smem:$0x3FB9];
	_ =	sdelay $0x3  }
0x33: {  	p0 =	seq.s32 s10, $0x1;
	s10 =	sld [smem:$0x3FBB];
	_ =	sdelay $0x3  }
0x34: {  	[smem:$0x3FBB] =	sst s10  }
0x35: {  	s10 =	sld [smem:$0x3FBA];
	_ =	sdelay $0x3  }
0x36: {  	p1 =	seq.s32 s10, $0x1;
	s10 =	sld [smem:$0x3FBB];
	_ =	sdelay $0x3  }
0x37: {  	[smem:$0x3FBB] =	sst s10  }
0x38: {  	s10 =	sld [smem:$0x3FBC]  }
0x39: {  	_ = 	snop;
	(pc) =	sbr.ind lr, $3  }
0x3a: {  	_ = 	snop  }
0x3b: {  	_ = 	snop  }
0x3c: {  	p2 =	seq.s32 s10, $0x1;
	s10 =	sld [smem:$0x3FBB]  }
0x3d: {  	_ =	shalt  }
0x3e: {  	_ =	shalt  }
0x3f: {  	_ =	shalt  }
0x40: {  	_ =	shalt  }
0x41: {  	_ =	shalt  }
0x42: {  	_ =	shalt  }
0x43: {  	_ =	shalt  }
0x44: {  	_ =	shalt  }
0x45: {  	_ =	shalt  }
0x46: {  	_ =	shalt  }
0x47: {  	_ =	shalt  }
0x48: {  	_ =	shalt  }
0x49: {  	_ =	shalt  }
0x4a: {  	_ =	shalt  }
0x4b: {  	_ =	shalt  }
0x4c: {  	_ =	shalt  }
0x4d: {  	_ =	shalt  }
0x4e: {  	_ =	shalt  }
0x4f: {  	_ =	shalt  }
0x50: {  	_ =	shalt  }
0x51: {  	_ =	shalt  }
0x52: {  	_ =	shalt  }
0x53: {  	_ =	shalt  }
0x54: {  	_ =	shalt  }
0x55: {  	_ =	shalt  }
0x56: {  	_ =	shalt  }
0x57: {  	_ =	shalt  }
0x58: {  	_ =	shalt  }
0x59: {  	_ =	shalt  }
0x5a: {  	_ =	shalt  }
0x5b: {  	_ =	shalt  }
0x5c: {  	_ =	shalt  }
0x5d: {  	_ =	shalt  }
0x5e: {  	_ =	shalt  }
0x5f: {  	_ =	shalt  }
0x60: {  	_ =	shalt  }
0x61: {  	_ =	shalt  }
0x62: {  	_ =	shalt  }
0x63: {  	_ =	shalt  }
0x64: {  	_ =	shalt  }
0x65: {  	_ =	shalt  }
0x66: {  	_ =	shalt  }
0x67: {  	_ =	shalt  }
0x68: {  	_ =	shalt  }
0x69: {  	_ =	shalt  }
0x6a: {  	_ =	shalt  }
0x6b: {  	_ =	shalt  }
0x6c: {  	_ =	shalt  }
0x6d: {  	_ =	shalt  }
0x6e: {  	_ =	shalt  }
0x6f: {  	_ =	shalt  }
0x70: {  	_ =	shalt  }
0x71: {  	_ =	shalt  }
0x72: {  	_ =	shalt  }
0x73: {  	_ =	shalt  }
0x74: {  	_ =	shalt  }
0x75: {  	_ =	shalt  }
0x76: {  	_ =	shalt  }
0x77: {  	_ =	shalt  }
0x78: {  	_ =	shalt  }
0x79: {  	_ =	shalt  }
0x7a: {  	_ =	shalt  }
0x7b: {  	_ =	shalt  }
0x7c: {  	_ =	shalt  }
0x7d: {  	_ =	shalt  }
0x7e: {  	_ =	shalt  }
0x7f: {  	_ =	shalt  }
0x80: {  	_ =	shalt  }
0x81: {  	_ =	shalt  }
0x82: {  	_ =	shalt  }
0x83: {  	_ =	shalt  }
0x84: {  	_ =	shalt  }
0x85: {  	_ =	shalt  }
0x86: {  	_ =	shalt  }
0x87: {  	_ =	shalt  }
.Lfunc_end0:
.L_simem_size_0:
called_computation_lowered:
.L_overlay_start_0:
0x88: {  	s2 =	sld [smem:$0x3FD9]  }
0x89: {  	s3 =	sld [smem:$0x3FFE];
	_ =	sdelay $0x1  }
0x8a: {  	s1 =	srdreg.scid  }
0x8b: {  	s0 =	sand.u32 $0x1, s1  }
0x8c: {  	s18 =	sshll.u32 s0, $0xA;
	s2 =	sadd.s32 s3, s2  }
0x8d: {  	s2 =	sadd.s32 s2, s18  }
0x8e: {  	[smem:$0x3FC7] =	sst s2  }
0x8f: {  	_ = 	snop  }
0x90: {  	s2 =	sld [smem:$0x3FC9]  }
0x91: {  	s19 =	sld [smem:$0x3FD0];
	(tm) =	ssettm $0x1  }
0x92: {  	s4 =	sld [smem:$0x3FFB];
	_ =	sdelay $0x3  }
0x93: {  	_ =	strace s4  }
0x94: {  	s4 =	sld [smem:$0x3FFC];
	_ =	sdelay $0x3  }
0x95: {  	_ =	strace s4  }
0x96: {  	s4 =	sld [smem:$0x3FFD];
	_ =	sdelay $0x3  }
0x97: {  	_ =	strace s4  }
0x98: {  	_ =	strace $0x8FFFFFFF  }
0x99: {  	s20 =	sld [smem:$0x3FDB];
	_ =	sdelay $0x1  }
0x9a: {  	s5 =	simm.s32 $_scs_section_size  }
0x9b: {  	s6 =	simm.s32 $_size__tile_overlayer_lowered;
	s7 =	simm.s32 $_tile_overlayer_lowered  }
0x9c: {  	s23 =	simm.s32 $0x1BFF;
	s22 =	sshll.u32 s7, $0x1;
	s4 =	sadd.s32 s5, s20  }
0x9d: {  	s8 =	simm.s32 $0x0;
	s21 =	sshll.u32 s6, $0x1;
	s6 =	sadd.s32 s22, s4  }
0x9e: {  	[timem:s8], [sflag:s23] =	dma.local [hbm:s6], s21  }
0x9f: {  	_ =	swait.ge [sflag:s23], s21  }
0xa0: {  	s5 =	ssub.s32 $0x0, s21;
	[sflag:s23] =	ssyncset.done $0x0  }
0xa1: {  	[sflag:s23] =	ssyncadd.s32 s5;
	_ =	sdelay $0x1  }
0xa2: {  	s24 =	simm.s32 $0x1B8B  }
0xa3: {  	_ =	swait.ge [sflag:s24], $0x1  }
0xa4: {  	[sflag:s24] =	ssyncset.done $0x0  }
0xa5: {  	s25 =	simm.s32 $0x1B8E;
	[sflag:s24] =	ssyncadd.s32 $0xFFFFFFFF  }
0xa6: {  	s26 =	simm.s32 $execute0_lowered;
	[smem:$0x3FD2] =	sst s25  }
0xa7: {  	s5 =	sshll.u32 s26, $0x1;
	_ =	strace $0x80000046;
	[dreg:$0x1] =	wrdreg $0xFFFFFFFF  }
0xa8: {  	s28 =	simm.s32 $_size_execute0_lowered;
	s4 =	sadd.s32 s4, s5;
	[dreg:$0x0] =	wrdreg $0x0  }
0xa9: {  	s5 =	sshll.u32 s28, $0x1;
	[dreg:$0x2] =	wrdreg s4  }
0xaa: {  	[dreg:$0x3] =	wrdreg s5  }
0xab: {  	[dreg:$0x4] =	wrdreg $0xC0  }
0xac: {  	_ =	task [dreg:s8], $0x5FFFF  }
0xad: {  	[dreg:$0x1] =	wrdreg $0xFFFFFFFF  }
0xae: {  	[dreg:$0x0] =	wrdreg $0x60  }
0xaf: {  	[dreg:$0x2] =	wrdreg s2  }
0xb0: {  	[dreg:$0x3] =	wrdreg s19  }
0xb1: {  	[dreg:$0x4] =	wrdreg $0x9  }
0xb2: {  	_ =	task.clear_ibuf [dreg:s8], $0x5FFFF;
	_ =	strace $0x90000046  }
0xb3: {  	s29 =	simm.s32 $0x9;
	_ =	strace $0x80000048  }
0xb4: {  	_ =	swait.ge [sflag:s29], $0x1  }
0xb5: {  	[sflag:s29] =	ssyncadd.s32 $0xFFFFFFFF  }
0xb6: {  	_ =	strace $0x90000048  }
0xb7: {  	_ =	sfence  }
0xb8: {  	s30 =	sld [smem:$0x0];
	_ =	sdelay $0x2  }
0xb9: {  	s31 =	sshll.u32 s1, $0xD;
	s1 =	sshrl.u32 s1, $0x2  }
0xba: {  	s3 =	sand.u32 $0x4000, s31;
	s1 =	sadd.s32 s1, s30  }
0xbb: {  	s0 =	sor.u32 s3, s0;
	s1 =	sshll.u32 s1, $0x11  }
0xbc: {  	s0 =	sor.u32 s1, s0  }
0xbd: {  	s0 =	sadd.s32 $0x8F2B, s0  }
0xbe: {  	[sflag:s0] =	ssyncadd.remote.s32 $0x1  }
0xbf: {  	_ =	sfence.sel $0xFFFF  }
0xc0: {  	[dreg:$0x0] =	wrdreg $0xFFFFFFFF;
	(pc) =	sbr.abs _section_cstart, $3  }
0xc1: {  	[dreg:$0x1] =	wrdreg $0xFFFFFFFF  }
0xc2: {  	_ =	task.clear_ibuf [dreg:s8], $0x2FFFF;
	_ =	strace $0x9FFFFFFF  }
0xc3: {  	(tm) =	ssettm $0x7FFFFFFF  }
tec
execute0_lowered:
.L_overlay_start_1:
0x0: {  	(tag) =	ssettag $0x1  }
0x1: {  	v0 =	vlaneseq.u32  }
0x2: {  	v3 =	vor.u32 $0x10, v0  }
0x3: {  	[tilespmem:$0x1FE20] =	vst v3;
	v3 =	vor.u32 $0x20, v0  }
0x4: {  	[tilespmem:$0x1FE30] =	vst v3;
	v3 =	vor.u32 $0x30, v0  }
0x5: {  	[tilespmem:$0x1FE40] =	vst v3;
	v3 =	vor.u32 $0x40, v0  }
0x6: {  	[tilespmem:$0x1FE50] =	vst v3;
	v3 =	vor.u32 $0x50, v0  }
0x7: {  	[tilespmem:$0x1FE60] =	vst v3;
	v3 =	vor.u32 $0x60, v0  }
0x8: {  	[tilespmem:$0x1FE70] =	vst v3;
	v3 =	vor.u32 $0x70, v0  }
0x9: {  	[tilespmem:$0x1FE80] =	vst v3;
	v3 =	vor.u32 $0x400, v0  }
0xa: {  	s4 =	rddreg [dreg:$0x0];
	[tilespmem:$0x1FE90] =	vst v3;
	v3 =	vor.u32 $0x410, v0  }
0xb: {  	s3 =	rddreg [dreg:$0x1];
	s2 =	simm.s32 $0x0;
	[tilespmem:$0x1FEA0] =	vst v3;
	v3 =	vor.u32 $0x420, v0  }
0xc: {  	[smem:$0x7FF] =	sst s2;
	[tilespmem:$0x1FEB0] =	vst v3;
	v3 =	vor.u32 $0x430, v0  }
0xd: {  	s0 =	rddreg [dreg:$0x2];
	_ =	strace $0x80000047;
	[tilespmem:$0x1FEC0] =	vst v3;
	v3 =	vor.u32 $0x440, v0  }
0xe: {  	[tilespmem:$0x1FED0] =	vst v3;
	v3 =	vor.u32 $0x450, v0  }
0xf: {  	[tilespmem:$0x1FEE0] =	vst v3;
	v3 =	vor.u32 $0x460, v0  }
0x10: {  	[tilespmem:$0x1FEF0] =	vst v3;
	v3 =	vor.u32 $0x470, v0  }
0x11: {  	[tilespmem:$0x1FF00] =	vst v3;
	v3 =	vor.u32 $0x800, v0  }
0x12: {  	[tilespmem:$0x1FF10] =	vst v3;
	v3 =	vor.u32 $0x810, v0  }
0x13: {  	[tilespmem:$0x1FF20] =	vst v3;
	v3 =	vor.u32 $0x820, v0  }
0x14: {  	[tilespmem:$0x1FF30] =	vst v3;
	v3 =	vor.u32 $0x830, v0  }
0x15: {  	[tilespmem:$0x1FF40] =	vst v3;
	v3 =	vor.u32 $0x840, v0  }
0x16: {  	[tilespmem:$0x1FF50] =	vst v3;
	v3 =	vor.u32 $0x850, v0  }
0x17: {  	[tilespmem:$0x1FF60] =	vst v3;
	v3 =	vor.u32 $0x860, v0  }
0x18: {  	s5 =	srdreg.scid;
	[tilespmem:$0x1FF70] =	vst v3;
	v3 =	vor.u32 $0x870, v0  }
0x19: {  	s1 =	stileid.u32;
	s11 =	simm.s32 $0x1;
	s12 =	simm.s32 $0x200;
	[tilespmem:$0x1FF80] =	vst v3;
	v3 =	vor.u32 $0xC00, v0  }
0x1a: {  	s13 =	simm.s32 $0x1000;
	s14 =	simm.s32 $0x20000;
	s5 =	sand.u32 $0x1, s5;
	[tilespmem:$0x1FF90] =	vst v3;
	v3 =	vor.u32 $0xC10, v0  }
0x1b: {  	s15 =	simm.s32 $0xC200;
	s6 =	sshll.u32 s1, $0xA;
	s7 =	sshll.u32 s5, $0x9;
	[tilespmem:$0x1FFA0] =	vst v3;
	v3 =	vor.u32 $0xC20, v0  }
0x1c: {  	s16 =	simm.s32 $0x2;
	s5 =	ssub.s32 $0x2, s5;
	s6 =	sor.u32 s7, s6;
	[tilespmem:$0x1FFB0] =	vst v3;
	v3 =	vor.u32 $0xC30, v0  }
0x1d: {  	s17 =	simm.s32 $0x0;
	s31 =	sshrl.u32 s5, $0x1;
	s8 =	sshrl.u32 s6, $0x3;
	[tilespmem:$0x1FFC0] =	vst v3;
	v3 =	vor.u32 $0xC40, v0  }
0x1e: {  	s3 =	sadd.s32 s3, s6;
	s10 =	ssub.s32 s5, s31;
	s4 =	sadd.s32 s4, s8;
	[tilespmem:$0x1FFD0] =	vst v3;
	v3 =	vor.u32 $0xC50, v0  }
0x1f: {  	s5 =	sadd.s32 $0x30000, s3;
	s6 =	sadd.s32 $0x64000, s3;
	s7 =	sadd.s32 $0xC8000, s3;
	[tilespmem:$0x1FFE0] =	vst v3;
	v3 =	vor.u32 $0xC60, v0  }
0x20: {  	v1 =	vimm.s32 $0x0;
	v2 =	vimm.s32 $0x1;
	v37 =	vor.u32 $0xC70, v0;
	s8 =	sadd.s32 $0x12C000, s3;
	s9 =	sadd.s32 $0x190000, s3;
	s10 =	smax.u32 s10, $0x1;
	[tilespmem:$0x1FFF0] =	vst v3  }
.LBB2_1:
0x21: {  	[tilespmem:s2], [sflag:$0x1] =	stream.linear.gather [hbm4b:s4+s2], $0x200, $0x38;
	[tilespmem:$0x19200] =	vst v63  }
0x22: {  	s18 =	sand.u32 $0xF000, s2;
	s19 =	sand.u32 $0x380, s2  }
0x23: {  	s18 =	sor.u32 s19, s18  }
0x24: {  	[tilespmem:s18+$0xE70] =	vst v1  }
0x25: {  	[tilespmem:s18+$0x200] =	vst v1  }
0x26: {  	[tilespmem:s18+$0x210] =	vst v1  }
0x27: {  	[tilespmem:s18+$0x220] =	vst v1  }
0x28: {  	[tilespmem:s18+$0x230] =	vst v1  }
0x29: {  	[tilespmem:s18+$0x240] =	vst v1  }
0x2a: {  	[tilespmem:s18+$0x250] =	vst v1  }
0x2b: {  	[tilespmem:s18+$0x260] =	vst v1  }
0x2c: {  	[tilespmem:s18+$0x270] =	vst v1  }
0x2d: {  	[tilespmem:s18+$0x600] =	vst v1  }
0x2e: {  	[tilespmem:s18+$0x610] =	vst v1  }
0x2f: {  	[tilespmem:s18+$0x620] =	vst v1  }
0x30: {  	[tilespmem:s18+$0x630] =	vst v1  }
0x31: {  	[tilespmem:s18+$0x640] =	vst v1  }
0x32: {  	[tilespmem:s18+$0x650] =	vst v1  }
0x33: {  	[tilespmem:s18+$0x660] =	vst v1  }
0x34: {  	[tilespmem:s18+$0x670] =	vst v1  }
0x35: {  	[tilespmem:s18+$0xA00] =	vst v1  }
0x36: {  	[tilespmem:s18+$0xA10] =	vst v1  }
0x37: {  	[tilespmem:s18+$0xA20] =	vst v1  }
0x38: {  	[tilespmem:s18+$0xA30] =	vst v1  }
0x39: {  	[tilespmem:s18+$0xA40] =	vst v1  }
0x3a: {  	[tilespmem:s18+$0xA50] =	vst v1  }
0x3b: {  	[tilespmem:s18+$0xA60] =	vst v1  }
0x3c: {  	[tilespmem:s18+$0xA70] =	vst v1  }
0x3d: {  	[tilespmem:s18+$0xE00] =	vst v1  }
0x3e: {  	[tilespmem:s18+$0xE10] =	vst v1  }
0x3f: {  	[tilespmem:s18+$0xE20] =	vst v1  }
0x40: {  	[tilespmem:s18+$0xE30] =	vst v1  }
0x41: {  	s20 =	simm.s32 $0x200;
	s19 =	simm.s32 $0x80;
	[tilespmem:s18+$0xE40] =	vst v1  }
0x42: {  	s21 =	sand.u32 $0xF000, s20;
	s20 =	simm.s32 $0x400;
	s22 =	sand.u32 $0x380, s19;
	[tilespmem:s18+$0xE50] =	vst v1  }
.LBB2_2:
0x43: {  	p0 =	sne.s32 s20, $0xBE00;
	[tilespmem:s18+$0xE60] =	vst v1;
	s18 =	sor.u32 s22, s21  }
0x44: {  	[tilespmem:s18+$0xE70] =	vst v1  }
0x45: {  	[tilespmem:s18+$0x200] =	vst v1  }
0x46: {  	[tilespmem:s18+$0x210] =	vst v1  }
0x47: {  	[tilespmem:s18+$0x220] =	vst v1  }
0x48: {  	[tilespmem:s18+$0x230] =	vst v1  }
0x49: {  	[tilespmem:s18+$0x240] =	vst v1  }
0x4a: {  	[tilespmem:s18+$0x250] =	vst v1  }
0x4b: {  	[tilespmem:s18+$0x260] =	vst v1  }
0x4c: {  	[tilespmem:s18+$0x270] =	vst v1  }
0x4d: {  	[tilespmem:s18+$0x600] =	vst v1  }
0x4e: {  	[tilespmem:s18+$0x610] =	vst v1  }
0x4f: {  	[tilespmem:s18+$0x620] =	vst v1  }
0x50: {  	[tilespmem:s18+$0x630] =	vst v1  }
0x51: {  	[tilespmem:s18+$0x640] =	vst v1  }
0x52: {  	[tilespmem:s18+$0x650] =	vst v1  }
0x53: {  	[tilespmem:s18+$0x660] =	vst v1  }
0x54: {  	[tilespmem:s18+$0x670] =	vst v1  }
0x55: {  	[tilespmem:s18+$0xA00] =	vst v1  }
0x56: {  	[tilespmem:s18+$0xA10] =	vst v1  }
0x57: {  	[tilespmem:s18+$0xA20] =	vst v1  }
0x58: {  	[tilespmem:s18+$0xA30] =	vst v1  }
0x59: {  	[tilespmem:s18+$0xA40] =	vst v1  }
0x5a: {  	[tilespmem:s18+$0xA50] =	vst v1  }
0x5b: {  	[tilespmem:s18+$0xA60] =	vst v1  }
0x5c: {  	[tilespmem:s18+$0xA70] =	vst v1  }
0x5d: {  	[tilespmem:s18+$0xE00] =	vst v1  }
.Ltmp0:
0x5e: {  	[tilespmem:s18+$0xE10] =	vst v1;
	(pc) =	sbr.rel @p0 .LBB2_2-.Ltmp0, $4  }
0x5f: {  	[tilespmem:s18+$0xE20] =	vst v1  }
0x60: {  	[tilespmem:s18+$0xE30] =	vst v1  }
0x61: {  	s19 =	sadd.s32 $0x80, s19;
	[tilespmem:s18+$0xE40] =	vst v1  }
0x62: {  	s21 =	sand.u32 $0xF000, s20;
	s20 =	sadd.s32 $0x200, s20;
	s22 =	sand.u32 $0x380, s19;
	[tilespmem:s18+$0xE50] =	vst v1  }
0x63: {  	s19 =	sor.u32 s22, s21;
	[tilespmem:s18+$0xE60] =	vst v1  }
0x64: {  	[tilespmem:s19+$0xE70] =	vst v1  }
0x65: {  	[tilespmem:s19+$0x200] =	vst v1  }
0x66: {  	[tilespmem:s19+$0x210] =	vst v1  }
0x67: {  	[tilespmem:s19+$0x220] =	vst v1  }
0x68: {  	[tilespmem:s19+$0x230] =	vst v1  }
0x69: {  	[tilespmem:s19+$0x240] =	vst v1  }
0x6a: {  	[tilespmem:s19+$0x250] =	vst v1  }
0x6b: {  	[tilespmem:s19+$0x260] =	vst v1  }
0x6c: {  	[tilespmem:s19+$0x270] =	vst v1  }
0x6d: {  	[tilespmem:s19+$0x600] =	vst v1  }
0x6e: {  	[tilespmem:s19+$0x610] =	vst v1  }
0x6f: {  	[tilespmem:s19+$0x620] =	vst v1  }
0x70: {  	[tilespmem:s19+$0x630] =	vst v1  }
0x71: {  	[tilespmem:s19+$0x640] =	vst v1  }
0x72: {  	[tilespmem:s19+$0x650] =	vst v1  }
0x73: {  	[tilespmem:s19+$0x660] =	vst v1  }
0x74: {  	[tilespmem:s19+$0x670] =	vst v1  }
0x75: {  	[tilespmem:s19+$0xA00] =	vst v1  }
0x76: {  	[tilespmem:s19+$0xA10] =	vst v1  }
0x77: {  	[tilespmem:s19+$0xA20] =	vst v1  }
0x78: {  	[tilespmem:s19+$0xA30] =	vst v1  }
0x79: {  	[tilespmem:s19+$0xA40] =	vst v1  }
0x7a: {  	[tilespmem:s19+$0xA50] =	vst v1  }
0x7b: {  	[tilespmem:s19+$0xA60] =	vst v1  }
0x7c: {  	[tilespmem:s19+$0xA70] =	vst v1  }
0x7d: {  	[tilespmem:s19+$0xE00] =	vst v1  }
0x7e: {  	[tilespmem:s19+$0xE10] =	vst v1  }
0x7f: {  	[tilespmem:s19+$0xE20] =	vst v1  }
0x80: {  	[tilespmem:s19+$0xE30] =	vst v1  }
0x81: {  	[tilespmem:s19+$0xE40] =	vst v1  }
0x82: {  	[tilespmem:s19+$0xE50] =	vst v1  }
0x83: {  	[tilespmem:s19+$0xE60] =	vst v1  }
0x84: {  	_ =	swait.ge [sflag:s11], $0x200  }
0x85: {  	[sflag:s11] =	ssyncset.done $0x0  }
0x86: {  	[sflag:s11] =	ssyncadd.s32 $0xFFFFFE00  }
0x87: {  	v3 =	vld [tilespmem:$0x0];
	_ =	sdelay $0x4  }
0x88: {  	v4 =	vshll.u32 v3, $0x9;
	v5 =	vshll.u32 v3, $0x7  }
0x89: {  	v4 =	vand.u32 $0xFFFFF000, v4;
	v5 =	vand.u32 $0x380, v5  }
0x8a: {  	vm0 =	vlt.u32 v3, $0x60;
	v3 =	vor.u32 v4, v5  }
0x8b: {  	v3 =	vor.u32 v0, v3;
	_ =	sdelay $0x4  }
0x8c: {  	[tilespmem:v3+s12+$0x0] =	vst.idx.msk vm0, v2  }
0x8d: {  	[tilespmem:$0x1FBD0] =	vst v3;
	v3 =	vld [tilespmem:$0x10];
	_ =	sdelay $0x2  }
0x8e: {  	v4 =	vimm.s32 $0x0  }
0x8f: {  	v4 =	vsel vm0, $0xFFFFFFFF, v4  }
0x90: {  	[tilespmem:$0x1FBC0] =	vst v4;
	v4 =	vshll.u32 v3, $0x9;
	v5 =	vshll.u32 v3, $0x7  }
0x91: {  	v4 =	vand.u32 $0xFFFFF000, v4;
	v5 =	vand.u32 $0x380, v5  }
0x92: {  	vm9 =	vlt.u32 v3, $0x60;
	v3 =	vor.u32 v4, v5;
	v4 =	vld [tilespmem:$0x1FE20];
	_ =	sdelay $0x4  }
0x93: {  	v3 =	vor.u32 v4, v3;
	_ =	sdelay $0x4  }
0x94: {  	[tilespmem:v3+s12+$0x0] =	vst.idx.msk vm9, v2  }
0x95: {  	[tilespmem:$0x1FBF0] =	vst v3;
	v3 =	vld [tilespmem:$0x20];
	_ =	sdelay $0x2  }
0x96: {  	v4 =	vimm.s32 $0x0  }
0x97: {  	v4 =	vsel vm9, $0xFFFFFFFF, v4  }
0x98: {  	[tilespmem:$0x1FBE0] =	vst v4;
	v4 =	vshll.u32 v3, $0x9;
	v5 =	vshll.u32 v3, $0x7  }
0x99: {  	v4 =	vand.u32 $0xFFFFF000, v4;
	v5 =	vand.u32 $0x380, v5  }
0x9a: {  	vm10 =	vlt.u32 v3, $0x60;
	v3 =	vor.u32 v4, v5;
	v4 =	vld [tilespmem:$0x1FE30];
	_ =	sdelay $0x4  }
0x9b: {  	v3 =	vor.u32 v4, v3;
	_ =	sdelay $0x4  }
0x9c: {  	[tilespmem:v3+s12+$0x0] =	vst.idx.msk vm10, v2  }
0x9d: {  	[tilespmem:$0x1FC10] =	vst v3;
	v3 =	vld [tilespmem:$0x30];
	_ =	sdelay $0x2  }
0x9e: {  	v4 =	vimm.s32 $0x0  }
0x9f: {  	v4 =	vsel vm10, $0xFFFFFFFF, v4  }
0xa0: {  	[tilespmem:$0x1FC00] =	vst v4;
	v4 =	vshll.u32 v3, $0x9;
	v5 =	vshll.u32 v3, $0x7  }
0xa1: {  	v4 =	vand.u32 $0xFFFFF000, v4;
	v5 =	vand.u32 $0x380, v5  }
0xa2: {  	vm11 =	vlt.u32 v3, $0x60;
	v3 =	vor.u32 v4, v5;
	v4 =	vld [tilespmem:$0x1FE40];
	_ =	sdelay $0x4  }
0xa3: {  	v3 =	vor.u32 v4, v3;
	_ =	sdelay $0x4  }
0xa4: {  	[tilespmem:v3+s12+$0x0] =	vst.idx.msk vm11, v2  }
0xa5: {  	[tilespmem:$0x1FC30] =	vst v3;
	v3 =	vld [tilespmem:$0x40];
	_ =	sdelay $0x2  }
0xa6: {  	v4 =	vimm.s32 $0x0  }
0xa7: {  	v4 =	vsel vm11, $0xFFFFFFFF, v4  }
0xa8: {  	[tilespmem:$0x1FC20] =	vst v4;
	v4 =	vshll.u32 v3, $0x9;
	v5 =	vshll.u32 v3, $0x7  }
0xa9: {  	v4 =	vand.u32 $0xFFFFF000, v4;
	v5 =	vand.u32 $0x380, v5  }
0xaa: {  	vm12 =	vlt.u32 v3, $0x60;
	v3 =	vor.u32 v4, v5;
	v4 =	vld [tilespmem:$0x1FE50];
	_ =	sdelay $0x4  }
0xab: {  	v3 =	vor.u32 v4, v3;
	_ =	sdelay $0x4  }
0xac: {  	[tilespmem:v3+s12+$0x0] =	vst.idx.msk vm12, v2  }
0xad: {  	[tilespmem:$0x1FC50] =	vst v3;
	v3 =	vld [tilespmem:$0x50];
	_ =	sdelay $0x2  }
0xae: {  	v4 =	vimm.s32 $0x0  }
0xaf: {  	v4 =	vsel vm12, $0xFFFFFFFF, v4  }
0xb0: {  	[tilespmem:$0x1FC40] =	vst v4;
	v4 =	vshll.u32 v3, $0x9;
	v5 =	vshll.u32 v3, $0x7  }
0xb1: {  	v4 =	vand.u32 $0xFFFFF000, v4;
	v5 =	vand.u32 $0x380, v5  }
0xb2: {  	vm13 =	vlt.u32 v3, $0x60;
	v3 =	vor.u32 v4, v5;
	v4 =	vld [tilespmem:$0x1FE60];
	_ =	sdelay $0x4  }
0xb3: {  	v3 =	vor.u32 v4, v3;
	_ =	sdelay $0x4  }
0xb4: {  	[tilespmem:v3+s12+$0x0] =	vst.idx.msk vm13, v2  }
0xb5: {  	[tilespmem:$0x1FC70] =	vst v3;
	v3 =	vld [tilespmem:$0x60];
	_ =	sdelay $0x2  }
0xb6: {  	v4 =	vimm.s32 $0x0  }
0xb7: {  	v4 =	vsel vm13, $0xFFFFFFFF, v4  }
0xb8: {  	[tilespmem:$0x1FC60] =	vst v4;
	v4 =	vshll.u32 v3, $0x9;
	v5 =	vshll.u32 v3, $0x7  }
0xb9: {  	v4 =	vand.u32 $0xFFFFF000, v4;
	v5 =	vand.u32 $0x380, v5  }
0xba: {  	vm14 =	vlt.u32 v3, $0x60;
	v3 =	vor.u32 v4, v5;
	v4 =	vld [tilespmem:$0x1FE70];
	_ =	sdelay $0x4  }
0xbb: {  	v40 =	vor.u32 v4, v3;
	_ =	sdelay $0x3  }
0xbc: {  	v3 =	vimm.s32 $0x0  }
0xbd: {  	v3 =	vsel vm14, $0xFFFFFFFF, v3;
	[tilespmem:v40+s12+$0x0] =	vst.idx.msk vm14, v2  }
0xbe: {  	[tilespmem:$0x1FC80] =	vst v3;
	v3 =	vld [tilespmem:$0x70];
	_ =	sdelay $0x4  }
0xbf: {  	v4 =	vshll.u32 v3, $0x9;
	v5 =	vshll.u32 v3, $0x7  }
0xc0: {  	v4 =	vand.u32 $0xFFFFF000, v4;
	v5 =	vand.u32 $0x380, v5  }
0xc1: {  	vm15 =	vlt.u32 v3, $0x60;
	v3 =	vor.u32 v4, v5;
	v4 =	vld [tilespmem:$0x1FE80];
	_ =	sdelay $0x4  }
0xc2: {  	v41 =	vor.u32 v4, v3;
	_ =	sdelay $0x3  }
0xc3: {  	v3 =	vimm.s32 $0x0  }
0xc4: {  	v3 =	vsel vm15, $0xFFFFFFFF, v3;
	[tilespmem:v41+s12+$0x0] =	vst.idx.msk vm15, v2  }
0xc5: {  	[tilespmem:$0x1FC90] =	vst v3;
	v3 =	vld [tilespmem:$0x80];
	_ =	sdelay $0x4  }
0xc6: {  	v4 =	vshll.u32 v3, $0x9;
	v5 =	vshll.u32 v3, $0x7  }
0xc7: {  	v4 =	vand.u32 $0xFFFFF000, v4;
	v5 =	vand.u32 $0x380, v5  }
0xc8: {  	vm4 =	vlt.u32 v3, $0x60;
	v3 =	vor.u32 v5, v4;
	v4 =	vld [tilespmem:$0x1FE90];
	_ =	sdelay $0x4  }
0xc9: {  	v42 =	vor.u32 v4, v3;
	_ =	sdelay $0x3  }
0xca: {  	v3 =	vimm.s32 $0x0  }
0xcb: {  	v3 =	vsel vm4, $0xFFFFFFFF, v3;
	[tilespmem:v42+s12+$0x0] =	vst.idx.msk vm4, v2  }
0xcc: {  	[tilespmem:$0x1FCA0] =	vst v3;
	v3 =	vld [tilespmem:$0x90];
	_ =	sdelay $0x4  }
0xcd: {  	v4 =	vshll.u32 v3, $0x9;
	v5 =	vshll.u32 v3, $0x7  }
0xce: {  	v4 =	vand.u32 $0xFFFFF000, v4;
	v5 =	vand.u32 $0x380, v5  }
0xcf: {  	vm5 =	vlt.u32 v3, $0x60;
	v3 =	vor.u32 v5, v4;
	v4 =	vld [tilespmem:$0x1FEA0];
	_ =	sdelay $0x4  }
0xd0: {  	v43 =	vor.u32 v4, v3;
	_ =	sdelay $0x3  }
0xd1: {  	v3 =	vimm.s32 $0x0  }
0xd2: {  	v3 =	vsel vm5, $0xFFFFFFFF, v3;
	[tilespmem:v43+s12+$0x0] =	vst.idx.msk vm5, v2  }
0xd3: {  	[tilespmem:$0x1FCB0] =	vst v3;
	v3 =	vld [tilespmem:$0xA0];
	_ =	sdelay $0x4  }
0xd4: {  	v4 =	vshll.u32 v3, $0x9;
	v5 =	vshll.u32 v3, $0x7  }
0xd5: {  	v4 =	vand.u32 $0xFFFFF000, v4;
	v5 =	vand.u32 $0x380, v5  }
0xd6: {  	vm6 =	vlt.u32 v3, $0x60;
	v3 =	vor.u32 v5, v4;
	v4 =	vld [tilespmem:$0x1FEB0];
	_ =	sdelay $0x4  }
0xd7: {  	v44 =	vor.u32 v4, v3;
	_ =	sdelay $0x3  }
0xd8: {  	v3 =	vimm.s32 $0x0  }
0xd9: {  	v3 =	vsel vm6, $0xFFFFFFFF, v3;
	[tilespmem:v44+s12+$0x0] =	vst.idx.msk vm6, v2  }
0xda: {  	[tilespmem:$0x1FCC0] =	vst v3;
	v3 =	vld [tilespmem:$0xB0];
	_ =	sdelay $0x4  }
0xdb: {  	v4 =	vshll.u32 v3, $0x9;
	v5 =	vshll.u32 v3, $0x7  }
0xdc: {  	v4 =	vand.u32 $0xFFFFF000, v4;
	v5 =	vand.u32 $0x380, v5  }
0xdd: {  	vm7 =	vlt.u32 v3, $0x60;
	v3 =	vor.u32 v5, v4;
	v4 =	vld [tilespmem:$0x1FEC0];
	_ =	sdelay $0x4  }
0xde: {  	v45 =	vor.u32 v4, v3;
	_ =	sdelay $0x3  }
0xdf: {  	v3 =	vimm.s32 $0x0  }
0xe0: {  	v3 =	vsel vm7, $0xFFFFFFFF, v3;
	[tilespmem:v45+s12+$0x0] =	vst.idx.msk vm7, v2  }
0xe1: {  	[tilespmem:$0x1FCD0] =	vst v3;
	v3 =	vld [tilespmem:$0xC0];
	_ =	sdelay $0x4  }
0xe2: {  	v4 =	vshll.u32 v3, $0x9;
	v5 =	vshll.u32 v3, $0x7  }
0xe3: {  	v4 =	vand.u32 $0xFFFFF000, v4;
	v5 =	vand.u32 $0x380, v5  }
0xe4: {  	vm8 =	vlt.u32 v3, $0x60;
	v3 =	vor.u32 v5, v4;
	v4 =	vld [tilespmem:$0x1FED0];
	_ =	sdelay $0x4  }
0xe5: {  	v46 =	vor.u32 v4, v3;
	_ =	sdelay $0x3  }
0xe6: {  	v3 =	vimm.s32 $0x0  }
0xe7: {  	v3 =	vsel vm8, $0xFFFFFFFF, v3;
	[tilespmem:v46+s12+$0x0] =	vst.idx.msk vm8, v2  }
0xe8: {  	[tilespmem:$0x1FCE0] =	vst v3;
	v3 =	vld [tilespmem:$0xD0];
	_ =	sdelay $0x4  }
0xe9: {  	v4 =	vshll.u32 v3, $0x9;
	v5 =	vshll.u32 v3, $0x7  }
0xea: {  	v4 =	vand.u32 $0xFFFFF000, v4;
	v5 =	vand.u32 $0x380, v5  }
0xeb: {  	vm9 =	vlt.u32 v3, $0x60;
	v3 =	vor.u32 v5, v4;
	v4 =	vld [tilespmem:$0x1FEE0];
	_ =	sdelay $0x4  }
0xec: {  	v47 =	vor.u32 v4, v3;
	_ =	sdelay $0x3  }
0xed: {  	v3 =	vimm.s32 $0x0  }
0xee: {  	v3 =	vsel vm9, $0xFFFFFFFF, v3;
	[tilespmem:v47+s12+$0x0] =	vst.idx.msk vm9, v2  }
0xef: {  	[tilespmem:$0x1FCF0] =	vst v3;
	v3 =	vld [tilespmem:$0xE0];
	_ =	sdelay $0x4  }
0xf0: {  	v4 =	vshll.u32 v3, $0x9;
	v5 =	vshll.u32 v3, $0x7  }
0xf1: {  	v4 =	vand.u32 $0xFFFFF000, v4;
	v5 =	vand.u32 $0x380, v5  }
0xf2: {  	vm10 =	vlt.u32 v3, $0x60;
	v3 =	vor.u32 v5, v4;
	v4 =	vld [tilespmem:$0x1FEF0];
	_ =	sdelay $0x4  }
0xf3: {  	v48 =	vor.u32 v4, v3;
	_ =	sdelay $0x3  }
0xf4: {  	v3 =	vimm.s32 $0x0  }
0xf5: {  	v3 =	vsel vm10, $0xFFFFFFFF, v3;
	[tilespmem:v48+s12+$0x0] =	vst.idx.msk vm10, v2  }
0xf6: {  	[tilespmem:$0x1FD00] =	vst v3;
	v3 =	vld [tilespmem:$0xF0];
	_ =	sdelay $0x4  }
0xf7: {  	v4 =	vshll.u32 v3, $0x9;
	v5 =	vshll.u32 v3, $0x7  }
0xf8: {  	v4 =	vand.u32 $0xFFFFF000, v4;
	v5 =	vand.u32 $0x380, v5  }
0xf9: {  	vm11 =	vlt.u32 v3, $0x60;
	v3 =	vor.u32 v5, v4;
	v4 =	vld [tilespmem:$0x1FF00];
	_ =	sdelay $0x4  }
0xfa: {  	v49 =	vor.u32 v4, v3;
	_ =	sdelay $0x3  }
0xfb: {  	v3 =	vimm.s32 $0x0  }
0xfc: {  	v3 =	vsel vm11, $0xFFFFFFFF, v3;
	[tilespmem:v49+s12+$0x0] =	vst.idx.msk vm11, v2  }
0xfd: {  	[tilespmem:$0x1FD10] =	vst v3;
	v3 =	vld [tilespmem:$0x100];
	_ =	sdelay $0x4  }
0xfe: {  	v4 =	vshll.u32 v3, $0x9;
	v5 =	vshll.u32 v3, $0x7;
	vm12 =	vlt.u32 v3, $0x60;
	v3 =	vld [tilespmem:$0x1FF10];
	_ =	sdelay $0x2  }
0xff: {  	v4 =	vand.u32 $0xFFFFF000, v4;
	v5 =	vand.u32 $0x380, v5  }
0x100: {  	v4 =	vor.u32 v5, v4  }
0x101: {  	v50 =	vor.u32 v3, v4;
	_ =	sdelay $0x3  }
0x102: {  	v3 =	vimm.s32 $0x0  }
0x103: {  	v3 =	vsel vm12, $0xFFFFFFFF, v3;
	[tilespmem:v50+s12+$0x0] =	vst.idx.msk vm12, v2  }
0x104: {  	[tilespmem:$0x1FD20] =	vst v3;
	v3 =	vld [tilespmem:$0x110];
	_ =	sdelay $0x4  }
0x105: {  	v4 =	vshll.u32 v3, $0x9;
	v5 =	vshll.u32 v3, $0x7;
	vm13 =	vlt.u32 v3, $0x60;
	v3 =	vld [tilespmem:$0x1FF20];
	_ =	sdelay $0x2  }
0x106: {  	v4 =	vand.u32 $0xFFFFF000, v4;
	v5 =	vand.u32 $0x380, v5  }
0x107: {  	v4 =	vor.u32 v5, v4  }
0x108: {  	v51 =	vor.u32 v3, v4;
	_ =	sdelay $0x3  }
0x109: {  	v3 =	vimm.s32 $0x0  }
0x10a: {  	v3 =	vsel vm13, $0xFFFFFFFF, v3;
	[tilespmem:v51+s12+$0x0] =	vst.idx.msk vm13, v2  }
0x10b: {  	[tilespmem:$0x1FD30] =	vst v3;
	v3 =	vld [tilespmem:$0x120];
	_ =	sdelay $0x4  }
0x10c: {  	v4 =	vshll.u32 v3, $0x9;
	v5 =	vshll.u32 v3, $0x7;
	vm14 =	vlt.u32 v3, $0x60;
	v3 =	vld [tilespmem:$0x1FF30];
	_ =	sdelay $0x2  }
0x10d: {  	v4 =	vand.u32 $0xFFFFF000, v4;
	v5 =	vand.u32 $0x380, v5  }
0x10e: {  	v4 =	vor.u32 v5, v4  }
0x10f: {  	v52 =	vor.u32 v3, v4;
	_ =	sdelay $0x3  }
0x110: {  	v3 =	vimm.s32 $0x0  }
0x111: {  	v3 =	vsel vm14, $0xFFFFFFFF, v3;
	[tilespmem:v52+s12+$0x0] =	vst.idx.msk vm14, v2  }
0x112: {  	[tilespmem:$0x1FD40] =	vst v3;
	v3 =	vld [tilespmem:$0x130];
	_ =	sdelay $0x4  }
0x113: {  	v4 =	vshll.u32 v3, $0x9;
	v5 =	vshll.u32 v3, $0x7;
	vm15 =	vlt.u32 v3, $0x60;
	v3 =	vld [tilespmem:$0x1FF40];
	_ =	sdelay $0x2  }
0x114: {  	v4 =	vand.u32 $0xFFFFF000, v4;
	v5 =	vand.u32 $0x380, v5  }
0x115: {  	v4 =	vor.u32 v5, v4  }
0x116: {  	v53 =	vor.u32 v3, v4;
	_ =	sdelay $0x3  }
0x117: {  	v3 =	vimm.s32 $0x0  }
0x118: {  	v3 =	vsel vm15, $0xFFFFFFFF, v3;
	[tilespmem:v53+s12+$0x0] =	vst.idx.msk vm15, v2  }
0x119: {  	[tilespmem:$0x1FD50] =	vst v3;
	v3 =	vld [tilespmem:$0x140];
	_ =	sdelay $0x4  }
0x11a: {  	v4 =	vshll.u32 v3, $0x9;
	v5 =	vshll.u32 v3, $0x7;
	vm4 =	vlt.u32 v3, $0x60;
	v3 =	vld [tilespmem:$0x1FF50];
	_ =	sdelay $0x2  }
0x11b: {  	v4 =	vand.u32 $0xFFFFF000, v4;
	v5 =	vand.u32 $0x380, v5  }
0x11c: {  	v4 =	vor.u32 v5, v4  }
0x11d: {  	v54 =	vor.u32 v3, v4;
	_ =	sdelay $0x3  }
0x11e: {  	v3 =	vimm.s32 $0x0  }
0x11f: {  	v3 =	vsel vm4, $0xFFFFFFFF, v3;
	[tilespmem:v54+s12+$0x0] =	vst.idx.msk vm4, v2  }
0x120: {  	[tilespmem:$0x1FD60] =	vst v3;
	v3 =	vld [tilespmem:$0x150];
	_ =	sdelay $0x4  }
0x121: {  	v4 =	vshll.u32 v3, $0x9;
	v5 =	vshll.u32 v3, $0x7;
	vm5 =	vlt.u32 v3, $0x60;
	v3 =	vld [tilespmem:$0x1FF60];
	_ =	sdelay $0x2  }
0x122: {  	v4 =	vand.u32 $0xFFFFF000, v4;
	v5 =	vand.u32 $0x380, v5  }
0x123: {  	v4 =	vor.u32 v5, v4  }
0x124: {  	v55 =	vor.u32 v3, v4;
	_ =	sdelay $0x3  }
0x125: {  	v3 =	vimm.s32 $0x0  }
0x126: {  	v3 =	vsel vm5, $0xFFFFFFFF, v3;
	[tilespmem:v55+s12+$0x0] =	vst.idx.msk vm5, v2  }
0x127: {  	[tilespmem:$0x1FD70] =	vst v3;
	v3 =	vld [tilespmem:$0x160];
	_ =	sdelay $0x4  }
0x128: {  	v4 =	vshll.u32 v3, $0x9;
	v5 =	vshll.u32 v3, $0x7;
	vm6 =	vlt.u32 v3, $0x60;
	v3 =	vld [tilespmem:$0x1FF70];
	_ =	sdelay $0x2  }
0x129: {  	v4 =	vand.u32 $0xFFFFF000, v4;
	v5 =	vand.u32 $0x380, v5  }
0x12a: {  	v4 =	vor.u32 v5, v4  }
0x12b: {  	v56 =	vor.u32 v3, v4;
	_ =	sdelay $0x3  }
0x12c: {  	v3 =	vimm.s32 $0x0  }
0x12d: {  	v3 =	vsel vm6, $0xFFFFFFFF, v3;
	[tilespmem:v56+s12+$0x0] =	vst.idx.msk vm6, v2  }
0x12e: {  	[tilespmem:$0x1FD80] =	vst v3;
	v3 =	vld [tilespmem:$0x170];
	_ =	sdelay $0x4  }
0x12f: {  	v4 =	vshll.u32 v3, $0x9;
	v5 =	vshll.u32 v3, $0x7;
	vm7 =	vlt.u32 v3, $0x60;
	v3 =	vld [tilespmem:$0x1FF80];
	_ =	sdelay $0x2  }
0x130: {  	v4 =	vand.u32 $0xFFFFF000, v4;
	v5 =	vand.u32 $0x380, v5  }
0x131: {  	v4 =	vor.u32 v5, v4  }
0x132: {  	v57 =	vor.u32 v3, v4;
	_ =	sdelay $0x3  }
0x133: {  	v3 =	vimm.s32 $0x0  }
0x134: {  	v3 =	vsel vm7, $0xFFFFFFFF, v3;
	[tilespmem:v57+s12+$0x0] =	vst.idx.msk vm7, v2  }
0x135: {  	[tilespmem:$0x1FD90] =	vst v3;
	v3 =	vld [tilespmem:$0x180];
	_ =	sdelay $0x4  }
0x136: {  	v4 =	vshll.u32 v3, $0x9;
	v5 =	vshll.u32 v3, $0x7;
	vm8 =	vlt.u32 v3, $0x60;
	v3 =	vld [tilespmem:$0x1FF90];
	_ =	sdelay $0x2  }
0x137: {  	v4 =	vand.u32 $0xFFFFF000, v4;
	v5 =	vand.u32 $0x380, v5  }
0x138: {  	v4 =	vor.u32 v5, v4  }
0x139: {  	v58 =	vor.u32 v3, v4;
	_ =	sdelay $0x3  }
0x13a: {  	v3 =	vimm.s32 $0x0  }
0x13b: {  	v3 =	vsel vm8, $0xFFFFFFFF, v3;
	[tilespmem:v58+s12+$0x0] =	vst.idx.msk vm8, v2  }
0x13c: {  	[tilespmem:$0x1FDA0] =	vst v3;
	v3 =	vld [tilespmem:$0x190];
	_ =	sdelay $0x4  }
0x13d: {  	v4 =	vshll.u32 v3, $0x9;
	v5 =	vshll.u32 v3, $0x7;
	vm9 =	vlt.u32 v3, $0x60;
	v3 =	vld [tilespmem:$0x1FFA0];
	_ =	sdelay $0x2  }
0x13e: {  	v4 =	vand.u32 $0xFFFFF000, v4;
	v5 =	vand.u32 $0x380, v5  }
0x13f: {  	v4 =	vor.u32 v5, v4  }
0x140: {  	v59 =	vor.u32 v3, v4;
	_ =	sdelay $0x3  }
0x141: {  	v3 =	vimm.s32 $0x0  }
0x142: {  	v3 =	vsel vm9, $0xFFFFFFFF, v3;
	[tilespmem:v59+s12+$0x0] =	vst.idx.msk vm9, v2  }
0x143: {  	[tilespmem:$0x1FDB0] =	vst v3;
	v3 =	vld [tilespmem:$0x1A0];
	_ =	sdelay $0x4  }
0x144: {  	v4 =	vshll.u32 v3, $0x9;
	v5 =	vshll.u32 v3, $0x7;
	vm10 =	vlt.u32 v3, $0x60;
	v3 =	vld [tilespmem:$0x1FFB0];
	_ =	sdelay $0x2  }
0x145: {  	v4 =	vand.u32 $0xFFFFF000, v4;
	v5 =	vand.u32 $0x380, v5  }
0x146: {  	v4 =	vor.u32 v5, v4  }
0x147: {  	v60 =	vor.u32 v3, v4;
	_ =	sdelay $0x3  }
0x148: {  	v3 =	vimm.s32 $0x0  }
0x149: {  	v3 =	vsel vm10, $0xFFFFFFFF, v3;
	[tilespmem:v60+s12+$0x0] =	vst.idx.msk vm10, v2  }
0x14a: {  	[tilespmem:$0x1FDC0] =	vst v3;
	v3 =	vld [tilespmem:$0x1B0];
	_ =	sdelay $0x4  }
0x14b: {  	v4 =	vshll.u32 v3, $0x9;
	v5 =	vshll.u32 v3, $0x7;
	vm11 =	vlt.u32 v3, $0x60;
	v3 =	vld [tilespmem:$0x1FFC0];
	_ =	sdelay $0x2  }
0x14c: {  	v4 =	vand.u32 $0xFFFFF000, v4;
	v5 =	vand.u32 $0x380, v5  }
0x14d: {  	v4 =	vor.u32 v5, v4  }
0x14e: {  	v61 =	vor.u32 v3, v4;
	_ =	sdelay $0x3  }
0x14f: {  	v3 =	vimm.s32 $0x0  }
0x150: {  	v3 =	vsel vm11, $0xFFFFFFFF, v3;
	[tilespmem:v61+s12+$0x0] =	vst.idx.msk vm11, v2  }
0x151: {  	[tilespmem:$0x1FDD0] =	vst v3;
	v3 =	vld [tilespmem:$0x1C0];
	_ =	sdelay $0x4  }
0x152: {  	v4 =	vshll.u32 v3, $0x9;
	v5 =	vshll.u32 v3, $0x7;
	vm12 =	vlt.u32 v3, $0x60;
	v3 =	vld [tilespmem:$0x1FFD0];
	_ =	sdelay $0x2  }
0x153: {  	v4 =	vand.u32 $0xFFFFF000, v4;
	v5 =	vand.u32 $0x380, v5  }
0x154: {  	v4 =	vor.u32 v5, v4  }
0x155: {  	v62 =	vor.u32 v3, v4;
	_ =	sdelay $0x3  }
0x156: {  	v3 =	vimm.s32 $0x0  }
0x157: {  	v3 =	vsel vm12, $0xFFFFFFFF, v3;
	[tilespmem:v62+s12+$0x0] =	vst.idx.msk vm12, v2  }
0x158: {  	[tilespmem:$0x1FDE0] =	vst v3;
	v3 =	vld [tilespmem:$0x1D0];
	_ =	sdelay $0x4  }
0x159: {  	v4 =	vshll.u32 v3, $0x9;
	v5 =	vshll.u32 v3, $0x7;
	vm13 =	vlt.u32 v3, $0x60;
	v3 =	vld [tilespmem:$0x1FFE0];
	_ =	sdelay $0x2  }
0x15a: {  	v4 =	vand.u32 $0xFFFFF000, v4;
	v5 =	vand.u32 $0x380, v5  }
0x15b: {  	v4 =	vor.u32 v5, v4  }
0x15c: {  	v63 =	vor.u32 v3, v4;
	_ =	sdelay $0x3  }
0x15d: {  	v3 =	vimm.s32 $0x0  }
0x15e: {  	v3 =	vsel vm13, $0xFFFFFFFF, v3;
	[tilespmem:v63+s12+$0x0] =	vst.idx.msk vm13, v2  }
0x15f: {  	[tilespmem:$0x1FDF0] =	vst v3;
	v3 =	vld [tilespmem:$0x1E0];
	_ =	sdelay $0x4  }
0x160: {  	v4 =	vshll.u32 v3, $0x9;
	v5 =	vshll.u32 v3, $0x7;
	vm14 =	vlt.u32 v3, $0x60;
	v3 =	vld [tilespmem:$0x1FFF0];
	_ =	sdelay $0x2  }
0x161: {  	v4 =	vand.u32 $0xFFFFF000, v4;
	v5 =	vand.u32 $0x380, v5  }
0x162: {  	v4 =	vor.u32 v5, v4  }
0x163: {  	v3 =	vor.u32 v3, v4;
	_ =	sdelay $0x3  }
0x164: {  	v4 =	vimm.s32 $0x0  }
0x165: {  	v4 =	vsel vm14, $0xFFFFFFFF, v4;
	[tilespmem:v3+s12+$0x0] =	vst.idx.msk vm14, v2  }
0x166: {  	[tilespmem:$0x1FE00] =	vst v4;
	v4 =	vld [tilespmem:$0x1F0];
	_ =	sdelay $0x4  }
0x167: {  	v5 =	vshll.u32 v4, $0x9;
	v6 =	vshll.u32 v4, $0x7  }
0x168: {  	v5 =	vand.u32 $0xFFFFF000, v5;
	v6 =	vand.u32 $0x380, v6  }
0x169: {  	vm15 =	vlt.u32 v4, $0x60;
	v5 =	vor.u32 v6, v5  }
0x16a: {  	v4 =	vor.u32 v37, v5;
	_ =	sdelay $0x1  }
0x16b: {  	v5 =	vimm.s32 $0x0  }
0x16c: {  	s30 =	simm.s32 $0xC000;
	s31 =	simm.s32 $0x3000;
	v5 =	vsel vm15, $0xFFFFFFFF, v5  }
0x16d: {  	s18 =	sand.u32 $0x1F000, s30;
	s19 =	sand.u32 $0x380, s31;
	[tilespmem:$0x1FE10] =	vst v5  }
0x16e: {  	s18 =	sor.u32 s19, s18;
	[tilespmem:v4+s12+$0x0] =	vst.idx.msk vm15, v2  }
0x16f: {  	[hbm4b:s3+s13] =	stream.strided.scatter [tilespmem:s12], [sflag:$0x1], $0xC000, s14, s13, $0x38;
	[tilespmem:$0x19200] =	vst v63  }
0x170: {  	[tilespmem:s18+$0xE70] =	vst v1  }
0x171: {  	[tilespmem:s18+$0x200] =	vst v1  }
0x172: {  	[tilespmem:s18+$0x210] =	vst v1  }
0x173: {  	[tilespmem:s18+$0x220] =	vst v1  }
0x174: {  	[tilespmem:s18+$0x230] =	vst v1  }
0x175: {  	[tilespmem:s18+$0x240] =	vst v1  }
0x176: {  	[tilespmem:s18+$0x250] =	vst v1  }
0x177: {  	[tilespmem:s18+$0x260] =	vst v1  }
0x178: {  	[tilespmem:s18+$0x270] =	vst v1  }
0x179: {  	[tilespmem:s18+$0x600] =	vst v1  }
0x17a: {  	[tilespmem:s18+$0x610] =	vst v1  }
0x17b: {  	[tilespmem:s18+$0x620] =	vst v1  }
0x17c: {  	[tilespmem:s18+$0x630] =	vst v1  }
0x17d: {  	[tilespmem:s18+$0x640] =	vst v1  }
0x17e: {  	[tilespmem:s18+$0x650] =	vst v1  }
0x17f: {  	[tilespmem:s18+$0x660] =	vst v1  }
0x180: {  	[tilespmem:s18+$0x670] =	vst v1  }
0x181: {  	[tilespmem:s18+$0xA00] =	vst v1  }
0x182: {  	[tilespmem:s18+$0xA10] =	vst v1  }
0x183: {  	[tilespmem:s18+$0xA20] =	vst v1  }
0x184: {  	[tilespmem:s18+$0xA30] =	vst v1  }
0x185: {  	[tilespmem:s18+$0xA40] =	vst v1  }
0x186: {  	[tilespmem:s18+$0xA50] =	vst v1  }
0x187: {  	[tilespmem:s18+$0xA60] =	vst v1  }
0x188: {  	[tilespmem:s18+$0xA70] =	vst v1  }
0x189: {  	[tilespmem:s18+$0xE00] =	vst v1  }
0x18a: {  	[tilespmem:s18+$0xE10] =	vst v1  }
0x18b: {  	[tilespmem:s18+$0xE20] =	vst v1  }
0x18c: {  	[tilespmem:s18+$0xE30] =	vst v1  }
0x18d: {  	s20 =	simm.s32 $0xC200;
	s19 =	simm.s32 $0x3080;
	[tilespmem:s18+$0xE40] =	vst v1  }
0x18e: {  	v39 =	vmov v37;
	s21 =	sand.u32 $0x1F000, s20;
	s20 =	simm.s32 $0xC400;
	s22 =	sand.u32 $0x380, s19;
	[tilespmem:s18+$0xE50] =	vst v1  }
.LBB2_4:
0x18f: {  	p0 =	sne.s32 s20, $0x18E00;
	[tilespmem:s18+$0xE60] =	vst v1;
	s18 =	sor.u32 s22, s21  }
0x190: {  	[tilespmem:s18+$0xE70] =	vst v1  }
0x191: {  	[tilespmem:s18+$0x200] =	vst v1  }
0x192: {  	[tilespmem:s18+$0x210] =	vst v1  }
0x193: {  	[tilespmem:s18+$0x220] =	vst v1  }
0x194: {  	[tilespmem:s18+$0x230] =	vst v1  }
0x195: {  	[tilespmem:s18+$0x240] =	vst v1  }
0x196: {  	[tilespmem:s18+$0x250] =	vst v1  }
0x197: {  	[tilespmem:s18+$0x260] =	vst v1  }
0x198: {  	[tilespmem:s18+$0x270] =	vst v1  }
0x199: {  	[tilespmem:s18+$0x600] =	vst v1  }
0x19a: {  	[tilespmem:s18+$0x610] =	vst v1  }
0x19b: {  	[tilespmem:s18+$0x620] =	vst v1  }
0x19c: {  	[tilespmem:s18+$0x630] =	vst v1  }
0x19d: {  	[tilespmem:s18+$0x640] =	vst v1  }
0x19e: {  	[tilespmem:s18+$0x650] =	vst v1  }
0x19f: {  	[tilespmem:s18+$0x660] =	vst v1  }
0x1a0: {  	[tilespmem:s18+$0x670] =	vst v1  }
0x1a1: {  	[tilespmem:s18+$0xA00] =	vst v1  }
0x1a2: {  	[tilespmem:s18+$0xA10] =	vst v1  }
0x1a3: {  	[tilespmem:s18+$0xA20] =	vst v1  }
0x1a4: {  	[tilespmem:s18+$0xA30] =	vst v1  }
0x1a5: {  	[tilespmem:s18+$0xA40] =	vst v1  }
0x1a6: {  	[tilespmem:s18+$0xA50] =	vst v1  }
0x1a7: {  	[tilespmem:s18+$0xA60] =	vst v1  }
0x1a8: {  	[tilespmem:s18+$0xA70] =	vst v1  }
0x1a9: {  	[tilespmem:s18+$0xE00] =	vst v1  }
.Ltmp1:
0x1aa: {  	[tilespmem:s18+$0xE10] =	vst v1;
	(pc) =	sbr.rel @p0 .LBB2_4-.Ltmp1, $4  }
0x1ab: {  	[tilespmem:s18+$0xE20] =	vst v1  }
0x1ac: {  	[tilespmem:s18+$0xE30] =	vst v1  }
0x1ad: {  	s19 =	sadd.s32 $0x80, s19;
	[tilespmem:s18+$0xE40] =	vst v1  }
0x1ae: {  	s21 =	sand.u32 $0x1F000, s20;
	s20 =	sadd.s32 $0x200, s20;
	s22 =	sand.u32 $0x380, s19;
	[tilespmem:s18+$0xE50] =	vst v1  }
0x1af: {  	s19 =	sor.u32 s22, s21;
	[tilespmem:s18+$0xE60] =	vst v1  }
0x1b0: {  	[tilespmem:s19+$0xE70] =	vst v1  }
0x1b1: {  	[tilespmem:s19+$0x200] =	vst v1  }
0x1b2: {  	[tilespmem:s19+$0x210] =	vst v1  }
0x1b3: {  	[tilespmem:s19+$0x220] =	vst v1  }
0x1b4: {  	[tilespmem:s19+$0x230] =	vst v1  }
0x1b5: {  	[tilespmem:s19+$0x240] =	vst v1  }
0x1b6: {  	[tilespmem:s19+$0x250] =	vst v1  }
0x1b7: {  	[tilespmem:s19+$0x260] =	vst v1  }
0x1b8: {  	[tilespmem:s19+$0x270] =	vst v1  }
0x1b9: {  	[tilespmem:s19+$0x600] =	vst v1  }
0x1ba: {  	[tilespmem:s19+$0x610] =	vst v1  }
0x1bb: {  	[tilespmem:s19+$0x620] =	vst v1  }
0x1bc: {  	[tilespmem:s19+$0x630] =	vst v1  }
0x1bd: {  	[tilespmem:s19+$0x640] =	vst v1  }
0x1be: {  	[tilespmem:s19+$0x650] =	vst v1  }
0x1bf: {  	[tilespmem:s19+$0x660] =	vst v1  }
0x1c0: {  	[tilespmem:s19+$0x670] =	vst v1  }
0x1c1: {  	[tilespmem:s19+$0xA00] =	vst v1  }
0x1c2: {  	[tilespmem:s19+$0xA10] =	vst v1  }
0x1c3: {  	[tilespmem:s19+$0xA20] =	vst v1  }
0x1c4: {  	[tilespmem:s19+$0xA30] =	vst v1  }
0x1c5: {  	[tilespmem:s19+$0xA40] =	vst v1  }
0x1c6: {  	[tilespmem:s19+$0xA50] =	vst v1  }
0x1c7: {  	[tilespmem:s19+$0xA60] =	vst v1  }
0x1c8: {  	[tilespmem:s19+$0xA70] =	vst v1  }
0x1c9: {  	[tilespmem:s19+$0xE00] =	vst v1  }
0x1ca: {  	[tilespmem:s19+$0xE10] =	vst v1  }
0x1cb: {  	[tilespmem:s19+$0xE20] =	vst v1  }
0x1cc: {  	[tilespmem:s19+$0xE30] =	vst v1  }
0x1cd: {  	[tilespmem:s19+$0xE40] =	vst v1  }
0x1ce: {  	[tilespmem:s19+$0xE50] =	vst v1  }
0x1cf: {  	[tilespmem:s19+$0xE60] =	vst v1  }
0x1d0: {  	v5 =	vld [tilespmem:$0x0];
	_ =	sdelay $0x3  }
0x1d1: {  	v36 =	vimm.s32 $0x0  }
0x1d2: {  	v6 =	vshll.u32 v5, $0x9;
	v7 =	vshll.u32 v5, $0x7;
	v5 =	vadd.s32 $0xFFFFFFA0, v5  }
0x1d3: {  	v6 =	vand.u32 $0xFFFFF000, v6;
	v7 =	vand.u32 $0x380, v7;
	vm0 =	vlt.u32 v5, $0x68  }
0x1d4: {  	v6 =	vor.u32 v6, v7;
	v5 =	vsel vm0, $0xFFFFFFFF, v36  }
0x1d5: {  	[tilespmem:$0x1F780] =	vst v5;
	v5 =	vor.u32 v0, v6;
	_ =	sdelay $0x4  }
0x1d6: {  	[tilespmem:v5+s12+$0x0] =	vst.idx.msk vm0, v2  }
0x1d7: {  	v37 =	vld [tilespmem:$0x10];
	_ =	sdelay $0x2  }
0x1d8: {  	v13 =	vld [tilespmem:$0x1FE20]  }
0x1d9: {  	v12 =	vimm.s32 $0x0  }
0x1da: {  	v38 =	vshll.u32 v37, $0x9;
	v8 =	vshll.u32 v37, $0x7;
	v6 =	vadd.s32 $0xFFFFFFA0, v37  }
0x1db: {  	v7 =	vand.u32 $0xFFFFF000, v38;
	v8 =	vand.u32 $0x380, v8;
	vm13 =	vlt.u32 v6, $0x68  }
0x1dc: {  	v7 =	vor.u32 v7, v8;
	v6 =	vsel vm13, $0xFFFFFFFF, v12  }
0x1dd: {  	[tilespmem:$0x1F790] =	vst v6;
	v6 =	vor.u32 v13, v7;
	_ =	sdelay $0x4  }
0x1de: {  	[tilespmem:v6+s12+$0x0] =	vst.idx.msk vm13, v2  }
0x1df: {  	v14 =	vld [tilespmem:$0x20];
	_ =	sdelay $0x2  }
0x1e0: {  	v17 =	vld [tilespmem:$0x1FE30]  }
0x1e1: {  	v16 =	vimm.s32 $0x0  }
0x1e2: {  	v15 =	vshll.u32 v14, $0x9;
	v9 =	vshll.u32 v14, $0x7;
	v7 =	vadd.s32 $0xFFFFFFA0, v14  }
0x1e3: {  	v8 =	vand.u32 $0xFFFFF000, v15;
	v9 =	vand.u32 $0x380, v9;
	vm14 =	vlt.u32 v7, $0x68  }
0x1e4: {  	v8 =	vor.u32 v8, v9;
	v7 =	vsel vm14, $0xFFFFFFFF, v16  }
0x1e5: {  	[tilespmem:$0x1F7A0] =	vst v7;
	v7 =	vor.u32 v17, v8;
	_ =	sdelay $0x4  }
0x1e6: {  	[tilespmem:v7+s12+$0x0] =	vst.idx.msk vm14, v2  }
0x1e7: {  	v18 =	vld [tilespmem:$0x30];
	_ =	sdelay $0x2  }
0x1e8: {  	v21 =	vld [tilespmem:$0x1FE40]  }
0x1e9: {  	v20 =	vimm.s32 $0x0  }
0x1ea: {  	v19 =	vshll.u32 v18, $0x9;
	v10 =	vshll.u32 v18, $0x7;
	v8 =	vadd.s32 $0xFFFFFFA0, v18  }
0x1eb: {  	v9 =	vand.u32 $0xFFFFF000, v19;
	v10 =	vand.u32 $0x380, v10;
	vm15 =	vlt.u32 v8, $0x68  }
0x1ec: {  	v9 =	vor.u32 v9, v10;
	v8 =	vsel vm15, $0xFFFFFFFF, v20  }
0x1ed: {  	[tilespmem:$0x1F7B0] =	vst v8;
	v8 =	vor.u32 v21, v9;
	_ =	sdelay $0x4  }
0x1ee: {  	[tilespmem:v8+s12+$0x0] =	vst.idx.msk vm15, v2  }
0x1ef: {  	v22 =	vld [tilespmem:$0x40];
	_ =	sdelay $0x2  }
0x1f0: {  	v25 =	vld [tilespmem:$0x1FE50]  }
0x1f1: {  	v24 =	vimm.s32 $0x0  }
0x1f2: {  	v23 =	vshll.u32 v22, $0x9;
	v11 =	vshll.u32 v22, $0x7;
	v9 =	vadd.s32 $0xFFFFFFA0, v22  }
0x1f3: {  	v10 =	vand.u32 $0xFFFFF000, v23;
	v11 =	vand.u32 $0x380, v11;
	vm4 =	vlt.u32 v9, $0x68  }
0x1f4: {  	v10 =	vor.u32 v10, v11;
	v9 =	vsel vm4, $0xFFFFFFFF, v24  }
0x1f5: {  	[tilespmem:$0x1F7C0] =	vst v9;
	v9 =	vor.u32 v25, v10;
	_ =	sdelay $0x4  }
0x1f6: {  	[tilespmem:v9+s12+$0x0] =	vst.idx.msk vm4, v2  }
0x1f7: {  	v26 =	vld [tilespmem:$0x50];
	_ =	sdelay $0x2  }
0x1f8: {  	v29 =	vld [tilespmem:$0x1FE60]  }
0x1f9: {  	v28 =	vimm.s32 $0x0  }
0x1fa: {  	v27 =	vshll.u32 v26, $0x9;
	v12 =	vshll.u32 v26, $0x7;
	v10 =	vadd.s32 $0xFFFFFFA0, v26  }
0x1fb: {  	v11 =	vand.u32 $0xFFFFF000, v27;
	v12 =	vand.u32 $0x380, v12;
	vm5 =	vlt.u32 v10, $0x68  }
0x1fc: {  	v11 =	vor.u32 v11, v12;
	v10 =	vsel vm5, $0xFFFFFFFF, v28  }
0x1fd: {  	[tilespmem:$0x1F7D0] =	vst v10;
	v10 =	vor.u32 v29, v11;
	_ =	sdelay $0x4  }
0x1fe: {  	[tilespmem:v10+s12+$0x0] =	vst.idx.msk vm5, v2  }
0x1ff: {  	v30 =	vld [tilespmem:$0x60];
	_ =	sdelay $0x2  }
0x200: {  	v33 =	vld [tilespmem:$0x1FE70]  }
0x201: {  	v32 =	vimm.s32 $0x0  }
0x202: {  	v31 =	vshll.u32 v30, $0x9;
	v13 =	vshll.u32 v30, $0x7;
	v11 =	vadd.s32 $0xFFFFFFA0, v30  }
0x203: {  	v12 =	vand.u32 $0xFFFFF000, v31;
	v13 =	vand.u32 $0x380, v13;
	vm6 =	vlt.u32 v11, $0x68  }
0x204: {  	v12 =	vor.u32 v12, v13;
	v11 =	vsel vm6, $0xFFFFFFFF, v32  }
0x205: {  	[tilespmem:$0x1F7E0] =	vst v11;
	v11 =	vor.u32 v33, v12;
	_ =	sdelay $0x4  }
0x206: {  	[tilespmem:v11+s12+$0x0] =	vst.idx.msk vm6, v2  }
0x207: {  	v34 =	vld [tilespmem:$0x70];
	_ =	sdelay $0x2  }
0x208: {  	v37 =	vld [tilespmem:$0x1FE80]  }
0x209: {  	v36 =	vimm.s32 $0x0  }
0x20a: {  	v35 =	vshll.u32 v34, $0x9;
	v14 =	vshll.u32 v34, $0x7;
	v12 =	vadd.s32 $0xFFFFFFA0, v34  }
0x20b: {  	v13 =	vand.u32 $0xFFFFF000, v35;
	v14 =	vand.u32 $0x380, v14;
	vm7 =	vlt.u32 v12, $0x68  }
0x20c: {  	v13 =	vor.u32 v13, v14;
	v12 =	vsel vm7, $0xFFFFFFFF, v36  }
0x20d: {  	[tilespmem:$0x1F7F0] =	vst v12;
	v12 =	vor.u32 v37, v13;
	_ =	sdelay $0x4  }
0x20e: {  	[tilespmem:v12+s12+$0x0] =	vst.idx.msk vm7, v2  }
0x20f: {  	v38 =	vld [tilespmem:$0x80];
	_ =	sdelay $0x2  }
0x210: {  	v20 =	vld [tilespmem:$0x1FE90]  }
0x211: {  	v19 =	vimm.s32 $0x0  }
0x212: {  	v18 =	vshll.u32 v38, $0x9;
	v15 =	vshll.u32 v38, $0x7;
	v13 =	vadd.s32 $0xFFFFFFA0, v38  }
0x213: {  	v14 =	vand.u32 $0xFFFFF000, v18;
	v15 =	vand.u32 $0x380, v15;
	vm8 =	vlt.u32 v13, $0x68  }
0x214: {  	v14 =	vor.u32 v15, v14;
	v13 =	vsel vm8, $0xFFFFFFFF, v19  }
0x215: {  	[tilespmem:$0x1F800] =	vst v13;
	v13 =	vor.u32 v20, v14;
	_ =	sdelay $0x4  }
0x216: {  	[tilespmem:v13+s12+$0x0] =	vst.idx.msk vm8, v2  }
0x217: {  	v21 =	vld [tilespmem:$0x90];
	_ =	sdelay $0x2  }
0x218: {  	v24 =	vld [tilespmem:$0x1FEA0]  }
0x219: {  	v23 =	vimm.s32 $0x0  }
0x21a: {  	v22 =	vshll.u32 v21, $0x9;
	v16 =	vshll.u32 v21, $0x7;
	v14 =	vadd.s32 $0xFFFFFFA0, v21  }
0x21b: {  	v15 =	vand.u32 $0xFFFFF000, v22;
	v16 =	vand.u32 $0x380, v16;
	vm9 =	vlt.u32 v14, $0x68  }
0x21c: {  	v15 =	vor.u32 v16, v15;
	v14 =	vsel vm9, $0xFFFFFFFF, v23  }
0x21d: {  	[tilespmem:$0x1F810] =	vst v14;
	v14 =	vor.u32 v24, v15;
	_ =	sdelay $0x4  }
0x21e: {  	[tilespmem:v14+s12+$0x0] =	vst.idx.msk vm9, v2  }
0x21f: {  	v25 =	vld [tilespmem:$0xA0];
	_ =	sdelay $0x2  }
0x220: {  	v28 =	vld [tilespmem:$0x1FEB0]  }
0x221: {  	v27 =	vimm.s32 $0x0  }
0x222: {  	v26 =	vshll.u32 v25, $0x9;
	v17 =	vshll.u32 v25, $0x7;
	v15 =	vadd.s32 $0xFFFFFFA0, v25  }
0x223: {  	v16 =	vand.u32 $0xFFFFF000, v26;
	v17 =	vand.u32 $0x380, v17;
	vm10 =	vlt.u32 v15, $0x68  }
0x224: {  	v16 =	vor.u32 v17, v16;
	v15 =	vsel vm10, $0xFFFFFFFF, v27  }
0x225: {  	[tilespmem:$0x1F820] =	vst v15;
	v15 =	vor.u32 v28, v16;
	_ =	sdelay $0x4  }
0x226: {  	[tilespmem:v15+s12+$0x0] =	vst.idx.msk vm10, v2  }
0x227: {  	v29 =	vld [tilespmem:$0xB0];
	_ =	sdelay $0x2  }
0x228: {  	v32 =	vld [tilespmem:$0x1FEC0]  }
0x229: {  	v31 =	vimm.s32 $0x0  }
0x22a: {  	v30 =	vshll.u32 v29, $0x9;
	v18 =	vshll.u32 v29, $0x7;
	v16 =	vadd.s32 $0xFFFFFFA0, v29  }
0x22b: {  	v17 =	vand.u32 $0xFFFFF000, v30;
	v18 =	vand.u32 $0x380, v18;
	vm11 =	vlt.u32 v16, $0x68  }
0x22c: {  	v17 =	vor.u32 v18, v17;
	v16 =	vsel vm11, $0xFFFFFFFF, v31  }
0x22d: {  	[tilespmem:$0x1F830] =	vst v16;
	v16 =	vor.u32 v32, v17;
	_ =	sdelay $0x4  }
0x22e: {  	[tilespmem:v16+s12+$0x0] =	vst.idx.msk vm11, v2  }
0x22f: {  	v33 =	vld [tilespmem:$0xC0];
	_ =	sdelay $0x2  }
0x230: {  	v36 =	vld [tilespmem:$0x1FED0]  }
0x231: {  	v35 =	vimm.s32 $0x0  }
0x232: {  	v34 =	vshll.u32 v33, $0x9;
	v19 =	vshll.u32 v33, $0x7;
	v17 =	vadd.s32 $0xFFFFFFA0, v33  }
0x233: {  	v18 =	vand.u32 $0xFFFFF000, v34;
	v19 =	vand.u32 $0x380, v19;
	vm12 =	vlt.u32 v17, $0x68  }
0x234: {  	v18 =	vor.u32 v19, v18;
	v17 =	vsel vm12, $0xFFFFFFFF, v35  }
0x235: {  	[tilespmem:$0x1F840] =	vst v17;
	v17 =	vor.u32 v36, v18;
	_ =	sdelay $0x4  }
0x236: {  	[tilespmem:v17+s12+$0x0] =	vst.idx.msk vm12, v2  }
0x237: {  	v37 =	vld [tilespmem:$0xD0];
	_ =	sdelay $0x2  }
0x238: {  	v24 =	vld [tilespmem:$0x1FEE0]  }
0x239: {  	v23 =	vimm.s32 $0x0  }
0x23a: {  	v38 =	vshll.u32 v37, $0x9;
	v20 =	vshll.u32 v37, $0x7;
	v18 =	vadd.s32 $0xFFFFFFA0, v37  }
0x23b: {  	v19 =	vand.u32 $0xFFFFF000, v38;
	v20 =	vand.u32 $0x380, v20;
	vm13 =	vlt.u32 v18, $0x68  }
0x23c: {  	v19 =	vor.u32 v20, v19;
	v18 =	vsel vm13, $0xFFFFFFFF, v23  }
0x23d: {  	[tilespmem:$0x1F850] =	vst v18;
	v18 =	vor.u32 v24, v19;
	_ =	sdelay $0x4  }
0x23e: {  	[tilespmem:v18+s12+$0x0] =	vst.idx.msk vm13, v2  }
0x23f: {  	v25 =	vld [tilespmem:$0xE0];
	_ =	sdelay $0x2  }
0x240: {  	v28 =	vld [tilespmem:$0x1FEF0]  }
0x241: {  	v27 =	vimm.s32 $0x0  }
0x242: {  	v26 =	vshll.u32 v25, $0x9;
	v21 =	vshll.u32 v25, $0x7;
	v19 =	vadd.s32 $0xFFFFFFA0, v25  }
0x243: {  	v20 =	vand.u32 $0xFFFFF000, v26;
	v21 =	vand.u32 $0x380, v21;
	vm14 =	vlt.u32 v19, $0x68  }
0x244: {  	v20 =	vor.u32 v21, v20;
	v19 =	vsel vm14, $0xFFFFFFFF, v27  }
0x245: {  	[tilespmem:$0x1F860] =	vst v19;
	v19 =	vor.u32 v28, v20;
	_ =	sdelay $0x4  }
0x246: {  	[tilespmem:v19+s12+$0x0] =	vst.idx.msk vm14, v2  }
0x247: {  	v29 =	vld [tilespmem:$0xF0];
	_ =	sdelay $0x2  }
0x248: {  	v32 =	vld [tilespmem:$0x1FF00]  }
0x249: {  	v31 =	vimm.s32 $0x0  }
0x24a: {  	v30 =	vshll.u32 v29, $0x9;
	v22 =	vshll.u32 v29, $0x7;
	v20 =	vadd.s32 $0xFFFFFFA0, v29  }
0x24b: {  	v21 =	vand.u32 $0xFFFFF000, v30;
	v22 =	vand.u32 $0x380, v22;
	vm15 =	vlt.u32 v20, $0x68  }
0x24c: {  	v21 =	vor.u32 v22, v21;
	v20 =	vsel vm15, $0xFFFFFFFF, v31  }
0x24d: {  	[tilespmem:$0x1F870] =	vst v20;
	v20 =	vor.u32 v32, v21;
	_ =	sdelay $0x4  }
0x24e: {  	[tilespmem:v20+s12+$0x0] =	vst.idx.msk vm15, v2  }
0x24f: {  	v33 =	vld [tilespmem:$0x100];
	_ =	sdelay $0x2  }
0x250: {  	v36 =	vld [tilespmem:$0x1FF10]  }
0x251: {  	v35 =	vimm.s32 $0x0  }
0x252: {  	v34 =	vshll.u32 v33, $0x9;
	v23 =	vshll.u32 v33, $0x7;
	v21 =	vadd.s32 $0xFFFFFFA0, v33  }
0x253: {  	v22 =	vand.u32 $0xFFFFF000, v34;
	v23 =	vand.u32 $0x380, v23;
	vm4 =	vlt.u32 v21, $0x68  }
0x254: {  	v22 =	vor.u32 v23, v22;
	v21 =	vsel vm4, $0xFFFFFFFF, v35  }
0x255: {  	[tilespmem:$0x1F880] =	vst v21;
	v21 =	vor.u32 v36, v22;
	_ =	sdelay $0x4  }
0x256: {  	[tilespmem:v21+s12+$0x0] =	vst.idx.msk vm4, v2  }
0x257: {  	v37 =	vld [tilespmem:$0x110];
	_ =	sdelay $0x2  }
0x258: {  	v28 =	vld [tilespmem:$0x1FF20];
	_ =	sdelay $0x1  }
0x259: {  	v38 =	vshll.u32 v37, $0x9;
	v24 =	vshll.u32 v37, $0x7  }
0x25a: {  	v22 =	vadd.s32 $0xFFFFFFA0, v37;
	v23 =	vand.u32 $0xFFFFF000, v38;
	v24 =	vand.u32 $0x380, v24  }
0x25b: {  	vm14 =	vlt.u32 v22, $0x68;
	v23 =	vor.u32 v24, v23  }
0x25c: {  	v22 =	vor.u32 v28, v23;
	_ =	sdelay $0x4  }
0x25d: {  	[tilespmem:v22+s12+$0x0] =	vst.idx.msk vm14, v2  }
0x25e: {  	v29 =	vld [tilespmem:$0x120];
	_ =	sdelay $0x2  }
0x25f: {  	v31 =	vld [tilespmem:$0x1FF30];
	_ =	sdelay $0x1  }
0x260: {  	v30 =	vshll.u32 v29, $0x9;
	v25 =	vshll.u32 v29, $0x7  }
0x261: {  	v23 =	vadd.s32 $0xFFFFFFA0, v29;
	v24 =	vand.u32 $0xFFFFF000, v30;
	v25 =	vand.u32 $0x380, v25  }
0x262: {  	vm13 =	vlt.u32 v23, $0x68;
	v24 =	vor.u32 v25, v24  }
0x263: {  	v23 =	vor.u32 v31, v24;
	_ =	sdelay $0x4  }
0x264: {  	[tilespmem:v23+s12+$0x0] =	vst.idx.msk vm13, v2  }
0x265: {  	v32 =	vld [tilespmem:$0x130];
	_ =	sdelay $0x2  }
0x266: {  	v34 =	vld [tilespmem:$0x1FF40];
	_ =	sdelay $0x1  }
0x267: {  	v33 =	vshll.u32 v32, $0x9;
	v26 =	vshll.u32 v32, $0x7  }
0x268: {  	v24 =	vadd.s32 $0xFFFFFFA0, v32;
	v25 =	vand.u32 $0xFFFFF000, v33;
	v26 =	vand.u32 $0x380, v26  }
0x269: {  	vm12 =	vlt.u32 v24, $0x68;
	v25 =	vor.u32 v26, v25  }
0x26a: {  	v24 =	vor.u32 v34, v25;
	_ =	sdelay $0x4  }
0x26b: {  	[tilespmem:v24+s12+$0x0] =	vst.idx.msk vm12, v2  }
0x26c: {  	v35 =	vld [tilespmem:$0x140];
	_ =	sdelay $0x2  }
0x26d: {  	v37 =	vld [tilespmem:$0x1FF50];
	_ =	sdelay $0x1  }
0x26e: {  	v36 =	vshll.u32 v35, $0x9;
	v27 =	vshll.u32 v35, $0x7  }
0x26f: {  	v25 =	vadd.s32 $0xFFFFFFA0, v35;
	v26 =	vand.u32 $0xFFFFF000, v36;
	v27 =	vand.u32 $0x380, v27  }
0x270: {  	vm11 =	vlt.u32 v25, $0x68;
	v26 =	vor.u32 v27, v26  }
0x271: {  	v25 =	vor.u32 v37, v26;
	_ =	sdelay $0x4  }
0x272: {  	[tilespmem:v25+s12+$0x0] =	vst.idx.msk vm11, v2  }
0x273: {  	v38 =	vld [tilespmem:$0x150];
	_ =	sdelay $0x2  }
0x274: {  	v33 =	vld [tilespmem:$0x1FF60];
	_ =	sdelay $0x1  }
0x275: {  	v32 =	vshll.u32 v38, $0x9;
	v28 =	vshll.u32 v38, $0x7  }
0x276: {  	v26 =	vadd.s32 $0xFFFFFFA0, v38;
	v27 =	vand.u32 $0xFFFFF000, v32;
	v28 =	vand.u32 $0x380, v28  }
0x277: {  	vm10 =	vlt.u32 v26, $0x68;
	v27 =	vor.u32 v28, v27  }
0x278: {  	v26 =	vor.u32 v33, v27;
	_ =	sdelay $0x4  }
0x279: {  	[tilespmem:v26+s12+$0x0] =	vst.idx.msk vm10, v2  }
0x27a: {  	v34 =	vld [tilespmem:$0x160];
	_ =	sdelay $0x2  }
0x27b: {  	v36 =	vld [tilespmem:$0x1FF70];
	_ =	sdelay $0x1  }
0x27c: {  	v35 =	vshll.u32 v34, $0x9;
	v29 =	vshll.u32 v34, $0x7  }
0x27d: {  	v27 =	vadd.s32 $0xFFFFFFA0, v34;
	v28 =	vand.u32 $0xFFFFF000, v35;
	v29 =	vand.u32 $0x380, v29  }
0x27e: {  	vm9 =	vlt.u32 v27, $0x68;
	v28 =	vor.u32 v29, v28  }
0x27f: {  	v27 =	vor.u32 v36, v28;
	_ =	sdelay $0x4  }
0x280: {  	[tilespmem:v27+s12+$0x0] =	vst.idx.msk vm9, v2  }
0x281: {  	v37 =	vld [tilespmem:$0x170];
	_ =	sdelay $0x2  }
0x282: {  	v33 =	vld [tilespmem:$0x1FF80];
	_ =	sdelay $0x1  }
0x283: {  	v38 =	vshll.u32 v37, $0x9;
	v30 =	vshll.u32 v37, $0x7  }
0x284: {  	v28 =	vadd.s32 $0xFFFFFFA0, v37;
	v29 =	vand.u32 $0xFFFFF000, v38;
	v30 =	vand.u32 $0x380, v30  }
0x285: {  	vm8 =	vlt.u32 v28, $0x68;
	v29 =	vor.u32 v30, v29  }
0x286: {  	v28 =	vor.u32 v33, v29;
	_ =	sdelay $0x4  }
0x287: {  	[tilespmem:v28+s12+$0x0] =	vst.idx.msk vm8, v2  }
0x288: {  	v34 =	vld [tilespmem:$0x180];
	_ =	sdelay $0x2  }
0x289: {  	v36 =	vld [tilespmem:$0x1FF90];
	_ =	sdelay $0x1  }
0x28a: {  	v35 =	vshll.u32 v34, $0x9;
	v31 =	vshll.u32 v34, $0x7  }
0x28b: {  	v29 =	vadd.s32 $0xFFFFFFA0, v34;
	v30 =	vand.u32 $0xFFFFF000, v35;
	v31 =	vand.u32 $0x380, v31  }
0x28c: {  	vm7 =	vlt.u32 v29, $0x68;
	v30 =	vor.u32 v31, v30  }
0x28d: {  	v29 =	vor.u32 v36, v30;
	_ =	sdelay $0x4  }
0x28e: {  	[tilespmem:v29+s12+$0x0] =	vst.idx.msk vm7, v2  }
0x28f: {  	v37 =	vld [tilespmem:$0x190];
	_ =	sdelay $0x2  }
0x290: {  	v36 =	vld [tilespmem:$0x1FFA0];
	_ =	sdelay $0x1  }
0x291: {  	v38 =	vshll.u32 v37, $0x9;
	v32 =	vshll.u32 v37, $0x7  }
0x292: {  	v30 =	vadd.s32 $0xFFFFFFA0, v37;
	v31 =	vand.u32 $0xFFFFF000, v38;
	v32 =	vand.u32 $0x380, v32  }
0x293: {  	vm6 =	vlt.u32 v30, $0x68;
	v31 =	vor.u32 v32, v31  }
0x294: {  	v30 =	vor.u32 v36, v31;
	_ =	sdelay $0x4  }
0x295: {  	[tilespmem:v30+s12+$0x0] =	vst.idx.msk vm6, v2  }
0x296: {  	v37 =	vld [tilespmem:$0x1A0];
	_ =	sdelay $0x2  }
0x297: {  	v36 =	vld [tilespmem:$0x1FFB0];
	_ =	sdelay $0x1  }
0x298: {  	v38 =	vshll.u32 v37, $0x9;
	v33 =	vshll.u32 v37, $0x7  }
0x299: {  	v31 =	vadd.s32 $0xFFFFFFA0, v37;
	v32 =	vand.u32 $0xFFFFF000, v38;
	v33 =	vand.u32 $0x380, v33  }
0x29a: {  	vm5 =	vlt.u32 v31, $0x68;
	v32 =	vor.u32 v33, v32  }
0x29b: {  	v31 =	vor.u32 v36, v32;
	_ =	sdelay $0x4  }
0x29c: {  	[tilespmem:v31+s12+$0x0] =	vst.idx.msk vm5, v2  }
0x29d: {  	v37 =	vld [tilespmem:$0x1B0];
	_ =	sdelay $0x2  }
0x29e: {  	v36 =	vld [tilespmem:$0x1FFC0];
	_ =	sdelay $0x1  }
0x29f: {  	v38 =	vshll.u32 v37, $0x9;
	v34 =	vshll.u32 v37, $0x7  }
0x2a0: {  	v32 =	vadd.s32 $0xFFFFFFA0, v37;
	v33 =	vand.u32 $0xFFFFF000, v38;
	v34 =	vand.u32 $0x380, v34  }
0x2a1: {  	vm4 =	vlt.u32 v32, $0x68;
	v33 =	vor.u32 v34, v33  }
0x2a2: {  	v32 =	vor.u32 v36, v33;
	_ =	sdelay $0x4  }
0x2a3: {  	[tilespmem:v32+s12+$0x0] =	vst.idx.msk vm4, v2  }
0x2a4: {  	v37 =	vld [tilespmem:$0x1C0];
	_ =	sdelay $0x2  }
0x2a5: {  	v36 =	vld [tilespmem:$0x1FFD0];
	_ =	sdelay $0x1  }
0x2a6: {  	v38 =	vshll.u32 v37, $0x9;
	v35 =	vshll.u32 v37, $0x7  }
0x2a7: {  	v33 =	vadd.s32 $0xFFFFFFA0, v37;
	v34 =	vand.u32 $0xFFFFF000, v38;
	v35 =	vand.u32 $0x380, v35  }
0x2a8: {  	vm3 =	vlt.u32 v33, $0x68;
	v34 =	vor.u32 v35, v34  }
0x2a9: {  	v33 =	vor.u32 v36, v34;
	_ =	sdelay $0x4  }
0x2aa: {  	[tilespmem:v33+s12+$0x0] =	vst.idx.msk vm3, v2  }
0x2ab: {  	v34 =	vld [tilespmem:$0x1D0];
	_ =	sdelay $0x2  }
0x2ac: {  	v37 =	vld [tilespmem:$0x1FFE0];
	_ =	sdelay $0x1  }
0x2ad: {  	v35 =	vshll.u32 v34, $0x9;
	v36 =	vshll.u32 v34, $0x7  }
0x2ae: {  	v34 =	vadd.s32 $0xFFFFFFA0, v34;
	v35 =	vand.u32 $0xFFFFF000, v35;
	v36 =	vand.u32 $0x380, v36  }
0x2af: {  	vm2 =	vlt.u32 v34, $0x68;
	v35 =	vor.u32 v36, v35  }
0x2b0: {  	v34 =	vor.u32 v37, v35;
	_ =	sdelay $0x4  }
0x2b1: {  	[tilespmem:v34+s12+$0x0] =	vst.idx.msk vm2, v2  }
0x2b2: {  	v35 =	vld [tilespmem:$0x1E0];
	_ =	sdelay $0x2  }
0x2b3: {  	v38 =	vld [tilespmem:$0x1FFF0];
	_ =	sdelay $0x1  }
0x2b4: {  	v36 =	vshll.u32 v35, $0x9;
	v37 =	vshll.u32 v35, $0x7  }
0x2b5: {  	v35 =	vadd.s32 $0xFFFFFFA0, v35;
	v36 =	vand.u32 $0xFFFFF000, v36;
	v37 =	vand.u32 $0x380, v37  }
0x2b6: {  	vm1 =	vlt.u32 v35, $0x68;
	v36 =	vor.u32 v37, v36  }
0x2b7: {  	v35 =	vor.u32 v38, v36;
	_ =	sdelay $0x4  }
0x2b8: {  	[tilespmem:v35+s12+$0x0] =	vst.idx.msk vm1, v2  }
0x2b9: {  	v36 =	vld [tilespmem:$0x1F0];
	_ =	sdelay $0x4  }
0x2ba: {  	v37 =	vshll.u32 v36, $0x9;
	v38 =	vshll.u32 v36, $0x7  }
0x2bb: {  	v36 =	vadd.s32 $0xFFFFFFA0, v36;
	v37 =	vand.u32 $0xFFFFF000, v37;
	v38 =	vand.u32 $0x380, v38  }
0x2bc: {  	vm0 =	vlt.u32 v36, $0x68;
	v37 =	vor.u32 v38, v37  }
0x2bd: {  	v36 =	vor.u32 v39, v37;
	_ =	sdelay $0x4  }
0x2be: {  	[tilespmem:v36+s12+$0x0] =	vst.idx.msk vm0, v2  }
0x2bf: {  	[hbm4b:s5+s13] =	stream.strided.scatter [tilespmem:s15], [sflag:$0x1], $0xD000, s14, s13, $0x38;
	[tilespmem:$0x19200] =	vst v63  }
0x2c0: {  	_ =	swait.ge [sflag:s11], $0xC000  }
0x2c1: {  	[sflag:s11] =	ssyncset.done $0x0  }
0x2c2: {  	[sflag:s11] =	ssyncadd.s32 $0xFFFF4000  }
0x2c3: {  	_ =	swait.ge [sflag:s11], $0xD000  }
0x2c4: {  	v38 =	vld [tilespmem:$0x1FBC0];
	_ =	sdelay $0x4  }
0x2c5: {  	vm15 =	vnez.u8 v38;
	v38 =	vld [tilespmem:$0x1FBD0];
	_ =	sdelay $0x5  }
0x2c6: {  	[sflag:s11] =	ssyncset.done $0x0  }
0x2c7: {  	[sflag:s11] =	ssyncadd.s32 $0xFFFF3000  }
0x2c8: {  	[tilespmem:v38+s12+$0x0] =	vst.idx.msk vm15, v1;
	v38 =	vld [tilespmem:$0x1FBE0];
	_ =	sdelay $0x4  }
0x2c9: {  	vm15 =	vnez.u8 v38;
	v38 =	vld [tilespmem:$0x1FBF0];
	_ =	sdelay $0x7  }
0x2ca: {  	[tilespmem:v38+s12+$0x0] =	vst.idx.msk vm15, v1;
	v38 =	vld [tilespmem:$0x1FC00];
	_ =	sdelay $0x4  }
0x2cb: {  	vm15 =	vnez.u8 v38;
	v38 =	vld [tilespmem:$0x1FC10];
	_ =	sdelay $0x7  }
0x2cc: {  	[tilespmem:v38+s12+$0x0] =	vst.idx.msk vm15, v1;
	v38 =	vld [tilespmem:$0x1FC20];
	_ =	sdelay $0x4  }
0x2cd: {  	vm15 =	vnez.u8 v38;
	v38 =	vld [tilespmem:$0x1FC30];
	_ =	sdelay $0x7  }
0x2ce: {  	[tilespmem:v38+s12+$0x0] =	vst.idx.msk vm15, v1;
	v38 =	vld [tilespmem:$0x1FC40];
	_ =	sdelay $0x4  }
0x2cf: {  	vm15 =	vnez.u8 v38;
	v38 =	vld [tilespmem:$0x1FC50];
	_ =	sdelay $0x7  }
0x2d0: {  	[tilespmem:v38+s12+$0x0] =	vst.idx.msk vm15, v1;
	v38 =	vld [tilespmem:$0x1FC60];
	_ =	sdelay $0x4  }
0x2d1: {  	vm15 =	vnez.u8 v38;
	v38 =	vld [tilespmem:$0x1FC70];
	_ =	sdelay $0x7  }
0x2d2: {  	[tilespmem:v38+s12+$0x0] =	vst.idx.msk vm15, v1;
	v38 =	vld [tilespmem:$0x1FC80];
	_ =	sdelay $0x4  }
0x2d3: {  	vm15 =	vnez.u8 v38;
	_ =	sdelay $0x5  }
0x2d4: {  	[tilespmem:v40+s12+$0x0] =	vst.idx.msk vm15, v1;
	v40 =	vld [tilespmem:$0x1FC90];
	_ =	sdelay $0x4  }
0x2d5: {  	vm15 =	vnez.u8 v40;
	_ =	sdelay $0x5  }
0x2d6: {  	[tilespmem:v41+s12+$0x0] =	vst.idx.msk vm15, v1;
	v41 =	vld [tilespmem:$0x1FCA0];
	_ =	sdelay $0x4  }
0x2d7: {  	vm15 =	vnez.u8 v41;
	_ =	sdelay $0x5  }
0x2d8: {  	[tilespmem:v42+s12+$0x0] =	vst.idx.msk vm15, v1;
	v42 =	vld [tilespmem:$0x1FCB0];
	_ =	sdelay $0x4  }
0x2d9: {  	vm15 =	vnez.u8 v42;
	_ =	sdelay $0x5  }
0x2da: {  	[tilespmem:v43+s12+$0x0] =	vst.idx.msk vm15, v1;
	v43 =	vld [tilespmem:$0x1FCC0];
	_ =	sdelay $0x4  }
0x2db: {  	vm15 =	vnez.u8 v43;
	_ =	sdelay $0x5  }
0x2dc: {  	[tilespmem:v44+s12+$0x0] =	vst.idx.msk vm15, v1;
	v44 =	vld [tilespmem:$0x1FCD0];
	_ =	sdelay $0x4  }
0x2dd: {  	vm15 =	vnez.u8 v44;
	_ =	sdelay $0x5  }
0x2de: {  	[tilespmem:v45+s12+$0x0] =	vst.idx.msk vm15, v1;
	v45 =	vld [tilespmem:$0x1FCE0];
	_ =	sdelay $0x4  }
0x2df: {  	vm15 =	vnez.u8 v45;
	_ =	sdelay $0x5  }
0x2e0: {  	[tilespmem:v46+s12+$0x0] =	vst.idx.msk vm15, v1;
	v46 =	vld [tilespmem:$0x1FCF0];
	_ =	sdelay $0x4  }
0x2e1: {  	vm15 =	vnez.u8 v46;
	_ =	sdelay $0x5  }
0x2e2: {  	[tilespmem:v47+s12+$0x0] =	vst.idx.msk vm15, v1;
	v47 =	vld [tilespmem:$0x1FD00];
	_ =	sdelay $0x4  }
0x2e3: {  	vm15 =	vnez.u8 v47;
	_ =	sdelay $0x5  }
0x2e4: {  	[tilespmem:v48+s12+$0x0] =	vst.idx.msk vm15, v1;
	v48 =	vld [tilespmem:$0x1FD10];
	_ =	sdelay $0x4  }
0x2e5: {  	vm15 =	vnez.u8 v48;
	_ =	sdelay $0x5  }
0x2e6: {  	[tilespmem:v49+s12+$0x0] =	vst.idx.msk vm15, v1;
	v49 =	vld [tilespmem:$0x1FD20];
	_ =	sdelay $0x4  }
0x2e7: {  	vm15 =	vnez.u8 v49;
	_ =	sdelay $0x5  }
0x2e8: {  	[tilespmem:v50+s12+$0x0] =	vst.idx.msk vm15, v1;
	v50 =	vld [tilespmem:$0x1FD30];
	_ =	sdelay $0x4  }
0x2e9: {  	vm15 =	vnez.u8 v50;
	_ =	sdelay $0x5  }
0x2ea: {  	[tilespmem:v51+s12+$0x0] =	vst.idx.msk vm15, v1;
	v51 =	vld [tilespmem:$0x1FD40];
	_ =	sdelay $0x4  }
0x2eb: {  	vm15 =	vnez.u8 v51;
	_ =	sdelay $0x5  }
0x2ec: {  	[tilespmem:v52+s12+$0x0] =	vst.idx.msk vm15, v1;
	v52 =	vld [tilespmem:$0x1FD50];
	_ =	sdelay $0x4  }
0x2ed: {  	vm15 =	vnez.u8 v52;
	_ =	sdelay $0x5  }
0x2ee: {  	[tilespmem:v53+s12+$0x0] =	vst.idx.msk vm15, v1;
	v53 =	vld [tilespmem:$0x1FD60];
	_ =	sdelay $0x4  }
0x2ef: {  	vm15 =	vnez.u8 v53;
	_ =	sdelay $0x5  }
0x2f0: {  	[tilespmem:v54+s12+$0x0] =	vst.idx.msk vm15, v1;
	v54 =	vld [tilespmem:$0x1FD70];
	_ =	sdelay $0x4  }
0x2f1: {  	vm15 =	vnez.u8 v54;
	_ =	sdelay $0x5  }
0x2f2: {  	[tilespmem:v55+s12+$0x0] =	vst.idx.msk vm15, v1;
	v55 =	vld [tilespmem:$0x1FD80];
	_ =	sdelay $0x4  }
0x2f3: {  	vm15 =	vnez.u8 v55;
	_ =	sdelay $0x5  }
0x2f4: {  	[tilespmem:v56+s12+$0x0] =	vst.idx.msk vm15, v1;
	v56 =	vld [tilespmem:$0x1FD90];
	_ =	sdelay $0x4  }
0x2f5: {  	vm15 =	vnez.u8 v56;
	_ =	sdelay $0x5  }
0x2f6: {  	[tilespmem:v57+s12+$0x0] =	vst.idx.msk vm15, v1;
	v57 =	vld [tilespmem:$0x1FDA0];
	_ =	sdelay $0x4  }
0x2f7: {  	vm15 =	vnez.u8 v57;
	_ =	sdelay $0x5  }
0x2f8: {  	[tilespmem:v58+s12+$0x0] =	vst.idx.msk vm15, v1;
	v58 =	vld [tilespmem:$0x1FDB0];
	_ =	sdelay $0x4  }
0x2f9: {  	vm15 =	vnez.u8 v58;
	_ =	sdelay $0x5  }
0x2fa: {  	[tilespmem:v59+s12+$0x0] =	vst.idx.msk vm15, v1;
	v59 =	vld [tilespmem:$0x1FDC0];
	_ =	sdelay $0x4  }
0x2fb: {  	vm15 =	vnez.u8 v59;
	_ =	sdelay $0x5  }
0x2fc: {  	[tilespmem:v60+s12+$0x0] =	vst.idx.msk vm15, v1;
	v60 =	vld [tilespmem:$0x1FDD0];
	_ =	sdelay $0x4  }
0x2fd: {  	vm15 =	vnez.u8 v60;
	_ =	sdelay $0x5  }
0x2fe: {  	[tilespmem:v61+s12+$0x0] =	vst.idx.msk vm15, v1;
	v61 =	vld [tilespmem:$0x1FDE0];
	_ =	sdelay $0x4  }
0x2ff: {  	vm15 =	vnez.u8 v61;
	_ =	sdelay $0x5  }
0x300: {  	[tilespmem:v62+s12+$0x0] =	vst.idx.msk vm15, v1;
	v62 =	vld [tilespmem:$0x1FDF0];
	_ =	sdelay $0x4  }
0x301: {  	vm15 =	vnez.u8 v62;
	_ =	sdelay $0x5  }
0x302: {  	[tilespmem:v63+s12+$0x0] =	vst.idx.msk vm15, v1;
	v63 =	vld [tilespmem:$0x1FE00];
	_ =	sdelay $0x4  }
0x303: {  	vm15 =	vnez.u8 v63;
	_ =	sdelay $0x5  }
0x304: {  	[tilespmem:v3+s12+$0x0] =	vst.idx.msk vm15, v1;
	v3 =	vld [tilespmem:$0x1FE10];
	_ =	sdelay $0x4  }
0x305: {  	vm15 =	vnez.u8 v3  }
0x306: {  	v3 =	vld [tilespmem:$0x1F780];
	_ =	sdelay $0x4  }
0x307: {  	[tilespmem:v4+s12+$0x0] =	vst.idx.msk vm15, v1;
	vm15 =	vnez.u8 v3  }
0x308: {  	v3 =	vld [tilespmem:$0x1F790];
	_ =	sdelay $0x4  }
0x309: {  	[tilespmem:v5+s12+$0x0] =	vst.idx.msk vm15, v1;
	vm15 =	vnez.u8 v3  }
0x30a: {  	v3 =	vld [tilespmem:$0x1F7A0];
	_ =	sdelay $0x4  }
0x30b: {  	[tilespmem:v6+s12+$0x0] =	vst.idx.msk vm15, v1;
	vm15 =	vnez.u8 v3  }
0x30c: {  	v3 =	vld [tilespmem:$0x1F7B0];
	_ =	sdelay $0x4  }
0x30d: {  	[tilespmem:v7+s12+$0x0] =	vst.idx.msk vm15, v1;
	vm15 =	vnez.u8 v3  }
0x30e: {  	v3 =	vld [tilespmem:$0x1F7C0];
	_ =	sdelay $0x4  }
0x30f: {  	[tilespmem:v8+s12+$0x0] =	vst.idx.msk vm15, v1;
	vm15 =	vnez.u8 v3  }
0x310: {  	v3 =	vld [tilespmem:$0x1F7D0];
	_ =	sdelay $0x4  }
0x311: {  	[tilespmem:v9+s12+$0x0] =	vst.idx.msk vm15, v1;
	vm15 =	vnez.u8 v3  }
0x312: {  	v3 =	vld [tilespmem:$0x1F7E0];
	_ =	sdelay $0x4  }
0x313: {  	[tilespmem:v10+s12+$0x0] =	vst.idx.msk vm15, v1;
	vm15 =	vnez.u8 v3  }
0x314: {  	v3 =	vld [tilespmem:$0x1F7F0];
	_ =	sdelay $0x4  }
0x315: {  	[tilespmem:v11+s12+$0x0] =	vst.idx.msk vm15, v1;
	vm15 =	vnez.u8 v3;
	_ =	sdelay $0x5  }
0x316: {  	[tilespmem:v12+s12+$0x0] =	vst.idx.msk vm15, v1  }
0x317: {  	v3 =	vld [tilespmem:$0x1F800];
	_ =	sdelay $0x4  }
0x318: {  	vm15 =	vnez.u8 v3  }
0x319: {  	v3 =	vld [tilespmem:$0x1F810];
	_ =	sdelay $0x4  }
0x31a: {  	[tilespmem:v13+s12+$0x0] =	vst.idx.msk vm15, v1;
	vm15 =	vnez.u8 v3  }
0x31b: {  	v3 =	vld [tilespmem:$0x1F820];
	_ =	sdelay $0x4  }
0x31c: {  	[tilespmem:v14+s12+$0x0] =	vst.idx.msk vm15, v1;
	vm15 =	vnez.u8 v3  }
0x31d: {  	v3 =	vld [tilespmem:$0x1F830];
	_ =	sdelay $0x4  }
0x31e: {  	[tilespmem:v15+s12+$0x0] =	vst.idx.msk vm15, v1;
	vm15 =	vnez.u8 v3  }
0x31f: {  	v3 =	vld [tilespmem:$0x1F840];
	_ =	sdelay $0x4  }
0x320: {  	[tilespmem:v16+s12+$0x0] =	vst.idx.msk vm15, v1;
	vm15 =	vnez.u8 v3  }
0x321: {  	v3 =	vld [tilespmem:$0x1F850];
	_ =	sdelay $0x4  }
0x322: {  	[tilespmem:v17+s12+$0x0] =	vst.idx.msk vm15, v1;
	vm15 =	vnez.u8 v3  }
0x323: {  	v3 =	vld [tilespmem:$0x1F860];
	_ =	sdelay $0x4  }
0x324: {  	[tilespmem:v18+s12+$0x0] =	vst.idx.msk vm15, v1;
	vm15 =	vnez.u8 v3  }
0x325: {  	v3 =	vld [tilespmem:$0x1F870];
	_ =	sdelay $0x4  }
0x326: {  	[tilespmem:v19+s12+$0x0] =	vst.idx.msk vm15, v1;
	vm15 =	vnez.u8 v3  }
0x327: {  	v3 =	vld [tilespmem:$0x1F880];
	_ =	sdelay $0x4  }
0x328: {  	[tilespmem:v20+s12+$0x0] =	vst.idx.msk vm15, v1;
	vm15 =	vnez.u8 v3;
	_ =	sdelay $0x5  }
0x329: {  	[tilespmem:v21+s12+$0x0] =	vst.idx.msk vm15, v1  }
0x32a: {  	[tilespmem:v22+s12+$0x0] =	vst.idx.msk vm14, v1  }
0x32b: {  	[tilespmem:v23+s12+$0x0] =	vst.idx.msk vm13, v1  }
0x32c: {  	[tilespmem:v24+s12+$0x0] =	vst.idx.msk vm12, v1  }
0x32d: {  	[tilespmem:v25+s12+$0x0] =	vst.idx.msk vm11, v1  }
0x32e: {  	[tilespmem:v26+s12+$0x0] =	vst.idx.msk vm10, v1  }
0x32f: {  	[tilespmem:v27+s12+$0x0] =	vst.idx.msk vm9, v1  }
0x330: {  	[tilespmem:v28+s12+$0x0] =	vst.idx.msk vm8, v1  }
0x331: {  	[tilespmem:v29+s12+$0x0] =	vst.idx.msk vm7, v1  }
0x332: {  	[tilespmem:v30+s12+$0x0] =	vst.idx.msk vm6, v1  }
0x333: {  	[tilespmem:v31+s12+$0x0] =	vst.idx.msk vm5, v1  }
0x334: {  	[tilespmem:v32+s12+$0x0] =	vst.idx.msk vm4, v1  }
0x335: {  	[tilespmem:v33+s12+$0x0] =	vst.idx.msk vm3, v1  }
0x336: {  	[tilespmem:v34+s12+$0x0] =	vst.idx.msk vm2, v1  }
0x337: {  	[tilespmem:v35+s12+$0x0] =	vst.idx.msk vm1, v1  }
0x338: {  	[tilespmem:v36+s12+$0x0] =	vst.idx.msk vm0, v1  }
0x339: {  	v3 =	vld [tilespmem:$0x0];
	_ =	sdelay $0x4  }
0x33a: {  	v15 =	vshll.u32 v3, $0x9;
	v16 =	vshll.u32 v3, $0x7;
	v3 =	vadd.s32 $0xFFFFFF38, v3  }
0x33b: {  	vm5 =	vlt.u32 v3, $0xC8;
	v3 =	vimm.s32 $0x0  }
0x33c: {  	v4 =	vand.u32 $0xFFFFF000, v15;
	v5 =	vand.u32 $0x380, v16;
	v3 =	vsel vm5, $0xFFFFFFFF, v3  }
0x33d: {  	v17 =	vor.u32 $0xFFFE7000, v0;
	[tilespmem:$0x1F890] =	vst v3;
	v3 =	vor.u32 v5, v4  }
0x33e: {  	v3 =	vadd.s32 v17, v3;
	_ =	sdelay $0x4  }
0x33f: {  	[tilespmem:v3+s12+$0x0] =	vst.idx.msk vm5, v2  }
0x340: {  	v18 =	vld [tilespmem:$0x10];
	_ =	sdelay $0x3  }
0x341: {  	v21 =	vimm.s32 $0x0  }
0x342: {  	v19 =	vshll.u32 v18, $0x9;
	v20 =	vshll.u32 v18, $0x7;
	v4 =	vadd.s32 $0xFFFFFF38, v18  }
0x343: {  	v5 =	vand.u32 $0xFFFFF000, v19;
	v6 =	vand.u32 $0x380, v20;
	vm6 =	vlt.u32 v4, $0xC8  }
0x344: {  	v23 =	vor.u32 $0xFFFE7010, v0;
	v4 =	vsel vm6, $0xFFFFFFFF, v21;
	v22 =	vor.u32 v6, v5  }
0x345: {  	[tilespmem:$0x1F8A0] =	vst v4;
	v4 =	vadd.s32 v23, v22;
	_ =	sdelay $0x4  }
0x346: {  	[tilespmem:v4+s12+$0x0] =	vst.idx.msk vm6, v2  }
0x347: {  	v24 =	vld [tilespmem:$0x20];
	_ =	sdelay $0x3  }
0x348: {  	v27 =	vimm.s32 $0x0  }
0x349: {  	v25 =	vshll.u32 v24, $0x9;
	v26 =	vshll.u32 v24, $0x7;
	v5 =	vadd.s32 $0xFFFFFF38, v24  }
0x34a: {  	v6 =	vand.u32 $0xFFFFF000, v25;
	v7 =	vand.u32 $0x380, v26;
	vm7 =	vlt.u32 v5, $0xC8  }
0x34b: {  	v29 =	vor.u32 $0xFFFE7020, v0;
	v5 =	vsel vm7, $0xFFFFFFFF, v27;
	v28 =	vor.u32 v7, v6  }
0x34c: {  	[tilespmem:$0x1F8B0] =	vst v5;
	v5 =	vadd.s32 v29, v28;
	_ =	sdelay $0x4  }
0x34d: {  	[tilespmem:v5+s12+$0x0] =	vst.idx.msk vm7, v2  }
0x34e: {  	v30 =	vld [tilespmem:$0x30];
	_ =	sdelay $0x3  }
0x34f: {  	v33 =	vimm.s32 $0x0  }
0x350: {  	v31 =	vshll.u32 v30, $0x9;
	v32 =	vshll.u32 v30, $0x7;
	v6 =	vadd.s32 $0xFFFFFF38, v30  }
0x351: {  	v7 =	vand.u32 $0xFFFFF000, v31;
	v8 =	vand.u32 $0x380, v32;
	vm8 =	vlt.u32 v6, $0xC8  }
0x352: {  	v35 =	vor.u32 $0xFFFE7030, v0;
	v6 =	vsel vm8, $0xFFFFFFFF, v33;
	v34 =	vor.u32 v8, v7  }
0x353: {  	[tilespmem:$0x1F8C0] =	vst v6;
	v6 =	vadd.s32 v35, v34;
	_ =	sdelay $0x4  }
0x354: {  	[tilespmem:v6+s12+$0x0] =	vst.idx.msk vm8, v2  }
0x355: {  	v36 =	vld [tilespmem:$0x40];
	_ =	sdelay $0x3  }
0x356: {  	v40 =	vimm.s32 $0x0  }
0x357: {  	v37 =	vmovc v39;
	v38 =	vshll.u32 v36, $0x9;
	v39 =	vshll.u32 v36, $0x7;
	v7 =	vadd.s32 $0xFFFFFF38, v36  }
0x358: {  	v8 =	vand.u32 $0xFFFFF000, v38;
	v9 =	vand.u32 $0x380, v39;
	vm9 =	vlt.u32 v7, $0xC8  }
0x359: {  	v42 =	vor.u32 $0xFFFE7040, v0;
	v7 =	vsel vm9, $0xFFFFFFFF, v40;
	v41 =	vor.u32 v9, v8  }
0x35a: {  	[tilespmem:$0x1F8D0] =	vst v7;
	v7 =	vadd.s32 v42, v41;
	_ =	sdelay $0x4  }
0x35b: {  	[tilespmem:v7+s12+$0x0] =	vst.idx.msk vm9, v2  }
0x35c: {  	v43 =	vld [tilespmem:$0x50];
	_ =	sdelay $0x3  }
0x35d: {  	v46 =	vimm.s32 $0x0  }
0x35e: {  	v44 =	vshll.u32 v43, $0x9;
	v45 =	vshll.u32 v43, $0x7;
	v8 =	vadd.s32 $0xFFFFFF38, v43  }
0x35f: {  	v9 =	vand.u32 $0xFFFFF000, v44;
	v10 =	vand.u32 $0x380, v45;
	vm10 =	vlt.u32 v8, $0xC8  }
0x360: {  	v48 =	vor.u32 $0xFFFE7050, v0;
	v8 =	vsel vm10, $0xFFFFFFFF, v46;
	v47 =	vor.u32 v10, v9  }
0x361: {  	[tilespmem:$0x1F8E0] =	vst v8;
	v8 =	vadd.s32 v48, v47;
	_ =	sdelay $0x4  }
0x362: {  	[tilespmem:v8+s12+$0x0] =	vst.idx.msk vm10, v2  }
0x363: {  	v49 =	vld [tilespmem:$0x60];
	_ =	sdelay $0x3  }
0x364: {  	v52 =	vimm.s32 $0x0  }
0x365: {  	v50 =	vshll.u32 v49, $0x9;
	v51 =	vshll.u32 v49, $0x7;
	v9 =	vadd.s32 $0xFFFFFF38, v49  }
0x366: {  	v10 =	vand.u32 $0xFFFFF000, v50;
	v11 =	vand.u32 $0x380, v51;
	vm11 =	vlt.u32 v9, $0xC8  }
0x367: {  	v54 =	vor.u32 $0xFFFE7060, v0;
	v9 =	vsel vm11, $0xFFFFFFFF, v52;
	v53 =	vor.u32 v11, v10  }
0x368: {  	[tilespmem:$0x1F8F0] =	vst v9;
	v9 =	vadd.s32 v54, v53;
	_ =	sdelay $0x4  }
0x369: {  	[tilespmem:v9+s12+$0x0] =	vst.idx.msk vm11, v2  }
0x36a: {  	v55 =	vld [tilespmem:$0x70];
	_ =	sdelay $0x3  }
0x36b: {  	v58 =	vimm.s32 $0x0  }
0x36c: {  	v56 =	vshll.u32 v55, $0x9;
	v57 =	vshll.u32 v55, $0x7;
	v10 =	vadd.s32 $0xFFFFFF38, v55  }
0x36d: {  	v11 =	vand.u32 $0xFFFFF000, v56;
	v12 =	vand.u32 $0x380, v57;
	vm12 =	vlt.u32 v10, $0xC8  }
0x36e: {  	v60 =	vor.u32 $0xFFFE7070, v0;
	v10 =	vsel vm12, $0xFFFFFFFF, v58;
	v59 =	vor.u32 v12, v11  }
0x36f: {  	[tilespmem:$0x1F900] =	vst v10;
	v10 =	vadd.s32 v60, v59;
	_ =	sdelay $0x4  }
0x370: {  	[tilespmem:v10+s12+$0x0] =	vst.idx.msk vm12, v2  }
0x371: {  	v61 =	vld [tilespmem:$0x80];
	_ =	sdelay $0x3  }
0x372: {  	v16 =	vimm.s32 $0x0  }
0x373: {  	v62 =	vshll.u32 v61, $0x9;
	v63 =	vshll.u32 v61, $0x7;
	v11 =	vadd.s32 $0xFFFFFF38, v61  }
0x374: {  	v12 =	vand.u32 $0xFFFFF000, v62;
	v13 =	vand.u32 $0x380, v63;
	vm13 =	vlt.u32 v11, $0xC8  }
0x375: {  	v18 =	vor.u32 $0xFFFE7400, v0;
	v11 =	vsel vm13, $0xFFFFFFFF, v16;
	v17 =	vor.u32 v13, v12  }
0x376: {  	[tilespmem:$0x1F910] =	vst v11;
	v11 =	vadd.s32 v18, v17;
	_ =	sdelay $0x4  }
0x377: {  	[tilespmem:v11+s12+$0x0] =	vst.idx.msk vm13, v2  }
0x378: {  	v19 =	vld [tilespmem:$0x90];
	_ =	sdelay $0x3  }
0x379: {  	v22 =	vimm.s32 $0x0  }
0x37a: {  	v20 =	vshll.u32 v19, $0x9;
	v21 =	vshll.u32 v19, $0x7;
	v12 =	vadd.s32 $0xFFFFFF38, v19  }
0x37b: {  	v13 =	vand.u32 $0xFFFFF000, v20;
	v14 =	vand.u32 $0x380, v21;
	vm14 =	vlt.u32 v12, $0xC8  }
0x37c: {  	v24 =	vor.u32 $0xFFFE7410, v0;
	v12 =	vsel vm14, $0xFFFFFFFF, v22;
	v23 =	vor.u32 v14, v13  }
0x37d: {  	[tilespmem:$0x1F920] =	vst v12;
	v12 =	vadd.s32 v24, v23;
	_ =	sdelay $0x4  }
0x37e: {  	[tilespmem:v12+s12+$0x0] =	vst.idx.msk vm14, v2  }
0x37f: {  	v25 =	vld [tilespmem:$0xA0];
	_ =	sdelay $0x3  }
0x380: {  	v28 =	vimm.s32 $0x0  }
0x381: {  	v26 =	vshll.u32 v25, $0x9;
	v27 =	vshll.u32 v25, $0x7;
	v13 =	vadd.s32 $0xFFFFFF38, v25  }
0x382: {  	v14 =	vand.u32 $0xFFFFF000, v26;
	v15 =	vand.u32 $0x380, v27;
	vm15 =	vlt.u32 v13, $0xC8  }
0x383: {  	v30 =	vor.u32 $0xFFFE7420, v0;
	v13 =	vsel vm15, $0xFFFFFFFF, v28;
	v29 =	vor.u32 v15, v14  }
0x384: {  	[tilespmem:$0x1F930] =	vst v13;
	v13 =	vadd.s32 v30, v29;
	_ =	sdelay $0x4  }
0x385: {  	[tilespmem:v13+s12+$0x0] =	vst.idx.msk vm15, v2  }
0x386: {  	v31 =	vld [tilespmem:$0xB0];
	_ =	sdelay $0x3  }
0x387: {  	v34 =	vimm.s32 $0x0  }
0x388: {  	v32 =	vshll.u32 v31, $0x9;
	v33 =	vshll.u32 v31, $0x7;
	v14 =	vadd.s32 $0xFFFFFF38, v31  }
0x389: {  	v15 =	vand.u32 $0xFFFFF000, v32;
	v16 =	vand.u32 $0x380, v33;
	vm4 =	vlt.u32 v14, $0xC8  }
0x38a: {  	v36 =	vor.u32 $0xFFFE7430, v0;
	v14 =	vsel vm4, $0xFFFFFFFF, v34;
	v35 =	vor.u32 v16, v15  }
0x38b: {  	[tilespmem:$0x1F940] =	vst v14;
	v14 =	vadd.s32 v36, v35;
	_ =	sdelay $0x4  }
0x38c: {  	[tilespmem:v14+s12+$0x0] =	vst.idx.msk vm4, v2  }
0x38d: {  	v38 =	vld [tilespmem:$0xC0];
	_ =	sdelay $0x3  }
0x38e: {  	v41 =	vimm.s32 $0x0  }
0x38f: {  	v39 =	vshll.u32 v38, $0x9;
	v40 =	vshll.u32 v38, $0x7;
	v15 =	vadd.s32 $0xFFFFFF38, v38  }
0x390: {  	v16 =	vand.u32 $0xFFFFF000, v39;
	v17 =	vand.u32 $0x380, v40;
	vm5 =	vlt.u32 v15, $0xC8  }
0x391: {  	v43 =	vor.u32 $0xFFFE7440, v0;
	v15 =	vsel vm5, $0xFFFFFFFF, v41;
	v42 =	vor.u32 v17, v16  }
0x392: {  	[tilespmem:$0x1F950] =	vst v15;
	v15 =	vadd.s32 v43, v42;
	_ =	sdelay $0x4  }
0x393: {  	[tilespmem:v15+s12+$0x0] =	vst.idx.msk vm5, v2  }
0x394: {  	v44 =	vld [tilespmem:$0xD0];
	_ =	sdelay $0x3  }
0x395: {  	v47 =	vimm.s32 $0x0  }
0x396: {  	v45 =	vshll.u32 v44, $0x9;
	v46 =	vshll.u32 v44, $0x7;
	v16 =	vadd.s32 $0xFFFFFF38, v44  }
0x397: {  	v17 =	vand.u32 $0xFFFFF000, v45;
	v18 =	vand.u32 $0x380, v46;
	vm6 =	vlt.u32 v16, $0xC8  }
0x398: {  	v49 =	vor.u32 $0xFFFE7450, v0;
	v16 =	vsel vm6, $0xFFFFFFFF, v47;
	v48 =	vor.u32 v18, v17  }
0x399: {  	[tilespmem:$0x1F960] =	vst v16;
	v16 =	vadd.s32 v49, v48;
	_ =	sdelay $0x4  }
0x39a: {  	[tilespmem:v16+s12+$0x0] =	vst.idx.msk vm6, v2  }
0x39b: {  	v50 =	vld [tilespmem:$0xE0];
	_ =	sdelay $0x3  }
0x39c: {  	v53 =	vimm.s32 $0x0  }
0x39d: {  	v51 =	vshll.u32 v50, $0x9;
	v52 =	vshll.u32 v50, $0x7;
	v17 =	vadd.s32 $0xFFFFFF38, v50  }
0x39e: {  	v18 =	vand.u32 $0xFFFFF000, v51;
	v19 =	vand.u32 $0x380, v52;
	vm7 =	vlt.u32 v17, $0xC8  }
0x39f: {  	v55 =	vor.u32 $0xFFFE7460, v0;
	v17 =	vsel vm7, $0xFFFFFFFF, v53;
	v54 =	vor.u32 v19, v18  }
0x3a0: {  	[tilespmem:$0x1F970] =	vst v17;
	v17 =	vadd.s32 v55, v54;
	_ =	sdelay $0x4  }
0x3a1: {  	[tilespmem:v17+s12+$0x0] =	vst.idx.msk vm7, v2  }
0x3a2: {  	v56 =	vld [tilespmem:$0xF0];
	_ =	sdelay $0x3  }
0x3a3: {  	v59 =	vimm.s32 $0x0  }
0x3a4: {  	v57 =	vshll.u32 v56, $0x9;
	v58 =	vshll.u32 v56, $0x7;
	v18 =	vadd.s32 $0xFFFFFF38, v56  }
0x3a5: {  	v19 =	vand.u32 $0xFFFFF000, v57;
	v20 =	vand.u32 $0x380, v58;
	vm8 =	vlt.u32 v18, $0xC8  }
0x3a6: {  	v61 =	vor.u32 $0xFFFE7470, v0;
	v18 =	vsel vm8, $0xFFFFFFFF, v59;
	v60 =	vor.u32 v20, v19  }
0x3a7: {  	[tilespmem:$0x1F980] =	vst v18;
	v18 =	vadd.s32 v61, v60;
	_ =	sdelay $0x4  }
0x3a8: {  	[tilespmem:v18+s12+$0x0] =	vst.idx.msk vm8, v2  }
0x3a9: {  	v62 =	vld [tilespmem:$0x100];
	_ =	sdelay $0x3  }
0x3aa: {  	v26 =	vimm.s32 $0x0  }
0x3ab: {  	v63 =	vshll.u32 v62, $0x9;
	v24 =	vshll.u32 v62, $0x7;
	v19 =	vadd.s32 $0xFFFFFF38, v62  }
0x3ac: {  	v20 =	vand.u32 $0xFFFFF000, v63;
	v21 =	vand.u32 $0x380, v24;
	vm9 =	vlt.u32 v19, $0xC8  }
0x3ad: {  	v25 =	vor.u32 $0xFFFE7800, v0;
	v20 =	vor.u32 v21, v20;
	v19 =	vsel vm9, $0xFFFFFFFF, v26  }
0x3ae: {  	[tilespmem:$0x1F990] =	vst v19;
	v19 =	vadd.s32 v25, v20;
	_ =	sdelay $0x4  }
0x3af: {  	[tilespmem:v19+s12+$0x0] =	vst.idx.msk vm9, v2  }
0x3b0: {  	v27 =	vld [tilespmem:$0x110];
	_ =	sdelay $0x4  }
0x3b1: {  	v28 =	vshll.u32 v27, $0x9;
	v29 =	vshll.u32 v27, $0x7  }
0x3b2: {  	v20 =	vadd.s32 $0xFFFFFF38, v27;
	v21 =	vand.u32 $0xFFFFF000, v28;
	v22 =	vand.u32 $0x380, v29  }
0x3b3: {  	v30 =	vor.u32 $0xFFFE7810, v0;
	vm14 =	vlt.u32 v20, $0xC8;
	v21 =	vor.u32 v22, v21  }
0x3b4: {  	v20 =	vadd.s32 v30, v21;
	_ =	sdelay $0x4  }
0x3b5: {  	[tilespmem:v20+s12+$0x0] =	vst.idx.msk vm14, v2  }
0x3b6: {  	v31 =	vld [tilespmem:$0x120];
	_ =	sdelay $0x4  }
0x3b7: {  	v32 =	vshll.u32 v31, $0x9;
	v33 =	vshll.u32 v31, $0x7  }
0x3b8: {  	v21 =	vadd.s32 $0xFFFFFF38, v31;
	v22 =	vand.u32 $0xFFFFF000, v32;
	v23 =	vand.u32 $0x380, v33  }
0x3b9: {  	v34 =	vor.u32 $0xFFFE7820, v0;
	vm13 =	vlt.u32 v21, $0xC8;
	v22 =	vor.u32 v23, v22  }
0x3ba: {  	v21 =	vadd.s32 v34, v22;
	_ =	sdelay $0x4  }
0x3bb: {  	[tilespmem:v21+s12+$0x0] =	vst.idx.msk vm13, v2  }
0x3bc: {  	v35 =	vld [tilespmem:$0x130];
	_ =	sdelay $0x4  }
0x3bd: {  	v36 =	vshll.u32 v35, $0x9;
	v38 =	vshll.u32 v35, $0x7  }
0x3be: {  	v22 =	vadd.s32 $0xFFFFFF38, v35;
	v23 =	vand.u32 $0xFFFFF000, v36;
	v24 =	vand.u32 $0x380, v38  }
0x3bf: {  	v39 =	vor.u32 $0xFFFE7830, v0;
	vm12 =	vlt.u32 v22, $0xC8;
	v23 =	vor.u32 v24, v23  }
0x3c0: {  	v22 =	vadd.s32 v39, v23;
	_ =	sdelay $0x4  }
0x3c1: {  	[tilespmem:v22+s12+$0x0] =	vst.idx.msk vm12, v2  }
0x3c2: {  	v40 =	vld [tilespmem:$0x140];
	_ =	sdelay $0x4  }
0x3c3: {  	v41 =	vshll.u32 v40, $0x9;
	v42 =	vshll.u32 v40, $0x7  }
0x3c4: {  	v23 =	vadd.s32 $0xFFFFFF38, v40;
	v24 =	vand.u32 $0xFFFFF000, v41;
	v25 =	vand.u32 $0x380, v42  }
0x3c5: {  	v43 =	vor.u32 $0xFFFE7840, v0;
	vm11 =	vlt.u32 v23, $0xC8;
	v24 =	vor.u32 v25, v24  }
0x3c6: {  	v23 =	vadd.s32 v43, v24;
	_ =	sdelay $0x4  }
0x3c7: {  	[tilespmem:v23+s12+$0x0] =	vst.idx.msk vm11, v2  }
0x3c8: {  	v44 =	vld [tilespmem:$0x150];
	_ =	sdelay $0x4  }
0x3c9: {  	v45 =	vshll.u32 v44, $0x9;
	v46 =	vshll.u32 v44, $0x7  }
0x3ca: {  	v24 =	vadd.s32 $0xFFFFFF38, v44;
	v25 =	vand.u32 $0xFFFFF000, v45;
	v26 =	vand.u32 $0x380, v46  }
0x3cb: {  	v47 =	vor.u32 $0xFFFE7850, v0;
	vm10 =	vlt.u32 v24, $0xC8;
	v25 =	vor.u32 v26, v25  }
0x3cc: {  	v24 =	vadd.s32 v47, v25;
	_ =	sdelay $0x4  }
0x3cd: {  	[tilespmem:v24+s12+$0x0] =	vst.idx.msk vm10, v2  }
0x3ce: {  	v48 =	vld [tilespmem:$0x160];
	_ =	sdelay $0x4  }
0x3cf: {  	v49 =	vshll.u32 v48, $0x9;
	v50 =	vshll.u32 v48, $0x7  }
0x3d0: {  	v25 =	vadd.s32 $0xFFFFFF38, v48;
	v26 =	vand.u32 $0xFFFFF000, v49;
	v27 =	vand.u32 $0x380, v50  }
0x3d1: {  	v51 =	vor.u32 $0xFFFE7860, v0;
	vm9 =	vlt.u32 v25, $0xC8;
	v26 =	vor.u32 v27, v26  }
0x3d2: {  	v25 =	vadd.s32 v51, v26;
	_ =	sdelay $0x4  }
0x3d3: {  	[tilespmem:v25+s12+$0x0] =	vst.idx.msk vm9, v2  }
0x3d4: {  	v52 =	vld [tilespmem:$0x170];
	_ =	sdelay $0x4  }
0x3d5: {  	v53 =	vshll.u32 v52, $0x9;
	v54 =	vshll.u32 v52, $0x7  }
0x3d6: {  	v26 =	vadd.s32 $0xFFFFFF38, v52;
	v27 =	vand.u32 $0xFFFFF000, v53;
	v28 =	vand.u32 $0x380, v54  }
0x3d7: {  	v55 =	vor.u32 $0xFFFE7870, v0;
	vm8 =	vlt.u32 v26, $0xC8;
	v27 =	vor.u32 v28, v27  }
0x3d8: {  	v26 =	vadd.s32 v55, v27;
	_ =	sdelay $0x4  }
0x3d9: {  	[tilespmem:v26+s12+$0x0] =	vst.idx.msk vm8, v2  }
0x3da: {  	v56 =	vld [tilespmem:$0x180];
	_ =	sdelay $0x4  }
0x3db: {  	v57 =	vshll.u32 v56, $0x9;
	v58 =	vshll.u32 v56, $0x7  }
0x3dc: {  	v27 =	vadd.s32 $0xFFFFFF38, v56;
	v28 =	vand.u32 $0xFFFFF000, v57;
	v29 =	vand.u32 $0x380, v58  }
0x3dd: {  	v59 =	vor.u32 $0xFFFE7C00, v0;
	vm7 =	vlt.u32 v27, $0xC8;
	v28 =	vor.u32 v29, v28  }
0x3de: {  	v27 =	vadd.s32 v59, v28;
	_ =	sdelay $0x4  }
0x3df: {  	[tilespmem:v27+s12+$0x0] =	vst.idx.msk vm7, v2  }
0x3e0: {  	v60 =	vld [tilespmem:$0x190];
	_ =	sdelay $0x4  }
0x3e1: {  	v61 =	vshll.u32 v60, $0x9;
	v62 =	vshll.u32 v60, $0x7  }
0x3e2: {  	v28 =	vadd.s32 $0xFFFFFF38, v60;
	v29 =	vand.u32 $0xFFFFF000, v61;
	v30 =	vand.u32 $0x380, v62  }
0x3e3: {  	v63 =	vor.u32 $0xFFFE7C10, v0;
	vm6 =	vlt.u32 v28, $0xC8;
	v29 =	vor.u32 v30, v29  }
0x3e4: {  	v28 =	vadd.s32 v63, v29;
	_ =	sdelay $0x4  }
0x3e5: {  	[tilespmem:v28+s12+$0x0] =	vst.idx.msk vm6, v2  }
0x3e6: {  	v33 =	vld [tilespmem:$0x1A0];
	_ =	sdelay $0x4  }
0x3e7: {  	v34 =	vshll.u32 v33, $0x9;
	v35 =	vshll.u32 v33, $0x7  }
0x3e8: {  	v29 =	vadd.s32 $0xFFFFFF38, v33;
	v30 =	vand.u32 $0xFFFFF000, v34;
	v31 =	vand.u32 $0x380, v35  }
0x3e9: {  	v36 =	vor.u32 $0xFFFE7C20, v0;
	vm5 =	vlt.u32 v29, $0xC8;
	v30 =	vor.u32 v31, v30  }
0x3ea: {  	v29 =	vadd.s32 v36, v30;
	_ =	sdelay $0x4  }
0x3eb: {  	[tilespmem:v29+s12+$0x0] =	vst.idx.msk vm5, v2  }
0x3ec: {  	v38 =	vld [tilespmem:$0x1B0];
	_ =	sdelay $0x4  }
0x3ed: {  	v39 =	vshll.u32 v38, $0x9;
	v40 =	vshll.u32 v38, $0x7  }
0x3ee: {  	v30 =	vadd.s32 $0xFFFFFF38, v38;
	v31 =	vand.u32 $0xFFFFF000, v39;
	v32 =	vand.u32 $0x380, v40  }
0x3ef: {  	v41 =	vor.u32 $0xFFFE7C30, v0;
	vm4 =	vlt.u32 v30, $0xC8;
	v31 =	vor.u32 v32, v31  }
0x3f0: {  	v42 =	vadd.s32 v41, v31;
	_ =	sdelay $0x4  }
0x3f1: {  	[tilespmem:v42+s12+$0x0] =	vst.idx.msk vm4, v2  }
0x3f2: {  	v43 =	vld [tilespmem:$0x1C0];
	_ =	sdelay $0x4  }
0x3f3: {  	v44 =	vshll.u32 v43, $0x9;
	v45 =	vshll.u32 v43, $0x7  }
0x3f4: {  	v31 =	vadd.s32 $0xFFFFFF38, v43;
	v32 =	vand.u32 $0xFFFFF000, v44;
	v33 =	vand.u32 $0x380, v45  }
0x3f5: {  	v46 =	vor.u32 $0xFFFE7C40, v0;
	vm3 =	vlt.u32 v31, $0xC8;
	v32 =	vor.u32 v33, v32  }
0x3f6: {  	v47 =	vadd.s32 v46, v32;
	_ =	sdelay $0x4  }
0x3f7: {  	[tilespmem:v47+s12+$0x0] =	vst.idx.msk vm3, v2  }
0x3f8: {  	v48 =	vld [tilespmem:$0x1D0];
	_ =	sdelay $0x4  }
0x3f9: {  	v49 =	vshll.u32 v48, $0x9;
	v50 =	vshll.u32 v48, $0x7  }
0x3fa: {  	v32 =	vadd.s32 $0xFFFFFF38, v48;
	v33 =	vand.u32 $0xFFFFF000, v49;
	v34 =	vand.u32 $0x380, v50  }
0x3fb: {  	v51 =	vor.u32 $0xFFFE7C50, v0;
	vm2 =	vlt.u32 v32, $0xC8;
	v33 =	vor.u32 v34, v33  }
0x3fc: {  	v52 =	vadd.s32 v51, v33;
	_ =	sdelay $0x4  }
0x3fd: {  	[tilespmem:v52+s12+$0x0] =	vst.idx.msk vm2, v2  }
0x3fe: {  	v53 =	vld [tilespmem:$0x1E0];
	_ =	sdelay $0x4  }
0x3ff: {  	v54 =	vshll.u32 v53, $0x9;
	v55 =	vshll.u32 v53, $0x7  }
0x400: {  	v33 =	vadd.s32 $0xFFFFFF38, v53;
	v34 =	vand.u32 $0xFFFFF000, v54;
	v35 =	vand.u32 $0x380, v55  }
0x401: {  	v56 =	vor.u32 $0xFFFE7C60, v0;
	vm1 =	vlt.u32 v33, $0xC8;
	v34 =	vor.u32 v35, v34  }
0x402: {  	v57 =	vadd.s32 v56, v34;
	_ =	sdelay $0x4  }
0x403: {  	[tilespmem:v57+s12+$0x0] =	vst.idx.msk vm1, v2  }
0x404: {  	v58 =	vld [tilespmem:$0x1F0];
	_ =	sdelay $0x4  }
0x405: {  	v59 =	vshll.u32 v58, $0x9;
	v60 =	vshll.u32 v58, $0x7  }
0x406: {  	v34 =	vadd.s32 $0xFFFFFF38, v58;
	v35 =	vand.u32 $0xFFFFF000, v59;
	v36 =	vand.u32 $0x380, v60  }
0x407: {  	v61 =	vor.u32 $0xFFFE7C70, v0;
	vm0 =	vlt.u32 v34, $0xC8;
	v35 =	vor.u32 v36, v35  }
0x408: {  	v62 =	vadd.s32 v61, v35;
	_ =	sdelay $0x4  }
0x409: {  	[tilespmem:v62+s12+$0x0] =	vst.idx.msk vm0, v2  }
0x40a: {  	[hbm4b:s6+s13] =	stream.strided.scatter [tilespmem:s12], [sflag:$0x2], $0x19000, s14, s13, $0x38;
	[tilespmem:$0x19200] =	vst v63  }
0x40b: {  	_ =	swait.ge [sflag:s16], $0x19000  }
0x40c: {  	v63 =	vld [tilespmem:$0x1F890];
	_ =	sdelay $0x4  }
0x40d: {  	vm15 =	vnez.u8 v63;
	_ =	sdelay $0x3  }
0x40e: {  	[sflag:s16] =	ssyncset.done $0x0  }
0x40f: {  	[sflag:s16] =	ssyncadd.s32 $0xFFFE7000  }
0x410: {  	[tilespmem:v3+s12+$0x0] =	vst.idx.msk vm15, v1;
	v3 =	vld [tilespmem:$0x1F8A0];
	_ =	sdelay $0x4  }
0x411: {  	vm15 =	vnez.u8 v3  }
0x412: {  	v3 =	vld [tilespmem:$0x1F8B0];
	_ =	sdelay $0x4  }
0x413: {  	[tilespmem:v4+s12+$0x0] =	vst.idx.msk vm15, v1;
	vm15 =	vnez.u8 v3  }
0x414: {  	v3 =	vld [tilespmem:$0x1F8C0];
	_ =	sdelay $0x4  }
0x415: {  	[tilespmem:v5+s12+$0x0] =	vst.idx.msk vm15, v1;
	vm15 =	vnez.u8 v3  }
0x416: {  	v3 =	vld [tilespmem:$0x1F8D0];
	_ =	sdelay $0x4  }
0x417: {  	[tilespmem:v6+s12+$0x0] =	vst.idx.msk vm15, v1;
	vm15 =	vnez.u8 v3  }
0x418: {  	v3 =	vld [tilespmem:$0x1F8E0];
	_ =	sdelay $0x4  }
0x419: {  	[tilespmem:v7+s12+$0x0] =	vst.idx.msk vm15, v1;
	vm15 =	vnez.u8 v3  }
0x41a: {  	v3 =	vld [tilespmem:$0x1F8F0];
	_ =	sdelay $0x4  }
0x41b: {  	[tilespmem:v8+s12+$0x0] =	vst.idx.msk vm15, v1;
	vm15 =	vnez.u8 v3  }
0x41c: {  	v3 =	vld [tilespmem:$0x1F900];
	_ =	sdelay $0x4  }
0x41d: {  	[tilespmem:v9+s12+$0x0] =	vst.idx.msk vm15, v1;
	vm15 =	vnez.u8 v3  }
0x41e: {  	v3 =	vld [tilespmem:$0x1F910];
	_ =	sdelay $0x4  }
0x41f: {  	[tilespmem:v10+s12+$0x0] =	vst.idx.msk vm15, v1;
	vm15 =	vnez.u8 v3  }
0x420: {  	v3 =	vld [tilespmem:$0x1F920];
	_ =	sdelay $0x4  }
0x421: {  	[tilespmem:v11+s12+$0x0] =	vst.idx.msk vm15, v1;
	vm15 =	vnez.u8 v3  }
0x422: {  	v3 =	vld [tilespmem:$0x1F930];
	_ =	sdelay $0x4  }
0x423: {  	[tilespmem:v12+s12+$0x0] =	vst.idx.msk vm15, v1;
	vm15 =	vnez.u8 v3  }
0x424: {  	v3 =	vld [tilespmem:$0x1F940];
	_ =	sdelay $0x4  }
0x425: {  	[tilespmem:v13+s12+$0x0] =	vst.idx.msk vm15, v1;
	vm15 =	vnez.u8 v3  }
0x426: {  	v3 =	vld [tilespmem:$0x1F950];
	_ =	sdelay $0x4  }
0x427: {  	[tilespmem:v14+s12+$0x0] =	vst.idx.msk vm15, v1;
	vm15 =	vnez.u8 v3  }
0x428: {  	v3 =	vld [tilespmem:$0x1F960];
	_ =	sdelay $0x4  }
0x429: {  	[tilespmem:v15+s12+$0x0] =	vst.idx.msk vm15, v1;
	vm15 =	vnez.u8 v3  }
0x42a: {  	v3 =	vld [tilespmem:$0x1F970];
	_ =	sdelay $0x4  }
0x42b: {  	[tilespmem:v16+s12+$0x0] =	vst.idx.msk vm15, v1;
	vm15 =	vnez.u8 v3  }
0x42c: {  	v3 =	vld [tilespmem:$0x1F980];
	_ =	sdelay $0x4  }
0x42d: {  	[tilespmem:v17+s12+$0x0] =	vst.idx.msk vm15, v1;
	vm15 =	vnez.u8 v3  }
0x42e: {  	v3 =	vld [tilespmem:$0x1F990];
	_ =	sdelay $0x4  }
0x42f: {  	[tilespmem:v18+s12+$0x0] =	vst.idx.msk vm15, v1;
	vm15 =	vnez.u8 v3;
	_ =	sdelay $0x5  }
0x430: {  	[tilespmem:v19+s12+$0x0] =	vst.idx.msk vm15, v1  }
0x431: {  	[tilespmem:v20+s12+$0x0] =	vst.idx.msk vm14, v1  }
0x432: {  	[tilespmem:v21+s12+$0x0] =	vst.idx.msk vm13, v1  }
0x433: {  	[tilespmem:v22+s12+$0x0] =	vst.idx.msk vm12, v1  }
0x434: {  	[tilespmem:v23+s12+$0x0] =	vst.idx.msk vm11, v1  }
0x435: {  	[tilespmem:v24+s12+$0x0] =	vst.idx.msk vm10, v1  }
0x436: {  	[tilespmem:v25+s12+$0x0] =	vst.idx.msk vm9, v1  }
0x437: {  	[tilespmem:v26+s12+$0x0] =	vst.idx.msk vm8, v1  }
0x438: {  	[tilespmem:v27+s12+$0x0] =	vst.idx.msk vm7, v1  }
0x439: {  	[tilespmem:v28+s12+$0x0] =	vst.idx.msk vm6, v1  }
0x43a: {  	[tilespmem:v29+s12+$0x0] =	vst.idx.msk vm5, v1  }
0x43b: {  	[tilespmem:v42+s12+$0x0] =	vst.idx.msk vm4, v1  }
0x43c: {  	[tilespmem:v47+s12+$0x0] =	vst.idx.msk vm3, v1  }
0x43d: {  	[tilespmem:v52+s12+$0x0] =	vst.idx.msk vm2, v1  }
0x43e: {  	[tilespmem:v57+s12+$0x0] =	vst.idx.msk vm1, v1  }
0x43f: {  	[tilespmem:v62+s12+$0x0] =	vst.idx.msk vm0, v1  }
0x440: {  	v3 =	vld [tilespmem:$0x0];
	_ =	sdelay $0x4  }
0x441: {  	v15 =	vshll.u32 v3, $0x9;
	v16 =	vshll.u32 v3, $0x7;
	v3 =	vadd.s32 $0xFFFFFE70, v3  }
0x442: {  	vm10 =	vlt.u32 v3, $0xC8;
	v3 =	vimm.s32 $0x0  }
0x443: {  	v4 =	vand.u32 $0xFFFFF000, v15;
	v5 =	vand.u32 $0x380, v16;
	v3 =	vsel vm10, $0xFFFFFFFF, v3  }
0x444: {  	v17 =	vor.u32 $0xFFFCE000, v0;
	[tilespmem:$0x1F9A0] =	vst v3;
	v3 =	vor.u32 v5, v4  }
0x445: {  	v3 =	vadd.s32 v17, v3;
	_ =	sdelay $0x4  }
0x446: {  	[tilespmem:v3+s12+$0x0] =	vst.idx.msk vm10, v2  }
0x447: {  	v18 =	vld [tilespmem:$0x10];
	_ =	sdelay $0x3  }
0x448: {  	v21 =	vimm.s32 $0x0  }
0x449: {  	v19 =	vshll.u32 v18, $0x9;
	v20 =	vshll.u32 v18, $0x7;
	v4 =	vadd.s32 $0xFFFFFE70, v18  }
0x44a: {  	v5 =	vand.u32 $0xFFFFF000, v19;
	v6 =	vand.u32 $0x380, v20;
	vm11 =	vlt.u32 v4, $0xC8  }
0x44b: {  	v23 =	vor.u32 $0xFFFCE010, v0;
	v4 =	vsel vm11, $0xFFFFFFFF, v21;
	v22 =	vor.u32 v6, v5  }
0x44c: {  	[tilespmem:$0x1F9B0] =	vst v4;
	v4 =	vadd.s32 v23, v22;
	_ =	sdelay $0x4  }
0x44d: {  	[tilespmem:v4+s12+$0x0] =	vst.idx.msk vm11, v2  }
0x44e: {  	v24 =	vld [tilespmem:$0x20];
	_ =	sdelay $0x3  }
0x44f: {  	v27 =	vimm.s32 $0x0  }
0x450: {  	v25 =	vshll.u32 v24, $0x9;
	v26 =	vshll.u32 v24, $0x7;
	v5 =	vadd.s32 $0xFFFFFE70, v24  }
0x451: {  	v6 =	vand.u32 $0xFFFFF000, v25;
	v7 =	vand.u32 $0x380, v26;
	vm12 =	vlt.u32 v5, $0xC8  }
0x452: {  	v29 =	vor.u32 $0xFFFCE020, v0;
	v5 =	vsel vm12, $0xFFFFFFFF, v27;
	v28 =	vor.u32 v7, v6  }
0x453: {  	[tilespmem:$0x1F9C0] =	vst v5;
	v5 =	vadd.s32 v29, v28;
	_ =	sdelay $0x4  }
0x454: {  	[tilespmem:v5+s12+$0x0] =	vst.idx.msk vm12, v2  }
0x455: {  	v30 =	vld [tilespmem:$0x30];
	_ =	sdelay $0x3  }
0x456: {  	v33 =	vimm.s32 $0x0  }
0x457: {  	v31 =	vshll.u32 v30, $0x9;
	v32 =	vshll.u32 v30, $0x7;
	v6 =	vadd.s32 $0xFFFFFE70, v30  }
0x458: {  	v7 =	vand.u32 $0xFFFFF000, v31;
	v8 =	vand.u32 $0x380, v32;
	vm13 =	vlt.u32 v6, $0xC8  }
0x459: {  	v35 =	vor.u32 $0xFFFCE030, v0;
	v6 =	vsel vm13, $0xFFFFFFFF, v33;
	v34 =	vor.u32 v8, v7  }
0x45a: {  	[tilespmem:$0x1F9D0] =	vst v6;
	v6 =	vadd.s32 v35, v34;
	_ =	sdelay $0x4  }
0x45b: {  	[tilespmem:v6+s12+$0x0] =	vst.idx.msk vm13, v2  }
0x45c: {  	v36 =	vld [tilespmem:$0x40];
	_ =	sdelay $0x3  }
0x45d: {  	v40 =	vimm.s32 $0x0  }
0x45e: {  	v38 =	vshll.u32 v36, $0x9;
	v39 =	vshll.u32 v36, $0x7;
	v7 =	vadd.s32 $0xFFFFFE70, v36  }
0x45f: {  	v8 =	vand.u32 $0xFFFFF000, v38;
	v9 =	vand.u32 $0x380, v39;
	vm14 =	vlt.u32 v7, $0xC8  }
0x460: {  	v42 =	vor.u32 $0xFFFCE040, v0;
	v7 =	vsel vm14, $0xFFFFFFFF, v40;
	v41 =	vor.u32 v9, v8  }
0x461: {  	[tilespmem:$0x1F9E0] =	vst v7;
	v7 =	vadd.s32 v42, v41;
	_ =	sdelay $0x4  }
0x462: {  	[tilespmem:v7+s12+$0x0] =	vst.idx.msk vm14, v2  }
0x463: {  	v43 =	vld [tilespmem:$0x50];
	_ =	sdelay $0x3  }
0x464: {  	v46 =	vimm.s32 $0x0  }
0x465: {  	v44 =	vshll.u32 v43, $0x9;
	v45 =	vshll.u32 v43, $0x7;
	v8 =	vadd.s32 $0xFFFFFE70, v43  }
0x466: {  	v9 =	vand.u32 $0xFFFFF000, v44;
	v10 =	vand.u32 $0x380, v45;
	vm15 =	vlt.u32 v8, $0xC8  }
0x467: {  	v48 =	vor.u32 $0xFFFCE050, v0;
	v8 =	vsel vm15, $0xFFFFFFFF, v46;
	v47 =	vor.u32 v10, v9  }
0x468: {  	[tilespmem:$0x1F9F0] =	vst v8;
	v8 =	vadd.s32 v48, v47;
	_ =	sdelay $0x4  }
0x469: {  	[tilespmem:v8+s12+$0x0] =	vst.idx.msk vm15, v2  }
0x46a: {  	v49 =	vld [tilespmem:$0x60];
	_ =	sdelay $0x3  }
0x46b: {  	v52 =	vimm.s32 $0x0  }
0x46c: {  	v50 =	vshll.u32 v49, $0x9;
	v51 =	vshll.u32 v49, $0x7;
	v9 =	vadd.s32 $0xFFFFFE70, v49  }
0x46d: {  	v10 =	vand.u32 $0xFFFFF000, v50;
	v11 =	vand.u32 $0x380, v51;
	vm4 =	vlt.u32 v9, $0xC8  }
0x46e: {  	v54 =	vor.u32 $0xFFFCE060, v0;
	v9 =	vsel vm4, $0xFFFFFFFF, v52;
	v53 =	vor.u32 v11, v10  }
0x46f: {  	[tilespmem:$0x1FA00] =	vst v9;
	v9 =	vadd.s32 v54, v53;
	_ =	sdelay $0x4  }
0x470: {  	[tilespmem:v9+s12+$0x0] =	vst.idx.msk vm4, v2  }
0x471: {  	v55 =	vld [tilespmem:$0x70];
	_ =	sdelay $0x3  }
0x472: {  	v58 =	vimm.s32 $0x0  }
0x473: {  	v56 =	vshll.u32 v55, $0x9;
	v57 =	vshll.u32 v55, $0x7;
	v10 =	vadd.s32 $0xFFFFFE70, v55  }
0x474: {  	v11 =	vand.u32 $0xFFFFF000, v56;
	v12 =	vand.u32 $0x380, v57;
	vm5 =	vlt.u32 v10, $0xC8  }
0x475: {  	v60 =	vor.u32 $0xFFFCE070, v0;
	v10 =	vsel vm5, $0xFFFFFFFF, v58;
	v59 =	vor.u32 v12, v11  }
0x476: {  	[tilespmem:$0x1FA10] =	vst v10;
	v10 =	vadd.s32 v60, v59;
	_ =	sdelay $0x4  }
0x477: {  	[tilespmem:v10+s12+$0x0] =	vst.idx.msk vm5, v2  }
0x478: {  	v61 =	vld [tilespmem:$0x80];
	_ =	sdelay $0x3  }
0x479: {  	v16 =	vimm.s32 $0x0  }
0x47a: {  	v62 =	vshll.u32 v61, $0x9;
	v63 =	vshll.u32 v61, $0x7;
	v11 =	vadd.s32 $0xFFFFFE70, v61  }
0x47b: {  	v12 =	vand.u32 $0xFFFFF000, v62;
	v13 =	vand.u32 $0x380, v63;
	vm6 =	vlt.u32 v11, $0xC8  }
0x47c: {  	v18 =	vor.u32 $0xFFFCE400, v0;
	v11 =	vsel vm6, $0xFFFFFFFF, v16;
	v17 =	vor.u32 v13, v12  }
0x47d: {  	[tilespmem:$0x1FA20] =	vst v11;
	v11 =	vadd.s32 v18, v17;
	_ =	sdelay $0x4  }
0x47e: {  	[tilespmem:v11+s12+$0x0] =	vst.idx.msk vm6, v2  }
0x47f: {  	v19 =	vld [tilespmem:$0x90];
	_ =	sdelay $0x3  }
0x480: {  	v22 =	vimm.s32 $0x0  }
0x481: {  	v20 =	vshll.u32 v19, $0x9;
	v21 =	vshll.u32 v19, $0x7;
	v12 =	vadd.s32 $0xFFFFFE70, v19  }
0x482: {  	v13 =	vand.u32 $0xFFFFF000, v20;
	v14 =	vand.u32 $0x380, v21;
	vm7 =	vlt.u32 v12, $0xC8  }
0x483: {  	v24 =	vor.u32 $0xFFFCE410, v0;
	v12 =	vsel vm7, $0xFFFFFFFF, v22;
	v23 =	vor.u32 v14, v13  }
0x484: {  	[tilespmem:$0x1FA30] =	vst v12;
	v12 =	vadd.s32 v24, v23;
	_ =	sdelay $0x4  }
0x485: {  	[tilespmem:v12+s12+$0x0] =	vst.idx.msk vm7, v2  }
0x486: {  	v25 =	vld [tilespmem:$0xA0];
	_ =	sdelay $0x3  }
0x487: {  	v28 =	vimm.s32 $0x0  }
0x488: {  	v26 =	vshll.u32 v25, $0x9;
	v27 =	vshll.u32 v25, $0x7;
	v13 =	vadd.s32 $0xFFFFFE70, v25  }
0x489: {  	v14 =	vand.u32 $0xFFFFF000, v26;
	v15 =	vand.u32 $0x380, v27;
	vm8 =	vlt.u32 v13, $0xC8  }
0x48a: {  	v30 =	vor.u32 $0xFFFCE420, v0;
	v13 =	vsel vm8, $0xFFFFFFFF, v28;
	v29 =	vor.u32 v15, v14  }
0x48b: {  	[tilespmem:$0x1FA40] =	vst v13;
	v13 =	vadd.s32 v30, v29;
	_ =	sdelay $0x4  }
0x48c: {  	[tilespmem:v13+s12+$0x0] =	vst.idx.msk vm8, v2  }
0x48d: {  	v31 =	vld [tilespmem:$0xB0];
	_ =	sdelay $0x3  }
0x48e: {  	v34 =	vimm.s32 $0x0  }
0x48f: {  	v32 =	vshll.u32 v31, $0x9;
	v33 =	vshll.u32 v31, $0x7;
	v14 =	vadd.s32 $0xFFFFFE70, v31  }
0x490: {  	v15 =	vand.u32 $0xFFFFF000, v32;
	v16 =	vand.u32 $0x380, v33;
	vm9 =	vlt.u32 v14, $0xC8  }
0x491: {  	v36 =	vor.u32 $0xFFFCE430, v0;
	v14 =	vsel vm9, $0xFFFFFFFF, v34;
	v35 =	vor.u32 v16, v15  }
0x492: {  	[tilespmem:$0x1FA50] =	vst v14;
	v14 =	vadd.s32 v36, v35;
	_ =	sdelay $0x4  }
0x493: {  	[tilespmem:v14+s12+$0x0] =	vst.idx.msk vm9, v2  }
0x494: {  	v38 =	vld [tilespmem:$0xC0];
	_ =	sdelay $0x3  }
0x495: {  	v41 =	vimm.s32 $0x0  }
0x496: {  	v39 =	vshll.u32 v38, $0x9;
	v40 =	vshll.u32 v38, $0x7;
	v15 =	vadd.s32 $0xFFFFFE70, v38  }
0x497: {  	v16 =	vand.u32 $0xFFFFF000, v39;
	v17 =	vand.u32 $0x380, v40;
	vm10 =	vlt.u32 v15, $0xC8  }
0x498: {  	v43 =	vor.u32 $0xFFFCE440, v0;
	v15 =	vsel vm10, $0xFFFFFFFF, v41;
	v42 =	vor.u32 v17, v16  }
0x499: {  	[tilespmem:$0x1FA60] =	vst v15;
	v15 =	vadd.s32 v43, v42;
	_ =	sdelay $0x4  }
0x49a: {  	[tilespmem:v15+s12+$0x0] =	vst.idx.msk vm10, v2  }
0x49b: {  	v44 =	vld [tilespmem:$0xD0];
	_ =	sdelay $0x3  }
0x49c: {  	v47 =	vimm.s32 $0x0  }
0x49d: {  	v45 =	vshll.u32 v44, $0x9;
	v46 =	vshll.u32 v44, $0x7;
	v16 =	vadd.s32 $0xFFFFFE70, v44  }
0x49e: {  	v17 =	vand.u32 $0xFFFFF000, v45;
	v18 =	vand.u32 $0x380, v46;
	vm11 =	vlt.u32 v16, $0xC8  }
0x49f: {  	v49 =	vor.u32 $0xFFFCE450, v0;
	v16 =	vsel vm11, $0xFFFFFFFF, v47;
	v48 =	vor.u32 v18, v17  }
0x4a0: {  	[tilespmem:$0x1FA70] =	vst v16;
	v16 =	vadd.s32 v49, v48;
	_ =	sdelay $0x4  }
0x4a1: {  	[tilespmem:v16+s12+$0x0] =	vst.idx.msk vm11, v2  }
0x4a2: {  	v50 =	vld [tilespmem:$0xE0];
	_ =	sdelay $0x3  }
0x4a3: {  	v53 =	vimm.s32 $0x0  }
0x4a4: {  	v51 =	vshll.u32 v50, $0x9;
	v52 =	vshll.u32 v50, $0x7;
	v17 =	vadd.s32 $0xFFFFFE70, v50  }
0x4a5: {  	v18 =	vand.u32 $0xFFFFF000, v51;
	v19 =	vand.u32 $0x380, v52;
	vm12 =	vlt.u32 v17, $0xC8  }
0x4a6: {  	v55 =	vor.u32 $0xFFFCE460, v0;
	v17 =	vsel vm12, $0xFFFFFFFF, v53;
	v54 =	vor.u32 v19, v18  }
0x4a7: {  	[tilespmem:$0x1FA80] =	vst v17;
	v17 =	vadd.s32 v55, v54;
	_ =	sdelay $0x4  }
0x4a8: {  	[tilespmem:v17+s12+$0x0] =	vst.idx.msk vm12, v2  }
0x4a9: {  	v56 =	vld [tilespmem:$0xF0];
	_ =	sdelay $0x3  }
0x4aa: {  	v59 =	vimm.s32 $0x0  }
0x4ab: {  	v57 =	vshll.u32 v56, $0x9;
	v58 =	vshll.u32 v56, $0x7;
	v18 =	vadd.s32 $0xFFFFFE70, v56  }
0x4ac: {  	v19 =	vand.u32 $0xFFFFF000, v57;
	v20 =	vand.u32 $0x380, v58;
	vm13 =	vlt.u32 v18, $0xC8  }
0x4ad: {  	v61 =	vor.u32 $0xFFFCE470, v0;
	v18 =	vsel vm13, $0xFFFFFFFF, v59;
	v60 =	vor.u32 v20, v19  }
0x4ae: {  	[tilespmem:$0x1FA90] =	vst v18;
	v18 =	vadd.s32 v61, v60;
	_ =	sdelay $0x4  }
0x4af: {  	[tilespmem:v18+s12+$0x0] =	vst.idx.msk vm13, v2  }
0x4b0: {  	v62 =	vld [tilespmem:$0x100];
	_ =	sdelay $0x3  }
0x4b1: {  	v26 =	vimm.s32 $0x0  }
0x4b2: {  	v63 =	vshll.u32 v62, $0x9;
	v24 =	vshll.u32 v62, $0x7;
	v19 =	vadd.s32 $0xFFFFFE70, v62  }
0x4b3: {  	v20 =	vand.u32 $0xFFFFF000, v63;
	v21 =	vand.u32 $0x380, v24;
	vm14 =	vlt.u32 v19, $0xC8  }
0x4b4: {  	v25 =	vor.u32 $0xFFFCE800, v0;
	v20 =	vor.u32 v21, v20;
	v19 =	vsel vm14, $0xFFFFFFFF, v26  }
0x4b5: {  	[tilespmem:$0x1FAA0] =	vst v19;
	v19 =	vadd.s32 v25, v20;
	_ =	sdelay $0x4  }
0x4b6: {  	[tilespmem:v19+s12+$0x0] =	vst.idx.msk vm14, v2  }
0x4b7: {  	v27 =	vld [tilespmem:$0x110];
	_ =	sdelay $0x4  }
0x4b8: {  	v28 =	vshll.u32 v27, $0x9;
	v29 =	vshll.u32 v27, $0x7  }
0x4b9: {  	v20 =	vadd.s32 $0xFFFFFE70, v27;
	v21 =	vand.u32 $0xFFFFF000, v28;
	v22 =	vand.u32 $0x380, v29  }
0x4ba: {  	v30 =	vor.u32 $0xFFFCE810, v0;
	vm14 =	vlt.u32 v20, $0xC8;
	v21 =	vor.u32 v22, v21  }
0x4bb: {  	v20 =	vadd.s32 v30, v21;
	_ =	sdelay $0x4  }
0x4bc: {  	[tilespmem:v20+s12+$0x0] =	vst.idx.msk vm14, v2  }
0x4bd: {  	v31 =	vld [tilespmem:$0x120];
	_ =	sdelay $0x4  }
0x4be: {  	v32 =	vshll.u32 v31, $0x9;
	v33 =	vshll.u32 v31, $0x7  }
0x4bf: {  	v21 =	vadd.s32 $0xFFFFFE70, v31;
	v22 =	vand.u32 $0xFFFFF000, v32;
	v23 =	vand.u32 $0x380, v33  }
0x4c0: {  	v34 =	vor.u32 $0xFFFCE820, v0;
	vm13 =	vlt.u32 v21, $0xC8;
	v22 =	vor.u32 v23, v22  }
0x4c1: {  	v21 =	vadd.s32 v34, v22;
	_ =	sdelay $0x4  }
0x4c2: {  	[tilespmem:v21+s12+$0x0] =	vst.idx.msk vm13, v2  }
0x4c3: {  	v35 =	vld [tilespmem:$0x130];
	_ =	sdelay $0x4  }
0x4c4: {  	v36 =	vshll.u32 v35, $0x9;
	v38 =	vshll.u32 v35, $0x7  }
0x4c5: {  	v22 =	vadd.s32 $0xFFFFFE70, v35;
	v23 =	vand.u32 $0xFFFFF000, v36;
	v24 =	vand.u32 $0x380, v38  }
0x4c6: {  	v39 =	vor.u32 $0xFFFCE830, v0;
	vm12 =	vlt.u32 v22, $0xC8;
	v23 =	vor.u32 v24, v23  }
0x4c7: {  	v22 =	vadd.s32 v39, v23;
	_ =	sdelay $0x4  }
0x4c8: {  	[tilespmem:v22+s12+$0x0] =	vst.idx.msk vm12, v2  }
0x4c9: {  	v40 =	vld [tilespmem:$0x140];
	_ =	sdelay $0x4  }
0x4ca: {  	v41 =	vshll.u32 v40, $0x9;
	v42 =	vshll.u32 v40, $0x7  }
0x4cb: {  	v23 =	vadd.s32 $0xFFFFFE70, v40;
	v24 =	vand.u32 $0xFFFFF000, v41;
	v25 =	vand.u32 $0x380, v42  }
0x4cc: {  	v43 =	vor.u32 $0xFFFCE840, v0;
	vm11 =	vlt.u32 v23, $0xC8;
	v24 =	vor.u32 v25, v24  }
0x4cd: {  	v23 =	vadd.s32 v43, v24;
	_ =	sdelay $0x4  }
0x4ce: {  	[tilespmem:v23+s12+$0x0] =	vst.idx.msk vm11, v2  }
0x4cf: {  	v44 =	vld [tilespmem:$0x150];
	_ =	sdelay $0x4  }
0x4d0: {  	v45 =	vshll.u32 v44, $0x9;
	v46 =	vshll.u32 v44, $0x7  }
0x4d1: {  	v24 =	vadd.s32 $0xFFFFFE70, v44;
	v25 =	vand.u32 $0xFFFFF000, v45;
	v26 =	vand.u32 $0x380, v46  }
0x4d2: {  	v47 =	vor.u32 $0xFFFCE850, v0;
	vm10 =	vlt.u32 v24, $0xC8;
	v25 =	vor.u32 v26, v25  }
0x4d3: {  	v24 =	vadd.s32 v47, v25;
	_ =	sdelay $0x4  }
0x4d4: {  	[tilespmem:v24+s12+$0x0] =	vst.idx.msk vm10, v2  }
0x4d5: {  	v48 =	vld [tilespmem:$0x160];
	_ =	sdelay $0x4  }
0x4d6: {  	v49 =	vshll.u32 v48, $0x9;
	v50 =	vshll.u32 v48, $0x7  }
0x4d7: {  	v25 =	vadd.s32 $0xFFFFFE70, v48;
	v26 =	vand.u32 $0xFFFFF000, v49;
	v27 =	vand.u32 $0x380, v50  }
0x4d8: {  	v51 =	vor.u32 $0xFFFCE860, v0;
	vm9 =	vlt.u32 v25, $0xC8;
	v26 =	vor.u32 v27, v26  }
0x4d9: {  	v25 =	vadd.s32 v51, v26;
	_ =	sdelay $0x4  }
0x4da: {  	[tilespmem:v25+s12+$0x0] =	vst.idx.msk vm9, v2  }
0x4db: {  	v52 =	vld [tilespmem:$0x170];
	_ =	sdelay $0x4  }
0x4dc: {  	v53 =	vshll.u32 v52, $0x9;
	v54 =	vshll.u32 v52, $0x7  }
0x4dd: {  	v26 =	vadd.s32 $0xFFFFFE70, v52;
	v27 =	vand.u32 $0xFFFFF000, v53;
	v28 =	vand.u32 $0x380, v54  }
0x4de: {  	v55 =	vor.u32 $0xFFFCE870, v0;
	vm8 =	vlt.u32 v26, $0xC8;
	v27 =	vor.u32 v28, v27  }
0x4df: {  	v26 =	vadd.s32 v55, v27;
	_ =	sdelay $0x4  }
0x4e0: {  	[tilespmem:v26+s12+$0x0] =	vst.idx.msk vm8, v2  }
0x4e1: {  	v56 =	vld [tilespmem:$0x180];
	_ =	sdelay $0x4  }
0x4e2: {  	v57 =	vshll.u32 v56, $0x9;
	v58 =	vshll.u32 v56, $0x7  }
0x4e3: {  	v27 =	vadd.s32 $0xFFFFFE70, v56;
	v28 =	vand.u32 $0xFFFFF000, v57;
	v29 =	vand.u32 $0x380, v58  }
0x4e4: {  	v59 =	vor.u32 $0xFFFCEC00, v0;
	vm7 =	vlt.u32 v27, $0xC8;
	v28 =	vor.u32 v29, v28  }
0x4e5: {  	v27 =	vadd.s32 v59, v28;
	_ =	sdelay $0x4  }
0x4e6: {  	[tilespmem:v27+s12+$0x0] =	vst.idx.msk vm7, v2  }
0x4e7: {  	v60 =	vld [tilespmem:$0x190];
	_ =	sdelay $0x4  }
0x4e8: {  	v61 =	vshll.u32 v60, $0x9;
	v62 =	vshll.u32 v60, $0x7  }
0x4e9: {  	v28 =	vadd.s32 $0xFFFFFE70, v60;
	v29 =	vand.u32 $0xFFFFF000, v61;
	v30 =	vand.u32 $0x380, v62  }
0x4ea: {  	v63 =	vor.u32 $0xFFFCEC10, v0;
	vm6 =	vlt.u32 v28, $0xC8;
	v29 =	vor.u32 v30, v29  }
0x4eb: {  	v28 =	vadd.s32 v63, v29;
	_ =	sdelay $0x4  }
0x4ec: {  	[tilespmem:v28+s12+$0x0] =	vst.idx.msk vm6, v2  }
0x4ed: {  	v33 =	vld [tilespmem:$0x1A0];
	_ =	sdelay $0x4  }
0x4ee: {  	v34 =	vshll.u32 v33, $0x9;
	v35 =	vshll.u32 v33, $0x7  }
0x4ef: {  	v29 =	vadd.s32 $0xFFFFFE70, v33;
	v30 =	vand.u32 $0xFFFFF000, v34;
	v31 =	vand.u32 $0x380, v35  }
0x4f0: {  	v36 =	vor.u32 $0xFFFCEC20, v0;
	vm5 =	vlt.u32 v29, $0xC8;
	v30 =	vor.u32 v31, v30  }
0x4f1: {  	v29 =	vadd.s32 v36, v30;
	_ =	sdelay $0x4  }
0x4f2: {  	[tilespmem:v29+s12+$0x0] =	vst.idx.msk vm5, v2  }
0x4f3: {  	v38 =	vld [tilespmem:$0x1B0];
	_ =	sdelay $0x4  }
0x4f4: {  	v39 =	vshll.u32 v38, $0x9;
	v40 =	vshll.u32 v38, $0x7  }
0x4f5: {  	v30 =	vadd.s32 $0xFFFFFE70, v38;
	v31 =	vand.u32 $0xFFFFF000, v39;
	v32 =	vand.u32 $0x380, v40  }
0x4f6: {  	v41 =	vor.u32 $0xFFFCEC30, v0;
	vm4 =	vlt.u32 v30, $0xC8;
	v31 =	vor.u32 v32, v31  }
0x4f7: {  	v42 =	vadd.s32 v41, v31;
	_ =	sdelay $0x4  }
0x4f8: {  	[tilespmem:v42+s12+$0x0] =	vst.idx.msk vm4, v2  }
0x4f9: {  	v43 =	vld [tilespmem:$0x1C0];
	_ =	sdelay $0x4  }
0x4fa: {  	v44 =	vshll.u32 v43, $0x9;
	v45 =	vshll.u32 v43, $0x7  }
0x4fb: {  	v31 =	vadd.s32 $0xFFFFFE70, v43;
	v32 =	vand.u32 $0xFFFFF000, v44;
	v33 =	vand.u32 $0x380, v45  }
0x4fc: {  	v46 =	vor.u32 $0xFFFCEC40, v0;
	vm3 =	vlt.u32 v31, $0xC8;
	v32 =	vor.u32 v33, v32  }
0x4fd: {  	v47 =	vadd.s32 v46, v32;
	_ =	sdelay $0x4  }
0x4fe: {  	[tilespmem:v47+s12+$0x0] =	vst.idx.msk vm3, v2  }
0x4ff: {  	v48 =	vld [tilespmem:$0x1D0];
	_ =	sdelay $0x4  }
0x500: {  	v49 =	vshll.u32 v48, $0x9;
	v50 =	vshll.u32 v48, $0x7  }
0x501: {  	v32 =	vadd.s32 $0xFFFFFE70, v48;
	v33 =	vand.u32 $0xFFFFF000, v49;
	v34 =	vand.u32 $0x380, v50  }
0x502: {  	v51 =	vor.u32 $0xFFFCEC50, v0;
	vm2 =	vlt.u32 v32, $0xC8;
	v33 =	vor.u32 v34, v33  }
0x503: {  	v52 =	vadd.s32 v51, v33;
	_ =	sdelay $0x4  }
0x504: {  	[tilespmem:v52+s12+$0x0] =	vst.idx.msk vm2, v2  }
0x505: {  	v53 =	vld [tilespmem:$0x1E0];
	_ =	sdelay $0x4  }
0x506: {  	v54 =	vshll.u32 v53, $0x9;
	v55 =	vshll.u32 v53, $0x7  }
0x507: {  	v33 =	vadd.s32 $0xFFFFFE70, v53;
	v34 =	vand.u32 $0xFFFFF000, v54;
	v35 =	vand.u32 $0x380, v55  }
0x508: {  	v56 =	vor.u32 $0xFFFCEC60, v0;
	vm1 =	vlt.u32 v33, $0xC8;
	v34 =	vor.u32 v35, v34  }
0x509: {  	v57 =	vadd.s32 v56, v34;
	_ =	sdelay $0x4  }
0x50a: {  	[tilespmem:v57+s12+$0x0] =	vst.idx.msk vm1, v2  }
0x50b: {  	v58 =	vld [tilespmem:$0x1F0];
	_ =	sdelay $0x4  }
0x50c: {  	v59 =	vshll.u32 v58, $0x9;
	v60 =	vshll.u32 v58, $0x7  }
0x50d: {  	v34 =	vadd.s32 $0xFFFFFE70, v58;
	v35 =	vand.u32 $0xFFFFF000, v59;
	v36 =	vand.u32 $0x380, v60  }
0x50e: {  	v61 =	vor.u32 $0xFFFCEC70, v0;
	vm0 =	vlt.u32 v34, $0xC8;
	v35 =	vor.u32 v36, v35  }
0x50f: {  	v62 =	vadd.s32 v61, v35;
	_ =	sdelay $0x4  }
0x510: {  	[tilespmem:v62+s12+$0x0] =	vst.idx.msk vm0, v2  }
0x511: {  	[hbm4b:s7+s13] =	stream.strided.scatter [tilespmem:s12], [sflag:$0x2], $0x19000, s14, s13, $0x38;
	[tilespmem:$0x19200] =	vst v63  }
0x512: {  	_ =	swait.ge [sflag:s16], $0x19000  }
0x513: {  	v63 =	vld [tilespmem:$0x1F9A0];
	_ =	sdelay $0x4  }
0x514: {  	vm15 =	vnez.u8 v63;
	_ =	sdelay $0x3  }
0x515: {  	[sflag:s16] =	ssyncset.done $0x0  }
0x516: {  	[sflag:s16] =	ssyncadd.s32 $0xFFFE7000  }
0x517: {  	[tilespmem:v3+s12+$0x0] =	vst.idx.msk vm15, v1;
	v3 =	vld [tilespmem:$0x1F9B0];
	_ =	sdelay $0x4  }
0x518: {  	vm15 =	vnez.u8 v3  }
0x519: {  	v3 =	vld [tilespmem:$0x1F9C0];
	_ =	sdelay $0x4  }
0x51a: {  	[tilespmem:v4+s12+$0x0] =	vst.idx.msk vm15, v1;
	vm15 =	vnez.u8 v3  }
0x51b: {  	v3 =	vld [tilespmem:$0x1F9D0];
	_ =	sdelay $0x4  }
0x51c: {  	[tilespmem:v5+s12+$0x0] =	vst.idx.msk vm15, v1;
	vm15 =	vnez.u8 v3  }
0x51d: {  	v3 =	vld [tilespmem:$0x1F9E0];
	_ =	sdelay $0x4  }
0x51e: {  	[tilespmem:v6+s12+$0x0] =	vst.idx.msk vm15, v1;
	vm15 =	vnez.u8 v3  }
0x51f: {  	v3 =	vld [tilespmem:$0x1F9F0];
	_ =	sdelay $0x4  }
0x520: {  	[tilespmem:v7+s12+$0x0] =	vst.idx.msk vm15, v1;
	vm15 =	vnez.u8 v3  }
0x521: {  	v3 =	vld [tilespmem:$0x1FA00];
	_ =	sdelay $0x4  }
0x522: {  	[tilespmem:v8+s12+$0x0] =	vst.idx.msk vm15, v1;
	vm15 =	vnez.u8 v3  }
0x523: {  	v3 =	vld [tilespmem:$0x1FA10];
	_ =	sdelay $0x4  }
0x524: {  	[tilespmem:v9+s12+$0x0] =	vst.idx.msk vm15, v1;
	vm15 =	vnez.u8 v3  }
0x525: {  	v3 =	vld [tilespmem:$0x1FA20];
	_ =	sdelay $0x4  }
0x526: {  	[tilespmem:v10+s12+$0x0] =	vst.idx.msk vm15, v1;
	vm15 =	vnez.u8 v3  }
0x527: {  	v3 =	vld [tilespmem:$0x1FA30];
	_ =	sdelay $0x4  }
0x528: {  	[tilespmem:v11+s12+$0x0] =	vst.idx.msk vm15, v1;
	vm15 =	vnez.u8 v3  }
0x529: {  	v3 =	vld [tilespmem:$0x1FA40];
	_ =	sdelay $0x4  }
0x52a: {  	[tilespmem:v12+s12+$0x0] =	vst.idx.msk vm15, v1;
	vm15 =	vnez.u8 v3  }
0x52b: {  	v3 =	vld [tilespmem:$0x1FA50];
	_ =	sdelay $0x4  }
0x52c: {  	[tilespmem:v13+s12+$0x0] =	vst.idx.msk vm15, v1;
	vm15 =	vnez.u8 v3  }
0x52d: {  	v3 =	vld [tilespmem:$0x1FA60];
	_ =	sdelay $0x4  }
0x52e: {  	[tilespmem:v14+s12+$0x0] =	vst.idx.msk vm15, v1;
	vm15 =	vnez.u8 v3  }
0x52f: {  	v3 =	vld [tilespmem:$0x1FA70];
	_ =	sdelay $0x4  }
0x530: {  	[tilespmem:v15+s12+$0x0] =	vst.idx.msk vm15, v1;
	vm15 =	vnez.u8 v3  }
0x531: {  	v3 =	vld [tilespmem:$0x1FA80];
	_ =	sdelay $0x4  }
0x532: {  	[tilespmem:v16+s12+$0x0] =	vst.idx.msk vm15, v1;
	vm15 =	vnez.u8 v3  }
0x533: {  	v3 =	vld [tilespmem:$0x1FA90];
	_ =	sdelay $0x4  }
0x534: {  	[tilespmem:v17+s12+$0x0] =	vst.idx.msk vm15, v1;
	vm15 =	vnez.u8 v3  }
0x535: {  	v3 =	vld [tilespmem:$0x1FAA0];
	_ =	sdelay $0x4  }
0x536: {  	[tilespmem:v18+s12+$0x0] =	vst.idx.msk vm15, v1;
	vm15 =	vnez.u8 v3;
	_ =	sdelay $0x5  }
0x537: {  	[tilespmem:v19+s12+$0x0] =	vst.idx.msk vm15, v1  }
0x538: {  	[tilespmem:v20+s12+$0x0] =	vst.idx.msk vm14, v1  }
0x539: {  	[tilespmem:v21+s12+$0x0] =	vst.idx.msk vm13, v1  }
0x53a: {  	[tilespmem:v22+s12+$0x0] =	vst.idx.msk vm12, v1  }
0x53b: {  	[tilespmem:v23+s12+$0x0] =	vst.idx.msk vm11, v1  }
0x53c: {  	[tilespmem:v24+s12+$0x0] =	vst.idx.msk vm10, v1  }
0x53d: {  	[tilespmem:v25+s12+$0x0] =	vst.idx.msk vm9, v1  }
0x53e: {  	[tilespmem:v26+s12+$0x0] =	vst.idx.msk vm8, v1  }
0x53f: {  	[tilespmem:v27+s12+$0x0] =	vst.idx.msk vm7, v1  }
0x540: {  	[tilespmem:v28+s12+$0x0] =	vst.idx.msk vm6, v1  }
0x541: {  	[tilespmem:v29+s12+$0x0] =	vst.idx.msk vm5, v1  }
0x542: {  	[tilespmem:v42+s12+$0x0] =	vst.idx.msk vm4, v1  }
0x543: {  	[tilespmem:v47+s12+$0x0] =	vst.idx.msk vm3, v1  }
0x544: {  	[tilespmem:v52+s12+$0x0] =	vst.idx.msk vm2, v1  }
0x545: {  	[tilespmem:v57+s12+$0x0] =	vst.idx.msk vm1, v1  }
0x546: {  	[tilespmem:v62+s12+$0x0] =	vst.idx.msk vm0, v1  }
0x547: {  	v3 =	vld [tilespmem:$0x0];
	_ =	sdelay $0x4  }
0x548: {  	v15 =	vshll.u32 v3, $0x9;
	v16 =	vshll.u32 v3, $0x7;
	v3 =	vadd.s32 $0xFFFFFDA8, v3  }
0x549: {  	vm15 =	vlt.u32 v3, $0xC8;
	v3 =	vimm.s32 $0x0  }
0x54a: {  	v4 =	vand.u32 $0xFFFFF000, v15;
	v5 =	vand.u32 $0x380, v16;
	v3 =	vsel vm15, $0xFFFFFFFF, v3  }
0x54b: {  	v17 =	vor.u32 $0xFFFB5000, v0;
	[tilespmem:$0x1FAB0] =	vst v3;
	v3 =	vor.u32 v5, v4  }
0x54c: {  	v3 =	vadd.s32 v17, v3;
	_ =	sdelay $0x4  }
0x54d: {  	[tilespmem:v3+s12+$0x0] =	vst.idx.msk vm15, v2  }
0x54e: {  	v18 =	vld [tilespmem:$0x10];
	_ =	sdelay $0x3  }
0x54f: {  	v21 =	vimm.s32 $0x0  }
0x550: {  	v19 =	vshll.u32 v18, $0x9;
	v20 =	vshll.u32 v18, $0x7;
	v4 =	vadd.s32 $0xFFFFFDA8, v18  }
0x551: {  	v5 =	vand.u32 $0xFFFFF000, v19;
	v6 =	vand.u32 $0x380, v20;
	vm4 =	vlt.u32 v4, $0xC8  }
0x552: {  	v23 =	vor.u32 $0xFFFB5010, v0;
	v4 =	vsel vm4, $0xFFFFFFFF, v21;
	v22 =	vor.u32 v6, v5  }
0x553: {  	[tilespmem:$0x1FAC0] =	vst v4;
	v4 =	vadd.s32 v23, v22;
	_ =	sdelay $0x4  }
0x554: {  	[tilespmem:v4+s12+$0x0] =	vst.idx.msk vm4, v2  }
0x555: {  	v24 =	vld [tilespmem:$0x20];
	_ =	sdelay $0x3  }
0x556: {  	v27 =	vimm.s32 $0x0  }
0x557: {  	v25 =	vshll.u32 v24, $0x9;
	v26 =	vshll.u32 v24, $0x7;
	v5 =	vadd.s32 $0xFFFFFDA8, v24  }
0x558: {  	v6 =	vand.u32 $0xFFFFF000, v25;
	v7 =	vand.u32 $0x380, v26;
	vm5 =	vlt.u32 v5, $0xC8  }
0x559: {  	v29 =	vor.u32 $0xFFFB5020, v0;
	v5 =	vsel vm5, $0xFFFFFFFF, v27;
	v28 =	vor.u32 v7, v6  }
0x55a: {  	[tilespmem:$0x1FAD0] =	vst v5;
	v5 =	vadd.s32 v29, v28;
	_ =	sdelay $0x4  }
0x55b: {  	[tilespmem:v5+s12+$0x0] =	vst.idx.msk vm5, v2  }
0x55c: {  	v30 =	vld [tilespmem:$0x30];
	_ =	sdelay $0x3  }
0x55d: {  	v33 =	vimm.s32 $0x0  }
0x55e: {  	v31 =	vshll.u32 v30, $0x9;
	v32 =	vshll.u32 v30, $0x7;
	v6 =	vadd.s32 $0xFFFFFDA8, v30  }
0x55f: {  	v7 =	vand.u32 $0xFFFFF000, v31;
	v8 =	vand.u32 $0x380, v32;
	vm6 =	vlt.u32 v6, $0xC8  }
0x560: {  	v35 =	vor.u32 $0xFFFB5030, v0;
	v6 =	vsel vm6, $0xFFFFFFFF, v33;
	v34 =	vor.u32 v8, v7  }
0x561: {  	[tilespmem:$0x1FAE0] =	vst v6;
	v6 =	vadd.s32 v35, v34;
	_ =	sdelay $0x4  }
0x562: {  	[tilespmem:v6+s12+$0x0] =	vst.idx.msk vm6, v2  }
0x563: {  	v36 =	vld [tilespmem:$0x40];
	_ =	sdelay $0x3  }
0x564: {  	v40 =	vimm.s32 $0x0  }
0x565: {  	v38 =	vshll.u32 v36, $0x9;
	v39 =	vshll.u32 v36, $0x7;
	v7 =	vadd.s32 $0xFFFFFDA8, v36  }
0x566: {  	v8 =	vand.u32 $0xFFFFF000, v38;
	v9 =	vand.u32 $0x380, v39;
	vm7 =	vlt.u32 v7, $0xC8  }
0x567: {  	v42 =	vor.u32 $0xFFFB5040, v0;
	v7 =	vsel vm7, $0xFFFFFFFF, v40;
	v41 =	vor.u32 v9, v8  }
0x568: {  	[tilespmem:$0x1FAF0] =	vst v7;
	v7 =	vadd.s32 v42, v41;
	_ =	sdelay $0x4  }
0x569: {  	[tilespmem:v7+s12+$0x0] =	vst.idx.msk vm7, v2  }
0x56a: {  	v43 =	vld [tilespmem:$0x50];
	_ =	sdelay $0x3  }
0x56b: {  	v46 =	vimm.s32 $0x0  }
0x56c: {  	v44 =	vshll.u32 v43, $0x9;
	v45 =	vshll.u32 v43, $0x7;
	v8 =	vadd.s32 $0xFFFFFDA8, v43  }
0x56d: {  	v9 =	vand.u32 $0xFFFFF000, v44;
	v10 =	vand.u32 $0x380, v45;
	vm8 =	vlt.u32 v8, $0xC8  }
0x56e: {  	v48 =	vor.u32 $0xFFFB5050, v0;
	v8 =	vsel vm8, $0xFFFFFFFF, v46;
	v47 =	vor.u32 v10, v9  }
0x56f: {  	[tilespmem:$0x1FB00] =	vst v8;
	v8 =	vadd.s32 v48, v47;
	_ =	sdelay $0x4  }
0x570: {  	[tilespmem:v8+s12+$0x0] =	vst.idx.msk vm8, v2  }
0x571: {  	v49 =	vld [tilespmem:$0x60];
	_ =	sdelay $0x3  }
0x572: {  	v52 =	vimm.s32 $0x0  }
0x573: {  	v50 =	vshll.u32 v49, $0x9;
	v51 =	vshll.u32 v49, $0x7;
	v9 =	vadd.s32 $0xFFFFFDA8, v49  }
0x574: {  	v10 =	vand.u32 $0xFFFFF000, v50;
	v11 =	vand.u32 $0x380, v51;
	vm9 =	vlt.u32 v9, $0xC8  }
0x575: {  	v54 =	vor.u32 $0xFFFB5060, v0;
	v9 =	vsel vm9, $0xFFFFFFFF, v52;
	v53 =	vor.u32 v11, v10  }
0x576: {  	[tilespmem:$0x1FB10] =	vst v9;
	v9 =	vadd.s32 v54, v53;
	_ =	sdelay $0x4  }
0x577: {  	[tilespmem:v9+s12+$0x0] =	vst.idx.msk vm9, v2  }
0x578: {  	v55 =	vld [tilespmem:$0x70];
	_ =	sdelay $0x3  }
0x579: {  	v58 =	vimm.s32 $0x0  }
0x57a: {  	v56 =	vshll.u32 v55, $0x9;
	v57 =	vshll.u32 v55, $0x7;
	v10 =	vadd.s32 $0xFFFFFDA8, v55  }
0x57b: {  	v11 =	vand.u32 $0xFFFFF000, v56;
	v12 =	vand.u32 $0x380, v57;
	vm10 =	vlt.u32 v10, $0xC8  }
0x57c: {  	v60 =	vor.u32 $0xFFFB5070, v0;
	v10 =	vsel vm10, $0xFFFFFFFF, v58;
	v59 =	vor.u32 v12, v11  }
0x57d: {  	[tilespmem:$0x1FB20] =	vst v10;
	v10 =	vadd.s32 v60, v59;
	_ =	sdelay $0x4  }
0x57e: {  	[tilespmem:v10+s12+$0x0] =	vst.idx.msk vm10, v2  }
0x57f: {  	v61 =	vld [tilespmem:$0x80];
	_ =	sdelay $0x3  }
0x580: {  	v16 =	vimm.s32 $0x0  }
0x581: {  	v62 =	vshll.u32 v61, $0x9;
	v63 =	vshll.u32 v61, $0x7;
	v11 =	vadd.s32 $0xFFFFFDA8, v61  }
0x582: {  	v12 =	vand.u32 $0xFFFFF000, v62;
	v13 =	vand.u32 $0x380, v63;
	vm11 =	vlt.u32 v11, $0xC8  }
0x583: {  	v18 =	vor.u32 $0xFFFB5400, v0;
	v11 =	vsel vm11, $0xFFFFFFFF, v16;
	v17 =	vor.u32 v13, v12  }
0x584: {  	[tilespmem:$0x1FB30] =	vst v11;
	v11 =	vadd.s32 v18, v17;
	_ =	sdelay $0x4  }
0x585: {  	[tilespmem:v11+s12+$0x0] =	vst.idx.msk vm11, v2  }
0x586: {  	v19 =	vld [tilespmem:$0x90];
	_ =	sdelay $0x3  }
0x587: {  	v22 =	vimm.s32 $0x0  }
0x588: {  	v20 =	vshll.u32 v19, $0x9;
	v21 =	vshll.u32 v19, $0x7;
	v12 =	vadd.s32 $0xFFFFFDA8, v19  }
0x589: {  	v13 =	vand.u32 $0xFFFFF000, v20;
	v14 =	vand.u32 $0x380, v21;
	vm12 =	vlt.u32 v12, $0xC8  }
0x58a: {  	v24 =	vor.u32 $0xFFFB5410, v0;
	v12 =	vsel vm12, $0xFFFFFFFF, v22;
	v23 =	vor.u32 v14, v13  }
0x58b: {  	[tilespmem:$0x1FB40] =	vst v12;
	v12 =	vadd.s32 v24, v23;
	_ =	sdelay $0x4  }
0x58c: {  	[tilespmem:v12+s12+$0x0] =	vst.idx.msk vm12, v2  }
0x58d: {  	v25 =	vld [tilespmem:$0xA0];
	_ =	sdelay $0x3  }
0x58e: {  	v28 =	vimm.s32 $0x0  }
0x58f: {  	v26 =	vshll.u32 v25, $0x9;
	v27 =	vshll.u32 v25, $0x7;
	v13 =	vadd.s32 $0xFFFFFDA8, v25  }
0x590: {  	v14 =	vand.u32 $0xFFFFF000, v26;
	v15 =	vand.u32 $0x380, v27;
	vm13 =	vlt.u32 v13, $0xC8  }
0x591: {  	v30 =	vor.u32 $0xFFFB5420, v0;
	v13 =	vsel vm13, $0xFFFFFFFF, v28;
	v29 =	vor.u32 v15, v14  }
0x592: {  	[tilespmem:$0x1FB50] =	vst v13;
	v13 =	vadd.s32 v30, v29;
	_ =	sdelay $0x4  }
0x593: {  	[tilespmem:v13+s12+$0x0] =	vst.idx.msk vm13, v2  }
0x594: {  	v31 =	vld [tilespmem:$0xB0];
	_ =	sdelay $0x3  }
0x595: {  	v34 =	vimm.s32 $0x0  }
0x596: {  	v32 =	vshll.u32 v31, $0x9;
	v33 =	vshll.u32 v31, $0x7;
	v14 =	vadd.s32 $0xFFFFFDA8, v31  }
0x597: {  	v15 =	vand.u32 $0xFFFFF000, v32;
	v16 =	vand.u32 $0x380, v33;
	vm14 =	vlt.u32 v14, $0xC8  }
0x598: {  	v36 =	vor.u32 $0xFFFB5430, v0;
	v14 =	vsel vm14, $0xFFFFFFFF, v34;
	v35 =	vor.u32 v16, v15  }
0x599: {  	[tilespmem:$0x1FB60] =	vst v14;
	v14 =	vadd.s32 v36, v35;
	_ =	sdelay $0x4  }
0x59a: {  	[tilespmem:v14+s12+$0x0] =	vst.idx.msk vm14, v2  }
0x59b: {  	v38 =	vld [tilespmem:$0xC0];
	_ =	sdelay $0x3  }
0x59c: {  	v41 =	vimm.s32 $0x0  }
0x59d: {  	v39 =	vshll.u32 v38, $0x9;
	v40 =	vshll.u32 v38, $0x7;
	v15 =	vadd.s32 $0xFFFFFDA8, v38  }
0x59e: {  	v16 =	vand.u32 $0xFFFFF000, v39;
	v17 =	vand.u32 $0x380, v40;
	vm15 =	vlt.u32 v15, $0xC8  }
0x59f: {  	v43 =	vor.u32 $0xFFFB5440, v0;
	v15 =	vsel vm15, $0xFFFFFFFF, v41;
	v42 =	vor.u32 v17, v16  }
0x5a0: {  	[tilespmem:$0x1FB70] =	vst v15;
	v15 =	vadd.s32 v43, v42;
	_ =	sdelay $0x4  }
0x5a1: {  	[tilespmem:v15+s12+$0x0] =	vst.idx.msk vm15, v2  }
0x5a2: {  	v44 =	vld [tilespmem:$0xD0];
	_ =	sdelay $0x3  }
0x5a3: {  	v47 =	vimm.s32 $0x0  }
0x5a4: {  	v45 =	vshll.u32 v44, $0x9;
	v46 =	vshll.u32 v44, $0x7;
	v16 =	vadd.s32 $0xFFFFFDA8, v44  }
0x5a5: {  	v17 =	vand.u32 $0xFFFFF000, v45;
	v18 =	vand.u32 $0x380, v46;
	vm4 =	vlt.u32 v16, $0xC8  }
0x5a6: {  	v49 =	vor.u32 $0xFFFB5450, v0;
	v16 =	vsel vm4, $0xFFFFFFFF, v47;
	v48 =	vor.u32 v18, v17  }
0x5a7: {  	[tilespmem:$0x1FB80] =	vst v16;
	v16 =	vadd.s32 v49, v48;
	_ =	sdelay $0x4  }
0x5a8: {  	[tilespmem:v16+s12+$0x0] =	vst.idx.msk vm4, v2  }
0x5a9: {  	v50 =	vld [tilespmem:$0xE0];
	_ =	sdelay $0x3  }
0x5aa: {  	v53 =	vimm.s32 $0x0  }
0x5ab: {  	v51 =	vshll.u32 v50, $0x9;
	v52 =	vshll.u32 v50, $0x7;
	v17 =	vadd.s32 $0xFFFFFDA8, v50  }
0x5ac: {  	v18 =	vand.u32 $0xFFFFF000, v51;
	v19 =	vand.u32 $0x380, v52;
	vm5 =	vlt.u32 v17, $0xC8  }
0x5ad: {  	v55 =	vor.u32 $0xFFFB5460, v0;
	v17 =	vsel vm5, $0xFFFFFFFF, v53;
	v54 =	vor.u32 v19, v18  }
0x5ae: {  	[tilespmem:$0x1FB90] =	vst v17;
	v17 =	vadd.s32 v55, v54;
	_ =	sdelay $0x4  }
0x5af: {  	[tilespmem:v17+s12+$0x0] =	vst.idx.msk vm5, v2  }
0x5b0: {  	v56 =	vld [tilespmem:$0xF0];
	_ =	sdelay $0x3  }
0x5b1: {  	v59 =	vimm.s32 $0x0  }
0x5b2: {  	v57 =	vshll.u32 v56, $0x9;
	v58 =	vshll.u32 v56, $0x7;
	v18 =	vadd.s32 $0xFFFFFDA8, v56  }
0x5b3: {  	v19 =	vand.u32 $0xFFFFF000, v57;
	v20 =	vand.u32 $0x380, v58;
	vm6 =	vlt.u32 v18, $0xC8  }
0x5b4: {  	v61 =	vor.u32 $0xFFFB5470, v0;
	v18 =	vsel vm6, $0xFFFFFFFF, v59;
	v60 =	vor.u32 v20, v19  }
0x5b5: {  	[tilespmem:$0x1FBA0] =	vst v18;
	v18 =	vadd.s32 v61, v60;
	_ =	sdelay $0x4  }
0x5b6: {  	[tilespmem:v18+s12+$0x0] =	vst.idx.msk vm6, v2  }
0x5b7: {  	v62 =	vld [tilespmem:$0x100];
	_ =	sdelay $0x3  }
0x5b8: {  	v26 =	vimm.s32 $0x0  }
0x5b9: {  	v63 =	vshll.u32 v62, $0x9;
	v24 =	vshll.u32 v62, $0x7;
	v19 =	vadd.s32 $0xFFFFFDA8, v62  }
0x5ba: {  	v20 =	vand.u32 $0xFFFFF000, v63;
	v21 =	vand.u32 $0x380, v24;
	vm7 =	vlt.u32 v19, $0xC8  }
0x5bb: {  	v25 =	vor.u32 $0xFFFB5800, v0;
	v20 =	vor.u32 v21, v20;
	v19 =	vsel vm7, $0xFFFFFFFF, v26  }
0x5bc: {  	[tilespmem:$0x1FBB0] =	vst v19;
	v19 =	vadd.s32 v25, v20;
	_ =	sdelay $0x4  }
0x5bd: {  	[tilespmem:v19+s12+$0x0] =	vst.idx.msk vm7, v2  }
0x5be: {  	v27 =	vld [tilespmem:$0x110];
	_ =	sdelay $0x4  }
0x5bf: {  	v28 =	vshll.u32 v27, $0x9;
	v29 =	vshll.u32 v27, $0x7  }
0x5c0: {  	v20 =	vadd.s32 $0xFFFFFDA8, v27;
	v21 =	vand.u32 $0xFFFFF000, v28;
	v22 =	vand.u32 $0x380, v29  }
0x5c1: {  	v30 =	vor.u32 $0xFFFB5810, v0;
	vm14 =	vlt.u32 v20, $0xC8;
	v21 =	vor.u32 v22, v21  }
0x5c2: {  	v20 =	vadd.s32 v30, v21;
	_ =	sdelay $0x4  }
0x5c3: {  	[tilespmem:v20+s12+$0x0] =	vst.idx.msk vm14, v2  }
0x5c4: {  	v31 =	vld [tilespmem:$0x120];
	_ =	sdelay $0x4  }
0x5c5: {  	v32 =	vshll.u32 v31, $0x9;
	v33 =	vshll.u32 v31, $0x7  }
0x5c6: {  	v21 =	vadd.s32 $0xFFFFFDA8, v31;
	v22 =	vand.u32 $0xFFFFF000, v32;
	v23 =	vand.u32 $0x380, v33  }
0x5c7: {  	v34 =	vor.u32 $0xFFFB5820, v0;
	vm13 =	vlt.u32 v21, $0xC8;
	v22 =	vor.u32 v23, v22  }
0x5c8: {  	v21 =	vadd.s32 v34, v22;
	_ =	sdelay $0x4  }
0x5c9: {  	[tilespmem:v21+s12+$0x0] =	vst.idx.msk vm13, v2  }
0x5ca: {  	v35 =	vld [tilespmem:$0x130];
	_ =	sdelay $0x4  }
0x5cb: {  	v36 =	vshll.u32 v35, $0x9;
	v38 =	vshll.u32 v35, $0x7  }
0x5cc: {  	v22 =	vadd.s32 $0xFFFFFDA8, v35;
	v23 =	vand.u32 $0xFFFFF000, v36;
	v24 =	vand.u32 $0x380, v38  }
0x5cd: {  	v39 =	vor.u32 $0xFFFB5830, v0;
	vm12 =	vlt.u32 v22, $0xC8;
	v23 =	vor.u32 v24, v23  }
0x5ce: {  	v22 =	vadd.s32 v39, v23;
	_ =	sdelay $0x4  }
0x5cf: {  	[tilespmem:v22+s12+$0x0] =	vst.idx.msk vm12, v2  }
0x5d0: {  	v40 =	vld [tilespmem:$0x140];
	_ =	sdelay $0x4  }
0x5d1: {  	v41 =	vshll.u32 v40, $0x9;
	v42 =	vshll.u32 v40, $0x7  }
0x5d2: {  	v23 =	vadd.s32 $0xFFFFFDA8, v40;
	v24 =	vand.u32 $0xFFFFF000, v41;
	v25 =	vand.u32 $0x380, v42  }
0x5d3: {  	v43 =	vor.u32 $0xFFFB5840, v0;
	vm11 =	vlt.u32 v23, $0xC8;
	v24 =	vor.u32 v25, v24  }
0x5d4: {  	v23 =	vadd.s32 v43, v24;
	_ =	sdelay $0x4  }
0x5d5: {  	[tilespmem:v23+s12+$0x0] =	vst.idx.msk vm11, v2  }
0x5d6: {  	v44 =	vld [tilespmem:$0x150];
	_ =	sdelay $0x4  }
0x5d7: {  	v45 =	vshll.u32 v44, $0x9;
	v46 =	vshll.u32 v44, $0x7  }
0x5d8: {  	v24 =	vadd.s32 $0xFFFFFDA8, v44;
	v25 =	vand.u32 $0xFFFFF000, v45;
	v26 =	vand.u32 $0x380, v46  }
0x5d9: {  	v47 =	vor.u32 $0xFFFB5850, v0;
	vm10 =	vlt.u32 v24, $0xC8;
	v25 =	vor.u32 v26, v25  }
0x5da: {  	v24 =	vadd.s32 v47, v25;
	_ =	sdelay $0x4  }
0x5db: {  	[tilespmem:v24+s12+$0x0] =	vst.idx.msk vm10, v2  }
0x5dc: {  	v48 =	vld [tilespmem:$0x160];
	_ =	sdelay $0x4  }
0x5dd: {  	v49 =	vshll.u32 v48, $0x9;
	v50 =	vshll.u32 v48, $0x7  }
0x5de: {  	v25 =	vadd.s32 $0xFFFFFDA8, v48;
	v26 =	vand.u32 $0xFFFFF000, v49;
	v27 =	vand.u32 $0x380, v50  }
0x5df: {  	v51 =	vor.u32 $0xFFFB5860, v0;
	vm9 =	vlt.u32 v25, $0xC8;
	v26 =	vor.u32 v27, v26  }
0x5e0: {  	v25 =	vadd.s32 v51, v26;
	_ =	sdelay $0x4  }
0x5e1: {  	[tilespmem:v25+s12+$0x0] =	vst.idx.msk vm9, v2  }
0x5e2: {  	v52 =	vld [tilespmem:$0x170];
	_ =	sdelay $0x4  }
0x5e3: {  	v53 =	vshll.u32 v52, $0x9;
	v54 =	vshll.u32 v52, $0x7  }
0x5e4: {  	v26 =	vadd.s32 $0xFFFFFDA8, v52;
	v27 =	vand.u32 $0xFFFFF000, v53;
	v28 =	vand.u32 $0x380, v54  }
0x5e5: {  	v55 =	vor.u32 $0xFFFB5870, v0;
	vm8 =	vlt.u32 v26, $0xC8;
	v27 =	vor.u32 v28, v27  }
0x5e6: {  	v26 =	vadd.s32 v55, v27;
	_ =	sdelay $0x4  }
0x5e7: {  	[tilespmem:v26+s12+$0x0] =	vst.idx.msk vm8, v2  }
0x5e8: {  	v56 =	vld [tilespmem:$0x180];
	_ =	sdelay $0x4  }
0x5e9: {  	v57 =	vshll.u32 v56, $0x9;
	v58 =	vshll.u32 v56, $0x7  }
0x5ea: {  	v27 =	vadd.s32 $0xFFFFFDA8, v56;
	v28 =	vand.u32 $0xFFFFF000, v57;
	v29 =	vand.u32 $0x380, v58  }
0x5eb: {  	v59 =	vor.u32 $0xFFFB5C00, v0;
	vm7 =	vlt.u32 v27, $0xC8;
	v28 =	vor.u32 v29, v28  }
0x5ec: {  	v27 =	vadd.s32 v59, v28;
	_ =	sdelay $0x4  }
0x5ed: {  	[tilespmem:v27+s12+$0x0] =	vst.idx.msk vm7, v2  }
0x5ee: {  	v60 =	vld [tilespmem:$0x190];
	_ =	sdelay $0x4  }
0x5ef: {  	v61 =	vshll.u32 v60, $0x9;
	v62 =	vshll.u32 v60, $0x7  }
0x5f0: {  	v28 =	vadd.s32 $0xFFFFFDA8, v60;
	v29 =	vand.u32 $0xFFFFF000, v61;
	v30 =	vand.u32 $0x380, v62  }
0x5f1: {  	v63 =	vor.u32 $0xFFFB5C10, v0;
	vm6 =	vlt.u32 v28, $0xC8;
	v29 =	vor.u32 v30, v29  }
0x5f2: {  	v28 =	vadd.s32 v63, v29;
	_ =	sdelay $0x4  }
0x5f3: {  	[tilespmem:v28+s12+$0x0] =	vst.idx.msk vm6, v2  }
0x5f4: {  	v33 =	vld [tilespmem:$0x1A0];
	_ =	sdelay $0x4  }
0x5f5: {  	v34 =	vshll.u32 v33, $0x9;
	v35 =	vshll.u32 v33, $0x7  }
0x5f6: {  	v29 =	vadd.s32 $0xFFFFFDA8, v33;
	v30 =	vand.u32 $0xFFFFF000, v34;
	v31 =	vand.u32 $0x380, v35  }
0x5f7: {  	v36 =	vor.u32 $0xFFFB5C20, v0;
	vm5 =	vlt.u32 v29, $0xC8;
	v30 =	vor.u32 v31, v30  }
0x5f8: {  	v29 =	vadd.s32 v36, v30;
	_ =	sdelay $0x4  }
0x5f9: {  	[tilespmem:v29+s12+$0x0] =	vst.idx.msk vm5, v2  }
0x5fa: {  	v38 =	vld [tilespmem:$0x1B0];
	_ =	sdelay $0x4  }
0x5fb: {  	v39 =	vshll.u32 v38, $0x9;
	v40 =	vshll.u32 v38, $0x7  }
0x5fc: {  	v30 =	vadd.s32 $0xFFFFFDA8, v38;
	v31 =	vand.u32 $0xFFFFF000, v39;
	v32 =	vand.u32 $0x380, v40  }
0x5fd: {  	v41 =	vor.u32 $0xFFFB5C30, v0;
	vm4 =	vlt.u32 v30, $0xC8;
	v31 =	vor.u32 v32, v31  }
0x5fe: {  	v42 =	vadd.s32 v41, v31;
	_ =	sdelay $0x4  }
0x5ff: {  	[tilespmem:v42+s12+$0x0] =	vst.idx.msk vm4, v2  }
0x600: {  	v43 =	vld [tilespmem:$0x1C0];
	_ =	sdelay $0x4  }
0x601: {  	v44 =	vshll.u32 v43, $0x9;
	v45 =	vshll.u32 v43, $0x7  }
0x602: {  	v31 =	vadd.s32 $0xFFFFFDA8, v43;
	v32 =	vand.u32 $0xFFFFF000, v44;
	v33 =	vand.u32 $0x380, v45  }
0x603: {  	v46 =	vor.u32 $0xFFFB5C40, v0;
	vm3 =	vlt.u32 v31, $0xC8;
	v32 =	vor.u32 v33, v32  }
0x604: {  	v47 =	vadd.s32 v46, v32;
	_ =	sdelay $0x4  }
0x605: {  	[tilespmem:v47+s12+$0x0] =	vst.idx.msk vm3, v2  }
0x606: {  	v48 =	vld [tilespmem:$0x1D0];
	_ =	sdelay $0x4  }
0x607: {  	v49 =	vshll.u32 v48, $0x9;
	v50 =	vshll.u32 v48, $0x7  }
0x608: {  	v32 =	vadd.s32 $0xFFFFFDA8, v48;
	v33 =	vand.u32 $0xFFFFF000, v49;
	v34 =	vand.u32 $0x380, v50  }
0x609: {  	v51 =	vor.u32 $0xFFFB5C50, v0;
	vm2 =	vlt.u32 v32, $0xC8;
	v33 =	vor.u32 v34, v33  }
0x60a: {  	v52 =	vadd.s32 v51, v33;
	_ =	sdelay $0x4  }
0x60b: {  	[tilespmem:v52+s12+$0x0] =	vst.idx.msk vm2, v2  }
0x60c: {  	v53 =	vld [tilespmem:$0x1E0];
	_ =	sdelay $0x4  }
0x60d: {  	v54 =	vshll.u32 v53, $0x9;
	v55 =	vshll.u32 v53, $0x7  }
0x60e: {  	v33 =	vadd.s32 $0xFFFFFDA8, v53;
	v34 =	vand.u32 $0xFFFFF000, v54;
	v35 =	vand.u32 $0x380, v55  }
0x60f: {  	v56 =	vor.u32 $0xFFFB5C60, v0;
	vm1 =	vlt.u32 v33, $0xC8;
	v34 =	vor.u32 v35, v34  }
0x610: {  	v57 =	vadd.s32 v56, v34;
	_ =	sdelay $0x4  }
0x611: {  	[tilespmem:v57+s12+$0x0] =	vst.idx.msk vm1, v2  }
0x612: {  	v58 =	vld [tilespmem:$0x1F0];
	_ =	sdelay $0x4  }
0x613: {  	v59 =	vshll.u32 v58, $0x9;
	v60 =	vshll.u32 v58, $0x7  }
0x614: {  	v34 =	vadd.s32 $0xFFFFFDA8, v58;
	v35 =	vand.u32 $0xFFFFF000, v59;
	v36 =	vand.u32 $0x380, v60  }
0x615: {  	v61 =	vor.u32 $0xFFFB5C70, v0;
	vm0 =	vlt.u32 v34, $0xC8;
	v35 =	vor.u32 v36, v35  }
0x616: {  	v62 =	vadd.s32 v61, v35;
	_ =	sdelay $0x4  }
0x617: {  	[tilespmem:v62+s12+$0x0] =	vst.idx.msk vm0, v2  }
0x618: {  	[hbm4b:s8+s13] =	stream.strided.scatter [tilespmem:s12], [sflag:$0x2], $0x19000, s14, s13, $0x38;
	[tilespmem:$0x19200] =	vst v63  }
0x619: {  	_ =	swait.ge [sflag:s16], $0x19000  }
0x61a: {  	v63 =	vld [tilespmem:$0x1FAB0];
	_ =	sdelay $0x4  }
0x61b: {  	vm15 =	vnez.u8 v63;
	_ =	sdelay $0x3  }
0x61c: {  	[sflag:s16] =	ssyncset.done $0x0  }
0x61d: {  	[sflag:s16] =	ssyncadd.s32 $0xFFFE7000  }
0x61e: {  	[tilespmem:v3+s12+$0x0] =	vst.idx.msk vm15, v1;
	v3 =	vld [tilespmem:$0x1FAC0];
	_ =	sdelay $0x4  }
0x61f: {  	vm15 =	vnez.u8 v3  }
0x620: {  	v3 =	vld [tilespmem:$0x1FAD0];
	_ =	sdelay $0x4  }
0x621: {  	[tilespmem:v4+s12+$0x0] =	vst.idx.msk vm15, v1;
	vm15 =	vnez.u8 v3  }
0x622: {  	v3 =	vld [tilespmem:$0x1FAE0];
	_ =	sdelay $0x4  }
0x623: {  	[tilespmem:v5+s12+$0x0] =	vst.idx.msk vm15, v1;
	vm15 =	vnez.u8 v3  }
0x624: {  	v3 =	vld [tilespmem:$0x1FAF0];
	_ =	sdelay $0x4  }
0x625: {  	[tilespmem:v6+s12+$0x0] =	vst.idx.msk vm15, v1;
	vm15 =	vnez.u8 v3  }
0x626: {  	v3 =	vld [tilespmem:$0x1FB00];
	_ =	sdelay $0x4  }
0x627: {  	[tilespmem:v7+s12+$0x0] =	vst.idx.msk vm15, v1;
	vm15 =	vnez.u8 v3  }
0x628: {  	v3 =	vld [tilespmem:$0x1FB10];
	_ =	sdelay $0x4  }
0x629: {  	[tilespmem:v8+s12+$0x0] =	vst.idx.msk vm15, v1;
	vm15 =	vnez.u8 v3  }
0x62a: {  	v3 =	vld [tilespmem:$0x1FB20];
	_ =	sdelay $0x4  }
0x62b: {  	[tilespmem:v9+s12+$0x0] =	vst.idx.msk vm15, v1;
	vm15 =	vnez.u8 v3  }
0x62c: {  	v3 =	vld [tilespmem:$0x1FB30];
	_ =	sdelay $0x4  }
0x62d: {  	[tilespmem:v10+s12+$0x0] =	vst.idx.msk vm15, v1;
	vm15 =	vnez.u8 v3  }
0x62e: {  	v3 =	vld [tilespmem:$0x1FB40];
	_ =	sdelay $0x4  }
0x62f: {  	[tilespmem:v11+s12+$0x0] =	vst.idx.msk vm15, v1;
	vm15 =	vnez.u8 v3  }
0x630: {  	v3 =	vld [tilespmem:$0x1FB50];
	_ =	sdelay $0x4  }
0x631: {  	[tilespmem:v12+s12+$0x0] =	vst.idx.msk vm15, v1;
	vm15 =	vnez.u8 v3  }
0x632: {  	v3 =	vld [tilespmem:$0x1FB60];
	_ =	sdelay $0x4  }
0x633: {  	[tilespmem:v13+s12+$0x0] =	vst.idx.msk vm15, v1;
	vm15 =	vnez.u8 v3  }
0x634: {  	v3 =	vld [tilespmem:$0x1FB70];
	_ =	sdelay $0x4  }
0x635: {  	[tilespmem:v14+s12+$0x0] =	vst.idx.msk vm15, v1;
	vm15 =	vnez.u8 v3  }
0x636: {  	v3 =	vld [tilespmem:$0x1FB80];
	_ =	sdelay $0x4  }
0x637: {  	[tilespmem:v15+s12+$0x0] =	vst.idx.msk vm15, v1;
	vm15 =	vnez.u8 v3  }
0x638: {  	v3 =	vld [tilespmem:$0x1FB90];
	_ =	sdelay $0x4  }
0x639: {  	[tilespmem:v16+s12+$0x0] =	vst.idx.msk vm15, v1;
	vm15 =	vnez.u8 v3  }
0x63a: {  	v3 =	vld [tilespmem:$0x1FBA0];
	_ =	sdelay $0x4  }
0x63b: {  	[tilespmem:v17+s12+$0x0] =	vst.idx.msk vm15, v1;
	vm15 =	vnez.u8 v3  }
0x63c: {  	v3 =	vld [tilespmem:$0x1FBB0];
	_ =	sdelay $0x4  }
0x63d: {  	[tilespmem:v18+s12+$0x0] =	vst.idx.msk vm15, v1;
	vm15 =	vnez.u8 v3;
	_ =	sdelay $0x5  }
0x63e: {  	[tilespmem:v19+s12+$0x0] =	vst.idx.msk vm15, v1  }
0x63f: {  	[tilespmem:v20+s12+$0x0] =	vst.idx.msk vm14, v1  }
0x640: {  	[tilespmem:v21+s12+$0x0] =	vst.idx.msk vm13, v1  }
0x641: {  	[tilespmem:v22+s12+$0x0] =	vst.idx.msk vm12, v1  }
0x642: {  	[tilespmem:v23+s12+$0x0] =	vst.idx.msk vm11, v1  }
0x643: {  	[tilespmem:v24+s12+$0x0] =	vst.idx.msk vm10, v1  }
0x644: {  	[tilespmem:v25+s12+$0x0] =	vst.idx.msk vm9, v1  }
0x645: {  	[tilespmem:v26+s12+$0x0] =	vst.idx.msk vm8, v1  }
0x646: {  	[tilespmem:v27+s12+$0x0] =	vst.idx.msk vm7, v1  }
0x647: {  	[tilespmem:v28+s12+$0x0] =	vst.idx.msk vm6, v1  }
0x648: {  	[tilespmem:v29+s12+$0x0] =	vst.idx.msk vm5, v1  }
0x649: {  	[tilespmem:v42+s12+$0x0] =	vst.idx.msk vm4, v1  }
0x64a: {  	[tilespmem:v47+s12+$0x0] =	vst.idx.msk vm3, v1  }
0x64b: {  	[tilespmem:v52+s12+$0x0] =	vst.idx.msk vm2, v1  }
0x64c: {  	[tilespmem:v57+s12+$0x0] =	vst.idx.msk vm1, v1  }
0x64d: {  	[tilespmem:v62+s12+$0x0] =	vst.idx.msk vm0, v1  }
0x64e: {  	v3 =	vld [tilespmem:$0x0];
	_ =	sdelay $0x4  }
0x64f: {  	v22 =	vshll.u32 v3, $0x9;
	v23 =	vshll.u32 v3, $0x7  }
0x650: {  	v3 =	vadd.s32 $0xFFFFFCE0, v3;
	v4 =	vand.u32 $0xFFFFF000, v22;
	v5 =	vand.u32 $0x380, v23  }
0x651: {  	v24 =	vor.u32 $0xFFF9C000, v0;
	vm8 =	vlt.u32 v3, $0xC8;
	v3 =	vor.u32 v5, v4  }
0x652: {  	v3 =	vadd.s32 v24, v3;
	_ =	sdelay $0x4  }
0x653: {  	[tilespmem:v3+s12+$0x0] =	vst.idx.msk vm8, v2  }
0x654: {  	v3 =	vld [tilespmem:$0x10];
	_ =	sdelay $0x4  }
0x655: {  	v25 =	vshll.u32 v3, $0x9;
	v26 =	vshll.u32 v3, $0x7  }
0x656: {  	v3 =	vadd.s32 $0xFFFFFCE0, v3;
	v4 =	vand.u32 $0xFFFFF000, v25;
	v5 =	vand.u32 $0x380, v26  }
0x657: {  	v27 =	vor.u32 $0xFFF9C010, v0;
	vm9 =	vlt.u32 v3, $0xC8;
	v3 =	vor.u32 v5, v4  }
0x658: {  	v3 =	vadd.s32 v27, v3;
	_ =	sdelay $0x4  }
0x659: {  	[tilespmem:v3+s12+$0x0] =	vst.idx.msk vm9, v2  }
0x65a: {  	v3 =	vld [tilespmem:$0x20];
	_ =	sdelay $0x4  }
0x65b: {  	v28 =	vshll.u32 v3, $0x9;
	v29 =	vshll.u32 v3, $0x7  }
0x65c: {  	v3 =	vadd.s32 $0xFFFFFCE0, v3;
	v4 =	vand.u32 $0xFFFFF000, v28;
	v5 =	vand.u32 $0x380, v29  }
0x65d: {  	v30 =	vor.u32 $0xFFF9C020, v0;
	vm10 =	vlt.u32 v3, $0xC8;
	v3 =	vor.u32 v5, v4  }
0x65e: {  	v3 =	vadd.s32 v30, v3;
	_ =	sdelay $0x4  }
0x65f: {  	[tilespmem:v3+s12+$0x0] =	vst.idx.msk vm10, v2  }
0x660: {  	v3 =	vld [tilespmem:$0x30];
	_ =	sdelay $0x4  }
0x661: {  	v31 =	vshll.u32 v3, $0x9;
	v32 =	vshll.u32 v3, $0x7  }
0x662: {  	v3 =	vadd.s32 $0xFFFFFCE0, v3;
	v4 =	vand.u32 $0xFFFFF000, v31;
	v5 =	vand.u32 $0x380, v32  }
0x663: {  	v33 =	vor.u32 $0xFFF9C030, v0;
	vm11 =	vlt.u32 v3, $0xC8;
	v3 =	vor.u32 v5, v4  }
0x664: {  	v3 =	vadd.s32 v33, v3;
	_ =	sdelay $0x4  }
0x665: {  	[tilespmem:v3+s12+$0x0] =	vst.idx.msk vm11, v2  }
0x666: {  	v3 =	vld [tilespmem:$0x40];
	_ =	sdelay $0x4  }
0x667: {  	v34 =	vshll.u32 v3, $0x9;
	v35 =	vshll.u32 v3, $0x7  }
0x668: {  	v3 =	vadd.s32 $0xFFFFFCE0, v3;
	v4 =	vand.u32 $0xFFFFF000, v34;
	v5 =	vand.u32 $0x380, v35  }
0x669: {  	v36 =	vor.u32 $0xFFF9C040, v0;
	vm12 =	vlt.u32 v3, $0xC8;
	v3 =	vor.u32 v5, v4  }
0x66a: {  	v3 =	vadd.s32 v36, v3;
	_ =	sdelay $0x4  }
0x66b: {  	[tilespmem:v3+s12+$0x0] =	vst.idx.msk vm12, v2  }
0x66c: {  	v3 =	vld [tilespmem:$0x50];
	_ =	sdelay $0x4  }
0x66d: {  	v38 =	vshll.u32 v3, $0x9;
	v39 =	vshll.u32 v3, $0x7  }
0x66e: {  	v3 =	vadd.s32 $0xFFFFFCE0, v3;
	v4 =	vand.u32 $0xFFFFF000, v38;
	v5 =	vand.u32 $0x380, v39  }
0x66f: {  	v40 =	vor.u32 $0xFFF9C050, v0;
	vm13 =	vlt.u32 v3, $0xC8;
	v3 =	vor.u32 v5, v4  }
0x670: {  	v3 =	vadd.s32 v40, v3;
	_ =	sdelay $0x4  }
0x671: {  	[tilespmem:v3+s12+$0x0] =	vst.idx.msk vm13, v2  }
0x672: {  	v3 =	vld [tilespmem:$0x60];
	_ =	sdelay $0x4  }
0x673: {  	v41 =	vshll.u32 v3, $0x9;
	v42 =	vshll.u32 v3, $0x7  }
0x674: {  	v3 =	vadd.s32 $0xFFFFFCE0, v3;
	v4 =	vand.u32 $0xFFFFF000, v41;
	v5 =	vand.u32 $0x380, v42  }
0x675: {  	v43 =	vor.u32 $0xFFF9C060, v0;
	vm14 =	vlt.u32 v3, $0xC8;
	v3 =	vor.u32 v5, v4  }
0x676: {  	v3 =	vadd.s32 v43, v3;
	_ =	sdelay $0x4  }
0x677: {  	[tilespmem:v3+s12+$0x0] =	vst.idx.msk vm14, v2  }
0x678: {  	v3 =	vld [tilespmem:$0x70];
	_ =	sdelay $0x4  }
0x679: {  	v44 =	vshll.u32 v3, $0x9;
	v45 =	vshll.u32 v3, $0x7  }
0x67a: {  	v3 =	vadd.s32 $0xFFFFFCE0, v3;
	v4 =	vand.u32 $0xFFFFF000, v44;
	v5 =	vand.u32 $0x380, v45  }
0x67b: {  	v46 =	vor.u32 $0xFFF9C070, v0;
	vm15 =	vlt.u32 v3, $0xC8;
	v3 =	vor.u32 v5, v4  }
0x67c: {  	v3 =	vadd.s32 v46, v3;
	_ =	sdelay $0x4  }
0x67d: {  	[tilespmem:v3+s12+$0x0] =	vst.idx.msk vm15, v2  }
0x67e: {  	v3 =	vld [tilespmem:$0x80];
	_ =	sdelay $0x4  }
0x67f: {  	v47 =	vshll.u32 v3, $0x9;
	v48 =	vshll.u32 v3, $0x7  }
0x680: {  	v3 =	vadd.s32 $0xFFFFFCE0, v3;
	v4 =	vand.u32 $0xFFFFF000, v47;
	v5 =	vand.u32 $0x380, v48  }
0x681: {  	v49 =	vor.u32 $0xFFF9C400, v0;
	vm4 =	vlt.u32 v3, $0xC8;
	v3 =	vor.u32 v5, v4  }
0x682: {  	v3 =	vadd.s32 v49, v3;
	_ =	sdelay $0x4  }
0x683: {  	[tilespmem:v3+s12+$0x0] =	vst.idx.msk vm4, v2  }
0x684: {  	v3 =	vld [tilespmem:$0x90];
	_ =	sdelay $0x4  }
0x685: {  	v50 =	vshll.u32 v3, $0x9;
	v51 =	vshll.u32 v3, $0x7  }
0x686: {  	v3 =	vadd.s32 $0xFFFFFCE0, v3;
	v4 =	vand.u32 $0xFFFFF000, v50;
	v5 =	vand.u32 $0x380, v51  }
0x687: {  	v52 =	vor.u32 $0xFFF9C410, v0;
	vm5 =	vlt.u32 v3, $0xC8;
	v3 =	vor.u32 v5, v4  }
0x688: {  	v3 =	vadd.s32 v52, v3;
	_ =	sdelay $0x4  }
0x689: {  	[tilespmem:v3+s12+$0x0] =	vst.idx.msk vm5, v2  }
0x68a: {  	v3 =	vld [tilespmem:$0xA0];
	_ =	sdelay $0x4  }
0x68b: {  	v53 =	vshll.u32 v3, $0x9;
	v54 =	vshll.u32 v3, $0x7  }
0x68c: {  	v3 =	vadd.s32 $0xFFFFFCE0, v3;
	v4 =	vand.u32 $0xFFFFF000, v53;
	v5 =	vand.u32 $0x380, v54  }
0x68d: {  	v55 =	vor.u32 $0xFFF9C420, v0;
	vm6 =	vlt.u32 v3, $0xC8;
	v3 =	vor.u32 v5, v4  }
0x68e: {  	v3 =	vadd.s32 v55, v3;
	_ =	sdelay $0x4  }
0x68f: {  	[tilespmem:v3+s12+$0x0] =	vst.idx.msk vm6, v2  }
0x690: {  	v3 =	vld [tilespmem:$0xB0];
	_ =	sdelay $0x4  }
0x691: {  	v56 =	vshll.u32 v3, $0x9;
	v57 =	vshll.u32 v3, $0x7  }
0x692: {  	v3 =	vadd.s32 $0xFFFFFCE0, v3;
	v4 =	vand.u32 $0xFFFFF000, v56;
	v5 =	vand.u32 $0x380, v57  }
0x693: {  	v58 =	vor.u32 $0xFFF9C430, v0;
	vm7 =	vlt.u32 v3, $0xC8;
	v3 =	vor.u32 v5, v4  }
0x694: {  	v3 =	vadd.s32 v58, v3;
	_ =	sdelay $0x4  }
0x695: {  	[tilespmem:v3+s12+$0x0] =	vst.idx.msk vm7, v2  }
0x696: {  	v3 =	vld [tilespmem:$0xC0];
	_ =	sdelay $0x4  }
0x697: {  	v59 =	vshll.u32 v3, $0x9;
	v60 =	vshll.u32 v3, $0x7  }
0x698: {  	v3 =	vadd.s32 $0xFFFFFCE0, v3;
	v4 =	vand.u32 $0xFFFFF000, v59;
	v5 =	vand.u32 $0x380, v60  }
0x699: {  	v61 =	vor.u32 $0xFFF9C440, v0;
	vm8 =	vlt.u32 v3, $0xC8;
	v3 =	vor.u32 v5, v4  }
0x69a: {  	v3 =	vadd.s32 v61, v3;
	_ =	sdelay $0x4  }
0x69b: {  	[tilespmem:v3+s12+$0x0] =	vst.idx.msk vm8, v2  }
0x69c: {  	v3 =	vld [tilespmem:$0xD0];
	_ =	sdelay $0x4  }
0x69d: {  	v62 =	vshll.u32 v3, $0x9;
	v63 =	vshll.u32 v3, $0x7  }
0x69e: {  	v3 =	vadd.s32 $0xFFFFFCE0, v3;
	v4 =	vand.u32 $0xFFFFF000, v62;
	v5 =	vand.u32 $0x380, v63  }
0x69f: {  	v8 =	vor.u32 $0xFFF9C450, v0;
	vm9 =	vlt.u32 v3, $0xC8;
	v3 =	vor.u32 v5, v4  }
0x6a0: {  	v3 =	vadd.s32 v8, v3;
	_ =	sdelay $0x4  }
0x6a1: {  	[tilespmem:v3+s12+$0x0] =	vst.idx.msk vm9, v2  }
0x6a2: {  	v3 =	vld [tilespmem:$0xE0];
	_ =	sdelay $0x4  }
0x6a3: {  	v9 =	vshll.u32 v3, $0x9;
	v10 =	vshll.u32 v3, $0x7  }
0x6a4: {  	v3 =	vadd.s32 $0xFFFFFCE0, v3;
	v4 =	vand.u32 $0xFFFFF000, v9;
	v5 =	vand.u32 $0x380, v10  }
0x6a5: {  	v11 =	vor.u32 $0xFFF9C460, v0;
	vm10 =	vlt.u32 v3, $0xC8;
	v3 =	vor.u32 v5, v4  }
0x6a6: {  	v3 =	vadd.s32 v11, v3;
	_ =	sdelay $0x4  }
0x6a7: {  	[tilespmem:v3+s12+$0x0] =	vst.idx.msk vm10, v2  }
0x6a8: {  	v3 =	vld [tilespmem:$0xF0];
	_ =	sdelay $0x4  }
0x6a9: {  	v12 =	vshll.u32 v3, $0x9;
	v13 =	vshll.u32 v3, $0x7  }
0x6aa: {  	v3 =	vadd.s32 $0xFFFFFCE0, v3;
	v4 =	vand.u32 $0xFFFFF000, v12;
	v5 =	vand.u32 $0x380, v13  }
0x6ab: {  	v14 =	vor.u32 $0xFFF9C470, v0;
	vm11 =	vlt.u32 v3, $0xC8;
	v3 =	vor.u32 v5, v4  }
0x6ac: {  	v3 =	vadd.s32 v14, v3;
	_ =	sdelay $0x4  }
0x6ad: {  	[tilespmem:v3+s12+$0x0] =	vst.idx.msk vm11, v2  }
0x6ae: {  	v3 =	vld [tilespmem:$0x100];
	_ =	sdelay $0x4  }
0x6af: {  	v15 =	vshll.u32 v3, $0x9;
	v16 =	vshll.u32 v3, $0x7  }
0x6b0: {  	v3 =	vadd.s32 $0xFFFFFCE0, v3;
	v4 =	vand.u32 $0xFFFFF000, v15;
	v5 =	vand.u32 $0x380, v16  }
0x6b1: {  	v17 =	vor.u32 $0xFFF9C800, v0;
	vm12 =	vlt.u32 v3, $0xC8;
	v3 =	vor.u32 v5, v4  }
0x6b2: {  	v3 =	vadd.s32 v17, v3;
	_ =	sdelay $0x4  }
0x6b3: {  	[tilespmem:v3+s12+$0x0] =	vst.idx.msk vm12, v2  }
0x6b4: {  	v3 =	vld [tilespmem:$0x110];
	_ =	sdelay $0x4  }
0x6b5: {  	v18 =	vshll.u32 v3, $0x9;
	v19 =	vshll.u32 v3, $0x7  }
0x6b6: {  	v3 =	vadd.s32 $0xFFFFFCE0, v3;
	v4 =	vand.u32 $0xFFFFF000, v18;
	v5 =	vand.u32 $0x380, v19  }
0x6b7: {  	v20 =	vor.u32 $0xFFF9C810, v0;
	vm13 =	vlt.u32 v3, $0xC8;
	v3 =	vor.u32 v5, v4  }
0x6b8: {  	v3 =	vadd.s32 v20, v3;
	_ =	sdelay $0x4  }
0x6b9: {  	[tilespmem:v3+s12+$0x0] =	vst.idx.msk vm13, v2  }
0x6ba: {  	v3 =	vld [tilespmem:$0x120];
	_ =	sdelay $0x4  }
0x6bb: {  	v21 =	vshll.u32 v3, $0x9;
	v22 =	vshll.u32 v3, $0x7  }
0x6bc: {  	v3 =	vadd.s32 $0xFFFFFCE0, v3;
	v4 =	vand.u32 $0xFFFFF000, v21;
	v5 =	vand.u32 $0x380, v22  }
0x6bd: {  	v23 =	vor.u32 $0xFFF9C820, v0;
	vm14 =	vlt.u32 v3, $0xC8;
	v3 =	vor.u32 v5, v4  }
0x6be: {  	v3 =	vadd.s32 v23, v3;
	_ =	sdelay $0x4  }
0x6bf: {  	[tilespmem:v3+s12+$0x0] =	vst.idx.msk vm14, v2  }
0x6c0: {  	v3 =	vld [tilespmem:$0x130];
	_ =	sdelay $0x4  }
0x6c1: {  	v24 =	vshll.u32 v3, $0x9;
	v25 =	vshll.u32 v3, $0x7  }
0x6c2: {  	v3 =	vadd.s32 $0xFFFFFCE0, v3;
	v4 =	vand.u32 $0xFFFFF000, v24;
	v5 =	vand.u32 $0x380, v25  }
0x6c3: {  	v26 =	vor.u32 $0xFFF9C830, v0;
	vm15 =	vlt.u32 v3, $0xC8;
	v3 =	vor.u32 v5, v4  }
0x6c4: {  	v3 =	vadd.s32 v26, v3;
	_ =	sdelay $0x4  }
0x6c5: {  	[tilespmem:v3+s12+$0x0] =	vst.idx.msk vm15, v2  }
0x6c6: {  	v3 =	vld [tilespmem:$0x140];
	_ =	sdelay $0x4  }
0x6c7: {  	v27 =	vshll.u32 v3, $0x9;
	v28 =	vshll.u32 v3, $0x7  }
0x6c8: {  	v3 =	vadd.s32 $0xFFFFFCE0, v3;
	v4 =	vand.u32 $0xFFFFF000, v27;
	v5 =	vand.u32 $0x380, v28  }
0x6c9: {  	v29 =	vor.u32 $0xFFF9C840, v0;
	vm4 =	vlt.u32 v3, $0xC8;
	v3 =	vor.u32 v5, v4  }
0x6ca: {  	v3 =	vadd.s32 v29, v3;
	_ =	sdelay $0x4  }
0x6cb: {  	[tilespmem:v3+s12+$0x0] =	vst.idx.msk vm4, v2  }
0x6cc: {  	v3 =	vld [tilespmem:$0x150];
	_ =	sdelay $0x4  }
0x6cd: {  	v30 =	vshll.u32 v3, $0x9;
	v31 =	vshll.u32 v3, $0x7  }
0x6ce: {  	v3 =	vadd.s32 $0xFFFFFCE0, v3;
	v4 =	vand.u32 $0xFFFFF000, v30;
	v5 =	vand.u32 $0x380, v31  }
0x6cf: {  	v32 =	vor.u32 $0xFFF9C850, v0;
	vm5 =	vlt.u32 v3, $0xC8;
	v3 =	vor.u32 v5, v4  }
0x6d0: {  	v3 =	vadd.s32 v32, v3;
	_ =	sdelay $0x4  }
0x6d1: {  	[tilespmem:v3+s12+$0x0] =	vst.idx.msk vm5, v2  }
0x6d2: {  	v3 =	vld [tilespmem:$0x160];
	_ =	sdelay $0x4  }
0x6d3: {  	v33 =	vshll.u32 v3, $0x9;
	v34 =	vshll.u32 v3, $0x7  }
0x6d4: {  	v3 =	vadd.s32 $0xFFFFFCE0, v3;
	v4 =	vand.u32 $0xFFFFF000, v33;
	v5 =	vand.u32 $0x380, v34  }
0x6d5: {  	v35 =	vor.u32 $0xFFF9C860, v0;
	vm6 =	vlt.u32 v3, $0xC8;
	v3 =	vor.u32 v5, v4  }
0x6d6: {  	v3 =	vadd.s32 v35, v3;
	_ =	sdelay $0x4  }
0x6d7: {  	[tilespmem:v3+s12+$0x0] =	vst.idx.msk vm6, v2  }
0x6d8: {  	v3 =	vld [tilespmem:$0x170];
	_ =	sdelay $0x4  }
0x6d9: {  	v36 =	vshll.u32 v3, $0x9;
	v38 =	vshll.u32 v3, $0x7  }
0x6da: {  	v3 =	vadd.s32 $0xFFFFFCE0, v3;
	v4 =	vand.u32 $0xFFFFF000, v36;
	v5 =	vand.u32 $0x380, v38  }
0x6db: {  	v39 =	vor.u32 $0xFFF9C870, v0;
	vm7 =	vlt.u32 v3, $0xC8;
	v3 =	vor.u32 v5, v4  }
0x6dc: {  	v3 =	vadd.s32 v39, v3;
	_ =	sdelay $0x4  }
0x6dd: {  	[tilespmem:v3+s12+$0x0] =	vst.idx.msk vm7, v2  }
0x6de: {  	v3 =	vld [tilespmem:$0x180];
	_ =	sdelay $0x4  }
0x6df: {  	v40 =	vshll.u32 v3, $0x9;
	v41 =	vshll.u32 v3, $0x7  }
0x6e0: {  	v3 =	vadd.s32 $0xFFFFFCE0, v3;
	v4 =	vand.u32 $0xFFFFF000, v40;
	v5 =	vand.u32 $0x380, v41  }
0x6e1: {  	v42 =	vor.u32 $0xFFF9CC00, v0;
	vm8 =	vlt.u32 v3, $0xC8;
	v3 =	vor.u32 v5, v4  }
0x6e2: {  	v3 =	vadd.s32 v42, v3;
	_ =	sdelay $0x4  }
0x6e3: {  	[tilespmem:v3+s12+$0x0] =	vst.idx.msk vm8, v2  }
0x6e4: {  	v3 =	vld [tilespmem:$0x190];
	_ =	sdelay $0x4  }
0x6e5: {  	v43 =	vshll.u32 v3, $0x9;
	v44 =	vshll.u32 v3, $0x7  }
0x6e6: {  	v3 =	vadd.s32 $0xFFFFFCE0, v3;
	v4 =	vand.u32 $0xFFFFF000, v43;
	v5 =	vand.u32 $0x380, v44  }
0x6e7: {  	v45 =	vor.u32 $0xFFF9CC10, v0;
	vm9 =	vlt.u32 v3, $0xC8;
	v3 =	vor.u32 v5, v4  }
0x6e8: {  	v3 =	vadd.s32 v45, v3;
	_ =	sdelay $0x4  }
0x6e9: {  	[tilespmem:v3+s12+$0x0] =	vst.idx.msk vm9, v2  }
0x6ea: {  	v3 =	vld [tilespmem:$0x1A0];
	_ =	sdelay $0x4  }
0x6eb: {  	v46 =	vshll.u32 v3, $0x9;
	v47 =	vshll.u32 v3, $0x7  }
0x6ec: {  	v3 =	vadd.s32 $0xFFFFFCE0, v3;
	v4 =	vand.u32 $0xFFFFF000, v46;
	v5 =	vand.u32 $0x380, v47  }
0x6ed: {  	v48 =	vor.u32 $0xFFF9CC20, v0;
	vm10 =	vlt.u32 v3, $0xC8;
	v3 =	vor.u32 v5, v4  }
0x6ee: {  	v3 =	vadd.s32 v48, v3;
	_ =	sdelay $0x4  }
0x6ef: {  	[tilespmem:v3+s12+$0x0] =	vst.idx.msk vm10, v2  }
0x6f0: {  	v3 =	vld [tilespmem:$0x1B0];
	_ =	sdelay $0x4  }
0x6f1: {  	v49 =	vshll.u32 v3, $0x9;
	v50 =	vshll.u32 v3, $0x7  }
0x6f2: {  	v3 =	vadd.s32 $0xFFFFFCE0, v3;
	v4 =	vand.u32 $0xFFFFF000, v49;
	v5 =	vand.u32 $0x380, v50  }
0x6f3: {  	v51 =	vor.u32 $0xFFF9CC30, v0;
	vm11 =	vlt.u32 v3, $0xC8;
	v3 =	vor.u32 v5, v4  }
0x6f4: {  	v3 =	vadd.s32 v51, v3;
	_ =	sdelay $0x4  }
0x6f5: {  	[tilespmem:v3+s12+$0x0] =	vst.idx.msk vm11, v2  }
0x6f6: {  	v3 =	vld [tilespmem:$0x1C0];
	_ =	sdelay $0x4  }
0x6f7: {  	v52 =	vshll.u32 v3, $0x9;
	v53 =	vshll.u32 v3, $0x7  }
0x6f8: {  	v3 =	vadd.s32 $0xFFFFFCE0, v3;
	v4 =	vand.u32 $0xFFFFF000, v52;
	v5 =	vand.u32 $0x380, v53  }
0x6f9: {  	v54 =	vor.u32 $0xFFF9CC40, v0;
	vm12 =	vlt.u32 v3, $0xC8;
	v3 =	vor.u32 v5, v4  }
0x6fa: {  	v3 =	vadd.s32 v54, v3;
	_ =	sdelay $0x4  }
0x6fb: {  	[tilespmem:v3+s12+$0x0] =	vst.idx.msk vm12, v2  }
0x6fc: {  	v3 =	vld [tilespmem:$0x1D0];
	_ =	sdelay $0x4  }
0x6fd: {  	v55 =	vshll.u32 v3, $0x9;
	v56 =	vshll.u32 v3, $0x7  }
0x6fe: {  	v3 =	vadd.s32 $0xFFFFFCE0, v3;
	v4 =	vand.u32 $0xFFFFF000, v55;
	v5 =	vand.u32 $0x380, v56  }
0x6ff: {  	v57 =	vor.u32 $0xFFF9CC50, v0;
	vm13 =	vlt.u32 v3, $0xC8;
	v3 =	vor.u32 v5, v4  }
0x700: {  	v3 =	vadd.s32 v57, v3;
	_ =	sdelay $0x4  }
0x701: {  	[tilespmem:v3+s12+$0x0] =	vst.idx.msk vm13, v2  }
0x702: {  	v3 =	vld [tilespmem:$0x1E0];
	_ =	sdelay $0x4  }
0x703: {  	v58 =	vshll.u32 v3, $0x9;
	v59 =	vshll.u32 v3, $0x7  }
0x704: {  	v3 =	vadd.s32 $0xFFFFFCE0, v3;
	v4 =	vand.u32 $0xFFFFF000, v58;
	v5 =	vand.u32 $0x380, v59  }
0x705: {  	v60 =	vor.u32 $0xFFF9CC60, v0;
	vm14 =	vlt.u32 v3, $0xC8;
	v3 =	vor.u32 v5, v4  }
0x706: {  	v3 =	vadd.s32 v60, v3;
	_ =	sdelay $0x4  }
0x707: {  	[tilespmem:v3+s12+$0x0] =	vst.idx.msk vm14, v2  }
0x708: {  	v3 =	vld [tilespmem:$0x1F0];
	_ =	sdelay $0x4  }
0x709: {  	v61 =	vshll.u32 v3, $0x9;
	v62 =	vshll.u32 v3, $0x7  }
0x70a: {  	v3 =	vadd.s32 $0xFFFFFCE0, v3;
	v4 =	vand.u32 $0xFFFFF000, v61;
	v5 =	vand.u32 $0x380, v62  }
0x70b: {  	v63 =	vor.u32 $0xFFF9CC70, v0;
	vm15 =	vlt.u32 v3, $0xC8;
	v3 =	vor.u32 v5, v4  }
0x70c: {  	v3 =	vadd.s32 v63, v3;
	_ =	sdelay $0x2  }
0x70d: {  	s17 =	sadd.s32 $0x1, s17  }
0x70e: {  	p0 =	sne.s32 s17, s10  }
.Ltmp2:
0x70f: {  	[tilespmem:v3+s12+$0x0] =	vst.idx.msk vm15, v2;
	(pc) =	sbr.rel @p0 .LBB2_1-.Ltmp2, $4  }
0x710: {  	[hbm4b:s9+s13] =	stream.strided.scatter [tilespmem:s12], [sflag:$0x2], $0x19000, s14, s13, $0x38;
	[tilespmem:$0x19200] =	vst v63  }
0x711: {  	_ =	swait.ge [sflag:s16], $0x19000  }
0x712: {  	[sflag:s16] =	ssyncset.done $0x0  }
0x713: {  	[sflag:s16] =	ssyncadd.s32 $0xFFFE7000  }
0x714: {  	_ =	sfence.sel $0x180000  }
0x715: {  	[bflag:$0x0] =	sbarrier.arrive $0xFFFF  }
0x716: {  	p0 =	sne.s32 s1, $0x0;
	_ =	strace $0x90000047  }
0x717: {  	s0 =	sadd.s32 @!p0 $0x100000, s0;
	[bflag:$0x2] =	sbarrier.arrive $0xFFFF  }
0x718: {  	[sflag:s0] =	ssyncadd.tile.s32 @!p0 $0x1;
	_ =	shalt  }
.Lfunc_end2:
_tile_overlayer_lowered:
.L_overlay_start_2:
0x719: {  	(tag) =	ssettag $0x2  }
0x71a: {  	s0 =	rddreg [dreg:$0x0];
	s2 =	stileid.u32  }
0x71b: {  	s1 =	rddreg [dreg:$0x1];
	p0 =	sne.s32 s2, $0x0  }
0x71c: {  	s3 =	rddreg [dreg:$0x2];
	[bflag:$0x3] =	sbarrier.arrive $0xFFFF;
	s2 =	simm.s32 @!p0 $0x1C02  }
0x71d: {  	[timem:s3], [sflag:s2] =	dma.local @!p0 [hbm:s0], s1  }
0x71e: {  	s0 =	simm.s32 @!p0 $0x2  }
0x71f: {  	_ =	swait.ge @!p0 [sflag:s0], s1  }
0x720: {  	s1 =	ssub.s32 @!p0 $0x0, s1;
	[sflag:s0] =	ssyncset.done @!p0 $0x0  }
0x721: {  	[sflag:s0] =	ssyncadd.s32 @!p0 s1  }
0x722: {  	[bflag:$0x3] =	sbarrier.arrive $0xFFFF  }
0x723: {  	_ =	shalt  }

</sc_bundles>
